<compile_context>
chip_gen: v7x
topology: tpu7x:2x2x1
jax: 0.10.2.dev20260603
libtpu: 0.0.44.dev20260713+nightly
codegen_flags: <defaults>
</compile_context>

<pallas_src>
import functools

import jax
import jax.numpy as jnp
from jax import lax
from jax.experimental import pallas as pl
from jax.experimental.pallas import tpu as pltpu
from jax.experimental.pallas import tpu_sc as plsc

N = 10000
E = 320000
M = 128
H = 16

_NC = 2
_NS = 16
_EPT = E // (_NC * _NS)
_C = 80

bf16 = jnp.bfloat16
f32 = jnp.float32


def _make_sc_edge(dout):
  mesh = plsc.VectorSubcoreMesh(core_axis_name="c", subcore_axis_name="s")

  nchunk = _EPT // _C

  @functools.partial(
      pl.kernel, mesh=mesh,
      out_type=jax.ShapeDtypeStruct((_NC, N, dout), f32),
      compiler_params=pltpu.CompilerParams(use_tc_tiling_on_sc=False),
      scratch_types=[
          pltpu.VMEM((_C,), jnp.int32),
          pltpu.VMEM((_C,), jnp.int32),
          pltpu.VMEM((_C,), jnp.int32),
          pltpu.VMEM((_C,), jnp.int32),
          pltpu.VMEM((_C, dout), f32),
          pltpu.VMEM((_C, dout), f32),
          pltpu.VMEM((_C, dout), f32),
          pltpu.VMEM((_C, dout), f32),
          pltpu.VMEM_SHARED((N, dout), f32),
          pltpu.SemaphoreType.DMA,
          pltpu.SemaphoreType.DMA,
          pltpu.SemaphoreType.DMA,
          pltpu.SemaphoreType.DMA,
      ],
  )
  def sc_edge(a_hbm, b_hbm, src_hbm, dst_hbm, zero_hbm, out_hbm,
              idx_s0, idx_s1, idx_d0, idx_d1, arows0, arows1, brows0, brows1,
              s_sh, sa0, sa1, sb0, sb1):
    c = lax.axis_index("c")
    s = lax.axis_index("s")
    idx_s = (idx_s0, idx_s1)
    idx_d = (idx_d0, idx_d1)
    arows = (arows0, arows1)
    brows = (brows0, brows1)
    sa = (sa0, sa1)
    sb = (sb0, sb1)

    @pl.when(s == 0)
    def _():
      pltpu.sync_copy(zero_hbm, s_sh)

    plsc.subcore_barrier()
    base = (c * _NS + s) * _EPT

    def fetch(j, p):
      e0 = base + j * _C
      pltpu.sync_copy(src_hbm.at[pl.ds(e0, _C)], idx_s[p])
      pltpu.sync_copy(dst_hbm.at[pl.ds(e0, _C)], idx_d[p])
      pltpu.async_copy(b_hbm.at[idx_s[p]], brows[p], sb[p])
      pltpu.async_copy(a_hbm.at[idx_d[p]], arows[p], sa[p])

    def work(j, p):
      pltpu.make_async_copy(b_hbm.at[idx_s[p]], brows[p], sb[p]).wait()
      pltpu.make_async_copy(a_hbm.at[idx_d[p]], arows[p], sa[p]).wait()

      def erow(e, carry2):
        for k in range(dout // 16):
          av = arows[p][e, pl.ds(k * 16, 16)]
          bv = brows[p][e, pl.ds(k * 16, 16)]
          m = jnp.maximum(av + bv, 0.0)
          u = lax.bitcast_convert_type(m, jnp.uint32)
          u = (u + jnp.uint32(0x7FFF) + ((u >> 16) & jnp.uint32(1))) & jnp.uint32(0xFFFF0000)
          arows[p][e, pl.ds(k * 16, 16)] = lax.bitcast_convert_type(u, f32)
        return carry2

      lax.fori_loop(0, _C, erow, 0)
      pltpu.sync_copy(arows[p], s_sh.at[idx_d[p]], add=True)

    fetch(0, 0)

    def dbl(t, carry):
      for p in range(2):
        j = 2 * t + p

        @pl.when(j < nchunk)
        def _():
          @pl.when(j + 1 < nchunk)
          def _():
            fetch(j + 1, 1 - p)

          work(j, p)

      return carry

    lax.fori_loop(0, (nchunk + 1) // 2, dbl, 0)
    plsc.subcore_barrier()

    @pl.when(s == 0)
    def _():
      pltpu.sync_copy(s_sh, out_hbm.at[c])

  return sc_edge


def _make_sc_deg():
  mesh = plsc.VectorSubcoreMesh(core_axis_name="c", subcore_axis_name="s")

  @functools.partial(
      pl.kernel, mesh=mesh,
      out_type=jax.ShapeDtypeStruct((_NC, N), f32),
      compiler_params=pltpu.CompilerParams(use_tc_tiling_on_sc=False),
      scratch_types=[
          pltpu.VMEM((_C,), jnp.int32),
          pltpu.VMEM((_C,), f32),
          pltpu.VMEM_SHARED((N,), f32),
      ],
  )
  def sc_deg(dst_hbm, zero_hbm, out_hbm, idx_d, ones_v, d_sh):
    c = lax.axis_index("c")
    s = lax.axis_index("s")
    for t in range(_C // 16):
      ones_v[pl.ds(t * 16, 16)] = jnp.ones((16,), f32)

    @pl.when(s == 0)
    def _():
      pltpu.sync_copy(zero_hbm, d_sh)

    plsc.subcore_barrier()
    base = (c * _NS + s) * _EPT

    def chunk(j, carry):
      e0 = base + j * _C
      pltpu.sync_copy(dst_hbm.at[pl.ds(e0, _C)], idx_d)
      pltpu.sync_copy(ones_v, d_sh.at[idx_d], add=True)
      return carry

    lax.fori_loop(0, _EPT // _C, chunk, 0)
    plsc.subcore_barrier()

    @pl.when(s == 0)
    def _():
      pltpu.sync_copy(d_sh, out_hbm.at[c])

  return sc_deg


def _dx(a, w):
  return jnp.dot(a.astype(bf16), w.astype(bf16), preferred_element_type=f32)


def _tc_in(x2, wt, ws, mb1):
  dout = wt.shape[1]

  def body(x_ref, wt_ref, ws_ref, mb1_ref, a_ref, b_ref):
    h = x_ref[...]
    a_ref[...] = _dx(h, wt_ref[...]) + mb1_ref[...]
    b_ref[...] = _dx(h, ws_ref[...])

  return pl.pallas_call(
      body,
      out_shape=[jax.ShapeDtypeStruct((N, dout), f32),
                 jax.ShapeDtypeStruct((N, dout), f32)],
  )(x2, wt, ws, mb1)


def _node_update(h_ref, s2_ref, deg2_ref, mw2_ref, mb2_ref, uw1_ref,
                 ub1_ref, uw2_ref, ub2_ref, bng_ref, bnb_ref, resw_ref,
                 resb_ref):
  h_ = h_ref[...]
  s_ = s2_ref[0] + s2_ref[1]
  deg = deg2_ref[0] + deg2_ref[1]
  wb = mw2_ref[...].astype(bf16)
  p1_ = s_.astype(bf16)
  r1 = s_ - p1_.astype(f32)
  p2_ = r1.astype(bf16)
  p3_ = (r1 - p2_.astype(f32)).astype(bf16)
  agg = (jnp.dot(p1_, wb, preferred_element_type=f32)
         + jnp.dot(p2_, wb, preferred_element_type=f32)
         + jnp.dot(p3_, wb, preferred_element_type=f32)
         + deg * mb2_ref[...])
  u_in = jnp.concatenate([h_, agg], axis=-1)
  u = jnp.maximum(_dx(u_in, uw1_ref[...]) + ub1_ref[...], 0.0)
  u = _dx(u, uw2_ref[...]) + ub2_ref[...]
  mu = jnp.mean(u, axis=0, keepdims=True)
  var = jnp.mean((u - mu) ** 2, axis=0, keepdims=True)
  u = (u - mu) / jnp.sqrt(var + 1e-5) * bng_ref[...] + bnb_ref[...]
  return jnp.maximum(u + _dx(h_, resw_ref[...]) + resb_ref[...], 0.0)


def _tc_mid(h, s2, deg2, p, wt_n, ws_n, mb1_n):
  din = h.shape[1]
  dout = p['mW2'].shape[1]
  dnext = wt_n.shape[1]

  def body(h_ref, s2_ref, deg2_ref, mw2_ref, mb2_ref, uw1_ref,
           ub1_ref, uw2_ref, ub2_ref, bng_ref, bnb_ref, resw_ref, resb_ref,
           wtn_ref, wsn_ref, mb1n_ref, hn_ref, a_ref, b_ref):
    hn = _node_update(h_ref, s2_ref, deg2_ref, mw2_ref, mb2_ref, uw1_ref,
                      ub1_ref, uw2_ref, ub2_ref, bng_ref, bnb_ref, resw_ref,
                      resb_ref)
    hn_ref[...] = hn
    a_ref[...] = _dx(hn, wtn_ref[...]) + mb1n_ref[...]
    b_ref[...] = _dx(hn, wsn_ref[...])

  return pl.pallas_call(
      body,
      out_shape=[jax.ShapeDtypeStruct((N, dout), f32),
                 jax.ShapeDtypeStruct((N, dnext), f32),
                 jax.ShapeDtypeStruct((N, dnext), f32)],
  )(h, s2, deg2,
    p['mW2'], p['mb2'].reshape(1, -1),
    p['uW1'], p['ub1'].reshape(1, -1),
    p['uW2'], p['ub2'].reshape(1, -1),
    p['bn_g'].reshape(1, -1), p['bn_b'].reshape(1, -1),
    p['resW'], p['resb'].reshape(1, -1),
    wt_n, ws_n, mb1_n)


def _tc_final(h, s2, deg2, p, ln_g, ln_b):
  dout = p['mW2'].shape[1]

  def body(h_ref, s2_ref, deg2_ref, mw2_ref, mb2_ref, uw1_ref,
           ub1_ref, uw2_ref, ub2_ref, bng_ref, bnb_ref, resw_ref, resb_ref,
           lng_ref, lnb_ref, out_ref):
    hn = _node_update(h_ref, s2_ref, deg2_ref, mw2_ref, mb2_ref, uw1_ref,
                      ub1_ref, uw2_ref, ub2_ref, bng_ref, bnb_ref, resw_ref,
                      resb_ref)
    mu2 = jnp.mean(hn, axis=1, keepdims=True)
    var2 = jnp.mean((hn - mu2) ** 2, axis=1, keepdims=True)
    out_ref[...] = (hn - mu2) / jnp.sqrt(var2 + 1e-5) * lng_ref[...] + lnb_ref[...]

  return pl.pallas_call(
      body,
      out_shape=jax.ShapeDtypeStruct((N, dout), f32),
  )(h, s2, deg2,
    p['mW2'], p['mb2'].reshape(1, -1),
    p['uW1'], p['ub1'].reshape(1, -1),
    p['uW2'], p['ub2'].reshape(1, -1),
    p['bn_g'].reshape(1, -1), p['bn_b'].reshape(1, -1),
    p['resW'], p['resb'].reshape(1, -1),
    ln_g.reshape(1, -1), ln_b.reshape(1, -1))


def kernel(x, edge_index, params):
  x2 = x[0, :, :, 0]
  src = edge_index[0]
  dst = edge_index[1]

  deg2 = _make_sc_deg()(dst, jnp.zeros((N,), f32))
  deg2 = deg2.reshape(_NC, N, 1)

  p1 = params['mpnn1']
  a, b = _tc_in(x2, p1['mW1'][:M], p1['mW1'][M:], p1['mb1'].reshape(1, -1))

  h = x2
  out = None
  for i in range(1, 6):
    p = params['mpnn%d' % i]
    dout = p['mW2'].shape[1]
    s2 = _make_sc_edge(dout)(a, b, src, dst, jnp.zeros((N, dout), f32))
    if i < 5:
      pn = params['mpnn%d' % (i + 1)]
      h, a, b = _tc_mid(h, s2, deg2, p,
                        pn['mW1'][:dout], pn['mW1'][dout:],
                        pn['mb1'].reshape(1, -1))
    else:
      out = _tc_final(h, s2, deg2, p, params['ln_g'], params['ln_b'])
  return out.reshape(1, -1)

# --- scband reference (transcript-rebuilt; emitter-appended) ---
"""Pipeline reference for scband-gnnhypernetwork4-10677288698532 (READ-ONLY COPY).

The authoritative reference and input builder live on the scoring server;
editing this copy changes nothing except your own understanding.
"""

import jax, jax.numpy as jnp
import numpy as np

N = 10000
E = 320000
M = 128
H = 16
DIMS = [(M, H), (H, 2 * H), (2 * H, 4 * H), (4 * H, 4 * H), (4 * H, 4 * H)]


def _xavier(key, shape):
    lim = float(np.sqrt(6.0 / (shape[0] + shape[1])))
    return jax.random.uniform(key, shape, minval=-lim, maxval=lim, dtype=jnp.float32)


def _make_params(key):
    params = {}
    for i, (din, dout) in enumerate(DIMS, start=1):
        key, k0, k1, k2, k3, k4 = jax.random.split(key, 6)
        params['mpnn%d' % i] = {
            'mW1': _xavier(k0, (2 * din, dout)), 'mb1': jnp.zeros((dout,), jnp.float32),
            'mW2': _xavier(k1, (dout, dout)), 'mb2': jnp.zeros((dout,), jnp.float32),
            'uW1': _xavier(k2, (din + dout, dout)), 'ub1': jnp.zeros((dout,), jnp.float32),
            'uW2': _xavier(k3, (dout, dout)), 'ub2': jnp.zeros((dout,), jnp.float32),
            'resW': _xavier(k4, (din, dout)), 'resb': jnp.zeros((dout,), jnp.float32),
            'bn_g': jnp.ones((dout,), jnp.float32), 'bn_b': jnp.zeros((dout,), jnp.float32),
        }
    params['ln_g'] = jnp.ones((4 * H,), jnp.float32)
    params['ln_b'] = jnp.zeros((4 * H,), jnp.float32)
    return params


def setup_inputs(seed: int = 0):
    key = jax.random.key(seed)
    kx, ke, kp = jax.random.split(key, 3)
    x = jax.random.normal(kx, (1, N, M, 1), dtype=jnp.float32)
    edge_index = jax.random.randint(ke, (2, E), 0, N, dtype=jnp.int32)
    params = _make_params(kp)
    return {'x': x, 'edge_index': edge_index, 'params': params}


def _mpnn(x, src, dst, p):
    # message: MLP(concat(x_i=x[dst], x_j=x[src])); aggr='add' at dst; dropout is eval-mode no-op
    mi = jnp.concatenate([x[dst], x[src]], axis=-1)
    h = jnp.maximum(mi @ p['mW1'] + p['mb1'], 0.0)
    h = h @ p['mW2'] + p['mb2']
    agg = jax.ops.segment_sum(h, dst, num_segments=x.shape[0])
    # update: MLP(concat(x, aggr_out))
    u = jnp.concatenate([x, agg], axis=-1)
    u = jnp.maximum(u @ p['uW1'] + p['ub1'], 0.0)
    return u @ p['uW2'] + p['ub2']


def _bn(h, g, b):
    mu = h.mean(axis=0, keepdims=True)
    var = h.var(axis=0, keepdims=True)
    return (h - mu) / jnp.sqrt(var + 1e-5) * g + b


def _graph_conv(x, edge_index, params):
    src = edge_index[0]
    dst = edge_index[1]
    h = x
    for i in range(1, 6):
        p = params['mpnn%d' % i]
        hi = _mpnn(h, src, dst, p)
        hi = _bn(hi, p['bn_g'], p['bn_b'])
        h = jnp.maximum(hi + (h @ p['resW'] + p['resb']), 0.0)
    mu = h.mean(axis=-1, keepdims=True)
    var = h.var(axis=-1, keepdims=True)
    h = (h - mu) / jnp.sqrt(var + 1e-5) * params['ln_g'] + params['ln_b']
    return h.reshape(-1)


def reference(x, edge_index, params):
    B = x.shape[0]
    outs = [_graph_conv(x[i, :, :, 0], edge_index, params) for i in range(B)]
    return jnp.stack(outs).reshape(B, -1)

if __name__ == "__main__":
    import jax
    _d = setup_inputs()
    print(jax.jit(kernel)(*tuple(_d.values())))

</pallas_src>

<mosaic_0001>
#map = affine_map<(d0, d1) -> (0)>
#map1 = affine_map<(d0, d1) -> (0, 0)>
module attributes {stable_mosaic.version = 14 : i64} {
  func.func @sc_deg(%arg0: i32, %arg1: i32, %arg2: memref<320000xi32, #tpu.memory_space<hbm>>, %arg3: memref<10000xf32, #tpu.memory_space<hbm>>, %arg4: memref<2x10000xf32, #tpu.memory_space<hbm>>, %arg5: memref<80xi32, #tpu.memory_space<vmem>>, %arg6: memref<80xf32, #tpu.memory_space<vmem>>, %arg7: memref<10000xf32, #tpu.memory_space<vmem_shared>>) attributes {dimension_semantics = [#tpu.dimension_semantics<core_parallel>, #tpu.dimension_semantics<subcore_parallel>], iteration_bounds = array<i64: 2, 16>, scalar_prefetch = 0 : i64, scratch_operands = 3 : i64, tpu.core_type = #tpu.core_type<sc_vector_subcore>, window_params = [{transform_indices = #map}, {transform_indices = #map}, {transform_indices = #map1}]} {
    %broadcast_in_dim3A = arith.constant 1.000000e+00 : f32
    %broadcast_in_dim3A_0 = vector.broadcast %broadcast_in_dim3A : f32 to vector<16xf32>
    %swap3A = arith.constant 0 : index
    %swap3A_1 = tpu.vector_load %arg6[%swap3A] {strides = array<i32>} : memref<80xf32, #tpu.memory_space<vmem>>, vector<16xf32>,
    %swap3A_2 = vector.shape_cast %swap3A_1 : vector<16xf32> to vector<16xf32>
    %swap3A_3 = vector.shape_cast %broadcast_in_dim3A_0 : vector<16xf32> to vector<16xf32>
    tpu.vector_store %arg6[%swap3A], %swap3A_3 {strides = array<i32>} : memref<80xf32, #tpu.memory_space<vmem>>, vector<16xf32>,
    %broadcast_in_dim3A_4 = arith.constant 1.000000e+00 : f32
    %broadcast_in_dim3A_5 = vector.broadcast %broadcast_in_dim3A_4 : f32 to vector<16xf32>
    %swap3A_6 = arith.constant 16 : index
    %swap3A_7 = tpu.vector_load %arg6[%swap3A_6] {strides = array<i32>} : memref<80xf32, #tpu.memory_space<vmem>>, vector<16xf32>,
    %swap3A_8 = vector.shape_cast %swap3A_7 : vector<16xf32> to vector<16xf32>
    %swap3A_9 = vector.shape_cast %broadcast_in_dim3A_5 : vector<16xf32> to vector<16xf32>
    tpu.vector_store %arg6[%swap3A_6], %swap3A_9 {strides = array<i32>} : memref<80xf32, #tpu.memory_space<vmem>>, vector<16xf32>,
    %broadcast_in_dim3A_10 = arith.constant 1.000000e+00 : f32
    %broadcast_in_dim3A_11 = vector.broadcast %broadcast_in_dim3A_10 : f32 to vector<16xf32>
    %swap3A_12 = arith.constant 32 : index
    %swap3A_13 = tpu.vector_load %arg6[%swap3A_12] {strides = array<i32>} : memref<80xf32, #tpu.memory_space<vmem>>, vector<16xf32>,
    %swap3A_14 = vector.shape_cast %swap3A_13 : vector<16xf32> to vector<16xf32>
    %swap3A_15 = vector.shape_cast %broadcast_in_dim3A_11 : vector<16xf32> to vector<16xf32>
    tpu.vector_store %arg6[%swap3A_12], %swap3A_15 {strides = array<i32>} : memref<80xf32, #tpu.memory_space<vmem>>, vector<16xf32>,
    %broadcast_in_dim3A_16 = arith.constant 1.000000e+00 : f32
    %broadcast_in_dim3A_17 = vector.broadcast %broadcast_in_dim3A_16 : f32 to vector<16xf32>
    %swap3A_18 = arith.constant 48 : index
    %swap3A_19 = tpu.vector_load %arg6[%swap3A_18] {strides = array<i32>} : memref<80xf32, #tpu.memory_space<vmem>>, vector<16xf32>,
    %swap3A_20 = vector.shape_cast %swap3A_19 : vector<16xf32> to vector<16xf32>
    %swap3A_21 = vector.shape_cast %broadcast_in_dim3A_17 : vector<16xf32> to vector<16xf32>
    tpu.vector_store %arg6[%swap3A_18], %swap3A_21 {strides = array<i32>} : memref<80xf32, #tpu.memory_space<vmem>>, vector<16xf32>,
    %broadcast_in_dim3A_22 = arith.constant 1.000000e+00 : f32
    %broadcast_in_dim3A_23 = vector.broadcast %broadcast_in_dim3A_22 : f32 to vector<16xf32>
    %swap3A_24 = arith.constant 64 : index
    %swap3A_25 = tpu.vector_load %arg6[%swap3A_24] {strides = array<i32>} : memref<80xf32, #tpu.memory_space<vmem>>, vector<16xf32>,
    %swap3A_26 = vector.shape_cast %swap3A_25 : vector<16xf32> to vector<16xf32>
    %swap3A_27 = vector.shape_cast %broadcast_in_dim3A_23 : vector<16xf32> to vector<16xf32>
    tpu.vector_store %arg6[%swap3A_24], %swap3A_27 {strides = array<i32>} : memref<80xf32, #tpu.memory_space<vmem>>, vector<16xf32>,
    %eq3A = arith.constant 0 : i32
    %eq3A_28 = arith.cmpi eq, %arg1, %eq3A : i32
    %convert_element_type3A = arith.extui %eq3A_28 : i1 to i32
    %cond3A = arith.constant 0 : i32
    %cond3A_29 = arith.cmpi ne, %convert_element_type3A, %cond3A : i32
    scf.if %cond3A_29 {
      "tpu.region"() ({
        %run_scoped3A = tpu.sem_alloc : memref<!tpu.dma_semaphore, #tpu.memory_space<semaphore_mem>>
        tpu.enqueue_dma source(%arg3 : memref<10000xf32, #tpu.memory_space<hbm>>) target(%arg7 : memref<10000xf32, #tpu.memory_space<vmem_shared>>) target_semaphore(%run_scoped3A : memref<!tpu.dma_semaphore, #tpu.memory_space<semaphore_mem>>)
        tpu.wait_dma2 semaphore(%run_scoped3A : memref<!tpu.dma_semaphore, #tpu.memory_space<semaphore_mem>>) src(%arg3 : memref<10000xf32, #tpu.memory_space<hbm>>) dst(%arg7 : memref<10000xf32, #tpu.memory_space<vmem_shared>>)
        tpu.yield
      }) : () -> ()
    } else {
    }
    %barrier3A = arith.constant 0 : index
    tpu.barrier barrier_id(%barrier3A)
    %mul3A = arith.constant 16 : i32
    %mul3A_30 = arith.muli %arg0, %mul3A : i32
    %add3A = arith.addi %mul3A_30, %arg1 : i32
    %mul3A_31 = arith.constant 10000 : i32
    %mul3A_32 = arith.muli %add3A, %mul3A_31 : i32
    %scan3A = arith.constant 0 : i32
    %scan3A_33 = arith.constant 0 : i32
    %scan3A_34 = arith.constant 125 : i32
    %scan3A_35 = arith.addi %scan3A_33, %scan3A_34 : i32
    %scan3A_36 = arith.constant 1 : i32
    scf.for %scan3A_44 = %scan3A_33 to %scan3A_35 step %scan3A_36  : i32 {
      %mul3A_45 = arith.constant 80 : i32
      %mul3A_46 = arith.muli %scan3A_44, %mul3A_45 : i32
      %add3A_47 = arith.addi %mul3A_32, %mul3A_46 : i32
      "tpu.region"() ({
        %run_scoped3A = tpu.sem_alloc : memref<!tpu.dma_semaphore, #tpu.memory_space<semaphore_mem>>
        %dma_start3A = tpu.memref_slice %arg2[%add3A_47] : memref<320000xi32, #tpu.memory_space<hbm>> -> memref<80xi32, #tpu.memory_space<hbm>>
        %dma_start3A_48 = tpu.memref_slice %arg2[%add3A_47] : memref<320000xi32, #tpu.memory_space<hbm>> -> memref<80xi32, #tpu.memory_space<hbm>>
        tpu.enqueue_dma source(%dma_start3A_48 : memref<80xi32, #tpu.memory_space<hbm>>) target(%arg5 : memref<80xi32, #tpu.memory_space<vmem>>) target_semaphore(%run_scoped3A : memref<!tpu.dma_semaphore, #tpu.memory_space<semaphore_mem>>)
        %dma_wait3A = tpu.memref_slice %arg2[%add3A_47] : memref<320000xi32, #tpu.memory_space<hbm>> -> memref<80xi32, #tpu.memory_space<hbm>>
        %dma_wait3A_49 = tpu.memref_slice %arg2[%add3A_47] : memref<320000xi32, #tpu.memory_space<hbm>> -> memref<80xi32, #tpu.memory_space<hbm>>
        tpu.wait_dma2 semaphore(%run_scoped3A : memref<!tpu.dma_semaphore, #tpu.memory_space<semaphore_mem>>) src(%dma_wait3A_49 : memref<80xi32, #tpu.memory_space<hbm>>) dst(%arg5 : memref<80xi32, #tpu.memory_space<vmem>>)
        tpu.yield
      }) : () -> ()
      "tpu.region"() ({
        %run_scoped3A = tpu.sem_alloc : memref<!tpu.dma_semaphore, #tpu.memory_space<semaphore_mem>>
        %dma_start3A = arith.constant 0 : i32
        %dma_start3A_48 = tpu.memref_slice %arg7[%dma_start3A] : memref<10000xf32, #tpu.memory_space<vmem_shared>> -> memref<10000xf32, #tpu.memory_space<vmem_shared>>
        tpu.enqueue_indirect_dma source(%arg6 : memref<80xf32, #tpu.memory_space<vmem>>) target(%dma_start3A_48 : memref<10000xf32, #tpu.memory_space<vmem_shared>>) offsets(%arg5 : memref<80xi32, #tpu.memory_space<vmem>>) semaphore(%run_scoped3A : memref<!tpu.dma_semaphore, #tpu.memory_space<semaphore_mem>>) {add = true}
        %dma_wait3A = arith.constant 0 : i32
        %dma_wait3A_49 = tpu.memref_slice %arg7[%dma_wait3A] : memref<10000xf32, #tpu.memory_space<vmem_shared>> -> memref<10000xf32, #tpu.memory_space<vmem_shared>>
        tpu.wait_indirect_dma semaphore(%run_scoped3A : memref<!tpu.dma_semaphore, #tpu.memory_space<semaphore_mem>>) src(%arg6 : memref<80xf32, #tpu.memory_space<vmem>>) dst(%dma_wait3A_49 : memref<10000xf32, #tpu.memory_space<vmem_shared>>)
        tpu.yield
      }) : () -> ()
    }
    %scan3A_37 = arith.constant 125 : i32
    %barrier3A_38 = arith.constant 0 : index
    tpu.barrier barrier_id(%barrier3A_38)
    %eq3A_39 = arith.constant 0 : i32
    %eq3A_40 = arith.cmpi eq, %arg1, %eq3A_39 : i32
    %convert_element_type3A_41 = arith.extui %eq3A_40 : i1 to i32
    %cond3A_42 = arith.constant 0 : i32
    %cond3A_43 = arith.cmpi ne, %convert_element_type3A_41, %cond3A_42 : i32
    scf.if %cond3A_43 {
      "tpu.region"() ({
        %run_scoped3A = tpu.sem_alloc : memref<!tpu.dma_semaphore, #tpu.memory_space<semaphore_mem>>
        %dma_start3A = arith.constant 0 : i32
        %dma_start3A_44 = tpu.memref_slice %arg4[%arg0, %dma_start3A] : memref<2x10000xf32, #tpu.memory_space<hbm>> -> memref<1x10000xf32, #tpu.memory_space<hbm>>
        %dma_start3A_45 = tpu.memref_squeeze %dma_start3A_44 : memref<1x10000xf32, #tpu.memory_space<hbm>> -> memref<10000xf32, #tpu.memory_space<hbm>>
        tpu.enqueue_dma source(%arg7 : memref<10000xf32, #tpu.memory_space<vmem_shared>>) target(%dma_start3A_45 : memref<10000xf32, #tpu.memory_space<hbm>>) target_semaphore(%run_scoped3A : memref<!tpu.dma_semaphore, #tpu.memory_space<semaphore_mem>>)
        %dma_wait3A = arith.constant 0 : i32
        %dma_wait3A_46 = tpu.memref_slice %arg4[%arg0, %dma_wait3A] : memref<2x10000xf32, #tpu.memory_space<hbm>> -> memref<1x10000xf32, #tpu.memory_space<hbm>>
        %dma_wait3A_47 = tpu.memref_squeeze %dma_wait3A_46 : memref<1x10000xf32, #tpu.memory_space<hbm>> -> memref<10000xf32, #tpu.memory_space<hbm>>
        tpu.wait_dma2 semaphore(%run_scoped3A : memref<!tpu.dma_semaphore, #tpu.memory_space<semaphore_mem>>) src(%arg7 : memref<10000xf32, #tpu.memory_space<vmem_shared>>) dst(%dma_wait3A_47 : memref<10000xf32, #tpu.memory_space<hbm>>)
        tpu.yield
      }) : () -> ()
    } else {
    }
    return
  }
}

#map = affine_map<(d0, d1) -> (0, 0)>
#map1 = affine_map<(d0, d1) -> (0)>
#map2 = affine_map<(d0, d1) -> (0, 0, 0)>
module attributes {stable_mosaic.version = 14 : i64} {
  func.func @sc_edge(%arg0: i32, %arg1: i32, %arg2: memref<10000x16xf32, #tpu.memory_space<hbm>>, %arg3: memref<10000x16xf32, #tpu.memory_space<hbm>>, %arg4: memref<320000xi32, #tpu.memory_space<hbm>>, %arg5: memref<320000xi32, #tpu.memory_space<hbm>>, %arg6: memref<10000x16xf32, #tpu.memory_space<hbm>>, %arg7: memref<2x10000x16xf32, #tpu.memory_space<hbm>>, %arg8: memref<80xi32, #tpu.memory_space<vmem>>, %arg9: memref<80xi32, #tpu.memory_space<vmem>>, %arg10: memref<80xi32, #tpu.memory_space<vmem>>, %arg11: memref<80xi32, #tpu.memory_space<vmem>>, %arg12: memref<80x16xf32, #tpu.memory_space<vmem>>, %arg13: memref<80x16xf32, #tpu.memory_space<vmem>>, %arg14: memref<80x16xf32, #tpu.memory_space<vmem>>, %arg15: memref<80x16xf32, #tpu.memory_space<vmem>>, %arg16: memref<10000x16xf32, #tpu.memory_space<vmem_shared>>, %arg17: memref<!tpu.dma_semaphore, #tpu.memory_space<semaphore_mem>>, %arg18: memref<!tpu.dma_semaphore, #tpu.memory_space<semaphore_mem>>, %arg19: memref<!tpu.dma_semaphore, #tpu.memory_space<semaphore_mem>>, %arg20: memref<!tpu.dma_semaphore, #tpu.memory_space<semaphore_mem>>) attributes {dimension_semantics = [#tpu.dimension_semantics<core_parallel>, #tpu.dimension_semantics<subcore_parallel>], iteration_bounds = array<i64: 2, 16>, scalar_prefetch = 0 : i64, scratch_operands = 13 : i64, tpu.core_type = #tpu.core_type<sc_vector_subcore>, window_params = [{transform_indices = #map}, {transform_indices = #map}, {transform_indices = #map1}, {transform_indices = #map1}, {transform_indices = #map}, {transform_indices = #map2}]} {
    %eq3A = arith.constant 0 : i32
    %eq3A_0 = arith.cmpi eq, %arg1, %eq3A : i32
    %convert_element_type3A = arith.extui %eq3A_0 : i1 to i32
    %cond3A = arith.constant 0 : i32
    %cond3A_1 = arith.cmpi ne, %convert_element_type3A, %cond3A : i32
    scf.if %cond3A_1 {
      "tpu.region"() ({
        %run_scoped3A = tpu.sem_alloc : memref<!tpu.dma_semaphore, #tpu.memory_space<semaphore_mem>>
        tpu.enqueue_dma source(%arg6 : memref<10000x16xf32, #tpu.memory_space<hbm>>) target(%arg16 : memref<10000x16xf32, #tpu.memory_space<vmem_shared>>) target_semaphore(%run_scoped3A : memref<!tpu.dma_semaphore, #tpu.memory_space<semaphore_mem>>)
        tpu.wait_dma2 semaphore(%run_scoped3A : memref<!tpu.dma_semaphore, #tpu.memory_space<semaphore_mem>>) src(%arg6 : memref<10000x16xf32, #tpu.memory_space<hbm>>) dst(%arg16 : memref<10000x16xf32, #tpu.memory_space<vmem_shared>>)
        tpu.yield
      }) : () -> ()
    } else {
    }
    %barrier3A = arith.constant 0 : index
    tpu.barrier barrier_id(%barrier3A)
    %mul3A = arith.constant 16 : i32
    %mul3A_2 = arith.muli %arg0, %mul3A : i32
    %add3A = arith.addi %mul3A_2, %arg1 : i32
    %mul3A_3 = arith.constant 10000 : i32
    %mul3A_4 = arith.muli %add3A, %mul3A_3 : i32
    %add3A_5 = arith.constant 0 : i32
    %add3A_6 = arith.addi %mul3A_4, %add3A_5 : i32
    "tpu.region"() ({
      %run_scoped3A = tpu.sem_alloc : memref<!tpu.dma_semaphore, #tpu.memory_space<semaphore_mem>>
      %dma_start3A_23 = tpu.memref_slice %arg4[%add3A_6] : memref<320000xi32, #tpu.memory_space<hbm>> -> memref<80xi32, #tpu.memory_space<hbm>>
      %dma_start3A_24 = tpu.memref_slice %arg4[%add3A_6] : memref<320000xi32, #tpu.memory_space<hbm>> -> memref<80xi32, #tpu.memory_space<hbm>>
      tpu.enqueue_dma source(%dma_start3A_24 : memref<80xi32, #tpu.memory_space<hbm>>) target(%arg8 : memref<80xi32, #tpu.memory_space<vmem>>) target_semaphore(%run_scoped3A : memref<!tpu.dma_semaphore, #tpu.memory_space<semaphore_mem>>)
      %dma_wait3A = tpu.memref_slice %arg4[%add3A_6] : memref<320000xi32, #tpu.memory_space<hbm>> -> memref<80xi32, #tpu.memory_space<hbm>>
      %dma_wait3A_25 = tpu.memref_slice %arg4[%add3A_6] : memref<320000xi32, #tpu.memory_space<hbm>> -> memref<80xi32, #tpu.memory_space<hbm>>
      tpu.wait_dma2 semaphore(%run_scoped3A : memref<!tpu.dma_semaphore, #tpu.memory_space<semaphore_mem>>) src(%dma_wait3A_25 : memref<80xi32, #tpu.memory_space<hbm>>) dst(%arg8 : memref<80xi32, #tpu.memory_space<vmem>>)
      tpu.yield
    }) : () -> ()
    "tpu.region"() ({
      %run_scoped3A = tpu.sem_alloc : memref<!tpu.dma_semaphore, #tpu.memory_space<semaphore_mem>>
      %dma_start3A_23 = tpu.memref_slice %arg5[%add3A_6] : memref<320000xi32, #tpu.memory_space<hbm>> -> memref<80xi32, #tpu.memory_space<hbm>>
      %dma_start3A_24 = tpu.memref_slice %arg5[%add3A_6] : memref<320000xi32, #tpu.memory_space<hbm>> -> memref<80xi32, #tpu.memory_space<hbm>>
      tpu.enqueue_dma source(%dma_start3A_24 : memref<80xi32, #tpu.memory_space<hbm>>) target(%arg10 : memref<80xi32, #tpu.memory_space<vmem>>) target_semaphore(%run_scoped3A : memref<!tpu.dma_semaphore, #tpu.memory_space<semaphore_mem>>)
      %dma_wait3A = tpu.memref_slice %arg5[%add3A_6] : memref<320000xi32, #tpu.memory_space<hbm>> -> memref<80xi32, #tpu.memory_space<hbm>>
      %dma_wait3A_25 = tpu.memref_slice %arg5[%add3A_6] : memref<320000xi32, #tpu.memory_space<hbm>> -> memref<80xi32, #tpu.memory_space<hbm>>
      tpu.wait_dma2 semaphore(%run_scoped3A : memref<!tpu.dma_semaphore, #tpu.memory_space<semaphore_mem>>) src(%dma_wait3A_25 : memref<80xi32, #tpu.memory_space<hbm>>) dst(%arg10 : memref<80xi32, #tpu.memory_space<vmem>>)
      tpu.yield
    }) : () -> ()
    %dma_start3A = arith.constant 0 : i32
    %dma_start3A_7 = arith.constant 0 : i32
    %dma_start3A_8 = tpu.memref_slice %arg3[%dma_start3A, %dma_start3A_7] : memref<10000x16xf32, #tpu.memory_space<hbm>> -> memref<10000x16xf32, #tpu.memory_space<hbm>>
    tpu.enqueue_indirect_dma source(%dma_start3A_8 : memref<10000x16xf32, #tpu.memory_space<hbm>>) target(%arg14 : memref<80x16xf32, #tpu.memory_space<vmem>>) offsets(%arg8 : memref<80xi32, #tpu.memory_space<vmem>>) semaphore(%arg19 : memref<!tpu.dma_semaphore, #tpu.memory_space<semaphore_mem>>)
    %dma_start3A_9 = arith.constant 0 : i32
    %dma_start3A_10 = arith.constant 0 : i32
    %dma_start3A_11 = tpu.memref_slice %arg2[%dma_start3A_9, %dma_start3A_10] : memref<10000x16xf32, #tpu.memory_space<hbm>> -> memref<10000x16xf32, #tpu.memory_space<hbm>>
    tpu.enqueue_indirect_dma source(%dma_start3A_11 : memref<10000x16xf32, #tpu.memory_space<hbm>>) target(%arg12 : memref<80x16xf32, #tpu.memory_space<vmem>>) offsets(%arg10 : memref<80xi32, #tpu.memory_space<vmem>>) semaphore(%arg17 : memref<!tpu.dma_semaphore, #tpu.memory_space<semaphore_mem>>)
    %scan3A = arith.constant 0 : i32
    %scan3A_12 = arith.constant 0 : i32
    %scan3A_13 = arith.constant 63 : i32
    %scan3A_14 = arith.addi %scan3A_12, %scan3A_13 : i32
    %scan3A_15 = arith.constant 1 : i32
    scf.for %scan3A_23 = %scan3A_12 to %scan3A_14 step %scan3A_15  : i32 {
      %mul3A_24 = arith.constant 2 : i32
      %mul3A_25 = arith.muli %mul3A_24, %scan3A_23 : i32
      %add3A_26 = arith.constant 0 : i32
      %add3A_27 = arith.addi %mul3A_25, %add3A_26 : i32
      %lt3A = arith.constant 125 : i32
      %lt3A_28 = arith.cmpi slt, %add3A_27, %lt3A : i32
      %convert_element_type3A_29 = arith.extui %lt3A_28 : i1 to i32
      %cond3A_30 = arith.constant 0 : i32
      %cond3A_31 = arith.cmpi ne, %convert_element_type3A_29, %cond3A_30 : i32
      scf.if %cond3A_31 {
        %add3A_41 = arith.constant 1 : i32
        %add3A_42 = arith.addi %add3A_27, %add3A_41 : i32
        %lt3A_43 = arith.constant 125 : i32
        %lt3A_44 = arith.cmpi slt, %add3A_42, %lt3A_43 : i32
        %convert_element_type3A_45 = arith.extui %lt3A_44 : i1 to i32
        %cond3A_46 = arith.constant 0 : i32
        %cond3A_47 = arith.cmpi ne, %convert_element_type3A_45, %cond3A_46 : i32
        scf.if %cond3A_47 {
          %add3A_59 = arith.constant 1 : i32
          %add3A_60 = arith.addi %add3A_27, %add3A_59 : i32
          %mul3A_61 = arith.constant 80 : i32
          %mul3A_62 = arith.muli %add3A_60, %mul3A_61 : i32
          %add3A_63 = arith.addi %mul3A_4, %mul3A_62 : i32
          "tpu.region"() ({
            %run_scoped3A = tpu.sem_alloc : memref<!tpu.dma_semaphore, #tpu.memory_space<semaphore_mem>>
            %dma_start3A_70 = tpu.memref_slice %arg4[%add3A_63] : memref<320000xi32, #tpu.memory_space<hbm>> -> memref<80xi32, #tpu.memory_space<hbm>>
            %dma_start3A_71 = tpu.memref_slice %arg4[%add3A_63] : memref<320000xi32, #tpu.memory_space<hbm>> -> memref<80xi32, #tpu.memory_space<hbm>>
            tpu.enqueue_dma source(%dma_start3A_71 : memref<80xi32, #tpu.memory_space<hbm>>) target(%arg9 : memref<80xi32, #tpu.memory_space<vmem>>) target_semaphore(%run_scoped3A : memref<!tpu.dma_semaphore, #tpu.memory_space<semaphore_mem>>)
            %dma_wait3A_72 = tpu.memref_slice %arg4[%add3A_63] : memref<320000xi32, #tpu.memory_space<hbm>> -> memref<80xi32, #tpu.memory_space<hbm>>
            %dma_wait3A_73 = tpu.memref_slice %arg4[%add3A_63] : memref<320000xi32, #tpu.memory_space<hbm>> -> memref<80xi32, #tpu.memory_space<hbm>>
            tpu.wait_dma2 semaphore(%run_scoped3A : memref<!tpu.dma_semaphore, #tpu.memory_space<semaphore_mem>>) src(%dma_wait3A_73 : memref<80xi32, #tpu.memory_space<hbm>>) dst(%arg9 : memref<80xi32, #tpu.memory_space<vmem>>)
            tpu.yield
          }) : () -> ()
          "tpu.region"() ({
            %run_scoped3A = tpu.sem_alloc : memref<!tpu.dma_semaphore, #tpu.memory_space<semaphore_mem>>
            %dma_start3A_70 = tpu.memref_slice %arg5[%add3A_63] : memref<320000xi32, #tpu.memory_space<hbm>> -> memref<80xi32, #tpu.memory_space<hbm>>
            %dma_start3A_71 = tpu.memref_slice %arg5[%add3A_63] : memref<320000xi32, #tpu.memory_space<hbm>> -> memref<80xi32, #tpu.memory_space<hbm>>
            tpu.enqueue_dma source(%dma_start3A_71 : memref<80xi32, #tpu.memory_space<hbm>>) target(%arg11 : memref<80xi32, #tpu.memory_space<vmem>>) target_semaphore(%run_scoped3A : memref<!tpu.dma_semaphore, #tpu.memory_space<semaphore_mem>>)
            %dma_wait3A_72 = tpu.memref_slice %arg5[%add3A_63] : memref<320000xi32, #tpu.memory_space<hbm>> -> memref<80xi32, #tpu.memory_space<hbm>>
            %dma_wait3A_73 = tpu.memref_slice %arg5[%add3A_63] : memref<320000xi32, #tpu.memory_space<hbm>> -> memref<80xi32, #tpu.memory_space<hbm>>
            tpu.wait_dma2 semaphore(%run_scoped3A : memref<!tpu.dma_semaphore, #tpu.memory_space<semaphore_mem>>) src(%dma_wait3A_73 : memref<80xi32, #tpu.memory_space<hbm>>) dst(%arg11 : memref<80xi32, #tpu.memory_space<vmem>>)
            tpu.yield
          }) : () -> ()
          %dma_start3A_64 = arith.constant 0 : i32
          %dma_start3A_65 = arith.constant 0 : i32
          %dma_start3A_66 = tpu.memref_slice %arg3[%dma_start3A_64, %dma_start3A_65] : memref<10000x16xf32, #tpu.memory_space<hbm>> -> memref<10000x16xf32, #tpu.memory_space<hbm>>
          tpu.enqueue_indirect_dma source(%dma_start3A_66 : memref<10000x16xf32, #tpu.memory_space<hbm>>) target(%arg15 : memref<80x16xf32, #tpu.memory_space<vmem>>) offsets(%arg9 : memref<80xi32, #tpu.memory_space<vmem>>) semaphore(%arg20 : memref<!tpu.dma_semaphore, #tpu.memory_space<semaphore_mem>>)
          %dma_start3A_67 = arith.constant 0 : i32
          %dma_start3A_68 = arith.constant 0 : i32
          %dma_start3A_69 = tpu.memref_slice %arg2[%dma_start3A_67, %dma_start3A_68] : memref<10000x16xf32, #tpu.memory_space<hbm>> -> memref<10000x16xf32, #tpu.memory_space<hbm>>
          tpu.enqueue_indirect_dma source(%dma_start3A_69 : memref<10000x16xf32, #tpu.memory_space<hbm>>) target(%arg13 : memref<80x16xf32, #tpu.memory_space<vmem>>) offsets(%arg11 : memref<80xi32, #tpu.memory_space<vmem>>) semaphore(%arg18 : memref<!tpu.dma_semaphore, #tpu.memory_space<semaphore_mem>>)
        } else {
        }
        %dma_wait3A = arith.constant 0 : i32
        %dma_wait3A_48 = arith.constant 0 : i32
        %dma_wait3A_49 = tpu.memref_slice %arg3[%dma_wait3A, %dma_wait3A_48] : memref<10000x16xf32, #tpu.memory_space<hbm>> -> memref<10000x16xf32, #tpu.memory_space<hbm>>
        tpu.wait_indirect_dma semaphore(%arg19 : memref<!tpu.dma_semaphore, #tpu.memory_space<semaphore_mem>>) src(%dma_wait3A_49 : memref<10000x16xf32, #tpu.memory_space<hbm>>) dst(%arg14 : memref<80x16xf32, #tpu.memory_space<vmem>>)
        %dma_wait3A_50 = arith.constant 0 : i32
        %dma_wait3A_51 = arith.constant 0 : i32
        %dma_wait3A_52 = tpu.memref_slice %arg2[%dma_wait3A_50, %dma_wait3A_51] : memref<10000x16xf32, #tpu.memory_space<hbm>> -> memref<10000x16xf32, #tpu.memory_space<hbm>>
        tpu.wait_indirect_dma semaphore(%arg17 : memref<!tpu.dma_semaphore, #tpu.memory_space<semaphore_mem>>) src(%dma_wait3A_52 : memref<10000x16xf32, #tpu.memory_space<hbm>>) dst(%arg12 : memref<80x16xf32, #tpu.memory_space<vmem>>)
        %scan3A_53 = arith.constant 0 : i32
        %scan3A_54 = arith.constant 0 : i32
        %scan3A_55 = arith.constant 80 : i32
        %scan3A_56 = arith.addi %scan3A_54, %scan3A_55 : i32
        %scan3A_57 = arith.constant 1 : i32
        scf.for %scan3A_59 = %scan3A_54 to %scan3A_56 step %scan3A_57  : i32 {
          %get3A = arith.index_cast %scan3A_59 : i32 to index
          %get3A_60 = arith.constant 0 : index
          %get3A_61 = tpu.vector_load %arg12[%get3A, %get3A_60] {strides = array<i32>} : memref<80x16xf32, #tpu.memory_space<vmem>>, vector<1x16xf32>,
          %get3A_62 = vector.shape_cast %get3A_61 : vector<1x16xf32> to vector<16xf32>
          %get3A_63 = arith.index_cast %scan3A_59 : i32 to index
          %get3A_64 = arith.constant 0 : index
          %get3A_65 = tpu.vector_load %arg14[%get3A_63, %get3A_64] {strides = array<i32>} : memref<80x16xf32, #tpu.memory_space<vmem>>, vector<1x16xf32>,
          %get3A_66 = vector.shape_cast %get3A_65 : vector<1x16xf32> to vector<16xf32>
          %add3A_67 = arith.addf %get3A_62, %get3A_66 : vector<16xf32>
          %max3A = arith.constant 0.000000e+00 : f32
          %max3A_68 = vector.broadcast %max3A : f32 to vector<16xf32>
          %max3A_69 = arith.maximumf %add3A_67, %max3A_68 : vector<16xf32>
          %bitcast_convert_type3A = tpu.bitcast %max3A_69 : vector<16xf32> -> vector<16xi32>
          %add3A_70 = arith.constant 32767 : i32
          %add3A_71 = vector.broadcast %add3A_70 : i32 to vector<16xi32>
          %add3A_72 = arith.addi %bitcast_convert_type3A, %add3A_71 : vector<16xi32>
          %shift_right_logical3A = arith.constant 16 : i32
          %shift_right_logical3A_73 = vector.broadcast %shift_right_logical3A : i32 to vector<16xi32>
          %shift_right_logical3A_74 = arith.shrui %bitcast_convert_type3A, %shift_right_logical3A_73 : vector<16xi32>
          %and3A = arith.constant 1 : i32
          %and3A_75 = vector.broadcast %and3A : i32 to vector<16xi32>
          %and3A_76 = arith.andi %shift_right_logical3A_74, %and3A_75 : vector<16xi32>
          %add3A_77 = arith.addi %add3A_72, %and3A_76 : vector<16xi32>
          %and3A_78 = arith.constant -65536 : i32
          %and3A_79 = vector.broadcast %and3A_78 : i32 to vector<16xi32>
          %and3A_80 = arith.andi %add3A_77, %and3A_79 : vector<16xi32>
          %bitcast_convert_type3A_81 = tpu.bitcast %and3A_80 : vector<16xi32> -> vector<16xf32>
          %swap3A = arith.index_cast %scan3A_59 : i32 to index
          %swap3A_82 = arith.constant 0 : index
          %swap3A_83 = tpu.vector_load %arg12[%swap3A, %swap3A_82] {strides = array<i32>} : memref<80x16xf32, #tpu.memory_space<vmem>>, vector<1x16xf32>,
          %swap3A_84 = vector.shape_cast %swap3A_83 : vector<1x16xf32> to vector<16xf32>
          %swap3A_85 = vector.shape_cast %bitcast_convert_type3A_81 : vector<16xf32> to vector<1x16xf32>
          tpu.vector_store %arg12[%swap3A, %swap3A_82], %swap3A_85 {strides = array<i32>} : memref<80x16xf32, #tpu.memory_space<vmem>>, vector<1x16xf32>,
        }
        %scan3A_58 = arith.constant 80 : i32
        "tpu.region"() ({
          %run_scoped3A = tpu.sem_alloc : memref<!tpu.dma_semaphore, #tpu.memory_space<semaphore_mem>>
          %dma_start3A_59 = arith.constant 0 : i32
          %dma_start3A_60 = arith.constant 0 : i32
          %dma_start3A_61 = tpu.memref_slice %arg16[%dma_start3A_59, %dma_start3A_60] : memref<10000x16xf32, #tpu.memory_space<vmem_shared>> -> memref<10000x16xf32, #tpu.memory_space<vmem_shared>>
          tpu.enqueue_indirect_dma source(%arg12 : memref<80x16xf32, #tpu.memory_space<vmem>>) target(%dma_start3A_61 : memref<10000x16xf32, #tpu.memory_space<vmem_shared>>) offsets(%arg10 : memref<80xi32, #tpu.memory_space<vmem>>) semaphore(%run_scoped3A : memref<!tpu.dma_semaphore, #tpu.memory_space<semaphore_mem>>) {add = true}
          %dma_wait3A_62 = arith.constant 0 : i32
          %dma_wait3A_63 = arith.constant 0 : i32
          %dma_wait3A_64 = tpu.memref_slice %arg16[%dma_wait3A_62, %dma_wait3A_63] : memref<10000x16xf32, #tpu.memory_space<vmem_shared>> -> memref<10000x16xf32, #tpu.memory_space<vmem_shared>>
          tpu.wait_indirect_dma semaphore(%run_scoped3A : memref<!tpu.dma_semaphore, #tpu.memory_space<semaphore_mem>>) src(%arg12 : memref<80x16xf32, #tpu.memory_space<vmem>>) dst(%dma_wait3A_64 : memref<10000x16xf32, #tpu.memory_space<vmem_shared>>)
          tpu.yield
        }) : () -> ()
      } else {
      }
      %mul3A_32 = arith.constant 2 : i32
      %mul3A_33 = arith.muli %mul3A_32, %scan3A_23 : i32
      %add3A_34 = arith.constant 1 : i32
      %add3A_35 = arith.addi %mul3A_33, %add3A_34 : i32
      %lt3A_36 = arith.constant 125 : i32
      %lt3A_37 = arith.cmpi slt, %add3A_35, %lt3A_36 : i32
      %convert_element_type3A_38 = arith.extui %lt3A_37 : i1 to i32
      %cond3A_39 = arith.constant 0 : i32
      %cond3A_40 = arith.cmpi ne, %convert_element_type3A_38, %cond3A_39 : i32
      scf.if %cond3A_40 {
        %add3A_41 = arith.constant 1 : i32
        %add3A_42 = arith.addi %add3A_35, %add3A_41 : i32
        %lt3A_43 = arith.constant 125 : i32
        %lt3A_44 = arith.cmpi slt, %add3A_42, %lt3A_43 : i32
        %convert_element_type3A_45 = arith.extui %lt3A_44 : i1 to i32
        %cond3A_46 = arith.constant 0 : i32
        %cond3A_47 = arith.cmpi ne, %convert_element_type3A_45, %cond3A_46 : i32
        scf.if %cond3A_47 {
          %add3A_59 = arith.constant 1 : i32
          %add3A_60 = arith.addi %add3A_35, %add3A_59 : i32
          %mul3A_61 = arith.constant 80 : i32
          %mul3A_62 = arith.muli %add3A_60, %mul3A_61 : i32
          %add3A_63 = arith.addi %mul3A_4, %mul3A_62 : i32
          "tpu.region"() ({
            %run_scoped3A = tpu.sem_alloc : memref<!tpu.dma_semaphore, #tpu.memory_space<semaphore_mem>>
            %dma_start3A_70 = tpu.memref_slice %arg4[%add3A_63] : memref<320000xi32, #tpu.memory_space<hbm>> -> memref<80xi32, #tpu.memory_space<hbm>>
            %dma_start3A_71 = tpu.memref_slice %arg4[%add3A_63] : memref<320000xi32, #tpu.memory_space<hbm>> -> memref<80xi32, #tpu.memory_space<hbm>>
            tpu.enqueue_dma source(%dma_start3A_71 : memref<80xi32, #tpu.memory_space<hbm>>) target(%arg8 : memref<80xi32, #tpu.memory_space<vmem>>) target_semaphore(%run_scoped3A : memref<!tpu.dma_semaphore, #tpu.memory_space<semaphore_mem>>)
            %dma_wait3A_72 = tpu.memref_slice %arg4[%add3A_63] : memref<320000xi32, #tpu.memory_space<hbm>> -> memref<80xi32, #tpu.memory_space<hbm>>
            %dma_wait3A_73 = tpu.memref_slice %arg4[%add3A_63] : memref<320000xi32, #tpu.memory_space<hbm>> -> memref<80xi32, #tpu.memory_space<hbm>>
            tpu.wait_dma2 semaphore(%run_scoped3A : memref<!tpu.dma_semaphore, #tpu.memory_space<semaphore_mem>>) src(%dma_wait3A_73 : memref<80xi32, #tpu.memory_space<hbm>>) dst(%arg8 : memref<80xi32, #tpu.memory_space<vmem>>)
            tpu.yield
          }) : () -> ()
          "tpu.region"() ({
            %run_scoped3A = tpu.sem_alloc : memref<!tpu.dma_semaphore, #tpu.memory_space<semaphore_mem>>
            %dma_start3A_70 = tpu.memref_slice %arg5[%add3A_63] : memref<320000xi32, #tpu.memory_space<hbm>> -> memref<80xi32, #tpu.memory_space<hbm>>
            %dma_start3A_71 = tpu.memref_slice %arg5[%add3A_63] : memref<320000xi32, #tpu.memory_space<hbm>> -> memref<80xi32, #tpu.memory_space<hbm>>
            tpu.enqueue_dma source(%dma_start3A_71 : memref<80xi32, #tpu.memory_space<hbm>>) target(%arg10 : memref<80xi32, #tpu.memory_space<vmem>>) target_semaphore(%run_scoped3A : memref<!tpu.dma_semaphore, #tpu.memory_space<semaphore_mem>>)
            %dma_wait3A_72 = tpu.memref_slice %arg5[%add3A_63] : memref<320000xi32, #tpu.memory_space<hbm>> -> memref<80xi32, #tpu.memory_space<hbm>>
            %dma_wait3A_73 = tpu.memref_slice %arg5[%add3A_63] : memref<320000xi32, #tpu.memory_space<hbm>> -> memref<80xi32, #tpu.memory_space<hbm>>
            tpu.wait_dma2 semaphore(%run_scoped3A : memref<!tpu.dma_semaphore, #tpu.memory_space<semaphore_mem>>) src(%dma_wait3A_73 : memref<80xi32, #tpu.memory_space<hbm>>) dst(%arg10 : memref<80xi32, #tpu.memory_space<vmem>>)
            tpu.yield
          }) : () -> ()
          %dma_start3A_64 = arith.constant 0 : i32
          %dma_start3A_65 = arith.constant 0 : i32
          %dma_start3A_66 = tpu.memref_slice %arg3[%dma_start3A_64, %dma_start3A_65] : memref<10000x16xf32, #tpu.memory_space<hbm>> -> memref<10000x16xf32, #tpu.memory_space<hbm>>
          tpu.enqueue_indirect_dma source(%dma_start3A_66 : memref<10000x16xf32, #tpu.memory_space<hbm>>) target(%arg14 : memref<80x16xf32, #tpu.memory_space<vmem>>) offsets(%arg8 : memref<80xi32, #tpu.memory_space<vmem>>) semaphore(%arg19 : memref<!tpu.dma_semaphore, #tpu.memory_space<semaphore_mem>>)
          %dma_start3A_67 = arith.constant 0 : i32
          %dma_start3A_68 = arith.constant 0 : i32
          %dma_start3A_69 = tpu.memref_slice %arg2[%dma_start3A_67, %dma_start3A_68] : memref<10000x16xf32, #tpu.memory_space<hbm>> -> memref<10000x16xf32, #tpu.memory_space<hbm>>
          tpu.enqueue_indirect_dma source(%dma_start3A_69 : memref<10000x16xf32, #tpu.memory_space<hbm>>) target(%arg12 : memref<80x16xf32, #tpu.memory_space<vmem>>) offsets(%arg10 : memref<80xi32, #tpu.memory_space<vmem>>) semaphore(%arg17 : memref<!tpu.dma_semaphore, #tpu.memory_space<semaphore_mem>>)
        } else {
        }
        %dma_wait3A = arith.constant 0 : i32
        %dma_wait3A_48 = arith.constant 0 : i32
        %dma_wait3A_49 = tpu.memref_slice %arg3[%dma_wait3A, %dma_wait3A_48] : memref<10000x16xf32, #tpu.memory_space<hbm>> -> memref<10000x16xf32, #tpu.memory_space<hbm>>
        tpu.wait_indirect_dma semaphore(%arg20 : memref<!tpu.dma_semaphore, #tpu.memory_space<semaphore_mem>>) src(%dma_wait3A_49 : memref<10000x16xf32, #tpu.memory_space<hbm>>) dst(%arg15 : memref<80x16xf32, #tpu.memory_space<vmem>>)
        %dma_wait3A_50 = arith.constant 0 : i32
        %dma_wait3A_51 = arith.constant 0 : i32
        %dma_wait3A_52 = tpu.memref_slice %arg2[%dma_wait3A_50, %dma_wait3A_51] : memref<10000x16xf32, #tpu.memory_space<hbm>> -> memref<10000x16xf32, #tpu.memory_space<hbm>>
        tpu.wait_indirect_dma semaphore(%arg18 : memref<!tpu.dma_semaphore, #tpu.memory_space<semaphore_mem>>) src(%dma_wait3A_52 : memref<10000x16xf32, #tpu.memory_space<hbm>>) dst(%arg13 : memref<80x16xf32, #tpu.memory_space<vmem>>)
        %scan3A_53 = arith.constant 0 : i32
        %scan3A_54 = arith.constant 0 : i32
        %scan3A_55 = arith.constant 80 : i32
        %scan3A_56 = arith.addi %scan3A_54, %scan3A_55 : i32
        %scan3A_57 = arith.constant 1 : i32
        scf.for %scan3A_59 = %scan3A_54 to %scan3A_56 step %scan3A_57  : i32 {
          %get3A = arith.index_cast %scan3A_59 : i32 to index
          %get3A_60 = arith.constant 0 : index
          %get3A_61 = tpu.vector_load %arg13[%get3A, %get3A_60] {strides = array<i32>} : memref<80x16xf32, #tpu.memory_space<vmem>>, vector<1x16xf32>,
          %get3A_62 = vector.shape_cast %get3A_61 : vector<1x16xf32> to vector<16xf32>
          %get3A_63 = arith.index_cast %scan3A_59 : i32 to index
          %get3A_64 = arith.constant 0 : index
          %get3A_65 = tpu.vector_load %arg15[%get3A_63, %get3A_64] {strides = array<i32>} : memref<80x16xf32, #tpu.memory_space<vmem>>, vector<1x16xf32>,
          %get3A_66 = vector.shape_cast %get3A_65 : vector<1x16xf32> to vector<16xf32>
          %add3A_67 = arith.addf %get3A_62, %get3A_66 : vector<16xf32>
          %max3A = arith.constant 0.000000e+00 : f32
          %max3A_68 = vector.broadcast %max3A : f32 to vector<16xf32>
          %max3A_69 = arith.maximumf %add3A_67, %max3A_68 : vector<16xf32>
          %bitcast_convert_type3A = tpu.bitcast %max3A_69 : vector<16xf32> -> vector<16xi32>
          %add3A_70 = arith.constant 32767 : i32
          %add3A_71 = vector.broadcast %add3A_70 : i32 to vector<16xi32>
          %add3A_72 = arith.addi %bitcast_convert_type3A, %add3A_71 : vector<16xi32>
          %shift_right_logical3A = arith.constant 16 : i32
          %shift_right_logical3A_73 = vector.broadcast %shift_right_logical3A : i32 to vector<16xi32>
          %shift_right_logical3A_74 = arith.shrui %bitcast_convert_type3A, %shift_right_logical3A_73 : vector<16xi32>
          %and3A = arith.constant 1 : i32
          %and3A_75 = vector.broadcast %and3A : i32 to vector<16xi32>
          %and3A_76 = arith.andi %shift_right_logical3A_74, %and3A_75 : vector<16xi32>
          %add3A_77 = arith.addi %add3A_72, %and3A_76 : vector<16xi32>
          %and3A_78 = arith.constant -65536 : i32
          %and3A_79 = vector.broadcast %and3A_78 : i32 to vector<16xi32>
          %and3A_80 = arith.andi %add3A_77, %and3A_79 : vector<16xi32>
          %bitcast_convert_type3A_81 = tpu.bitcast %and3A_80 : vector<16xi32> -> vector<16xf32>
          %swap3A = arith.index_cast %scan3A_59 : i32 to index
          %swap3A_82 = arith.constant 0 : index
          %swap3A_83 = tpu.vector_load %arg13[%swap3A, %swap3A_82] {strides = array<i32>} : memref<80x16xf32, #tpu.memory_space<vmem>>, vector<1x16xf32>,
          %swap3A_84 = vector.shape_cast %swap3A_83 : vector<1x16xf32> to vector<16xf32>
          %swap3A_85 = vector.shape_cast %bitcast_convert_type3A_81 : vector<16xf32> to vector<1x16xf32>
          tpu.vector_store %arg13[%swap3A, %swap3A_82], %swap3A_85 {strides = array<i32>} : memref<80x16xf32, #tpu.memory_space<vmem>>, vector<1x16xf32>,
        }
        %scan3A_58 = arith.constant 80 : i32
        "tpu.region"() ({
          %run_scoped3A = tpu.sem_alloc : memref<!tpu.dma_semaphore, #tpu.memory_space<semaphore_mem>>
          %dma_start3A_59 = arith.constant 0 : i32
          %dma_start3A_60 = arith.constant 0 : i32
          %dma_start3A_61 = tpu.memref_slice %arg16[%dma_start3A_59, %dma_start3A_60] : memref<10000x16xf32, #tpu.memory_space<vmem_shared>> -> memref<10000x16xf32, #tpu.memory_space<vmem_shared>>
          tpu.enqueue_indirect_dma source(%arg13 : memref<80x16xf32, #tpu.memory_space<vmem>>) target(%dma_start3A_61 : memref<10000x16xf32, #tpu.memory_space<vmem_shared>>) offsets(%arg11 : memref<80xi32, #tpu.memory_space<vmem>>) semaphore(%run_scoped3A : memref<!tpu.dma_semaphore, #tpu.memory_space<semaphore_mem>>) {add = true}
          %dma_wait3A_62 = arith.constant 0 : i32
          %dma_wait3A_63 = arith.constant 0 : i32
          %dma_wait3A_64 = tpu.memref_slice %arg16[%dma_wait3A_62, %dma_wait3A_63] : memref<10000x16xf32, #tpu.memory_space<vmem_shared>> -> memref<10000x16xf32, #tpu.memory_space<vmem_shared>>
          tpu.wait_indirect_dma semaphore(%run_scoped3A : memref<!tpu.dma_semaphore, #tpu.memory_space<semaphore_mem>>) src(%arg13 : memref<80x16xf32, #tpu.memory_space<vmem>>) dst(%dma_wait3A_64 : memref<10000x16xf32, #tpu.memory_space<vmem_shared>>)
          tpu.yield
        }) : () -> ()
      } else {
      }
    }
    %scan3A_16 = arith.constant 63 : i32
    %barrier3A_17 = arith.constant 0 : index
    tpu.barrier barrier_id(%barrier3A_17)
    %eq3A_18 = arith.constant 0 : i32
    %eq3A_19 = arith.cmpi eq, %arg1, %eq3A_18 : i32
    %convert_element_type3A_20 = arith.extui %eq3A_19 : i1 to i32
    %cond3A_21 = arith.constant 0 : i32
    %cond3A_22 = arith.cmpi ne, %convert_element_type3A_20, %cond3A_21 : i32
    scf.if %cond3A_22 {
      "tpu.region"() ({
        %run_scoped3A = tpu.sem_alloc : memref<!tpu.dma_semaphore, #tpu.memory_space<semaphore_mem>>
        %dma_start3A_23 = arith.constant 0 : i32
        %dma_start3A_24 = arith.constant 0 : i32
        %dma_start3A_25 = tpu.memref_slice %arg7[%arg0, %dma_start3A_23, %dma_start3A_24] : memref<2x10000x16xf32, #tpu.memory_space<hbm>> -> memref<1x10000x16xf32, #tpu.memory_space<hbm>>
        %dma_start3A_26 = tpu.memref_squeeze %dma_start3A_25 : memref<1x10000x16xf32, #tpu.memory_space<hbm>> -> memref<10000x16xf32, #tpu.memory_space<hbm>>
        tpu.enqueue_dma source(%arg16 : memref<10000x16xf32, #tpu.memory_space<vmem_shared>>) target(%dma_start3A_26 : memref<10000x16xf32, #tpu.memory_space<hbm>>) target_semaphore(%run_scoped3A : memref<!tpu.dma_semaphore, #tpu.memory_space<semaphore_mem>>)
        %dma_wait3A = arith.constant 0 : i32
        %dma_wait3A_27 = arith.constant 0 : i32
        %dma_wait3A_28 = tpu.memref_slice %arg7[%arg0, %dma_wait3A, %dma_wait3A_27] : memref<2x10000x16xf32, #tpu.memory_space<hbm>> -> memref<1x10000x16xf32, #tpu.memory_space<hbm>>
        %dma_wait3A_29 = tpu.memref_squeeze %dma_wait3A_28 : memref<1x10000x16xf32, #tpu.memory_space<hbm>> -> memref<10000x16xf32, #tpu.memory_space<hbm>>
        tpu.wait_dma2 semaphore(%run_scoped3A : memref<!tpu.dma_semaphore, #tpu.memory_space<semaphore_mem>>) src(%arg16 : memref<10000x16xf32, #tpu.memory_space<vmem_shared>>) dst(%dma_wait3A_29 : memref<10000x16xf32, #tpu.memory_space<hbm>>)
        tpu.yield
      }) : () -> ()
    } else {
    }
    return
  }
}

#map = affine_map<(d0, d1) -> (0, 0)>
#map1 = affine_map<(d0, d1) -> (0)>
#map2 = affine_map<(d0, d1) -> (0, 0, 0)>
module attributes {stable_mosaic.version = 14 : i64} {
  func.func @sc_edge(%arg0: i32, %arg1: i32, %arg2: memref<10000x32xf32, #tpu.memory_space<hbm>>, %arg3: memref<10000x32xf32, #tpu.memory_space<hbm>>, %arg4: memref<320000xi32, #tpu.memory_space<hbm>>, %arg5: memref<320000xi32, #tpu.memory_space<hbm>>, %arg6: memref<10000x32xf32, #tpu.memory_space<hbm>>, %arg7: memref<2x10000x32xf32, #tpu.memory_space<hbm>>, %arg8: memref<80xi32, #tpu.memory_space<vmem>>, %arg9: memref<80xi32, #tpu.memory_space<vmem>>, %arg10: memref<80xi32, #tpu.memory_space<vmem>>, %arg11: memref<80xi32, #tpu.memory_space<vmem>>, %arg12: memref<80x32xf32, #tpu.memory_space<vmem>>, %arg13: memref<80x32xf32, #tpu.memory_space<vmem>>, %arg14: memref<80x32xf32, #tpu.memory_space<vmem>>, %arg15: memref<80x32xf32, #tpu.memory_space<vmem>>, %arg16: memref<10000x32xf32, #tpu.memory_space<vmem_shared>>, %arg17: memref<!tpu.dma_semaphore, #tpu.memory_space<semaphore_mem>>, %arg18: memref<!tpu.dma_semaphore, #tpu.memory_space<semaphore_mem>>, %arg19: memref<!tpu.dma_semaphore, #tpu.memory_space<semaphore_mem>>, %arg20: memref<!tpu.dma_semaphore, #tpu.memory_space<semaphore_mem>>) attributes {dimension_semantics = [#tpu.dimension_semantics<core_parallel>, #tpu.dimension_semantics<subcore_parallel>], iteration_bounds = array<i64: 2, 16>, scalar_prefetch = 0 : i64, scratch_operands = 13 : i64, tpu.core_type = #tpu.core_type<sc_vector_subcore>, window_params = [{transform_indices = #map}, {transform_indices = #map}, {transform_indices = #map1}, {transform_indices = #map1}, {transform_indices = #map}, {transform_indices = #map2}]} {
    %eq3A = arith.constant 0 : i32
    %eq3A_0 = arith.cmpi eq, %arg1, %eq3A : i32
    %convert_element_type3A = arith.extui %eq3A_0 : i1 to i32
    %cond3A = arith.constant 0 : i32
    %cond3A_1 = arith.cmpi ne, %convert_element_type3A, %cond3A : i32
    scf.if %cond3A_1 {
      "tpu.region"() ({
        %run_scoped3A = tpu.sem_alloc : memref<!tpu.dma_semaphore, #tpu.memory_space<semaphore_mem>>
        tpu.enqueue_dma source(%arg6 : memref<10000x32xf32, #tpu.memory_space<hbm>>) target(%arg16 : memref<10000x32xf32, #tpu.memory_space<vmem_shared>>) target_semaphore(%run_scoped3A : memref<!tpu.dma_semaphore, #tpu.memory_space<semaphore_mem>>)
        tpu.wait_dma2 semaphore(%run_scoped3A : memref<!tpu.dma_semaphore, #tpu.memory_space<semaphore_mem>>) src(%arg6 : memref<10000x32xf32, #tpu.memory_space<hbm>>) dst(%arg16 : memref<10000x32xf32, #tpu.memory_space<vmem_shared>>)
        tpu.yield
      }) : () -> ()
    } else {
    }
    %barrier3A = arith.constant 0 : index
    tpu.barrier barrier_id(%barrier3A)
    %mul3A = arith.constant 16 : i32
    %mul3A_2 = arith.muli %arg0, %mul3A : i32
    %add3A = arith.addi %mul3A_2, %arg1 : i32
    %mul3A_3 = arith.constant 10000 : i32
    %mul3A_4 = arith.muli %add3A, %mul3A_3 : i32
    %add3A_5 = arith.constant 0 : i32
    %add3A_6 = arith.addi %mul3A_4, %add3A_5 : i32
    "tpu.region"() ({
      %run_scoped3A = tpu.sem_alloc : memref<!tpu.dma_semaphore, #tpu.memory_space<semaphore_mem>>
      %dma_start3A_23 = tpu.memref_slice %arg4[%add3A_6] : memref<320000xi32, #tpu.memory_space<hbm>> -> memref<80xi32, #tpu.memory_space<hbm>>
      %dma_start3A_24 = tpu.memref_slice %arg4[%add3A_6] : memref<320000xi32, #tpu.memory_space<hbm>> -> memref<80xi32, #tpu.memory_space<hbm>>
      tpu.enqueue_dma source(%dma_start3A_24 : memref<80xi32, #tpu.memory_space<hbm>>) target(%arg8 : memref<80xi32, #tpu.memory_space<vmem>>) target_semaphore(%run_scoped3A : memref<!tpu.dma_semaphore, #tpu.memory_space<semaphore_mem>>)
      %dma_wait3A = tpu.memref_slice %arg4[%add3A_6] : memref<320000xi32, #tpu.memory_space<hbm>> -> memref<80xi32, #tpu.memory_space<hbm>>
      %dma_wait3A_25 = tpu.memref_slice %arg4[%add3A_6] : memref<320000xi32, #tpu.memory_space<hbm>> -> memref<80xi32, #tpu.memory_space<hbm>>
      tpu.wait_dma2 semaphore(%run_scoped3A : memref<!tpu.dma_semaphore, #tpu.memory_space<semaphore_mem>>) src(%dma_wait3A_25 : memref<80xi32, #tpu.memory_space<hbm>>) dst(%arg8 : memref<80xi32, #tpu.memory_space<vmem>>)
      tpu.yield
    }) : () -> ()
    "tpu.region"() ({
      %run_scoped3A = tpu.sem_alloc : memref<!tpu.dma_semaphore, #tpu.memory_space<semaphore_mem>>
      %dma_start3A_23 = tpu.memref_slice %arg5[%add3A_6] : memref<320000xi32, #tpu.memory_space<hbm>> -> memref<80xi32, #tpu.memory_space<hbm>>
      %dma_start3A_24 = tpu.memref_slice %arg5[%add3A_6] : memref<320000xi32, #tpu.memory_space<hbm>> -> memref<80xi32, #tpu.memory_space<hbm>>
      tpu.enqueue_dma source(%dma_start3A_24 : memref<80xi32, #tpu.memory_space<hbm>>) target(%arg10 : memref<80xi32, #tpu.memory_space<vmem>>) target_semaphore(%run_scoped3A : memref<!tpu.dma_semaphore, #tpu.memory_space<semaphore_mem>>)
      %dma_wait3A = tpu.memref_slice %arg5[%add3A_6] : memref<320000xi32, #tpu.memory_space<hbm>> -> memref<80xi32, #tpu.memory_space<hbm>>
      %dma_wait3A_25 = tpu.memref_slice %arg5[%add3A_6] : memref<320000xi32, #tpu.memory_space<hbm>> -> memref<80xi32, #tpu.memory_space<hbm>>
      tpu.wait_dma2 semaphore(%run_scoped3A : memref<!tpu.dma_semaphore, #tpu.memory_space<semaphore_mem>>) src(%dma_wait3A_25 : memref<80xi32, #tpu.memory_space<hbm>>) dst(%arg10 : memref<80xi32, #tpu.memory_space<vmem>>)
      tpu.yield
    }) : () -> ()
    %dma_start3A = arith.constant 0 : i32
    %dma_start3A_7 = arith.constant 0 : i32
    %dma_start3A_8 = tpu.memref_slice %arg3[%dma_start3A, %dma_start3A_7] : memref<10000x32xf32, #tpu.memory_space<hbm>> -> memref<10000x32xf32, #tpu.memory_space<hbm>>
    tpu.enqueue_indirect_dma source(%dma_start3A_8 : memref<10000x32xf32, #tpu.memory_space<hbm>>) target(%arg14 : memref<80x32xf32, #tpu.memory_space<vmem>>) offsets(%arg8 : memref<80xi32, #tpu.memory_space<vmem>>) semaphore(%arg19 : memref<!tpu.dma_semaphore, #tpu.memory_space<semaphore_mem>>)
    %dma_start3A_9 = arith.constant 0 : i32
    %dma_start3A_10 = arith.constant 0 : i32
    %dma_start3A_11 = tpu.memref_slice %arg2[%dma_start3A_9, %dma_start3A_10] : memref<10000x32xf32, #tpu.memory_space<hbm>> -> memref<10000x32xf32, #tpu.memory_space<hbm>>
    tpu.enqueue_indirect_dma source(%dma_start3A_11 : memref<10000x32xf32, #tpu.memory_space<hbm>>) target(%arg12 : memref<80x32xf32, #tpu.memory_space<vmem>>) offsets(%arg10 : memref<80xi32, #tpu.memory_space<vmem>>) semaphore(%arg17 : memref<!tpu.dma_semaphore, #tpu.memory_space<semaphore_mem>>)
    %scan3A = arith.constant 0 : i32
    %scan3A_12 = arith.constant 0 : i32
    %scan3A_13 = arith.constant 63 : i32
    %scan3A_14 = arith.addi %scan3A_12, %scan3A_13 : i32
    %scan3A_15 = arith.constant 1 : i32
    scf.for %scan3A_23 = %scan3A_12 to %scan3A_14 step %scan3A_15  : i32 {
      %mul3A_24 = arith.constant 2 : i32
      %mul3A_25 = arith.muli %mul3A_24, %scan3A_23 : i32
      %add3A_26 = arith.constant 0 : i32
      %add3A_27 = arith.addi %mul3A_25, %add3A_26 : i32
      %lt3A = arith.constant 125 : i32
      %lt3A_28 = arith.cmpi slt, %add3A_27, %lt3A : i32
      %convert_element_type3A_29 = arith.extui %lt3A_28 : i1 to i32
      %cond3A_30 = arith.constant 0 : i32
      %cond3A_31 = arith.cmpi ne, %convert_element_type3A_29, %cond3A_30 : i32
      scf.if %cond3A_31 {
        %add3A_41 = arith.constant 1 : i32
        %add3A_42 = arith.addi %add3A_27, %add3A_41 : i32
        %lt3A_43 = arith.constant 125 : i32
        %lt3A_44 = arith.cmpi slt, %add3A_42, %lt3A_43 : i32
        %convert_element_type3A_45 = arith.extui %lt3A_44 : i1 to i32
        %cond3A_46 = arith.constant 0 : i32
        %cond3A_47 = arith.cmpi ne, %convert_element_type3A_45, %cond3A_46 : i32
        scf.if %cond3A_47 {
          %add3A_59 = arith.constant 1 : i32
          %add3A_60 = arith.addi %add3A_27, %add3A_59 : i32
          %mul3A_61 = arith.constant 80 : i32
          %mul3A_62 = arith.muli %add3A_60, %mul3A_61 : i32
          %add3A_63 = arith.addi %mul3A_4, %mul3A_62 : i32
          "tpu.region"() ({
            %run_scoped3A = tpu.sem_alloc : memref<!tpu.dma_semaphore, #tpu.memory_space<semaphore_mem>>
            %dma_start3A_70 = tpu.memref_slice %arg4[%add3A_63] : memref<320000xi32, #tpu.memory_space<hbm>> -> memref<80xi32, #tpu.memory_space<hbm>>
            %dma_start3A_71 = tpu.memref_slice %arg4[%add3A_63] : memref<320000xi32, #tpu.memory_space<hbm>> -> memref<80xi32, #tpu.memory_space<hbm>>
            tpu.enqueue_dma source(%dma_start3A_71 : memref<80xi32, #tpu.memory_space<hbm>>) target(%arg9 : memref<80xi32, #tpu.memory_space<vmem>>) target_semaphore(%run_scoped3A : memref<!tpu.dma_semaphore, #tpu.memory_space<semaphore_mem>>)
            %dma_wait3A_72 = tpu.memref_slice %arg4[%add3A_63] : memref<320000xi32, #tpu.memory_space<hbm>> -> memref<80xi32, #tpu.memory_space<hbm>>
            %dma_wait3A_73 = tpu.memref_slice %arg4[%add3A_63] : memref<320000xi32, #tpu.memory_space<hbm>> -> memref<80xi32, #tpu.memory_space<hbm>>
            tpu.wait_dma2 semaphore(%run_scoped3A : memref<!tpu.dma_semaphore, #tpu.memory_space<semaphore_mem>>) src(%dma_wait3A_73 : memref<80xi32, #tpu.memory_space<hbm>>) dst(%arg9 : memref<80xi32, #tpu.memory_space<vmem>>)
            tpu.yield
          }) : () -> ()
          "tpu.region"() ({
            %run_scoped3A = tpu.sem_alloc : memref<!tpu.dma_semaphore, #tpu.memory_space<semaphore_mem>>
            %dma_start3A_70 = tpu.memref_slice %arg5[%add3A_63] : memref<320000xi32, #tpu.memory_space<hbm>> -> memref<80xi32, #tpu.memory_space<hbm>>
            %dma_start3A_71 = tpu.memref_slice %arg5[%add3A_63] : memref<320000xi32, #tpu.memory_space<hbm>> -> memref<80xi32, #tpu.memory_space<hbm>>
            tpu.enqueue_dma source(%dma_start3A_71 : memref<80xi32, #tpu.memory_space<hbm>>) target(%arg11 : memref<80xi32, #tpu.memory_space<vmem>>) target_semaphore(%run_scoped3A : memref<!tpu.dma_semaphore, #tpu.memory_space<semaphore_mem>>)
            %dma_wait3A_72 = tpu.memref_slice %arg5[%add3A_63] : memref<320000xi32, #tpu.memory_space<hbm>> -> memref<80xi32, #tpu.memory_space<hbm>>
            %dma_wait3A_73 = tpu.memref_slice %arg5[%add3A_63] : memref<320000xi32, #tpu.memory_space<hbm>> -> memref<80xi32, #tpu.memory_space<hbm>>
            tpu.wait_dma2 semaphore(%run_scoped3A : memref<!tpu.dma_semaphore, #tpu.memory_space<semaphore_mem>>) src(%dma_wait3A_73 : memref<80xi32, #tpu.memory_space<hbm>>) dst(%arg11 : memref<80xi32, #tpu.memory_space<vmem>>)
            tpu.yield
          }) : () -> ()
          %dma_start3A_64 = arith.constant 0 : i32
          %dma_start3A_65 = arith.constant 0 : i32
          %dma_start3A_66 = tpu.memref_slice %arg3[%dma_start3A_64, %dma_start3A_65] : memref<10000x32xf32, #tpu.memory_space<hbm>> -> memref<10000x32xf32, #tpu.memory_space<hbm>>
          tpu.enqueue_indirect_dma source(%dma_start3A_66 : memref<10000x32xf32, #tpu.memory_space<hbm>>) target(%arg15 : memref<80x32xf32, #tpu.memory_space<vmem>>) offsets(%arg9 : memref<80xi32, #tpu.memory_space<vmem>>) semaphore(%arg20 : memref<!tpu.dma_semaphore, #tpu.memory_space<semaphore_mem>>)
          %dma_start3A_67 = arith.constant 0 : i32
          %dma_start3A_68 = arith.constant 0 : i32
          %dma_start3A_69 = tpu.memref_slice %arg2[%dma_start3A_67, %dma_start3A_68] : memref<10000x32xf32, #tpu.memory_space<hbm>> -> memref<10000x32xf32, #tpu.memory_space<hbm>>
          tpu.enqueue_indirect_dma source(%dma_start3A_69 : memref<10000x32xf32, #tpu.memory_space<hbm>>) target(%arg13 : memref<80x32xf32, #tpu.memory_space<vmem>>) offsets(%arg11 : memref<80xi32, #tpu.memory_space<vmem>>) semaphore(%arg18 : memref<!tpu.dma_semaphore, #tpu.memory_space<semaphore_mem>>)
        } else {
        }
        %dma_wait3A = arith.constant 0 : i32
        %dma_wait3A_48 = arith.constant 0 : i32
        %dma_wait3A_49 = tpu.memref_slice %arg3[%dma_wait3A, %dma_wait3A_48] : memref<10000x32xf32, #tpu.memory_space<hbm>> -> memref<10000x32xf32, #tpu.memory_space<hbm>>
        tpu.wait_indirect_dma semaphore(%arg19 : memref<!tpu.dma_semaphore, #tpu.memory_space<semaphore_mem>>) src(%dma_wait3A_49 : memref<10000x32xf32, #tpu.memory_space<hbm>>) dst(%arg14 : memref<80x32xf32, #tpu.memory_space<vmem>>)
        %dma_wait3A_50 = arith.constant 0 : i32
        %dma_wait3A_51 = arith.constant 0 : i32
        %dma_wait3A_52 = tpu.memref_slice %arg2[%dma_wait3A_50, %dma_wait3A_51] : memref<10000x32xf32, #tpu.memory_space<hbm>> -> memref<10000x32xf32, #tpu.memory_space<hbm>>
        tpu.wait_indirect_dma semaphore(%arg17 : memref<!tpu.dma_semaphore, #tpu.memory_space<semaphore_mem>>) src(%dma_wait3A_52 : memref<10000x32xf32, #tpu.memory_space<hbm>>) dst(%arg12 : memref<80x32xf32, #tpu.memory_space<vmem>>)
        %scan3A_53 = arith.constant 0 : i32
        %scan3A_54 = arith.constant 0 : i32
        %scan3A_55 = arith.constant 80 : i32
        %scan3A_56 = arith.addi %scan3A_54, %scan3A_55 : i32
        %scan3A_57 = arith.constant 1 : i32
        scf.for %scan3A_59 = %scan3A_54 to %scan3A_56 step %scan3A_57  : i32 {
          %get3A = arith.index_cast %scan3A_59 : i32 to index
          %get3A_60 = arith.constant 0 : index
          %get3A_61 = tpu.vector_load %arg12[%get3A, %get3A_60] {strides = array<i32>} : memref<80x32xf32, #tpu.memory_space<vmem>>, vector<1x16xf32>,
          %get3A_62 = vector.shape_cast %get3A_61 : vector<1x16xf32> to vector<16xf32>
          %get3A_63 = arith.index_cast %scan3A_59 : i32 to index
          %get3A_64 = arith.constant 0 : index
          %get3A_65 = tpu.vector_load %arg14[%get3A_63, %get3A_64] {strides = array<i32>} : memref<80x32xf32, #tpu.memory_space<vmem>>, vector<1x16xf32>,
          %get3A_66 = vector.shape_cast %get3A_65 : vector<1x16xf32> to vector<16xf32>
          %add3A_67 = arith.addf %get3A_62, %get3A_66 : vector<16xf32>
          %max3A = arith.constant 0.000000e+00 : f32
          %max3A_68 = vector.broadcast %max3A : f32 to vector<16xf32>
          %max3A_69 = arith.maximumf %add3A_67, %max3A_68 : vector<16xf32>
          %bitcast_convert_type3A = tpu.bitcast %max3A_69 : vector<16xf32> -> vector<16xi32>
          %add3A_70 = arith.constant 32767 : i32
          %add3A_71 = vector.broadcast %add3A_70 : i32 to vector<16xi32>
          %add3A_72 = arith.addi %bitcast_convert_type3A, %add3A_71 : vector<16xi32>
          %shift_right_logical3A = arith.constant 16 : i32
          %shift_right_logical3A_73 = vector.broadcast %shift_right_logical3A : i32 to vector<16xi32>
          %shift_right_logical3A_74 = arith.shrui %bitcast_convert_type3A, %shift_right_logical3A_73 : vector<16xi32>
          %and3A = arith.constant 1 : i32
          %and3A_75 = vector.broadcast %and3A : i32 to vector<16xi32>
          %and3A_76 = arith.andi %shift_right_logical3A_74, %and3A_75 : vector<16xi32>
          %add3A_77 = arith.addi %add3A_72, %and3A_76 : vector<16xi32>
          %and3A_78 = arith.constant -65536 : i32
          %and3A_79 = vector.broadcast %and3A_78 : i32 to vector<16xi32>
          %and3A_80 = arith.andi %add3A_77, %and3A_79 : vector<16xi32>
          %bitcast_convert_type3A_81 = tpu.bitcast %and3A_80 : vector<16xi32> -> vector<16xf32>
          %swap3A = arith.index_cast %scan3A_59 : i32 to index
          %swap3A_82 = arith.constant 0 : index
          %swap3A_83 = tpu.vector_load %arg12[%swap3A, %swap3A_82] {strides = array<i32>} : memref<80x32xf32, #tpu.memory_space<vmem>>, vector<1x16xf32>,
          %swap3A_84 = vector.shape_cast %swap3A_83 : vector<1x16xf32> to vector<16xf32>
          %swap3A_85 = vector.shape_cast %bitcast_convert_type3A_81 : vector<16xf32> to vector<1x16xf32>
          tpu.vector_store %arg12[%swap3A, %swap3A_82], %swap3A_85 {strides = array<i32>} : memref<80x32xf32, #tpu.memory_space<vmem>>, vector<1x16xf32>,
          %get3A_86 = arith.index_cast %scan3A_59 : i32 to index
          %get3A_87 = arith.constant 16 : index
          %get3A_88 = tpu.vector_load %arg12[%get3A_86, %get3A_87] {strides = array<i32>} : memref<80x32xf32, #tpu.memory_space<vmem>>, vector<1x16xf32>,
          %get3A_89 = vector.shape_cast %get3A_88 : vector<1x16xf32> to vector<16xf32>
          %get3A_90 = arith.index_cast %scan3A_59 : i32 to index
          %get3A_91 = arith.constant 16 : index
          %get3A_92 = tpu.vector_load %arg14[%get3A_90, %get3A_91] {strides = array<i32>} : memref<80x32xf32, #tpu.memory_space<vmem>>, vector<1x16xf32>,
          %get3A_93 = vector.shape_cast %get3A_92 : vector<1x16xf32> to vector<16xf32>
          %add3A_94 = arith.addf %get3A_89, %get3A_93 : vector<16xf32>
          %max3A_95 = arith.constant 0.000000e+00 : f32
          %max3A_96 = vector.broadcast %max3A_95 : f32 to vector<16xf32>
          %max3A_97 = arith.maximumf %add3A_94, %max3A_96 : vector<16xf32>
          %bitcast_convert_type3A_98 = tpu.bitcast %max3A_97 : vector<16xf32> -> vector<16xi32>
          %add3A_99 = arith.constant 32767 : i32
          %add3A_100 = vector.broadcast %add3A_99 : i32 to vector<16xi32>
          %add3A_101 = arith.addi %bitcast_convert_type3A_98, %add3A_100 : vector<16xi32>
          %shift_right_logical3A_102 = arith.constant 16 : i32
          %shift_right_logical3A_103 = vector.broadcast %shift_right_logical3A_102 : i32 to vector<16xi32>
          %shift_right_logical3A_104 = arith.shrui %bitcast_convert_type3A_98, %shift_right_logical3A_103 : vector<16xi32>
          %and3A_105 = arith.constant 1 : i32
          %and3A_106 = vector.broadcast %and3A_105 : i32 to vector<16xi32>
          %and3A_107 = arith.andi %shift_right_logical3A_104, %and3A_106 : vector<16xi32>
          %add3A_108 = arith.addi %add3A_101, %and3A_107 : vector<16xi32>
          %and3A_109 = arith.constant -65536 : i32
          %and3A_110 = vector.broadcast %and3A_109 : i32 to vector<16xi32>
          %and3A_111 = arith.andi %add3A_108, %and3A_110 : vector<16xi32>
          %bitcast_convert_type3A_112 = tpu.bitcast %and3A_111 : vector<16xi32> -> vector<16xf32>
          %swap3A_113 = arith.index_cast %scan3A_59 : i32 to index
          %swap3A_114 = arith.constant 16 : index
          %swap3A_115 = tpu.vector_load %arg12[%swap3A_113, %swap3A_114] {strides = array<i32>} : memref<80x32xf32, #tpu.memory_space<vmem>>, vector<1x16xf32>,
          %swap3A_116 = vector.shape_cast %swap3A_115 : vector<1x16xf32> to vector<16xf32>
          %swap3A_117 = vector.shape_cast %bitcast_convert_type3A_112 : vector<16xf32> to vector<1x16xf32>
          tpu.vector_store %arg12[%swap3A_113, %swap3A_114], %swap3A_117 {strides = array<i32>} : memref<80x32xf32, #tpu.memory_space<vmem>>, vector<1x16xf32>,
        }
        %scan3A_58 = arith.constant 80 : i32
        "tpu.region"() ({
          %run_scoped3A = tpu.sem_alloc : memref<!tpu.dma_semaphore, #tpu.memory_space<semaphore_mem>>
          %dma_start3A_59 = arith.constant 0 : i32
          %dma_start3A_60 = arith.constant 0 : i32
          %dma_start3A_61 = tpu.memref_slice %arg16[%dma_start3A_59, %dma_start3A_60] : memref<10000x32xf32, #tpu.memory_space<vmem_shared>> -> memref<10000x32xf32, #tpu.memory_space<vmem_shared>>
          tpu.enqueue_indirect_dma source(%arg12 : memref<80x32xf32, #tpu.memory_space<vmem>>) target(%dma_start3A_61 : memref<10000x32xf32, #tpu.memory_space<vmem_shared>>) offsets(%arg10 : memref<80xi32, #tpu.memory_space<vmem>>) semaphore(%run_scoped3A : memref<!tpu.dma_semaphore, #tpu.memory_space<semaphore_mem>>) {add = true}
          %dma_wait3A_62 = arith.constant 0 : i32
          %dma_wait3A_63 = arith.constant 0 : i32
          %dma_wait3A_64 = tpu.memref_slice %arg16[%dma_wait3A_62, %dma_wait3A_63] : memref<10000x32xf32, #tpu.memory_space<vmem_shared>> -> memref<10000x32xf32, #tpu.memory_space<vmem_shared>>
          tpu.wait_indirect_dma semaphore(%run_scoped3A : memref<!tpu.dma_semaphore, #tpu.memory_space<semaphore_mem>>) src(%arg12 : memref<80x32xf32, #tpu.memory_space<vmem>>) dst(%dma_wait3A_64 : memref<10000x32xf32, #tpu.memory_space<vmem_shared>>)
          tpu.yield
        }) : () -> ()
      } else {
      }
      %mul3A_32 = arith.constant 2 : i32
      %mul3A_33 = arith.muli %mul3A_32, %scan3A_23 : i32
      %add3A_34 = arith.constant 1 : i32
      %add3A_35 = arith.addi %mul3A_33, %add3A_34 : i32
      %lt3A_36 = arith.constant 125 : i32
      %lt3A_37 = arith.cmpi slt, %add3A_35, %lt3A_36 : i32
      %convert_element_type3A_38 = arith.extui %lt3A_37 : i1 to i32
      %cond3A_39 = arith.constant 0 : i32
      %cond3A_40 = arith.cmpi ne, %convert_element_type3A_38, %cond3A_39 : i32
      scf.if %cond3A_40 {
        %add3A_41 = arith.constant 1 : i32
        %add3A_42 = arith.addi %add3A_35, %add3A_41 : i32
        %lt3A_43 = arith.constant 125 : i32
        %lt3A_44 = arith.cmpi slt, %add3A_42, %lt3A_43 : i32
        %convert_element_type3A_45 = arith.extui %lt3A_44 : i1 to i32
        %cond3A_46 = arith.constant 0 : i32
        %cond3A_47 = arith.cmpi ne, %convert_element_type3A_45, %cond3A_46 : i32
        scf.if %cond3A_47 {
          %add3A_59 = arith.constant 1 : i32
          %add3A_60 = arith.addi %add3A_35, %add3A_59 : i32
          %mul3A_61 = arith.constant 80 : i32
          %mul3A_62 = arith.muli %add3A_60, %mul3A_61 : i32
          %add3A_63 = arith.addi %mul3A_4, %mul3A_62 : i32
          "tpu.region"() ({
            %run_scoped3A = tpu.sem_alloc : memref<!tpu.dma_semaphore, #tpu.memory_space<semaphore_mem>>
            %dma_start3A_70 = tpu.memref_slice %arg4[%add3A_63] : memref<320000xi32, #tpu.memory_space<hbm>> -> memref<80xi32, #tpu.memory_space<hbm>>
            %dma_start3A_71 = tpu.memref_slice %arg4[%add3A_63] : memref<320000xi32, #tpu.memory_space<hbm>> -> memref<80xi32, #tpu.memory_space<hbm>>
            tpu.enqueue_dma source(%dma_start3A_71 : memref<80xi32, #tpu.memory_space<hbm>>) target(%arg8 : memref<80xi32, #tpu.memory_space<vmem>>) target_semaphore(%run_scoped3A : memref<!tpu.dma_semaphore, #tpu.memory_space<semaphore_mem>>)
            %dma_wait3A_72 = tpu.memref_slice %arg4[%add3A_63] : memref<320000xi32, #tpu.memory_space<hbm>> -> memref<80xi32, #tpu.memory_space<hbm>>
            %dma_wait3A_73 = tpu.memref_slice %arg4[%add3A_63] : memref<320000xi32, #tpu.memory_space<hbm>> -> memref<80xi32, #tpu.memory_space<hbm>>
            tpu.wait_dma2 semaphore(%run_scoped3A : memref<!tpu.dma_semaphore, #tpu.memory_space<semaphore_mem>>) src(%dma_wait3A_73 : memref<80xi32, #tpu.memory_space<hbm>>) dst(%arg8 : memref<80xi32, #tpu.memory_space<vmem>>)
            tpu.yield
          }) : () -> ()
          "tpu.region"() ({
            %run_scoped3A = tpu.sem_alloc : memref<!tpu.dma_semaphore, #tpu.memory_space<semaphore_mem>>
            %dma_start3A_70 = tpu.memref_slice %arg5[%add3A_63] : memref<320000xi32, #tpu.memory_space<hbm>> -> memref<80xi32, #tpu.memory_space<hbm>>
            %dma_start3A_71 = tpu.memref_slice %arg5[%add3A_63] : memref<320000xi32, #tpu.memory_space<hbm>> -> memref<80xi32, #tpu.memory_space<hbm>>
            tpu.enqueue_dma source(%dma_start3A_71 : memref<80xi32, #tpu.memory_space<hbm>>) target(%arg10 : memref<80xi32, #tpu.memory_space<vmem>>) target_semaphore(%run_scoped3A : memref<!tpu.dma_semaphore, #tpu.memory_space<semaphore_mem>>)
            %dma_wait3A_72 = tpu.memref_slice %arg5[%add3A_63] : memref<320000xi32, #tpu.memory_space<hbm>> -> memref<80xi32, #tpu.memory_space<hbm>>
            %dma_wait3A_73 = tpu.memref_slice %arg5[%add3A_63] : memref<320000xi32, #tpu.memory_space<hbm>> -> memref<80xi32, #tpu.memory_space<hbm>>
            tpu.wait_dma2 semaphore(%run_scoped3A : memref<!tpu.dma_semaphore, #tpu.memory_space<semaphore_mem>>) src(%dma_wait3A_73 : memref<80xi32, #tpu.memory_space<hbm>>) dst(%arg10 : memref<80xi32, #tpu.memory_space<vmem>>)
            tpu.yield
          }) : () -> ()
          %dma_start3A_64 = arith.constant 0 : i32
          %dma_start3A_65 = arith.constant 0 : i32
          %dma_start3A_66 = tpu.memref_slice %arg3[%dma_start3A_64, %dma_start3A_65] : memref<10000x32xf32, #tpu.memory_space<hbm>> -> memref<10000x32xf32, #tpu.memory_space<hbm>>
          tpu.enqueue_indirect_dma source(%dma_start3A_66 : memref<10000x32xf32, #tpu.memory_space<hbm>>) target(%arg14 : memref<80x32xf32, #tpu.memory_space<vmem>>) offsets(%arg8 : memref<80xi32, #tpu.memory_space<vmem>>) semaphore(%arg19 : memref<!tpu.dma_semaphore, #tpu.memory_space<semaphore_mem>>)
          %dma_start3A_67 = arith.constant 0 : i32
          %dma_start3A_68 = arith.constant 0 : i32
          %dma_start3A_69 = tpu.memref_slice %arg2[%dma_start3A_67, %dma_start3A_68] : memref<10000x32xf32, #tpu.memory_space<hbm>> -> memref<10000x32xf32, #tpu.memory_space<hbm>>
          tpu.enqueue_indirect_dma source(%dma_start3A_69 : memref<10000x32xf32, #tpu.memory_space<hbm>>) target(%arg12 : memref<80x32xf32, #tpu.memory_space<vmem>>) offsets(%arg10 : memref<80xi32, #tpu.memory_space<vmem>>) semaphore(%arg17 : memref<!tpu.dma_semaphore, #tpu.memory_space<semaphore_mem>>)
        } else {
        }
        %dma_wait3A = arith.constant 0 : i32
        %dma_wait3A_48 = arith.constant 0 : i32
        %dma_wait3A_49 = tpu.memref_slice %arg3[%dma_wait3A, %dma_wait3A_48] : memref<10000x32xf32, #tpu.memory_space<hbm>> -> memref<10000x32xf32, #tpu.memory_space<hbm>>
        tpu.wait_indirect_dma semaphore(%arg20 : memref<!tpu.dma_semaphore, #tpu.memory_space<semaphore_mem>>) src(%dma_wait3A_49 : memref<10000x32xf32, #tpu.memory_space<hbm>>) dst(%arg15 : memref<80x32xf32, #tpu.memory_space<vmem>>)
        %dma_wait3A_50 = arith.constant 0 : i32
        %dma_wait3A_51 = arith.constant 0 : i32
        %dma_wait3A_52 = tpu.memref_slice %arg2[%dma_wait3A_50, %dma_wait3A_51] : memref<10000x32xf32, #tpu.memory_space<hbm>> -> memref<10000x32xf32, #tpu.memory_space<hbm>>
        tpu.wait_indirect_dma semaphore(%arg18 : memref<!tpu.dma_semaphore, #tpu.memory_space<semaphore_mem>>) src(%dma_wait3A_52 : memref<10000x32xf32, #tpu.memory_space<hbm>>) dst(%arg13 : memref<80x32xf32, #tpu.memory_space<vmem>>)
        %scan3A_53 = arith.constant 0 : i32
        %scan3A_54 = arith.constant 0 : i32
        %scan3A_55 = arith.constant 80 : i32
        %scan3A_56 = arith.addi %scan3A_54, %scan3A_55 : i32
        %scan3A_57 = arith.constant 1 : i32
        scf.for %scan3A_59 = %scan3A_54 to %scan3A_56 step %scan3A_57  : i32 {
          %get3A = arith.index_cast %scan3A_59 : i32 to index
          %get3A_60 = arith.constant 0 : index
          %get3A_61 = tpu.vector_load %arg13[%get3A, %get3A_60] {strides = array<i32>} : memref<80x32xf32, #tpu.memory_space<vmem>>, vector<1x16xf32>,
          %get3A_62 = vector.shape_cast %get3A_61 : vector<1x16xf32> to vector<16xf32>
          %get3A_63 = arith.index_cast %scan3A_59 : i32 to index
          %get3A_64 = arith.constant 0 : index
          %get3A_65 = tpu.vector_load %arg15[%get3A_63, %get3A_64] {strides = array<i32>} : memref<80x32xf32, #tpu.memory_space<vmem>>, vector<1x16xf32>,
          %get3A_66 = vector.shape_cast %get3A_65 : vector<1x16xf32> to vector<16xf32>
          %add3A_67 = arith.addf %get3A_62, %get3A_66 : vector<16xf32>
          %max3A = arith.constant 0.000000e+00 : f32
          %max3A_68 = vector.broadcast %max3A : f32 to vector<16xf32>
          %max3A_69 = arith.maximumf %add3A_67, %max3A_68 : vector<16xf32>
          %bitcast_convert_type3A = tpu.bitcast %max3A_69 : vector<16xf32> -> vector<16xi32>
          %add3A_70 = arith.constant 32767 : i32
          %add3A_71 = vector.broadcast %add3A_70 : i32 to vector<16xi32>
          %add3A_72 = arith.addi %bitcast_convert_type3A, %add3A_71 : vector<16xi32>
          %shift_right_logical3A = arith.constant 16 : i32
          %shift_right_logical3A_73 = vector.broadcast %shift_right_logical3A : i32 to vector<16xi32>
          %shift_right_logical3A_74 = arith.shrui %bitcast_convert_type3A, %shift_right_logical3A_73 : vector<16xi32>
          %and3A = arith.constant 1 : i32
          %and3A_75 = vector.broadcast %and3A : i32 to vector<16xi32>
          %and3A_76 = arith.andi %shift_right_logical3A_74, %and3A_75 : vector<16xi32>
          %add3A_77 = arith.addi %add3A_72, %and3A_76 : vector<16xi32>
          %and3A_78 = arith.constant -65536 : i32
          %and3A_79 = vector.broadcast %and3A_78 : i32 to vector<16xi32>
          %and3A_80 = arith.andi %add3A_77, %and3A_79 : vector<16xi32>
          %bitcast_convert_type3A_81 = tpu.bitcast %and3A_80 : vector<16xi32> -> vector<16xf32>
          %swap3A = arith.index_cast %scan3A_59 : i32 to index
          %swap3A_82 = arith.constant 0 : index
          %swap3A_83 = tpu.vector_load %arg13[%swap3A, %swap3A_82] {strides = array<i32>} : memref<80x32xf32, #tpu.memory_space<vmem>>, vector<1x16xf32>,
          %swap3A_84 = vector.shape_cast %swap3A_83 : vector<1x16xf32> to vector<16xf32>
          %swap3A_85 = vector.shape_cast %bitcast_convert_type3A_81 : vector<16xf32> to vector<1x16xf32>
          tpu.vector_store %arg13[%swap3A, %swap3A_82], %swap3A_85 {strides = array<i32>} : memref<80x32xf32, #tpu.memory_space<vmem>>, vector<1x16xf32>,
          %get3A_86 = arith.index_cast %scan3A_59 : i32 to index
          %get3A_87 = arith.constant 16 : index
          %get3A_88 = tpu.vector_load %arg13[%get3A_86, %get3A_87] {strides = array<i32>} : memref<80x32xf32, #tpu.memory_space<vmem>>, vector<1x16xf32>,
          %get3A_89 = vector.shape_cast %get3A_88 : vector<1x16xf32> to vector<16xf32>
          %get3A_90 = arith.index_cast %scan3A_59 : i32 to index
          %get3A_91 = arith.constant 16 : index
          %get3A_92 = tpu.vector_load %arg15[%get3A_90, %get3A_91] {strides = array<i32>} : memref<80x32xf32, #tpu.memory_space<vmem>>, vector<1x16xf32>,
          %get3A_93 = vector.shape_cast %get3A_92 : vector<1x16xf32> to vector<16xf32>
          %add3A_94 = arith.addf %get3A_89, %get3A_93 : vector<16xf32>
          %max3A_95 = arith.constant 0.000000e+00 : f32
          %max3A_96 = vector.broadcast %max3A_95 : f32 to vector<16xf32>
          %max3A_97 = arith.maximumf %add3A_94, %max3A_96 : vector<16xf32>
          %bitcast_convert_type3A_98 = tpu.bitcast %max3A_97 : vector<16xf32> -> vector<16xi32>
          %add3A_99 = arith.constant 32767 : i32
          %add3A_100 = vector.broadcast %add3A_99 : i32 to vector<16xi32>
          %add3A_101 = arith.addi %bitcast_convert_type3A_98, %add3A_100 : vector<16xi32>
          %shift_right_logical3A_102 = arith.constant 16 : i32
          %shift_right_logical3A_103 = vector.broadcast %shift_right_logical3A_102 : i32 to vector<16xi32>
          %shift_right_logical3A_104 = arith.shrui %bitcast_convert_type3A_98, %shift_right_logical3A_103 : vector<16xi32>
          %and3A_105 = arith.constant 1 : i32
          %and3A_106 = vector.broadcast %and3A_105 : i32 to vector<16xi32>
          %and3A_107 = arith.andi %shift_right_logical3A_104, %and3A_106 : vector<16xi32>
          %add3A_108 = arith.addi %add3A_101, %and3A_107 : vector<16xi32>
          %and3A_109 = arith.constant -65536 : i32
          %and3A_110 = vector.broadcast %and3A_109 : i32 to vector<16xi32>
          %and3A_111 = arith.andi %add3A_108, %and3A_110 : vector<16xi32>
          %bitcast_convert_type3A_112 = tpu.bitcast %and3A_111 : vector<16xi32> -> vector<16xf32>
          %swap3A_113 = arith.index_cast %scan3A_59 : i32 to index
          %swap3A_114 = arith.constant 16 : index
          %swap3A_115 = tpu.vector_load %arg13[%swap3A_113, %swap3A_114] {strides = array<i32>} : memref<80x32xf32, #tpu.memory_space<vmem>>, vector<1x16xf32>,
          %swap3A_116 = vector.shape_cast %swap3A_115 : vector<1x16xf32> to vector<16xf32>
          %swap3A_117 = vector.shape_cast %bitcast_convert_type3A_112 : vector<16xf32> to vector<1x16xf32>
          tpu.vector_store %arg13[%swap3A_113, %swap3A_114], %swap3A_117 {strides = array<i32>} : memref<80x32xf32, #tpu.memory_space<vmem>>, vector<1x16xf32>,
        }
        %scan3A_58 = arith.constant 80 : i32
        "tpu.region"() ({
          %run_scoped3A = tpu.sem_alloc : memref<!tpu.dma_semaphore, #tpu.memory_space<semaphore_mem>>
          %dma_start3A_59 = arith.constant 0 : i32
          %dma_start3A_60 = arith.constant 0 : i32
          %dma_start3A_61 = tpu.memref_slice %arg16[%dma_start3A_59, %dma_start3A_60] : memref<10000x32xf32, #tpu.memory_space<vmem_shared>> -> memref<10000x32xf32, #tpu.memory_space<vmem_shared>>
          tpu.enqueue_indirect_dma source(%arg13 : memref<80x32xf32, #tpu.memory_space<vmem>>) target(%dma_start3A_61 : memref<10000x32xf32, #tpu.memory_space<vmem_shared>>) offsets(%arg11 : memref<80xi32, #tpu.memory_space<vmem>>) semaphore(%run_scoped3A : memref<!tpu.dma_semaphore, #tpu.memory_space<semaphore_mem>>) {add = true}
          %dma_wait3A_62 = arith.constant 0 : i32
          %dma_wait3A_63 = arith.constant 0 : i32
          %dma_wait3A_64 = tpu.memref_slice %arg16[%dma_wait3A_62, %dma_wait3A_63] : memref<10000x32xf32, #tpu.memory_space<vmem_shared>> -> memref<10000x32xf32, #tpu.memory_space<vmem_shared>>
          tpu.wait_indirect_dma semaphore(%run_scoped3A : memref<!tpu.dma_semaphore, #tpu.memory_space<semaphore_mem>>) src(%arg13 : memref<80x32xf32, #tpu.memory_space<vmem>>) dst(%dma_wait3A_64 : memref<10000x32xf32, #tpu.memory_space<vmem_shared>>)
          tpu.yield
        }) : () -> ()
      } else {
      }
    }
    %scan3A_16 = arith.constant 63 : i32
    %barrier3A_17 = arith.constant 0 : index
    tpu.barrier barrier_id(%barrier3A_17)
    %eq3A_18 = arith.constant 0 : i32
    %eq3A_19 = arith.cmpi eq, %arg1, %eq3A_18 : i32
    %convert_element_type3A_20 = arith.extui %eq3A_19 : i1 to i32
    %cond3A_21 = arith.constant 0 : i32
    %cond3A_22 = arith.cmpi ne, %convert_element_type3A_20, %cond3A_21 : i32
    scf.if %cond3A_22 {
      "tpu.region"() ({
        %run_scoped3A = tpu.sem_alloc : memref<!tpu.dma_semaphore, #tpu.memory_space<semaphore_mem>>
        %dma_start3A_23 = arith.constant 0 : i32
        %dma_start3A_24 = arith.constant 0 : i32
        %dma_start3A_25 = tpu.memref_slice %arg7[%arg0, %dma_start3A_23, %dma_start3A_24] : memref<2x10000x32xf32, #tpu.memory_space<hbm>> -> memref<1x10000x32xf32, #tpu.memory_space<hbm>>
        %dma_start3A_26 = tpu.memref_squeeze %dma_start3A_25 : memref<1x10000x32xf32, #tpu.memory_space<hbm>> -> memref<10000x32xf32, #tpu.memory_space<hbm>>
        tpu.enqueue_dma source(%arg16 : memref<10000x32xf32, #tpu.memory_space<vmem_shared>>) target(%dma_start3A_26 : memref<10000x32xf32, #tpu.memory_space<hbm>>) target_semaphore(%run_scoped3A : memref<!tpu.dma_semaphore, #tpu.memory_space<semaphore_mem>>)
        %dma_wait3A = arith.constant 0 : i32
        %dma_wait3A_27 = arith.constant 0 : i32
        %dma_wait3A_28 = tpu.memref_slice %arg7[%arg0, %dma_wait3A, %dma_wait3A_27] : memref<2x10000x32xf32, #tpu.memory_space<hbm>> -> memref<1x10000x32xf32, #tpu.memory_space<hbm>>
        %dma_wait3A_29 = tpu.memref_squeeze %dma_wait3A_28 : memref<1x10000x32xf32, #tpu.memory_space<hbm>> -> memref<10000x32xf32, #tpu.memory_space<hbm>>
        tpu.wait_dma2 semaphore(%run_scoped3A : memref<!tpu.dma_semaphore, #tpu.memory_space<semaphore_mem>>) src(%arg16 : memref<10000x32xf32, #tpu.memory_space<vmem_shared>>) dst(%dma_wait3A_29 : memref<10000x32xf32, #tpu.memory_space<hbm>>)
        tpu.yield
      }) : () -> ()
    } else {
    }
    return
  }
}

#map = affine_map<(d0, d1) -> (0, 0)>
#map1 = affine_map<(d0, d1) -> (0)>
#map2 = affine_map<(d0, d1) -> (0, 0, 0)>
module attributes {stable_mosaic.version = 14 : i64} {
  func.func @sc_edge(%arg0: i32, %arg1: i32, %arg2: memref<10000x64xf32, #tpu.memory_space<hbm>>, %arg3: memref<10000x64xf32, #tpu.memory_space<hbm>>, %arg4: memref<320000xi32, #tpu.memory_space<hbm>>, %arg5: memref<320000xi32, #tpu.memory_space<hbm>>, %arg6: memref<10000x64xf32, #tpu.memory_space<hbm>>, %arg7: memref<2x10000x64xf32, #tpu.memory_space<hbm>>, %arg8: memref<80xi32, #tpu.memory_space<vmem>>, %arg9: memref<80xi32, #tpu.memory_space<vmem>>, %arg10: memref<80xi32, #tpu.memory_space<vmem>>, %arg11: memref<80xi32, #tpu.memory_space<vmem>>, %arg12: memref<80x64xf32, #tpu.memory_space<vmem>>, %arg13: memref<80x64xf32, #tpu.memory_space<vmem>>, %arg14: memref<80x64xf32, #tpu.memory_space<vmem>>, %arg15: memref<80x64xf32, #tpu.memory_space<vmem>>, %arg16: memref<10000x64xf32, #tpu.memory_space<vmem_shared>>, %arg17: memref<!tpu.dma_semaphore, #tpu.memory_space<semaphore_mem>>, %arg18: memref<!tpu.dma_semaphore, #tpu.memory_space<semaphore_mem>>, %arg19: memref<!tpu.dma_semaphore, #tpu.memory_space<semaphore_mem>>, %arg20: memref<!tpu.dma_semaphore, #tpu.memory_space<semaphore_mem>>) attributes {dimension_semantics = [#tpu.dimension_semantics<core_parallel>, #tpu.dimension_semantics<subcore_parallel>], iteration_bounds = array<i64: 2, 16>, scalar_prefetch = 0 : i64, scratch_operands = 13 : i64, tpu.core_type = #tpu.core_type<sc_vector_subcore>, window_params = [{transform_indices = #map}, {transform_indices = #map}, {transform_indices = #map1}, {transform_indices = #map1}, {transform_indices = #map}, {transform_indices = #map2}]} {
    %eq3A = arith.constant 0 : i32
    %eq3A_0 = arith.cmpi eq, %arg1, %eq3A : i32
    %convert_element_type3A = arith.extui %eq3A_0 : i1 to i32
    %cond3A = arith.constant 0 : i32
    %cond3A_1 = arith.cmpi ne, %convert_element_type3A, %cond3A : i32
    scf.if %cond3A_1 {
      "tpu.region"() ({
        %run_scoped3A = tpu.sem_alloc : memref<!tpu.dma_semaphore, #tpu.memory_space<semaphore_mem>>
        tpu.enqueue_dma source(%arg6 : memref<10000x64xf32, #tpu.memory_space<hbm>>) target(%arg16 : memref<10000x64xf32, #tpu.memory_space<vmem_shared>>) target_semaphore(%run_scoped3A : memref<!tpu.dma_semaphore, #tpu.memory_space<semaphore_mem>>)
        tpu.wait_dma2 semaphore(%run_scoped3A : memref<!tpu.dma_semaphore, #tpu.memory_space<semaphore_mem>>) src(%arg6 : memref<10000x64xf32, #tpu.memory_space<hbm>>) dst(%arg16 : memref<10000x64xf32, #tpu.memory_space<vmem_shared>>)
        tpu.yield
      }) : () -> ()
    } else {
    }
    %barrier3A = arith.constant 0 : index
    tpu.barrier barrier_id(%barrier3A)
    %mul3A = arith.constant 16 : i32
    %mul3A_2 = arith.muli %arg0, %mul3A : i32
    %add3A = arith.addi %mul3A_2, %arg1 : i32
    %mul3A_3 = arith.constant 10000 : i32
    %mul3A_4 = arith.muli %add3A, %mul3A_3 : i32
    %add3A_5 = arith.constant 0 : i32
    %add3A_6 = arith.addi %mul3A_4, %add3A_5 : i32
    "tpu.region"() ({
      %run_scoped3A = tpu.sem_alloc : memref<!tpu.dma_semaphore, #tpu.memory_space<semaphore_mem>>
      %dma_start3A_23 = tpu.memref_slice %arg4[%add3A_6] : memref<320000xi32, #tpu.memory_space<hbm>> -> memref<80xi32, #tpu.memory_space<hbm>>
      %dma_start3A_24 = tpu.memref_slice %arg4[%add3A_6] : memref<320000xi32, #tpu.memory_space<hbm>> -> memref<80xi32, #tpu.memory_space<hbm>>
      tpu.enqueue_dma source(%dma_start3A_24 : memref<80xi32, #tpu.memory_space<hbm>>) target(%arg8 : memref<80xi32, #tpu.memory_space<vmem>>) target_semaphore(%run_scoped3A : memref<!tpu.dma_semaphore, #tpu.memory_space<semaphore_mem>>)
      %dma_wait3A = tpu.memref_slice %arg4[%add3A_6] : memref<320000xi32, #tpu.memory_space<hbm>> -> memref<80xi32, #tpu.memory_space<hbm>>
      %dma_wait3A_25 = tpu.memref_slice %arg4[%add3A_6] : memref<320000xi32, #tpu.memory_space<hbm>> -> memref<80xi32, #tpu.memory_space<hbm>>
      tpu.wait_dma2 semaphore(%run_scoped3A : memref<!tpu.dma_semaphore, #tpu.memory_space<semaphore_mem>>) src(%dma_wait3A_25 : memref<80xi32, #tpu.memory_space<hbm>>) dst(%arg8 : memref<80xi32, #tpu.memory_space<vmem>>)
      tpu.yield
    }) : () -> ()
    "tpu.region"() ({
      %run_scoped3A = tpu.sem_alloc : memref<!tpu.dma_semaphore, #tpu.memory_space<semaphore_mem>>
      %dma_start3A_23 = tpu.memref_slice %arg5[%add3A_6] : memref<320000xi32, #tpu.memory_space<hbm>> -> memref<80xi32, #tpu.memory_space<hbm>>
      %dma_start3A_24 = tpu.memref_slice %arg5[%add3A_6] : memref<320000xi32, #tpu.memory_space<hbm>> -> memref<80xi32, #tpu.memory_space<hbm>>
      tpu.enqueue_dma source(%dma_start3A_24 : memref<80xi32, #tpu.memory_space<hbm>>) target(%arg10 : memref<80xi32, #tpu.memory_space<vmem>>) target_semaphore(%run_scoped3A : memref<!tpu.dma_semaphore, #tpu.memory_space<semaphore_mem>>)
      %dma_wait3A = tpu.memref_slice %arg5[%add3A_6] : memref<320000xi32, #tpu.memory_space<hbm>> -> memref<80xi32, #tpu.memory_space<hbm>>
      %dma_wait3A_25 = tpu.memref_slice %arg5[%add3A_6] : memref<320000xi32, #tpu.memory_space<hbm>> -> memref<80xi32, #tpu.memory_space<hbm>>
      tpu.wait_dma2 semaphore(%run_scoped3A : memref<!tpu.dma_semaphore, #tpu.memory_space<semaphore_mem>>) src(%dma_wait3A_25 : memref<80xi32, #tpu.memory_space<hbm>>) dst(%arg10 : memref<80xi32, #tpu.memory_space<vmem>>)
      tpu.yield
    }) : () -> ()
    %dma_start3A = arith.constant 0 : i32
    %dma_start3A_7 = arith.constant 0 : i32
    %dma_start3A_8 = tpu.memref_slice %arg3[%dma_start3A, %dma_start3A_7] : memref<10000x64xf32, #tpu.memory_space<hbm>> -> memref<10000x64xf32, #tpu.memory_space<hbm>>
    tpu.enqueue_indirect_dma source(%dma_start3A_8 : memref<10000x64xf32, #tpu.memory_space<hbm>>) target(%arg14 : memref<80x64xf32, #tpu.memory_space<vmem>>) offsets(%arg8 : memref<80xi32, #tpu.memory_space<vmem>>) semaphore(%arg19 : memref<!tpu.dma_semaphore, #tpu.memory_space<semaphore_mem>>)
    %dma_start3A_9 = arith.constant 0 : i32
    %dma_start3A_10 = arith.constant 0 : i32
    %dma_start3A_11 = tpu.memref_slice %arg2[%dma_start3A_9, %dma_start3A_10] : memref<10000x64xf32, #tpu.memory_space<hbm>> -> memref<10000x64xf32, #tpu.memory_space<hbm>>
    tpu.enqueue_indirect_dma source(%dma_start3A_11 : memref<10000x64xf32, #tpu.memory_space<hbm>>) target(%arg12 : memref<80x64xf32, #tpu.memory_space<vmem>>) offsets(%arg10 : memref<80xi32, #tpu.memory_space<vmem>>) semaphore(%arg17 : memref<!tpu.dma_semaphore, #tpu.memory_space<semaphore_mem>>)
    %scan3A = arith.constant 0 : i32
    %scan3A_12 = arith.constant 0 : i32
    %scan3A_13 = arith.constant 63 : i32
    %scan3A_14 = arith.addi %scan3A_12, %scan3A_13 : i32
    %scan3A_15 = arith.constant 1 : i32
    scf.for %scan3A_23 = %scan3A_12 to %scan3A_14 step %scan3A_15  : i32 {
      %mul3A_24 = arith.constant 2 : i32
      %mul3A_25 = arith.muli %mul3A_24, %scan3A_23 : i32
      %add3A_26 = arith.constant 0 : i32
      %add3A_27 = arith.addi %mul3A_25, %add3A_26 : i32
      %lt3A = arith.constant 125 : i32
      %lt3A_28 = arith.cmpi slt, %add3A_27, %lt3A : i32
      %convert_element_type3A_29 = arith.extui %lt3A_28 : i1 to i32
      %cond3A_30 = arith.constant 0 : i32
      %cond3A_31 = arith.cmpi ne, %convert_element_type3A_29, %cond3A_30 : i32
      scf.if %cond3A_31 {
        %add3A_41 = arith.constant 1 : i32
        %add3A_42 = arith.addi %add3A_27, %add3A_41 : i32
        %lt3A_43 = arith.constant 125 : i32
        %lt3A_44 = arith.cmpi slt, %add3A_42, %lt3A_43 : i32
        %convert_element_type3A_45 = arith.extui %lt3A_44 : i1 to i32
        %cond3A_46 = arith.constant 0 : i32
        %cond3A_47 = arith.cmpi ne, %convert_element_type3A_45, %cond3A_46 : i32
        scf.if %cond3A_47 {
          %add3A_59 = arith.constant 1 : i32
          %add3A_60 = arith.addi %add3A_27, %add3A_59 : i32
          %mul3A_61 = arith.constant 80 : i32
          %mul3A_62 = arith.muli %add3A_60, %mul3A_61 : i32
          %add3A_63 = arith.addi %mul3A_4, %mul3A_62 : i32
          "tpu.region"() ({
            %run_scoped3A = tpu.sem_alloc : memref<!tpu.dma_semaphore, #tpu.memory_space<semaphore_mem>>
            %dma_start3A_70 = tpu.memref_slice %arg4[%add3A_63] : memref<320000xi32, #tpu.memory_space<hbm>> -> memref<80xi32, #tpu.memory_space<hbm>>
            %dma_start3A_71 = tpu.memref_slice %arg4[%add3A_63] : memref<320000xi32, #tpu.memory_space<hbm>> -> memref<80xi32, #tpu.memory_space<hbm>>
            tpu.enqueue_dma source(%dma_start3A_71 : memref<80xi32, #tpu.memory_space<hbm>>) target(%arg9 : memref<80xi32, #tpu.memory_space<vmem>>) target_semaphore(%run_scoped3A : memref<!tpu.dma_semaphore, #tpu.memory_space<semaphore_mem>>)
            %dma_wait3A_72 = tpu.memref_slice %arg4[%add3A_63] : memref<320000xi32, #tpu.memory_space<hbm>> -> memref<80xi32, #tpu.memory_space<hbm>>
            %dma_wait3A_73 = tpu.memref_slice %arg4[%add3A_63] : memref<320000xi32, #tpu.memory_space<hbm>> -> memref<80xi32, #tpu.memory_space<hbm>>
            tpu.wait_dma2 semaphore(%run_scoped3A : memref<!tpu.dma_semaphore, #tpu.memory_space<semaphore_mem>>) src(%dma_wait3A_73 : memref<80xi32, #tpu.memory_space<hbm>>) dst(%arg9 : memref<80xi32, #tpu.memory_space<vmem>>)
            tpu.yield
          }) : () -> ()
          "tpu.region"() ({
            %run_scoped3A = tpu.sem_alloc : memref<!tpu.dma_semaphore, #tpu.memory_space<semaphore_mem>>
            %dma_start3A_70 = tpu.memref_slice %arg5[%add3A_63] : memref<320000xi32, #tpu.memory_space<hbm>> -> memref<80xi32, #tpu.memory_space<hbm>>
            %dma_start3A_71 = tpu.memref_slice %arg5[%add3A_63] : memref<320000xi32, #tpu.memory_space<hbm>> -> memref<80xi32, #tpu.memory_space<hbm>>
            tpu.enqueue_dma source(%dma_start3A_71 : memref<80xi32, #tpu.memory_space<hbm>>) target(%arg11 : memref<80xi32, #tpu.memory_space<vmem>>) target_semaphore(%run_scoped3A : memref<!tpu.dma_semaphore, #tpu.memory_space<semaphore_mem>>)
            %dma_wait3A_72 = tpu.memref_slice %arg5[%add3A_63] : memref<320000xi32, #tpu.memory_space<hbm>> -> memref<80xi32, #tpu.memory_space<hbm>>
            %dma_wait3A_73 = tpu.memref_slice %arg5[%add3A_63] : memref<320000xi32, #tpu.memory_space<hbm>> -> memref<80xi32, #tpu.memory_space<hbm>>
            tpu.wait_dma2 semaphore(%run_scoped3A : memref<!tpu.dma_semaphore, #tpu.memory_space<semaphore_mem>>) src(%dma_wait3A_73 : memref<80xi32, #tpu.memory_space<hbm>>) dst(%arg11 : memref<80xi32, #tpu.memory_space<vmem>>)
            tpu.yield
          }) : () -> ()
          %dma_start3A_64 = arith.constant 0 : i32
          %dma_start3A_65 = arith.constant 0 : i32
          %dma_start3A_66 = tpu.memref_slice %arg3[%dma_start3A_64, %dma_start3A_65] : memref<10000x64xf32, #tpu.memory_space<hbm>> -> memref<10000x64xf32, #tpu.memory_space<hbm>>
          tpu.enqueue_indirect_dma source(%dma_start3A_66 : memref<10000x64xf32, #tpu.memory_space<hbm>>) target(%arg15 : memref<80x64xf32, #tpu.memory_space<vmem>>) offsets(%arg9 : memref<80xi32, #tpu.memory_space<vmem>>) semaphore(%arg20 : memref<!tpu.dma_semaphore, #tpu.memory_space<semaphore_mem>>)
          %dma_start3A_67 = arith.constant 0 : i32
          %dma_start3A_68 = arith.constant 0 : i32
          %dma_start3A_69 = tpu.memref_slice %arg2[%dma_start3A_67, %dma_start3A_68] : memref<10000x64xf32, #tpu.memory_space<hbm>> -> memref<10000x64xf32, #tpu.memory_space<hbm>>
          tpu.enqueue_indirect_dma source(%dma_start3A_69 : memref<10000x64xf32, #tpu.memory_space<hbm>>) target(%arg13 : memref<80x64xf32, #tpu.memory_space<vmem>>) offsets(%arg11 : memref<80xi32, #tpu.memory_space<vmem>>) semaphore(%arg18 : memref<!tpu.dma_semaphore, #tpu.memory_space<semaphore_mem>>)
        } else {
        }
        %dma_wait3A = arith.constant 0 : i32
        %dma_wait3A_48 = arith.constant 0 : i32
        %dma_wait3A_49 = tpu.memref_slice %arg3[%dma_wait3A, %dma_wait3A_48] : memref<10000x64xf32, #tpu.memory_space<hbm>> -> memref<10000x64xf32, #tpu.memory_space<hbm>>
        tpu.wait_indirect_dma semaphore(%arg19 : memref<!tpu.dma_semaphore, #tpu.memory_space<semaphore_mem>>) src(%dma_wait3A_49 : memref<10000x64xf32, #tpu.memory_space<hbm>>) dst(%arg14 : memref<80x64xf32, #tpu.memory_space<vmem>>)
        %dma_wait3A_50 = arith.constant 0 : i32
        %dma_wait3A_51 = arith.constant 0 : i32
        %dma_wait3A_52 = tpu.memref_slice %arg2[%dma_wait3A_50, %dma_wait3A_51] : memref<10000x64xf32, #tpu.memory_space<hbm>> -> memref<10000x64xf32, #tpu.memory_space<hbm>>
        tpu.wait_indirect_dma semaphore(%arg17 : memref<!tpu.dma_semaphore, #tpu.memory_space<semaphore_mem>>) src(%dma_wait3A_52 : memref<10000x64xf32, #tpu.memory_space<hbm>>) dst(%arg12 : memref<80x64xf32, #tpu.memory_space<vmem>>)
        %scan3A_53 = arith.constant 0 : i32
        %scan3A_54 = arith.constant 0 : i32
        %scan3A_55 = arith.constant 80 : i32
        %scan3A_56 = arith.addi %scan3A_54, %scan3A_55 : i32
        %scan3A_57 = arith.constant 1 : i32
        scf.for %scan3A_59 = %scan3A_54 to %scan3A_56 step %scan3A_57  : i32 {
          %get3A = arith.index_cast %scan3A_59 : i32 to index
          %get3A_60 = arith.constant 0 : index
          %get3A_61 = tpu.vector_load %arg12[%get3A, %get3A_60] {strides = array<i32>} : memref<80x64xf32, #tpu.memory_space<vmem>>, vector<1x16xf32>,
          %get3A_62 = vector.shape_cast %get3A_61 : vector<1x16xf32> to vector<16xf32>
          %get3A_63 = arith.index_cast %scan3A_59 : i32 to index
          %get3A_64 = arith.constant 0 : index
          %get3A_65 = tpu.vector_load %arg14[%get3A_63, %get3A_64] {strides = array<i32>} : memref<80x64xf32, #tpu.memory_space<vmem>>, vector<1x16xf32>,
          %get3A_66 = vector.shape_cast %get3A_65 : vector<1x16xf32> to vector<16xf32>
          %add3A_67 = arith.addf %get3A_62, %get3A_66 : vector<16xf32>
          %max3A = arith.constant 0.000000e+00 : f32
          %max3A_68 = vector.broadcast %max3A : f32 to vector<16xf32>
          %max3A_69 = arith.maximumf %add3A_67, %max3A_68 : vector<16xf32>
          %bitcast_convert_type3A = tpu.bitcast %max3A_69 : vector<16xf32> -> vector<16xi32>
          %add3A_70 = arith.constant 32767 : i32
          %add3A_71 = vector.broadcast %add3A_70 : i32 to vector<16xi32>
          %add3A_72 = arith.addi %bitcast_convert_type3A, %add3A_71 : vector<16xi32>
          %shift_right_logical3A = arith.constant 16 : i32
          %shift_right_logical3A_73 = vector.broadcast %shift_right_logical3A : i32 to vector<16xi32>
          %shift_right_logical3A_74 = arith.shrui %bitcast_convert_type3A, %shift_right_logical3A_73 : vector<16xi32>
          %and3A = arith.constant 1 : i32
          %and3A_75 = vector.broadcast %and3A : i32 to vector<16xi32>
          %and3A_76 = arith.andi %shift_right_logical3A_74, %and3A_75 : vector<16xi32>
          %add3A_77 = arith.addi %add3A_72, %and3A_76 : vector<16xi32>
          %and3A_78 = arith.constant -65536 : i32
          %and3A_79 = vector.broadcast %and3A_78 : i32 to vector<16xi32>
          %and3A_80 = arith.andi %add3A_77, %and3A_79 : vector<16xi32>
          %bitcast_convert_type3A_81 = tpu.bitcast %and3A_80 : vector<16xi32> -> vector<16xf32>
          %swap3A = arith.index_cast %scan3A_59 : i32 to index
          %swap3A_82 = arith.constant 0 : index
          %swap3A_83 = tpu.vector_load %arg12[%swap3A, %swap3A_82] {strides = array<i32>} : memref<80x64xf32, #tpu.memory_space<vmem>>, vector<1x16xf32>,
          %swap3A_84 = vector.shape_cast %swap3A_83 : vector<1x16xf32> to vector<16xf32>
          %swap3A_85 = vector.shape_cast %bitcast_convert_type3A_81 : vector<16xf32> to vector<1x16xf32>
          tpu.vector_store %arg12[%swap3A, %swap3A_82], %swap3A_85 {strides = array<i32>} : memref<80x64xf32, #tpu.memory_space<vmem>>, vector<1x16xf32>,
          %get3A_86 = arith.index_cast %scan3A_59 : i32 to index
          %get3A_87 = arith.constant 16 : index
          %get3A_88 = tpu.vector_load %arg12[%get3A_86, %get3A_87] {strides = array<i32>} : memref<80x64xf32, #tpu.memory_space<vmem>>, vector<1x16xf32>,
          %get3A_89 = vector.shape_cast %get3A_88 : vector<1x16xf32> to vector<16xf32>
          %get3A_90 = arith.index_cast %scan3A_59 : i32 to index
          %get3A_91 = arith.constant 16 : index
          %get3A_92 = tpu.vector_load %arg14[%get3A_90, %get3A_91] {strides = array<i32>} : memref<80x64xf32, #tpu.memory_space<vmem>>, vector<1x16xf32>,
          %get3A_93 = vector.shape_cast %get3A_92 : vector<1x16xf32> to vector<16xf32>
          %add3A_94 = arith.addf %get3A_89, %get3A_93 : vector<16xf32>
          %max3A_95 = arith.constant 0.000000e+00 : f32
          %max3A_96 = vector.broadcast %max3A_95 : f32 to vector<16xf32>
          %max3A_97 = arith.maximumf %add3A_94, %max3A_96 : vector<16xf32>
          %bitcast_convert_type3A_98 = tpu.bitcast %max3A_97 : vector<16xf32> -> vector<16xi32>
          %add3A_99 = arith.constant 32767 : i32
          %add3A_100 = vector.broadcast %add3A_99 : i32 to vector<16xi32>
          %add3A_101 = arith.addi %bitcast_convert_type3A_98, %add3A_100 : vector<16xi32>
          %shift_right_logical3A_102 = arith.constant 16 : i32
          %shift_right_logical3A_103 = vector.broadcast %shift_right_logical3A_102 : i32 to vector<16xi32>
          %shift_right_logical3A_104 = arith.shrui %bitcast_convert_type3A_98, %shift_right_logical3A_103 : vector<16xi32>
          %and3A_105 = arith.constant 1 : i32
          %and3A_106 = vector.broadcast %and3A_105 : i32 to vector<16xi32>
          %and3A_107 = arith.andi %shift_right_logical3A_104, %and3A_106 : vector<16xi32>
          %add3A_108 = arith.addi %add3A_101, %and3A_107 : vector<16xi32>
          %and3A_109 = arith.constant -65536 : i32
          %and3A_110 = vector.broadcast %and3A_109 : i32 to vector<16xi32>
          %and3A_111 = arith.andi %add3A_108, %and3A_110 : vector<16xi32>
          %bitcast_convert_type3A_112 = tpu.bitcast %and3A_111 : vector<16xi32> -> vector<16xf32>
          %swap3A_113 = arith.index_cast %scan3A_59 : i32 to index
          %swap3A_114 = arith.constant 16 : index
          %swap3A_115 = tpu.vector_load %arg12[%swap3A_113, %swap3A_114] {strides = array<i32>} : memref<80x64xf32, #tpu.memory_space<vmem>>, vector<1x16xf32>,
          %swap3A_116 = vector.shape_cast %swap3A_115 : vector<1x16xf32> to vector<16xf32>
          %swap3A_117 = vector.shape_cast %bitcast_convert_type3A_112 : vector<16xf32> to vector<1x16xf32>
          tpu.vector_store %arg12[%swap3A_113, %swap3A_114], %swap3A_117 {strides = array<i32>} : memref<80x64xf32, #tpu.memory_space<vmem>>, vector<1x16xf32>,
          %get3A_118 = arith.index_cast %scan3A_59 : i32 to index
          %get3A_119 = arith.constant 32 : index
          %get3A_120 = tpu.vector_load %arg12[%get3A_118, %get3A_119] {strides = array<i32>} : memref<80x64xf32, #tpu.memory_space<vmem>>, vector<1x16xf32>,
          %get3A_121 = vector.shape_cast %get3A_120 : vector<1x16xf32> to vector<16xf32>
          %get3A_122 = arith.index_cast %scan3A_59 : i32 to index
          %get3A_123 = arith.constant 32 : index
          %get3A_124 = tpu.vector_load %arg14[%get3A_122, %get3A_123] {strides = array<i32>} : memref<80x64xf32, #tpu.memory_space<vmem>>, vector<1x16xf32>,
          %get3A_125 = vector.shape_cast %get3A_124 : vector<1x16xf32> to vector<16xf32>
          %add3A_126 = arith.addf %get3A_121, %get3A_125 : vector<16xf32>
          %max3A_127 = arith.constant 0.000000e+00 : f32
          %max3A_128 = vector.broadcast %max3A_127 : f32 to vector<16xf32>
          %max3A_129 = arith.maximumf %add3A_126, %max3A_128 : vector<16xf32>
          %bitcast_convert_type3A_130 = tpu.bitcast %max3A_129 : vector<16xf32> -> vector<16xi32>
          %add3A_131 = arith.constant 32767 : i32
          %add3A_132 = vector.broadcast %add3A_131 : i32 to vector<16xi32>
          %add3A_133 = arith.addi %bitcast_convert_type3A_130, %add3A_132 : vector<16xi32>
          %shift_right_logical3A_134 = arith.constant 16 : i32
          %shift_right_logical3A_135 = vector.broadcast %shift_right_logical3A_134 : i32 to vector<16xi32>
          %shift_right_logical3A_136 = arith.shrui %bitcast_convert_type3A_130, %shift_right_logical3A_135 : vector<16xi32>
          %and3A_137 = arith.constant 1 : i32
          %and3A_138 = vector.broadcast %and3A_137 : i32 to vector<16xi32>
          %and3A_139 = arith.andi %shift_right_logical3A_136, %and3A_138 : vector<16xi32>
          %add3A_140 = arith.addi %add3A_133, %and3A_139 : vector<16xi32>
          %and3A_141 = arith.constant -65536 : i32
          %and3A_142 = vector.broadcast %and3A_141 : i32 to vector<16xi32>
          %and3A_143 = arith.andi %add3A_140, %and3A_142 : vector<16xi32>
          %bitcast_convert_type3A_144 = tpu.bitcast %and3A_143 : vector<16xi32> -> vector<16xf32>
          %swap3A_145 = arith.index_cast %scan3A_59 : i32 to index
          %swap3A_146 = arith.constant 32 : index
          %swap3A_147 = tpu.vector_load %arg12[%swap3A_145, %swap3A_146] {strides = array<i32>} : memref<80x64xf32, #tpu.memory_space<vmem>>, vector<1x16xf32>,
          %swap3A_148 = vector.shape_cast %swap3A_147 : vector<1x16xf32> to vector<16xf32>
          %swap3A_149 = vector.shape_cast %bitcast_convert_type3A_144 : vector<16xf32> to vector<1x16xf32>
          tpu.vector_store %arg12[%swap3A_145, %swap3A_146], %swap3A_149 {strides = array<i32>} : memref<80x64xf32, #tpu.memory_space<vmem>>, vector<1x16xf32>,
          %get3A_150 = arith.index_cast %scan3A_59 : i32 to index
          %get3A_151 = arith.constant 48 : index
          %get3A_152 = tpu.vector_load %arg12[%get3A_150, %get3A_151] {strides = array<i32>} : memref<80x64xf32, #tpu.memory_space<vmem>>, vector<1x16xf32>,
          %get3A_153 = vector.shape_cast %get3A_152 : vector<1x16xf32> to vector<16xf32>
          %get3A_154 = arith.index_cast %scan3A_59 : i32 to index
          %get3A_155 = arith.constant 48 : index
          %get3A_156 = tpu.vector_load %arg14[%get3A_154, %get3A_155] {strides = array<i32>} : memref<80x64xf32, #tpu.memory_space<vmem>>, vector<1x16xf32>,
          %get3A_157 = vector.shape_cast %get3A_156 : vector<1x16xf32> to vector<16xf32>
          %add3A_158 = arith.addf %get3A_153, %get3A_157 : vector<16xf32>
          %max3A_159 = arith.constant 0.000000e+00 : f32
          %max3A_160 = vector.broadcast %max3A_159 : f32 to vector<16xf32>
          %max3A_161 = arith.maximumf %add3A_158, %max3A_160 : vector<16xf32>
          %bitcast_convert_type3A_162 = tpu.bitcast %max3A_161 : vector<16xf32> -> vector<16xi32>
          %add3A_163 = arith.constant 32767 : i32
          %add3A_164 = vector.broadcast %add3A_163 : i32 to vector<16xi32>
          %add3A_165 = arith.addi %bitcast_convert_type3A_162, %add3A_164 : vector<16xi32>
          %shift_right_logical3A_166 = arith.constant 16 : i32
          %shift_right_logical3A_167 = vector.broadcast %shift_right_logical3A_166 : i32 to vector<16xi32>
          %shift_right_logical3A_168 = arith.shrui %bitcast_convert_type3A_162, %shift_right_logical3A_167 : vector<16xi32>
          %and3A_169 = arith.constant 1 : i32
          %and3A_170 = vector.broadcast %and3A_169 : i32 to vector<16xi32>
          %and3A_171 = arith.andi %shift_right_logical3A_168, %and3A_170 : vector<16xi32>
          %add3A_172 = arith.addi %add3A_165, %and3A_171 : vector<16xi32>
          %and3A_173 = arith.constant -65536 : i32
          %and3A_174 = vector.broadcast %and3A_173 : i32 to vector<16xi32>
          %and3A_175 = arith.andi %add3A_172, %and3A_174 : vector<16xi32>
          %bitcast_convert_type3A_176 = tpu.bitcast %and3A_175 : vector<16xi32> -> vector<16xf32>
          %swap3A_177 = arith.index_cast %scan3A_59 : i32 to index
          %swap3A_178 = arith.constant 48 : index
          %swap3A_179 = tpu.vector_load %arg12[%swap3A_177, %swap3A_178] {strides = array<i32>} : memref<80x64xf32, #tpu.memory_space<vmem>>, vector<1x16xf32>,
          %swap3A_180 = vector.shape_cast %swap3A_179 : vector<1x16xf32> to vector<16xf32>
          %swap3A_181 = vector.shape_cast %bitcast_convert_type3A_176 : vector<16xf32> to vector<1x16xf32>
          tpu.vector_store %arg12[%swap3A_177, %swap3A_178], %swap3A_181 {strides = array<i32>} : memref<80x64xf32, #tpu.memory_space<vmem>>, vector<1x16xf32>,
        }
        %scan3A_58 = arith.constant 80 : i32
        "tpu.region"() ({
          %run_scoped3A = tpu.sem_alloc : memref<!tpu.dma_semaphore, #tpu.memory_space<semaphore_mem>>
          %dma_start3A_59 = arith.constant 0 : i32
          %dma_start3A_60 = arith.constant 0 : i32
          %dma_start3A_61 = tpu.memref_slice %arg16[%dma_start3A_59, %dma_start3A_60] : memref<10000x64xf32, #tpu.memory_space<vmem_shared>> -> memref<10000x64xf32, #tpu.memory_space<vmem_shared>>
          tpu.enqueue_indirect_dma source(%arg12 : memref<80x64xf32, #tpu.memory_space<vmem>>) target(%dma_start3A_61 : memref<10000x64xf32, #tpu.memory_space<vmem_shared>>) offsets(%arg10 : memref<80xi32, #tpu.memory_space<vmem>>) semaphore(%run_scoped3A : memref<!tpu.dma_semaphore, #tpu.memory_space<semaphore_mem>>) {add = true}
          %dma_wait3A_62 = arith.constant 0 : i32
          %dma_wait3A_63 = arith.constant 0 : i32
          %dma_wait3A_64 = tpu.memref_slice %arg16[%dma_wait3A_62, %dma_wait3A_63] : memref<10000x64xf32, #tpu.memory_space<vmem_shared>> -> memref<10000x64xf32, #tpu.memory_space<vmem_shared>>
          tpu.wait_indirect_dma semaphore(%run_scoped3A : memref<!tpu.dma_semaphore, #tpu.memory_space<semaphore_mem>>) src(%arg12 : memref<80x64xf32, #tpu.memory_space<vmem>>) dst(%dma_wait3A_64 : memref<10000x64xf32, #tpu.memory_space<vmem_shared>>)
          tpu.yield
        }) : () -> ()
      } else {
      }
      %mul3A_32 = arith.constant 2 : i32
      %mul3A_33 = arith.muli %mul3A_32, %scan3A_23 : i32
      %add3A_34 = arith.constant 1 : i32
      %add3A_35 = arith.addi %mul3A_33, %add3A_34 : i32
      %lt3A_36 = arith.constant 125 : i32
      %lt3A_37 = arith.cmpi slt, %add3A_35, %lt3A_36 : i32
      %convert_element_type3A_38 = arith.extui %lt3A_37 : i1 to i32
      %cond3A_39 = arith.constant 0 : i32
      %cond3A_40 = arith.cmpi ne, %convert_element_type3A_38, %cond3A_39 : i32
      scf.if %cond3A_40 {
        %add3A_41 = arith.constant 1 : i32
        %add3A_42 = arith.addi %add3A_35, %add3A_41 : i32
        %lt3A_43 = arith.constant 125 : i32
        %lt3A_44 = arith.cmpi slt, %add3A_42, %lt3A_43 : i32
        %convert_element_type3A_45 = arith.extui %lt3A_44 : i1 to i32
        %cond3A_46 = arith.constant 0 : i32
        %cond3A_47 = arith.cmpi ne, %convert_element_type3A_45, %cond3A_46 : i32
        scf.if %cond3A_47 {
          %add3A_59 = arith.constant 1 : i32
          %add3A_60 = arith.addi %add3A_35, %add3A_59 : i32
          %mul3A_61 = arith.constant 80 : i32
          %mul3A_62 = arith.muli %add3A_60, %mul3A_61 : i32
          %add3A_63 = arith.addi %mul3A_4, %mul3A_62 : i32
          "tpu.region"() ({
            %run_scoped3A = tpu.sem_alloc : memref<!tpu.dma_semaphore, #tpu.memory_space<semaphore_mem>>
            %dma_start3A_70 = tpu.memref_slice %arg4[%add3A_63] : memref<320000xi32, #tpu.memory_space<hbm>> -> memref<80xi32, #tpu.memory_space<hbm>>
            %dma_start3A_71 = tpu.memref_slice %arg4[%add3A_63] : memref<320000xi32, #tpu.memory_space<hbm>> -> memref<80xi32, #tpu.memory_space<hbm>>
            tpu.enqueue_dma source(%dma_start3A_71 : memref<80xi32, #tpu.memory_space<hbm>>) target(%arg8 : memref<80xi32, #tpu.memory_space<vmem>>) target_semaphore(%run_scoped3A : memref<!tpu.dma_semaphore, #tpu.memory_space<semaphore_mem>>)
            %dma_wait3A_72 = tpu.memref_slice %arg4[%add3A_63] : memref<320000xi32, #tpu.memory_space<hbm>> -> memref<80xi32, #tpu.memory_space<hbm>>
            %dma_wait3A_73 = tpu.memref_slice %arg4[%add3A_63] : memref<320000xi32, #tpu.memory_space<hbm>> -> memref<80xi32, #tpu.memory_space<hbm>>
            tpu.wait_dma2 semaphore(%run_scoped3A : memref<!tpu.dma_semaphore, #tpu.memory_space<semaphore_mem>>) src(%dma_wait3A_73 : memref<80xi32, #tpu.memory_space<hbm>>) dst(%arg8 : memref<80xi32, #tpu.memory_space<vmem>>)
            tpu.yield
          }) : () -> ()
          "tpu.region"() ({
            %run_scoped3A = tpu.sem_alloc : memref<!tpu.dma_semaphore, #tpu.memory_space<semaphore_mem>>
            %dma_start3A_70 = tpu.memref_slice %arg5[%add3A_63] : memref<320000xi32, #tpu.memory_space<hbm>> -> memref<80xi32, #tpu.memory_space<hbm>>
            %dma_start3A_71 = tpu.memref_slice %arg5[%add3A_63] : memref<320000xi32, #tpu.memory_space<hbm>> -> memref<80xi32, #tpu.memory_space<hbm>>
            tpu.enqueue_dma source(%dma_start3A_71 : memref<80xi32, #tpu.memory_space<hbm>>) target(%arg10 : memref<80xi32, #tpu.memory_space<vmem>>) target_semaphore(%run_scoped3A : memref<!tpu.dma_semaphore, #tpu.memory_space<semaphore_mem>>)
            %dma_wait3A_72 = tpu.memref_slice %arg5[%add3A_63] : memref<320000xi32, #tpu.memory_space<hbm>> -> memref<80xi32, #tpu.memory_space<hbm>>
            %dma_wait3A_73 = tpu.memref_slice %arg5[%add3A_63] : memref<320000xi32, #tpu.memory_space<hbm>> -> memref<80xi32, #tpu.memory_space<hbm>>
            tpu.wait_dma2 semaphore(%run_scoped3A : memref<!tpu.dma_semaphore, #tpu.memory_space<semaphore_mem>>) src(%dma_wait3A_73 : memref<80xi32, #tpu.memory_space<hbm>>) dst(%arg10 : memref<80xi32, #tpu.memory_space<vmem>>)
            tpu.yield
          }) : () -> ()
          %dma_start3A_64 = arith.constant 0 : i32
          %dma_start3A_65 = arith.constant 0 : i32
          %dma_start3A_66 = tpu.memref_slice %arg3[%dma_start3A_64, %dma_start3A_65] : memref<10000x64xf32, #tpu.memory_space<hbm>> -> memref<10000x64xf32, #tpu.memory_space<hbm>>
          tpu.enqueue_indirect_dma source(%dma_start3A_66 : memref<10000x64xf32, #tpu.memory_space<hbm>>) target(%arg14 : memref<80x64xf32, #tpu.memory_space<vmem>>) offsets(%arg8 : memref<80xi32, #tpu.memory_space<vmem>>) semaphore(%arg19 : memref<!tpu.dma_semaphore, #tpu.memory_space<semaphore_mem>>)
          %dma_start3A_67 = arith.constant 0 : i32
          %dma_start3A_68 = arith.constant 0 : i32
          %dma_start3A_69 = tpu.memref_slice %arg2[%dma_start3A_67, %dma_start3A_68] : memref<10000x64xf32, #tpu.memory_space<hbm>> -> memref<10000x64xf32, #tpu.memory_space<hbm>>
          tpu.enqueue_indirect_dma source(%dma_start3A_69 : memref<10000x64xf32, #tpu.memory_space<hbm>>) target(%arg12 : memref<80x64xf32, #tpu.memory_space<vmem>>) offsets(%arg10 : memref<80xi32, #tpu.memory_space<vmem>>) semaphore(%arg17 : memref<!tpu.dma_semaphore, #tpu.memory_space<semaphore_mem>>)
        } else {
        }
        %dma_wait3A = arith.constant 0 : i32
        %dma_wait3A_48 = arith.constant 0 : i32
        %dma_wait3A_49 = tpu.memref_slice %arg3[%dma_wait3A, %dma_wait3A_48] : memref<10000x64xf32, #tpu.memory_space<hbm>> -> memref<10000x64xf32, #tpu.memory_space<hbm>>
        tpu.wait_indirect_dma semaphore(%arg20 : memref<!tpu.dma_semaphore, #tpu.memory_space<semaphore_mem>>) src(%dma_wait3A_49 : memref<10000x64xf32, #tpu.memory_space<hbm>>) dst(%arg15 : memref<80x64xf32, #tpu.memory_space<vmem>>)
        %dma_wait3A_50 = arith.constant 0 : i32
        %dma_wait3A_51 = arith.constant 0 : i32
        %dma_wait3A_52 = tpu.memref_slice %arg2[%dma_wait3A_50, %dma_wait3A_51] : memref<10000x64xf32, #tpu.memory_space<hbm>> -> memref<10000x64xf32, #tpu.memory_space<hbm>>
        tpu.wait_indirect_dma semaphore(%arg18 : memref<!tpu.dma_semaphore, #tpu.memory_space<semaphore_mem>>) src(%dma_wait3A_52 : memref<10000x64xf32, #tpu.memory_space<hbm>>) dst(%arg13 : memref<80x64xf32, #tpu.memory_space<vmem>>)
        %scan3A_53 = arith.constant 0 : i32
        %scan3A_54 = arith.constant 0 : i32
        %scan3A_55 = arith.constant 80 : i32
        %scan3A_56 = arith.addi %scan3A_54, %scan3A_55 : i32
        %scan3A_57 = arith.constant 1 : i32
        scf.for %scan3A_59 = %scan3A_54 to %scan3A_56 step %scan3A_57  : i32 {
          %get3A = arith.index_cast %scan3A_59 : i32 to index
          %get3A_60 = arith.constant 0 : index
          %get3A_61 = tpu.vector_load %arg13[%get3A, %get3A_60] {strides = array<i32>} : memref<80x64xf32, #tpu.memory_space<vmem>>, vector<1x16xf32>,
          %get3A_62 = vector.shape_cast %get3A_61 : vector<1x16xf32> to vector<16xf32>
          %get3A_63 = arith.index_cast %scan3A_59 : i32 to index
          %get3A_64 = arith.constant 0 : index
          %get3A_65 = tpu.vector_load %arg15[%get3A_63, %get3A_64] {strides = array<i32>} : memref<80x64xf32, #tpu.memory_space<vmem>>, vector<1x16xf32>,
          %get3A_66 = vector.shape_cast %get3A_65 : vector<1x16xf32> to vector<16xf32>
          %add3A_67 = arith.addf %get3A_62, %get3A_66 : vector<16xf32>
          %max3A = arith.constant 0.000000e+00 : f32
          %max3A_68 = vector.broadcast %max3A : f32 to vector<16xf32>
          %max3A_69 = arith.maximumf %add3A_67, %max3A_68 : vector<16xf32>
          %bitcast_convert_type3A = tpu.bitcast %max3A_69 : vector<16xf32> -> vector<16xi32>
          %add3A_70 = arith.constant 32767 : i32
          %add3A_71 = vector.broadcast %add3A_70 : i32 to vector<16xi32>
          %add3A_72 = arith.addi %bitcast_convert_type3A, %add3A_71 : vector<16xi32>
          %shift_right_logical3A = arith.constant 16 : i32
          %shift_right_logical3A_73 = vector.broadcast %shift_right_logical3A : i32 to vector<16xi32>
          %shift_right_logical3A_74 = arith.shrui %bitcast_convert_type3A, %shift_right_logical3A_73 : vector<16xi32>
          %and3A = arith.constant 1 : i32
          %and3A_75 = vector.broadcast %and3A : i32 to vector<16xi32>
          %and3A_76 = arith.andi %shift_right_logical3A_74, %and3A_75 : vector<16xi32>
          %add3A_77 = arith.addi %add3A_72, %and3A_76 : vector<16xi32>
          %and3A_78 = arith.constant -65536 : i32
          %and3A_79 = vector.broadcast %and3A_78 : i32 to vector<16xi32>
          %and3A_80 = arith.andi %add3A_77, %and3A_79 : vector<16xi32>
          %bitcast_convert_type3A_81 = tpu.bitcast %and3A_80 : vector<16xi32> -> vector<16xf32>
          %swap3A = arith.index_cast %scan3A_59 : i32 to index
          %swap3A_82 = arith.constant 0 : index
          %swap3A_83 = tpu.vector_load %arg13[%swap3A, %swap3A_82] {strides = array<i32>} : memref<80x64xf32, #tpu.memory_space<vmem>>, vector<1x16xf32>,
          %swap3A_84 = vector.shape_cast %swap3A_83 : vector<1x16xf32> to vector<16xf32>
          %swap3A_85 = vector.shape_cast %bitcast_convert_type3A_81 : vector<16xf32> to vector<1x16xf32>
          tpu.vector_store %arg13[%swap3A, %swap3A_82], %swap3A_85 {strides = array<i32>} : memref<80x64xf32, #tpu.memory_space<vmem>>, vector<1x16xf32>,
          %get3A_86 = arith.index_cast %scan3A_59 : i32 to index
          %get3A_87 = arith.constant 16 : index
          %get3A_88 = tpu.vector_load %arg13[%get3A_86, %get3A_87] {strides = array<i32>} : memref<80x64xf32, #tpu.memory_space<vmem>>, vector<1x16xf32>,
          %get3A_89 = vector.shape_cast %get3A_88 : vector<1x16xf32> to vector<16xf32>
          %get3A_90 = arith.index_cast %scan3A_59 : i32 to index
          %get3A_91 = arith.constant 16 : index
          %get3A_92 = tpu.vector_load %arg15[%get3A_90, %get3A_91] {strides = array<i32>} : memref<80x64xf32, #tpu.memory_space<vmem>>, vector<1x16xf32>,
          %get3A_93 = vector.shape_cast %get3A_92 : vector<1x16xf32> to vector<16xf32>
          %add3A_94 = arith.addf %get3A_89, %get3A_93 : vector<16xf32>
          %max3A_95 = arith.constant 0.000000e+00 : f32
          %max3A_96 = vector.broadcast %max3A_95 : f32 to vector<16xf32>
          %max3A_97 = arith.maximumf %add3A_94, %max3A_96 : vector<16xf32>
          %bitcast_convert_type3A_98 = tpu.bitcast %max3A_97 : vector<16xf32> -> vector<16xi32>
          %add3A_99 = arith.constant 32767 : i32
          %add3A_100 = vector.broadcast %add3A_99 : i32 to vector<16xi32>
          %add3A_101 = arith.addi %bitcast_convert_type3A_98, %add3A_100 : vector<16xi32>
          %shift_right_logical3A_102 = arith.constant 16 : i32
          %shift_right_logical3A_103 = vector.broadcast %shift_right_logical3A_102 : i32 to vector<16xi32>
          %shift_right_logical3A_104 = arith.shrui %bitcast_convert_type3A_98, %shift_right_logical3A_103 : vector<16xi32>
          %and3A_105 = arith.constant 1 : i32
          %and3A_106 = vector.broadcast %and3A_105 : i32 to vector<16xi32>
          %and3A_107 = arith.andi %shift_right_logical3A_104, %and3A_106 : vector<16xi32>
          %add3A_108 = arith.addi %add3A_101, %and3A_107 : vector<16xi32>
          %and3A_109 = arith.constant -65536 : i32
          %and3A_110 = vector.broadcast %and3A_109 : i32 to vector<16xi32>
          %and3A_111 = arith.andi %add3A_108, %and3A_110 : vector<16xi32>
          %bitcast_convert_type3A_112 = tpu.bitcast %and3A_111 : vector<16xi32> -> vector<16xf32>
          %swap3A_113 = arith.index_cast %scan3A_59 : i32 to index
          %swap3A_114 = arith.constant 16 : index
          %swap3A_115 = tpu.vector_load %arg13[%swap3A_113, %swap3A_114] {strides = array<i32>} : memref<80x64xf32, #tpu.memory_space<vmem>>, vector<1x16xf32>,
          %swap3A_116 = vector.shape_cast %swap3A_115 : vector<1x16xf32> to vector<16xf32>
          %swap3A_117 = vector.shape_cast %bitcast_convert_type3A_112 : vector<16xf32> to vector<1x16xf32>
          tpu.vector_store %arg13[%swap3A_113, %swap3A_114], %swap3A_117 {strides = array<i32>} : memref<80x64xf32, #tpu.memory_space<vmem>>, vector<1x16xf32>,
          %get3A_118 = arith.index_cast %scan3A_59 : i32 to index
          %get3A_119 = arith.constant 32 : index
          %get3A_120 = tpu.vector_load %arg13[%get3A_118, %get3A_119] {strides = array<i32>} : memref<80x64xf32, #tpu.memory_space<vmem>>, vector<1x16xf32>,
          %get3A_121 = vector.shape_cast %get3A_120 : vector<1x16xf32> to vector<16xf32>
          %get3A_122 = arith.index_cast %scan3A_59 : i32 to index
          %get3A_123 = arith.constant 32 : index
          %get3A_124 = tpu.vector_load %arg15[%get3A_122, %get3A_123] {strides = array<i32>} : memref<80x64xf32, #tpu.memory_space<vmem>>, vector<1x16xf32>,
          %get3A_125 = vector.shape_cast %get3A_124 : vector<1x16xf32> to vector<16xf32>
          %add3A_126 = arith.addf %get3A_121, %get3A_125 : vector<16xf32>
          %max3A_127 = arith.constant 0.000000e+00 : f32
          %max3A_128 = vector.broadcast %max3A_127 : f32 to vector<16xf32>
          %max3A_129 = arith.maximumf %add3A_126, %max3A_128 : vector<16xf32>
          %bitcast_convert_type3A_130 = tpu.bitcast %max3A_129 : vector<16xf32> -> vector<16xi32>
          %add3A_131 = arith.constant 32767 : i32
          %add3A_132 = vector.broadcast %add3A_131 : i32 to vector<16xi32>
          %add3A_133 = arith.addi %bitcast_convert_type3A_130, %add3A_132 : vector<16xi32>
          %shift_right_logical3A_134 = arith.constant 16 : i32
          %shift_right_logical3A_135 = vector.broadcast %shift_right_logical3A_134 : i32 to vector<16xi32>
          %shift_right_logical3A_136 = arith.shrui %bitcast_convert_type3A_130, %shift_right_logical3A_135 : vector<16xi32>
          %and3A_137 = arith.constant 1 : i32
          %and3A_138 = vector.broadcast %and3A_137 : i32 to vector<16xi32>
          %and3A_139 = arith.andi %shift_right_logical3A_136, %and3A_138 : vector<16xi32>
          %add3A_140 = arith.addi %add3A_133, %and3A_139 : vector<16xi32>
          %and3A_141 = arith.constant -65536 : i32
          %and3A_142 = vector.broadcast %and3A_141 : i32 to vector<16xi32>
          %and3A_143 = arith.andi %add3A_140, %and3A_142 : vector<16xi32>
          %bitcast_convert_type3A_144 = tpu.bitcast %and3A_143 : vector<16xi32> -> vector<16xf32>
          %swap3A_145 = arith.index_cast %scan3A_59 : i32 to index
          %swap3A_146 = arith.constant 32 : index
          %swap3A_147 = tpu.vector_load %arg13[%swap3A_145, %swap3A_146] {strides = array<i32>} : memref<80x64xf32, #tpu.memory_space<vmem>>, vector<1x16xf32>,
          %swap3A_148 = vector.shape_cast %swap3A_147 : vector<1x16xf32> to vector<16xf32>
          %swap3A_149 = vector.shape_cast %bitcast_convert_type3A_144 : vector<16xf32> to vector<1x16xf32>
          tpu.vector_store %arg13[%swap3A_145, %swap3A_146], %swap3A_149 {strides = array<i32>} : memref<80x64xf32, #tpu.memory_space<vmem>>, vector<1x16xf32>,
          %get3A_150 = arith.index_cast %scan3A_59 : i32 to index
          %get3A_151 = arith.constant 48 : index
          %get3A_152 = tpu.vector_load %arg13[%get3A_150, %get3A_151] {strides = array<i32>} : memref<80x64xf32, #tpu.memory_space<vmem>>, vector<1x16xf32>,
          %get3A_153 = vector.shape_cast %get3A_152 : vector<1x16xf32> to vector<16xf32>
          %get3A_154 = arith.index_cast %scan3A_59 : i32 to index
          %get3A_155 = arith.constant 48 : index
          %get3A_156 = tpu.vector_load %arg15[%get3A_154, %get3A_155] {strides = array<i32>} : memref<80x64xf32, #tpu.memory_space<vmem>>, vector<1x16xf32>,
          %get3A_157 = vector.shape_cast %get3A_156 : vector<1x16xf32> to vector<16xf32>
          %add3A_158 = arith.addf %get3A_153, %get3A_157 : vector<16xf32>
          %max3A_159 = arith.constant 0.000000e+00 : f32
          %max3A_160 = vector.broadcast %max3A_159 : f32 to vector<16xf32>
          %max3A_161 = arith.maximumf %add3A_158, %max3A_160 : vector<16xf32>
          %bitcast_convert_type3A_162 = tpu.bitcast %max3A_161 : vector<16xf32> -> vector<16xi32>
          %add3A_163 = arith.constant 32767 : i32
          %add3A_164 = vector.broadcast %add3A_163 : i32 to vector<16xi32>
          %add3A_165 = arith.addi %bitcast_convert_type3A_162, %add3A_164 : vector<16xi32>
          %shift_right_logical3A_166 = arith.constant 16 : i32
          %shift_right_logical3A_167 = vector.broadcast %shift_right_logical3A_166 : i32 to vector<16xi32>
          %shift_right_logical3A_168 = arith.shrui %bitcast_convert_type3A_162, %shift_right_logical3A_167 : vector<16xi32>
          %and3A_169 = arith.constant 1 : i32
          %and3A_170 = vector.broadcast %and3A_169 : i32 to vector<16xi32>
          %and3A_171 = arith.andi %shift_right_logical3A_168, %and3A_170 : vector<16xi32>
          %add3A_172 = arith.addi %add3A_165, %and3A_171 : vector<16xi32>
          %and3A_173 = arith.constant -65536 : i32
          %and3A_174 = vector.broadcast %and3A_173 : i32 to vector<16xi32>
          %and3A_175 = arith.andi %add3A_172, %and3A_174 : vector<16xi32>
          %bitcast_convert_type3A_176 = tpu.bitcast %and3A_175 : vector<16xi32> -> vector<16xf32>
          %swap3A_177 = arith.index_cast %scan3A_59 : i32 to index
          %swap3A_178 = arith.constant 48 : index
          %swap3A_179 = tpu.vector_load %arg13[%swap3A_177, %swap3A_178] {strides = array<i32>} : memref<80x64xf32, #tpu.memory_space<vmem>>, vector<1x16xf32>,
          %swap3A_180 = vector.shape_cast %swap3A_179 : vector<1x16xf32> to vector<16xf32>
          %swap3A_181 = vector.shape_cast %bitcast_convert_type3A_176 : vector<16xf32> to vector<1x16xf32>
          tpu.vector_store %arg13[%swap3A_177, %swap3A_178], %swap3A_181 {strides = array<i32>} : memref<80x64xf32, #tpu.memory_space<vmem>>, vector<1x16xf32>,
        }
        %scan3A_58 = arith.constant 80 : i32
        "tpu.region"() ({
          %run_scoped3A = tpu.sem_alloc : memref<!tpu.dma_semaphore, #tpu.memory_space<semaphore_mem>>
          %dma_start3A_59 = arith.constant 0 : i32
          %dma_start3A_60 = arith.constant 0 : i32
          %dma_start3A_61 = tpu.memref_slice %arg16[%dma_start3A_59, %dma_start3A_60] : memref<10000x64xf32, #tpu.memory_space<vmem_shared>> -> memref<10000x64xf32, #tpu.memory_space<vmem_shared>>
          tpu.enqueue_indirect_dma source(%arg13 : memref<80x64xf32, #tpu.memory_space<vmem>>) target(%dma_start3A_61 : memref<10000x64xf32, #tpu.memory_space<vmem_shared>>) offsets(%arg11 : memref<80xi32, #tpu.memory_space<vmem>>) semaphore(%run_scoped3A : memref<!tpu.dma_semaphore, #tpu.memory_space<semaphore_mem>>) {add = true}
          %dma_wait3A_62 = arith.constant 0 : i32
          %dma_wait3A_63 = arith.constant 0 : i32
          %dma_wait3A_64 = tpu.memref_slice %arg16[%dma_wait3A_62, %dma_wait3A_63] : memref<10000x64xf32, #tpu.memory_space<vmem_shared>> -> memref<10000x64xf32, #tpu.memory_space<vmem_shared>>
          tpu.wait_indirect_dma semaphore(%run_scoped3A : memref<!tpu.dma_semaphore, #tpu.memory_space<semaphore_mem>>) src(%arg13 : memref<80x64xf32, #tpu.memory_space<vmem>>) dst(%dma_wait3A_64 : memref<10000x64xf32, #tpu.memory_space<vmem_shared>>)
          tpu.yield
        }) : () -> ()
      } else {
      }
    }
    %scan3A_16 = arith.constant 63 : i32
    %barrier3A_17 = arith.constant 0 : index
    tpu.barrier barrier_id(%barrier3A_17)
    %eq3A_18 = arith.constant 0 : i32
    %eq3A_19 = arith.cmpi eq, %arg1, %eq3A_18 : i32
    %convert_element_type3A_20 = arith.extui %eq3A_19 : i1 to i32
    %cond3A_21 = arith.constant 0 : i32
    %cond3A_22 = arith.cmpi ne, %convert_element_type3A_20, %cond3A_21 : i32
    scf.if %cond3A_22 {
      "tpu.region"() ({
        %run_scoped3A = tpu.sem_alloc : memref<!tpu.dma_semaphore, #tpu.memory_space<semaphore_mem>>
        %dma_start3A_23 = arith.constant 0 : i32
        %dma_start3A_24 = arith.constant 0 : i32
        %dma_start3A_25 = tpu.memref_slice %arg7[%arg0, %dma_start3A_23, %dma_start3A_24] : memref<2x10000x64xf32, #tpu.memory_space<hbm>> -> memref<1x10000x64xf32, #tpu.memory_space<hbm>>
        %dma_start3A_26 = tpu.memref_squeeze %dma_start3A_25 : memref<1x10000x64xf32, #tpu.memory_space<hbm>> -> memref<10000x64xf32, #tpu.memory_space<hbm>>
        tpu.enqueue_dma source(%arg16 : memref<10000x64xf32, #tpu.memory_space<vmem_shared>>) target(%dma_start3A_26 : memref<10000x64xf32, #tpu.memory_space<hbm>>) target_semaphore(%run_scoped3A : memref<!tpu.dma_semaphore, #tpu.memory_space<semaphore_mem>>)
        %dma_wait3A = arith.constant 0 : i32
        %dma_wait3A_27 = arith.constant 0 : i32
        %dma_wait3A_28 = tpu.memref_slice %arg7[%arg0, %dma_wait3A, %dma_wait3A_27] : memref<2x10000x64xf32, #tpu.memory_space<hbm>> -> memref<1x10000x64xf32, #tpu.memory_space<hbm>>
        %dma_wait3A_29 = tpu.memref_squeeze %dma_wait3A_28 : memref<1x10000x64xf32, #tpu.memory_space<hbm>> -> memref<10000x64xf32, #tpu.memory_space<hbm>>
        tpu.wait_dma2 semaphore(%run_scoped3A : memref<!tpu.dma_semaphore, #tpu.memory_space<semaphore_mem>>) src(%arg16 : memref<10000x64xf32, #tpu.memory_space<vmem_shared>>) dst(%dma_wait3A_29 : memref<10000x64xf32, #tpu.memory_space<hbm>>)
        tpu.yield
      }) : () -> ()
    } else {
    }
    return
  }
}

#map = affine_map<(d0, d1) -> (0, 0)>
#map1 = affine_map<(d0, d1) -> (0)>
#map2 = affine_map<(d0, d1) -> (0, 0, 0)>
module attributes {stable_mosaic.version = 14 : i64} {
  func.func @sc_edge(%arg0: i32, %arg1: i32, %arg2: memref<10000x64xf32, #tpu.memory_space<hbm>>, %arg3: memref<10000x64xf32, #tpu.memory_space<hbm>>, %arg4: memref<320000xi32, #tpu.memory_space<hbm>>, %arg5: memref<320000xi32, #tpu.memory_space<hbm>>, %arg6: memref<10000x64xf32, #tpu.memory_space<hbm>>, %arg7: memref<2x10000x64xf32, #tpu.memory_space<hbm>>, %arg8: memref<80xi32, #tpu.memory_space<vmem>>, %arg9: memref<80xi32, #tpu.memory_space<vmem>>, %arg10: memref<80xi32, #tpu.memory_space<vmem>>, %arg11: memref<80xi32, #tpu.memory_space<vmem>>, %arg12: memref<80x64xf32, #tpu.memory_space<vmem>>, %arg13: memref<80x64xf32, #tpu.memory_space<vmem>>, %arg14: memref<80x64xf32, #tpu.memory_space<vmem>>, %arg15: memref<80x64xf32, #tpu.memory_space<vmem>>, %arg16: memref<10000x64xf32, #tpu.memory_space<vmem_shared>>, %arg17: memref<!tpu.dma_semaphore, #tpu.memory_space<semaphore_mem>>, %arg18: memref<!tpu.dma_semaphore, #tpu.memory_space<semaphore_mem>>, %arg19: memref<!tpu.dma_semaphore, #tpu.memory_space<semaphore_mem>>, %arg20: memref<!tpu.dma_semaphore, #tpu.memory_space<semaphore_mem>>) attributes {dimension_semantics = [#tpu.dimension_semantics<core_parallel>, #tpu.dimension_semantics<subcore_parallel>], iteration_bounds = array<i64: 2, 16>, scalar_prefetch = 0 : i64, scratch_operands = 13 : i64, tpu.core_type = #tpu.core_type<sc_vector_subcore>, window_params = [{transform_indices = #map}, {transform_indices = #map}, {transform_indices = #map1}, {transform_indices = #map1}, {transform_indices = #map}, {transform_indices = #map2}]} {
    %eq3A = arith.constant 0 : i32
    %eq3A_0 = arith.cmpi eq, %arg1, %eq3A : i32
    %convert_element_type3A = arith.extui %eq3A_0 : i1 to i32
    %cond3A = arith.constant 0 : i32
    %cond3A_1 = arith.cmpi ne, %convert_element_type3A, %cond3A : i32
    scf.if %cond3A_1 {
      "tpu.region"() ({
        %run_scoped3A = tpu.sem_alloc : memref<!tpu.dma_semaphore, #tpu.memory_space<semaphore_mem>>
        tpu.enqueue_dma source(%arg6 : memref<10000x64xf32, #tpu.memory_space<hbm>>) target(%arg16 : memref<10000x64xf32, #tpu.memory_space<vmem_shared>>) target_semaphore(%run_scoped3A : memref<!tpu.dma_semaphore, #tpu.memory_space<semaphore_mem>>)
        tpu.wait_dma2 semaphore(%run_scoped3A : memref<!tpu.dma_semaphore, #tpu.memory_space<semaphore_mem>>) src(%arg6 : memref<10000x64xf32, #tpu.memory_space<hbm>>) dst(%arg16 : memref<10000x64xf32, #tpu.memory_space<vmem_shared>>)
        tpu.yield
      }) : () -> ()
    } else {
    }
    %barrier3A = arith.constant 0 : index
    tpu.barrier barrier_id(%barrier3A)
    %mul3A = arith.constant 16 : i32
    %mul3A_2 = arith.muli %arg0, %mul3A : i32
    %add3A = arith.addi %mul3A_2, %arg1 : i32
    %mul3A_3 = arith.constant 10000 : i32
    %mul3A_4 = arith.muli %add3A, %mul3A_3 : i32
    %add3A_5 = arith.constant 0 : i32
    %add3A_6 = arith.addi %mul3A_4, %add3A_5 : i32
    "tpu.region"() ({
      %run_scoped3A = tpu.sem_alloc : memref<!tpu.dma_semaphore, #tpu.memory_space<semaphore_mem>>
      %dma_start3A_23 = tpu.memref_slice %arg4[%add3A_6] : memref<320000xi32, #tpu.memory_space<hbm>> -> memref<80xi32, #tpu.memory_space<hbm>>
      %dma_start3A_24 = tpu.memref_slice %arg4[%add3A_6] : memref<320000xi32, #tpu.memory_space<hbm>> -> memref<80xi32, #tpu.memory_space<hbm>>
      tpu.enqueue_dma source(%dma_start3A_24 : memref<80xi32, #tpu.memory_space<hbm>>) target(%arg8 : memref<80xi32, #tpu.memory_space<vmem>>) target_semaphore(%run_scoped3A : memref<!tpu.dma_semaphore, #tpu.memory_space<semaphore_mem>>)
      %dma_wait3A = tpu.memref_slice %arg4[%add3A_6] : memref<320000xi32, #tpu.memory_space<hbm>> -> memref<80xi32, #tpu.memory_space<hbm>>
      %dma_wait3A_25 = tpu.memref_slice %arg4[%add3A_6] : memref<320000xi32, #tpu.memory_space<hbm>> -> memref<80xi32, #tpu.memory_space<hbm>>
      tpu.wait_dma2 semaphore(%run_scoped3A : memref<!tpu.dma_semaphore, #tpu.memory_space<semaphore_mem>>) src(%dma_wait3A_25 : memref<80xi32, #tpu.memory_space<hbm>>) dst(%arg8 : memref<80xi32, #tpu.memory_space<vmem>>)
      tpu.yield
    }) : () -> ()
    "tpu.region"() ({
      %run_scoped3A = tpu.sem_alloc : memref<!tpu.dma_semaphore, #tpu.memory_space<semaphore_mem>>
      %dma_start3A_23 = tpu.memref_slice %arg5[%add3A_6] : memref<320000xi32, #tpu.memory_space<hbm>> -> memref<80xi32, #tpu.memory_space<hbm>>
      %dma_start3A_24 = tpu.memref_slice %arg5[%add3A_6] : memref<320000xi32, #tpu.memory_space<hbm>> -> memref<80xi32, #tpu.memory_space<hbm>>
      tpu.enqueue_dma source(%dma_start3A_24 : memref<80xi32, #tpu.memory_space<hbm>>) target(%arg10 : memref<80xi32, #tpu.memory_space<vmem>>) target_semaphore(%run_scoped3A : memref<!tpu.dma_semaphore, #tpu.memory_space<semaphore_mem>>)
      %dma_wait3A = tpu.memref_slice %arg5[%add3A_6] : memref<320000xi32, #tpu.memory_space<hbm>> -> memref<80xi32, #tpu.memory_space<hbm>>
      %dma_wait3A_25 = tpu.memref_slice %arg5[%add3A_6] : memref<320000xi32, #tpu.memory_space<hbm>> -> memref<80xi32, #tpu.memory_space<hbm>>
      tpu.wait_dma2 semaphore(%run_scoped3A : memref<!tpu.dma_semaphore, #tpu.memory_space<semaphore_mem>>) src(%dma_wait3A_25 : memref<80xi32, #tpu.memory_space<hbm>>) dst(%arg10 : memref<80xi32, #tpu.memory_space<vmem>>)
      tpu.yield
    }) : () -> ()
    %dma_start3A = arith.constant 0 : i32
    %dma_start3A_7 = arith.constant 0 : i32
    %dma_start3A_8 = tpu.memref_slice %arg3[%dma_start3A, %dma_start3A_7] : memref<10000x64xf32, #tpu.memory_space<hbm>> -> memref<10000x64xf32, #tpu.memory_space<hbm>>
    tpu.enqueue_indirect_dma source(%dma_start3A_8 : memref<10000x64xf32, #tpu.memory_space<hbm>>) target(%arg14 : memref<80x64xf32, #tpu.memory_space<vmem>>) offsets(%arg8 : memref<80xi32, #tpu.memory_space<vmem>>) semaphore(%arg19 : memref<!tpu.dma_semaphore, #tpu.memory_space<semaphore_mem>>)
    %dma_start3A_9 = arith.constant 0 : i32
    %dma_start3A_10 = arith.constant 0 : i32
    %dma_start3A_11 = tpu.memref_slice %arg2[%dma_start3A_9, %dma_start3A_10] : memref<10000x64xf32, #tpu.memory_space<hbm>> -> memref<10000x64xf32, #tpu.memory_space<hbm>>
    tpu.enqueue_indirect_dma source(%dma_start3A_11 : memref<10000x64xf32, #tpu.memory_space<hbm>>) target(%arg12 : memref<80x64xf32, #tpu.memory_space<vmem>>) offsets(%arg10 : memref<80xi32, #tpu.memory_space<vmem>>) semaphore(%arg17 : memref<!tpu.dma_semaphore, #tpu.memory_space<semaphore_mem>>)
    %scan3A = arith.constant 0 : i32
    %scan3A_12 = arith.constant 0 : i32
    %scan3A_13 = arith.constant 63 : i32
    %scan3A_14 = arith.addi %scan3A_12, %scan3A_13 : i32
    %scan3A_15 = arith.constant 1 : i32
    scf.for %scan3A_23 = %scan3A_12 to %scan3A_14 step %scan3A_15  : i32 {
      %mul3A_24 = arith.constant 2 : i32
      %mul3A_25 = arith.muli %mul3A_24, %scan3A_23 : i32
      %add3A_26 = arith.constant 0 : i32
      %add3A_27 = arith.addi %mul3A_25, %add3A_26 : i32
      %lt3A = arith.constant 125 : i32
      %lt3A_28 = arith.cmpi slt, %add3A_27, %lt3A : i32
      %convert_element_type3A_29 = arith.extui %lt3A_28 : i1 to i32
      %cond3A_30 = arith.constant 0 : i32
      %cond3A_31 = arith.cmpi ne, %convert_element_type3A_29, %cond3A_30 : i32
      scf.if %cond3A_31 {
        %add3A_41 = arith.constant 1 : i32
        %add3A_42 = arith.addi %add3A_27, %add3A_41 : i32
        %lt3A_43 = arith.constant 125 : i32
        %lt3A_44 = arith.cmpi slt, %add3A_42, %lt3A_43 : i32
        %convert_element_type3A_45 = arith.extui %lt3A_44 : i1 to i32
        %cond3A_46 = arith.constant 0 : i32
        %cond3A_47 = arith.cmpi ne, %convert_element_type3A_45, %cond3A_46 : i32
        scf.if %cond3A_47 {
          %add3A_59 = arith.constant 1 : i32
          %add3A_60 = arith.addi %add3A_27, %add3A_59 : i32
          %mul3A_61 = arith.constant 80 : i32
          %mul3A_62 = arith.muli %add3A_60, %mul3A_61 : i32
          %add3A_63 = arith.addi %mul3A_4, %mul3A_62 : i32
          "tpu.region"() ({
            %run_scoped3A = tpu.sem_alloc : memref<!tpu.dma_semaphore, #tpu.memory_space<semaphore_mem>>
            %dma_start3A_70 = tpu.memref_slice %arg4[%add3A_63] : memref<320000xi32, #tpu.memory_space<hbm>> -> memref<80xi32, #tpu.memory_space<hbm>>
            %dma_start3A_71 = tpu.memref_slice %arg4[%add3A_63] : memref<320000xi32, #tpu.memory_space<hbm>> -> memref<80xi32, #tpu.memory_space<hbm>>
            tpu.enqueue_dma source(%dma_start3A_71 : memref<80xi32, #tpu.memory_space<hbm>>) target(%arg9 : memref<80xi32, #tpu.memory_space<vmem>>) target_semaphore(%run_scoped3A : memref<!tpu.dma_semaphore, #tpu.memory_space<semaphore_mem>>)
            %dma_wait3A_72 = tpu.memref_slice %arg4[%add3A_63] : memref<320000xi32, #tpu.memory_space<hbm>> -> memref<80xi32, #tpu.memory_space<hbm>>
            %dma_wait3A_73 = tpu.memref_slice %arg4[%add3A_63] : memref<320000xi32, #tpu.memory_space<hbm>> -> memref<80xi32, #tpu.memory_space<hbm>>
            tpu.wait_dma2 semaphore(%run_scoped3A : memref<!tpu.dma_semaphore, #tpu.memory_space<semaphore_mem>>) src(%dma_wait3A_73 : memref<80xi32, #tpu.memory_space<hbm>>) dst(%arg9 : memref<80xi32, #tpu.memory_space<vmem>>)
            tpu.yield
          }) : () -> ()
          "tpu.region"() ({
            %run_scoped3A = tpu.sem_alloc : memref<!tpu.dma_semaphore, #tpu.memory_space<semaphore_mem>>
            %dma_start3A_70 = tpu.memref_slice %arg5[%add3A_63] : memref<320000xi32, #tpu.memory_space<hbm>> -> memref<80xi32, #tpu.memory_space<hbm>>
            %dma_start3A_71 = tpu.memref_slice %arg5[%add3A_63] : memref<320000xi32, #tpu.memory_space<hbm>> -> memref<80xi32, #tpu.memory_space<hbm>>
            tpu.enqueue_dma source(%dma_start3A_71 : memref<80xi32, #tpu.memory_space<hbm>>) target(%arg11 : memref<80xi32, #tpu.memory_space<vmem>>) target_semaphore(%run_scoped3A : memref<!tpu.dma_semaphore, #tpu.memory_space<semaphore_mem>>)
            %dma_wait3A_72 = tpu.memref_slice %arg5[%add3A_63] : memref<320000xi32, #tpu.memory_space<hbm>> -> memref<80xi32, #tpu.memory_space<hbm>>
            %dma_wait3A_73 = tpu.memref_slice %arg5[%add3A_63] : memref<320000xi32, #tpu.memory_space<hbm>> -> memref<80xi32, #tpu.memory_space<hbm>>
            tpu.wait_dma2 semaphore(%run_scoped3A : memref<!tpu.dma_semaphore, #tpu.memory_space<semaphore_mem>>) src(%dma_wait3A_73 : memref<80xi32, #tpu.memory_space<hbm>>) dst(%arg11 : memref<80xi32, #tpu.memory_space<vmem>>)
            tpu.yield
          }) : () -> ()
          %dma_start3A_64 = arith.constant 0 : i32
          %dma_start3A_65 = arith.constant 0 : i32
          %dma_start3A_66 = tpu.memref_slice %arg3[%dma_start3A_64, %dma_start3A_65] : memref<10000x64xf32, #tpu.memory_space<hbm>> -> memref<10000x64xf32, #tpu.memory_space<hbm>>
          tpu.enqueue_indirect_dma source(%dma_start3A_66 : memref<10000x64xf32, #tpu.memory_space<hbm>>) target(%arg15 : memref<80x64xf32, #tpu.memory_space<vmem>>) offsets(%arg9 : memref<80xi32, #tpu.memory_space<vmem>>) semaphore(%arg20 : memref<!tpu.dma_semaphore, #tpu.memory_space<semaphore_mem>>)
          %dma_start3A_67 = arith.constant 0 : i32
          %dma_start3A_68 = arith.constant 0 : i32
          %dma_start3A_69 = tpu.memref_slice %arg2[%dma_start3A_67, %dma_start3A_68] : memref<10000x64xf32, #tpu.memory_space<hbm>> -> memref<10000x64xf32, #tpu.memory_space<hbm>>
          tpu.enqueue_indirect_dma source(%dma_start3A_69 : memref<10000x64xf32, #tpu.memory_space<hbm>>) target(%arg13 : memref<80x64xf32, #tpu.memory_space<vmem>>) offsets(%arg11 : memref<80xi32, #tpu.memory_space<vmem>>) semaphore(%arg18 : memref<!tpu.dma_semaphore, #tpu.memory_space<semaphore_mem>>)
        } else {
        }
        %dma_wait3A = arith.constant 0 : i32
        %dma_wait3A_48 = arith.constant 0 : i32
        %dma_wait3A_49 = tpu.memref_slice %arg3[%dma_wait3A, %dma_wait3A_48] : memref<10000x64xf32, #tpu.memory_space<hbm>> -> memref<10000x64xf32, #tpu.memory_space<hbm>>
        tpu.wait_indirect_dma semaphore(%arg19 : memref<!tpu.dma_semaphore, #tpu.memory_space<semaphore_mem>>) src(%dma_wait3A_49 : memref<10000x64xf32, #tpu.memory_space<hbm>>) dst(%arg14 : memref<80x64xf32, #tpu.memory_space<vmem>>)
        %dma_wait3A_50 = arith.constant 0 : i32
        %dma_wait3A_51 = arith.constant 0 : i32
        %dma_wait3A_52 = tpu.memref_slice %arg2[%dma_wait3A_50, %dma_wait3A_51] : memref<10000x64xf32, #tpu.memory_space<hbm>> -> memref<10000x64xf32, #tpu.memory_space<hbm>>
        tpu.wait_indirect_dma semaphore(%arg17 : memref<!tpu.dma_semaphore, #tpu.memory_space<semaphore_mem>>) src(%dma_wait3A_52 : memref<10000x64xf32, #tpu.memory_space<hbm>>) dst(%arg12 : memref<80x64xf32, #tpu.memory_space<vmem>>)
        %scan3A_53 = arith.constant 0 : i32
        %scan3A_54 = arith.constant 0 : i32
        %scan3A_55 = arith.constant 80 : i32
        %scan3A_56 = arith.addi %scan3A_54, %scan3A_55 : i32
        %scan3A_57 = arith.constant 1 : i32
        scf.for %scan3A_59 = %scan3A_54 to %scan3A_56 step %scan3A_57  : i32 {
          %get3A = arith.index_cast %scan3A_59 : i32 to index
          %get3A_60 = arith.constant 0 : index
          %get3A_61 = tpu.vector_load %arg12[%get3A, %get3A_60] {strides = array<i32>} : memref<80x64xf32, #tpu.memory_space<vmem>>, vector<1x16xf32>,
          %get3A_62 = vector.shape_cast %get3A_61 : vector<1x16xf32> to vector<16xf32>
          %get3A_63 = arith.index_cast %scan3A_59 : i32 to index
          %get3A_64 = arith.constant 0 : index
          %get3A_65 = tpu.vector_load %arg14[%get3A_63, %get3A_64] {strides = array<i32>} : memref<80x64xf32, #tpu.memory_space<vmem>>, vector<1x16xf32>,
          %get3A_66 = vector.shape_cast %get3A_65 : vector<1x16xf32> to vector<16xf32>
          %add3A_67 = arith.addf %get3A_62, %get3A_66 : vector<16xf32>
          %max3A = arith.constant 0.000000e+00 : f32
          %max3A_68 = vector.broadcast %max3A : f32 to vector<16xf32>
          %max3A_69 = arith.maximumf %add3A_67, %max3A_68 : vector<16xf32>
          %bitcast_convert_type3A = tpu.bitcast %max3A_69 : vector<16xf32> -> vector<16xi32>
          %add3A_70 = arith.constant 32767 : i32
          %add3A_71 = vector.broadcast %add3A_70 : i32 to vector<16xi32>
          %add3A_72 = arith.addi %bitcast_convert_type3A, %add3A_71 : vector<16xi32>
          %shift_right_logical3A = arith.constant 16 : i32
          %shift_right_logical3A_73 = vector.broadcast %shift_right_logical3A : i32 to vector<16xi32>
          %shift_right_logical3A_74 = arith.shrui %bitcast_convert_type3A, %shift_right_logical3A_73 : vector<16xi32>
          %and3A = arith.constant 1 : i32
          %and3A_75 = vector.broadcast %and3A : i32 to vector<16xi32>
          %and3A_76 = arith.andi %shift_right_logical3A_74, %and3A_75 : vector<16xi32>
          %add3A_77 = arith.addi %add3A_72, %and3A_76 : vector<16xi32>
          %and3A_78 = arith.constant -65536 : i32
          %and3A_79 = vector.broadcast %and3A_78 : i32 to vector<16xi32>
          %and3A_80 = arith.andi %add3A_77, %and3A_79 : vector<16xi32>
          %bitcast_convert_type3A_81 = tpu.bitcast %and3A_80 : vector<16xi32> -> vector<16xf32>
          %swap3A = arith.index_cast %scan3A_59 : i32 to index
          %swap3A_82 = arith.constant 0 : index
          %swap3A_83 = tpu.vector_load %arg12[%swap3A, %swap3A_82] {strides = array<i32>} : memref<80x64xf32, #tpu.memory_space<vmem>>, vector<1x16xf32>,
          %swap3A_84 = vector.shape_cast %swap3A_83 : vector<1x16xf32> to vector<16xf32>
          %swap3A_85 = vector.shape_cast %bitcast_convert_type3A_81 : vector<16xf32> to vector<1x16xf32>
          tpu.vector_store %arg12[%swap3A, %swap3A_82], %swap3A_85 {strides = array<i32>} : memref<80x64xf32, #tpu.memory_space<vmem>>, vector<1x16xf32>,
          %get3A_86 = arith.index_cast %scan3A_59 : i32 to index
          %get3A_87 = arith.constant 16 : index
          %get3A_88 = tpu.vector_load %arg12[%get3A_86, %get3A_87] {strides = array<i32>} : memref<80x64xf32, #tpu.memory_space<vmem>>, vector<1x16xf32>,
          %get3A_89 = vector.shape_cast %get3A_88 : vector<1x16xf32> to vector<16xf32>
          %get3A_90 = arith.index_cast %scan3A_59 : i32 to index
          %get3A_91 = arith.constant 16 : index
          %get3A_92 = tpu.vector_load %arg14[%get3A_90, %get3A_91] {strides = array<i32>} : memref<80x64xf32, #tpu.memory_space<vmem>>, vector<1x16xf32>,
          %get3A_93 = vector.shape_cast %get3A_92 : vector<1x16xf32> to vector<16xf32>
          %add3A_94 = arith.addf %get3A_89, %get3A_93 : vector<16xf32>
          %max3A_95 = arith.constant 0.000000e+00 : f32
          %max3A_96 = vector.broadcast %max3A_95 : f32 to vector<16xf32>
          %max3A_97 = arith.maximumf %add3A_94, %max3A_96 : vector<16xf32>
          %bitcast_convert_type3A_98 = tpu.bitcast %max3A_97 : vector<16xf32> -> vector<16xi32>
          %add3A_99 = arith.constant 32767 : i32
          %add3A_100 = vector.broadcast %add3A_99 : i32 to vector<16xi32>
          %add3A_101 = arith.addi %bitcast_convert_type3A_98, %add3A_100 : vector<16xi32>
          %shift_right_logical3A_102 = arith.constant 16 : i32
          %shift_right_logical3A_103 = vector.broadcast %shift_right_logical3A_102 : i32 to vector<16xi32>
          %shift_right_logical3A_104 = arith.shrui %bitcast_convert_type3A_98, %shift_right_logical3A_103 : vector<16xi32>
          %and3A_105 = arith.constant 1 : i32
          %and3A_106 = vector.broadcast %and3A_105 : i32 to vector<16xi32>
          %and3A_107 = arith.andi %shift_right_logical3A_104, %and3A_106 : vector<16xi32>
          %add3A_108 = arith.addi %add3A_101, %and3A_107 : vector<16xi32>
          %and3A_109 = arith.constant -65536 : i32
          %and3A_110 = vector.broadcast %and3A_109 : i32 to vector<16xi32>
          %and3A_111 = arith.andi %add3A_108, %and3A_110 : vector<16xi32>
          %bitcast_convert_type3A_112 = tpu.bitcast %and3A_111 : vector<16xi32> -> vector<16xf32>
          %swap3A_113 = arith.index_cast %scan3A_59 : i32 to index
          %swap3A_114 = arith.constant 16 : index
          %swap3A_115 = tpu.vector_load %arg12[%swap3A_113, %swap3A_114] {strides = array<i32>} : memref<80x64xf32, #tpu.memory_space<vmem>>, vector<1x16xf32>,
          %swap3A_116 = vector.shape_cast %swap3A_115 : vector<1x16xf32> to vector<16xf32>
          %swap3A_117 = vector.shape_cast %bitcast_convert_type3A_112 : vector<16xf32> to vector<1x16xf32>
          tpu.vector_store %arg12[%swap3A_113, %swap3A_114], %swap3A_117 {strides = array<i32>} : memref<80x64xf32, #tpu.memory_space<vmem>>, vector<1x16xf32>,
          %get3A_118 = arith.index_cast %scan3A_59 : i32 to index
          %get3A_119 = arith.constant 32 : index
          %get3A_120 = tpu.vector_load %arg12[%get3A_118, %get3A_119] {strides = array<i32>} : memref<80x64xf32, #tpu.memory_space<vmem>>, vector<1x16xf32>,
          %get3A_121 = vector.shape_cast %get3A_120 : vector<1x16xf32> to vector<16xf32>
          %get3A_122 = arith.index_cast %scan3A_59 : i32 to index
          %get3A_123 = arith.constant 32 : index
          %get3A_124 = tpu.vector_load %arg14[%get3A_122, %get3A_123] {strides = array<i32>} : memref<80x64xf32, #tpu.memory_space<vmem>>, vector<1x16xf32>,
          %get3A_125 = vector.shape_cast %get3A_124 : vector<1x16xf32> to vector<16xf32>
          %add3A_126 = arith.addf %get3A_121, %get3A_125 : vector<16xf32>
          %max3A_127 = arith.constant 0.000000e+00 : f32
          %max3A_128 = vector.broadcast %max3A_127 : f32 to vector<16xf32>
          %max3A_129 = arith.maximumf %add3A_126, %max3A_128 : vector<16xf32>
          %bitcast_convert_type3A_130 = tpu.bitcast %max3A_129 : vector<16xf32> -> vector<16xi32>
          %add3A_131 = arith.constant 32767 : i32
          %add3A_132 = vector.broadcast %add3A_131 : i32 to vector<16xi32>
          %add3A_133 = arith.addi %bitcast_convert_type3A_130, %add3A_132 : vector<16xi32>
          %shift_right_logical3A_134 = arith.constant 16 : i32
          %shift_right_logical3A_135 = vector.broadcast %shift_right_logical3A_134 : i32 to vector<16xi32>
          %shift_right_logical3A_136 = arith.shrui %bitcast_convert_type3A_130, %shift_right_logical3A_135 : vector<16xi32>
          %and3A_137 = arith.constant 1 : i32
          %and3A_138 = vector.broadcast %and3A_137 : i32 to vector<16xi32>
          %and3A_139 = arith.andi %shift_right_logical3A_136, %and3A_138 : vector<16xi32>
          %add3A_140 = arith.addi %add3A_133, %and3A_139 : vector<16xi32>
          %and3A_141 = arith.constant -65536 : i32
          %and3A_142 = vector.broadcast %and3A_141 : i32 to vector<16xi32>
          %and3A_143 = arith.andi %add3A_140, %and3A_142 : vector<16xi32>
          %bitcast_convert_type3A_144 = tpu.bitcast %and3A_143 : vector<16xi32> -> vector<16xf32>
          %swap3A_145 = arith.index_cast %scan3A_59 : i32 to index
          %swap3A_146 = arith.constant 32 : index
          %swap3A_147 = tpu.vector_load %arg12[%swap3A_145, %swap3A_146] {strides = array<i32>} : memref<80x64xf32, #tpu.memory_space<vmem>>, vector<1x16xf32>,
          %swap3A_148 = vector.shape_cast %swap3A_147 : vector<1x16xf32> to vector<16xf32>
          %swap3A_149 = vector.shape_cast %bitcast_convert_type3A_144 : vector<16xf32> to vector<1x16xf32>
          tpu.vector_store %arg12[%swap3A_145, %swap3A_146], %swap3A_149 {strides = array<i32>} : memref<80x64xf32, #tpu.memory_space<vmem>>, vector<1x16xf32>,
          %get3A_150 = arith.index_cast %scan3A_59 : i32 to index
          %get3A_151 = arith.constant 48 : index
          %get3A_152 = tpu.vector_load %arg12[%get3A_150, %get3A_151] {strides = array<i32>} : memref<80x64xf32, #tpu.memory_space<vmem>>, vector<1x16xf32>,
          %get3A_153 = vector.shape_cast %get3A_152 : vector<1x16xf32> to vector<16xf32>
          %get3A_154 = arith.index_cast %scan3A_59 : i32 to index
          %get3A_155 = arith.constant 48 : index
          %get3A_156 = tpu.vector_load %arg14[%get3A_154, %get3A_155] {strides = array<i32>} : memref<80x64xf32, #tpu.memory_space<vmem>>, vector<1x16xf32>,
          %get3A_157 = vector.shape_cast %get3A_156 : vector<1x16xf32> to vector<16xf32>
          %add3A_158 = arith.addf %get3A_153, %get3A_157 : vector<16xf32>
          %max3A_159 = arith.constant 0.000000e+00 : f32
          %max3A_160 = vector.broadcast %max3A_159 : f32 to vector<16xf32>
          %max3A_161 = arith.maximumf %add3A_158, %max3A_160 : vector<16xf32>
          %bitcast_convert_type3A_162 = tpu.bitcast %max3A_161 : vector<16xf32> -> vector<16xi32>
          %add3A_163 = arith.constant 32767 : i32
          %add3A_164 = vector.broadcast %add3A_163 : i32 to vector<16xi32>
          %add3A_165 = arith.addi %bitcast_convert_type3A_162, %add3A_164 : vector<16xi32>
          %shift_right_logical3A_166 = arith.constant 16 : i32
          %shift_right_logical3A_167 = vector.broadcast %shift_right_logical3A_166 : i32 to vector<16xi32>
          %shift_right_logical3A_168 = arith.shrui %bitcast_convert_type3A_162, %shift_right_logical3A_167 : vector<16xi32>
          %and3A_169 = arith.constant 1 : i32
          %and3A_170 = vector.broadcast %and3A_169 : i32 to vector<16xi32>
          %and3A_171 = arith.andi %shift_right_logical3A_168, %and3A_170 : vector<16xi32>
          %add3A_172 = arith.addi %add3A_165, %and3A_171 : vector<16xi32>
          %and3A_173 = arith.constant -65536 : i32
          %and3A_174 = vector.broadcast %and3A_173 : i32 to vector<16xi32>
          %and3A_175 = arith.andi %add3A_172, %and3A_174 : vector<16xi32>
          %bitcast_convert_type3A_176 = tpu.bitcast %and3A_175 : vector<16xi32> -> vector<16xf32>
          %swap3A_177 = arith.index_cast %scan3A_59 : i32 to index
          %swap3A_178 = arith.constant 48 : index
          %swap3A_179 = tpu.vector_load %arg12[%swap3A_177, %swap3A_178] {strides = array<i32>} : memref<80x64xf32, #tpu.memory_space<vmem>>, vector<1x16xf32>,
          %swap3A_180 = vector.shape_cast %swap3A_179 : vector<1x16xf32> to vector<16xf32>
          %swap3A_181 = vector.shape_cast %bitcast_convert_type3A_176 : vector<16xf32> to vector<1x16xf32>
          tpu.vector_store %arg12[%swap3A_177, %swap3A_178], %swap3A_181 {strides = array<i32>} : memref<80x64xf32, #tpu.memory_space<vmem>>, vector<1x16xf32>,
        }
        %scan3A_58 = arith.constant 80 : i32
        "tpu.region"() ({
          %run_scoped3A = tpu.sem_alloc : memref<!tpu.dma_semaphore, #tpu.memory_space<semaphore_mem>>
          %dma_start3A_59 = arith.constant 0 : i32
          %dma_start3A_60 = arith.constant 0 : i32
          %dma_start3A_61 = tpu.memref_slice %arg16[%dma_start3A_59, %dma_start3A_60] : memref<10000x64xf32, #tpu.memory_space<vmem_shared>> -> memref<10000x64xf32, #tpu.memory_space<vmem_shared>>
          tpu.enqueue_indirect_dma source(%arg12 : memref<80x64xf32, #tpu.memory_space<vmem>>) target(%dma_start3A_61 : memref<10000x64xf32, #tpu.memory_space<vmem_shared>>) offsets(%arg10 : memref<80xi32, #tpu.memory_space<vmem>>) semaphore(%run_scoped3A : memref<!tpu.dma_semaphore, #tpu.memory_space<semaphore_mem>>) {add = true}
          %dma_wait3A_62 = arith.constant 0 : i32
          %dma_wait3A_63 = arith.constant 0 : i32
          %dma_wait3A_64 = tpu.memref_slice %arg16[%dma_wait3A_62, %dma_wait3A_63] : memref<10000x64xf32, #tpu.memory_space<vmem_shared>> -> memref<10000x64xf32, #tpu.memory_space<vmem_shared>>
          tpu.wait_indirect_dma semaphore(%run_scoped3A : memref<!tpu.dma_semaphore, #tpu.memory_space<semaphore_mem>>) src(%arg12 : memref<80x64xf32, #tpu.memory_space<vmem>>) dst(%dma_wait3A_64 : memref<10000x64xf32, #tpu.memory_space<vmem_shared>>)
          tpu.yield
        }) : () -> ()
      } else {
      }
      %mul3A_32 = arith.constant 2 : i32
      %mul3A_33 = arith.muli %mul3A_32, %scan3A_23 : i32
      %add3A_34 = arith.constant 1 : i32
      %add3A_35 = arith.addi %mul3A_33, %add3A_34 : i32
      %lt3A_36 = arith.constant 125 : i32
      %lt3A_37 = arith.cmpi slt, %add3A_35, %lt3A_36 : i32
      %convert_element_type3A_38 = arith.extui %lt3A_37 : i1 to i32
      %cond3A_39 = arith.constant 0 : i32
      %cond3A_40 = arith.cmpi ne, %convert_element_type3A_38, %cond3A_39 : i32
      scf.if %cond3A_40 {
        %add3A_41 = arith.constant 1 : i32
        %add3A_42 = arith.addi %add3A_35, %add3A_41 : i32
        %lt3A_43 = arith.constant 125 : i32
        %lt3A_44 = arith.cmpi slt, %add3A_42, %lt3A_43 : i32
        %convert_element_type3A_45 = arith.extui %lt3A_44 : i1 to i32
        %cond3A_46 = arith.constant 0 : i32
        %cond3A_47 = arith.cmpi ne, %convert_element_type3A_45, %cond3A_46 : i32
        scf.if %cond3A_47 {
          %add3A_59 = arith.constant 1 : i32
          %add3A_60 = arith.addi %add3A_35, %add3A_59 : i32
          %mul3A_61 = arith.constant 80 : i32
          %mul3A_62 = arith.muli %add3A_60, %mul3A_61 : i32
          %add3A_63 = arith.addi %mul3A_4, %mul3A_62 : i32
          "tpu.region"() ({
            %run_scoped3A = tpu.sem_alloc : memref<!tpu.dma_semaphore, #tpu.memory_space<semaphore_mem>>
            %dma_start3A_70 = tpu.memref_slice %arg4[%add3A_63] : memref<320000xi32, #tpu.memory_space<hbm>> -> memref<80xi32, #tpu.memory_space<hbm>>
            %dma_start3A_71 = tpu.memref_slice %arg4[%add3A_63] : memref<320000xi32, #tpu.memory_space<hbm>> -> memref<80xi32, #tpu.memory_space<hbm>>
            tpu.enqueue_dma source(%dma_start3A_71 : memref<80xi32, #tpu.memory_space<hbm>>) target(%arg8 : memref<80xi32, #tpu.memory_space<vmem>>) target_semaphore(%run_scoped3A : memref<!tpu.dma_semaphore, #tpu.memory_space<semaphore_mem>>)
            %dma_wait3A_72 = tpu.memref_slice %arg4[%add3A_63] : memref<320000xi32, #tpu.memory_space<hbm>> -> memref<80xi32, #tpu.memory_space<hbm>>
            %dma_wait3A_73 = tpu.memref_slice %arg4[%add3A_63] : memref<320000xi32, #tpu.memory_space<hbm>> -> memref<80xi32, #tpu.memory_space<hbm>>
            tpu.wait_dma2 semaphore(%run_scoped3A : memref<!tpu.dma_semaphore, #tpu.memory_space<semaphore_mem>>) src(%dma_wait3A_73 : memref<80xi32, #tpu.memory_space<hbm>>) dst(%arg8 : memref<80xi32, #tpu.memory_space<vmem>>)
            tpu.yield
          }) : () -> ()
          "tpu.region"() ({
            %run_scoped3A = tpu.sem_alloc : memref<!tpu.dma_semaphore, #tpu.memory_space<semaphore_mem>>
            %dma_start3A_70 = tpu.memref_slice %arg5[%add3A_63] : memref<320000xi32, #tpu.memory_space<hbm>> -> memref<80xi32, #tpu.memory_space<hbm>>
            %dma_start3A_71 = tpu.memref_slice %arg5[%add3A_63] : memref<320000xi32, #tpu.memory_space<hbm>> -> memref<80xi32, #tpu.memory_space<hbm>>
            tpu.enqueue_dma source(%dma_start3A_71 : memref<80xi32, #tpu.memory_space<hbm>>) target(%arg10 : memref<80xi32, #tpu.memory_space<vmem>>) target_semaphore(%run_scoped3A : memref<!tpu.dma_semaphore, #tpu.memory_space<semaphore_mem>>)
            %dma_wait3A_72 = tpu.memref_slice %arg5[%add3A_63] : memref<320000xi32, #tpu.memory_space<hbm>> -> memref<80xi32, #tpu.memory_space<hbm>>
            %dma_wait3A_73 = tpu.memref_slice %arg5[%add3A_63] : memref<320000xi32, #tpu.memory_space<hbm>> -> memref<80xi32, #tpu.memory_space<hbm>>
            tpu.wait_dma2 semaphore(%run_scoped3A : memref<!tpu.dma_semaphore, #tpu.memory_space<semaphore_mem>>) src(%dma_wait3A_73 : memref<80xi32, #tpu.memory_space<hbm>>) dst(%arg10 : memref<80xi32, #tpu.memory_space<vmem>>)
            tpu.yield
          }) : () -> ()
          %dma_start3A_64 = arith.constant 0 : i32
          %dma_start3A_65 = arith.constant 0 : i32
          %dma_start3A_66 = tpu.memref_slice %arg3[%dma_start3A_64, %dma_start3A_65] : memref<10000x64xf32, #tpu.memory_space<hbm>> -> memref<10000x64xf32, #tpu.memory_space<hbm>>
          tpu.enqueue_indirect_dma source(%dma_start3A_66 : memref<10000x64xf32, #tpu.memory_space<hbm>>) target(%arg14 : memref<80x64xf32, #tpu.memory_space<vmem>>) offsets(%arg8 : memref<80xi32, #tpu.memory_space<vmem>>) semaphore(%arg19 : memref<!tpu.dma_semaphore, #tpu.memory_space<semaphore_mem>>)
          %dma_start3A_67 = arith.constant 0 : i32
          %dma_start3A_68 = arith.constant 0 : i32
          %dma_start3A_69 = tpu.memref_slice %arg2[%dma_start3A_67, %dma_start3A_68] : memref<10000x64xf32, #tpu.memory_space<hbm>> -> memref<10000x64xf32, #tpu.memory_space<hbm>>
          tpu.enqueue_indirect_dma source(%dma_start3A_69 : memref<10000x64xf32, #tpu.memory_space<hbm>>) target(%arg12 : memref<80x64xf32, #tpu.memory_space<vmem>>) offsets(%arg10 : memref<80xi32, #tpu.memory_space<vmem>>) semaphore(%arg17 : memref<!tpu.dma_semaphore, #tpu.memory_space<semaphore_mem>>)
        } else {
        }
        %dma_wait3A = arith.constant 0 : i32
        %dma_wait3A_48 = arith.constant 0 : i32
        %dma_wait3A_49 = tpu.memref_slice %arg3[%dma_wait3A, %dma_wait3A_48] : memref<10000x64xf32, #tpu.memory_space<hbm>> -> memref<10000x64xf32, #tpu.memory_space<hbm>>
        tpu.wait_indirect_dma semaphore(%arg20 : memref<!tpu.dma_semaphore, #tpu.memory_space<semaphore_mem>>) src(%dma_wait3A_49 : memref<10000x64xf32, #tpu.memory_space<hbm>>) dst(%arg15 : memref<80x64xf32, #tpu.memory_space<vmem>>)
        %dma_wait3A_50 = arith.constant 0 : i32
        %dma_wait3A_51 = arith.constant 0 : i32
        %dma_wait3A_52 = tpu.memref_slice %arg2[%dma_wait3A_50, %dma_wait3A_51] : memref<10000x64xf32, #tpu.memory_space<hbm>> -> memref<10000x64xf32, #tpu.memory_space<hbm>>
        tpu.wait_indirect_dma semaphore(%arg18 : memref<!tpu.dma_semaphore, #tpu.memory_space<semaphore_mem>>) src(%dma_wait3A_52 : memref<10000x64xf32, #tpu.memory_space<hbm>>) dst(%arg13 : memref<80x64xf32, #tpu.memory_space<vmem>>)
        %scan3A_53 = arith.constant 0 : i32
        %scan3A_54 = arith.constant 0 : i32
        %scan3A_55 = arith.constant 80 : i32
        %scan3A_56 = arith.addi %scan3A_54, %scan3A_55 : i32
        %scan3A_57 = arith.constant 1 : i32
        scf.for %scan3A_59 = %scan3A_54 to %scan3A_56 step %scan3A_57  : i32 {
          %get3A = arith.index_cast %scan3A_59 : i32 to index
          %get3A_60 = arith.constant 0 : index
          %get3A_61 = tpu.vector_load %arg13[%get3A, %get3A_60] {strides = array<i32>} : memref<80x64xf32, #tpu.memory_space<vmem>>, vector<1x16xf32>,
          %get3A_62 = vector.shape_cast %get3A_61 : vector<1x16xf32> to vector<16xf32>
          %get3A_63 = arith.index_cast %scan3A_59 : i32 to index
          %get3A_64 = arith.constant 0 : index
          %get3A_65 = tpu.vector_load %arg15[%get3A_63, %get3A_64] {strides = array<i32>} : memref<80x64xf32, #tpu.memory_space<vmem>>, vector<1x16xf32>,
          %get3A_66 = vector.shape_cast %get3A_65 : vector<1x16xf32> to vector<16xf32>
          %add3A_67 = arith.addf %get3A_62, %get3A_66 : vector<16xf32>
          %max3A = arith.constant 0.000000e+00 : f32
          %max3A_68 = vector.broadcast %max3A : f32 to vector<16xf32>
          %max3A_69 = arith.maximumf %add3A_67, %max3A_68 : vector<16xf32>
          %bitcast_convert_type3A = tpu.bitcast %max3A_69 : vector<16xf32> -> vector<16xi32>
          %add3A_70 = arith.constant 32767 : i32
          %add3A_71 = vector.broadcast %add3A_70 : i32 to vector<16xi32>
          %add3A_72 = arith.addi %bitcast_convert_type3A, %add3A_71 : vector<16xi32>
          %shift_right_logical3A = arith.constant 16 : i32
          %shift_right_logical3A_73 = vector.broadcast %shift_right_logical3A : i32 to vector<16xi32>
          %shift_right_logical3A_74 = arith.shrui %bitcast_convert_type3A, %shift_right_logical3A_73 : vector<16xi32>
          %and3A = arith.constant 1 : i32
          %and3A_75 = vector.broadcast %and3A : i32 to vector<16xi32>
          %and3A_76 = arith.andi %shift_right_logical3A_74, %and3A_75 : vector<16xi32>
          %add3A_77 = arith.addi %add3A_72, %and3A_76 : vector<16xi32>
          %and3A_78 = arith.constant -65536 : i32
          %and3A_79 = vector.broadcast %and3A_78 : i32 to vector<16xi32>
          %and3A_80 = arith.andi %add3A_77, %and3A_79 : vector<16xi32>
          %bitcast_convert_type3A_81 = tpu.bitcast %and3A_80 : vector<16xi32> -> vector<16xf32>
          %swap3A = arith.index_cast %scan3A_59 : i32 to index
          %swap3A_82 = arith.constant 0 : index
          %swap3A_83 = tpu.vector_load %arg13[%swap3A, %swap3A_82] {strides = array<i32>} : memref<80x64xf32, #tpu.memory_space<vmem>>, vector<1x16xf32>,
          %swap3A_84 = vector.shape_cast %swap3A_83 : vector<1x16xf32> to vector<16xf32>
          %swap3A_85 = vector.shape_cast %bitcast_convert_type3A_81 : vector<16xf32> to vector<1x16xf32>
          tpu.vector_store %arg13[%swap3A, %swap3A_82], %swap3A_85 {strides = array<i32>} : memref<80x64xf32, #tpu.memory_space<vmem>>, vector<1x16xf32>,
          %get3A_86 = arith.index_cast %scan3A_59 : i32 to index
          %get3A_87 = arith.constant 16 : index
          %get3A_88 = tpu.vector_load %arg13[%get3A_86, %get3A_87] {strides = array<i32>} : memref<80x64xf32, #tpu.memory_space<vmem>>, vector<1x16xf32>,
          %get3A_89 = vector.shape_cast %get3A_88 : vector<1x16xf32> to vector<16xf32>
          %get3A_90 = arith.index_cast %scan3A_59 : i32 to index
          %get3A_91 = arith.constant 16 : index
          %get3A_92 = tpu.vector_load %arg15[%get3A_90, %get3A_91] {strides = array<i32>} : memref<80x64xf32, #tpu.memory_space<vmem>>, vector<1x16xf32>,
          %get3A_93 = vector.shape_cast %get3A_92 : vector<1x16xf32> to vector<16xf32>
          %add3A_94 = arith.addf %get3A_89, %get3A_93 : vector<16xf32>
          %max3A_95 = arith.constant 0.000000e+00 : f32
          %max3A_96 = vector.broadcast %max3A_95 : f32 to vector<16xf32>
          %max3A_97 = arith.maximumf %add3A_94, %max3A_96 : vector<16xf32>
          %bitcast_convert_type3A_98 = tpu.bitcast %max3A_97 : vector<16xf32> -> vector<16xi32>
          %add3A_99 = arith.constant 32767 : i32
          %add3A_100 = vector.broadcast %add3A_99 : i32 to vector<16xi32>
          %add3A_101 = arith.addi %bitcast_convert_type3A_98, %add3A_100 : vector<16xi32>
          %shift_right_logical3A_102 = arith.constant 16 : i32
          %shift_right_logical3A_103 = vector.broadcast %shift_right_logical3A_102 : i32 to vector<16xi32>
          %shift_right_logical3A_104 = arith.shrui %bitcast_convert_type3A_98, %shift_right_logical3A_103 : vector<16xi32>
          %and3A_105 = arith.constant 1 : i32
          %and3A_106 = vector.broadcast %and3A_105 : i32 to vector<16xi32>
          %and3A_107 = arith.andi %shift_right_logical3A_104, %and3A_106 : vector<16xi32>
          %add3A_108 = arith.addi %add3A_101, %and3A_107 : vector<16xi32>
          %and3A_109 = arith.constant -65536 : i32
          %and3A_110 = vector.broadcast %and3A_109 : i32 to vector<16xi32>
          %and3A_111 = arith.andi %add3A_108, %and3A_110 : vector<16xi32>
          %bitcast_convert_type3A_112 = tpu.bitcast %and3A_111 : vector<16xi32> -> vector<16xf32>
          %swap3A_113 = arith.index_cast %scan3A_59 : i32 to index
          %swap3A_114 = arith.constant 16 : index
          %swap3A_115 = tpu.vector_load %arg13[%swap3A_113, %swap3A_114] {strides = array<i32>} : memref<80x64xf32, #tpu.memory_space<vmem>>, vector<1x16xf32>,
          %swap3A_116 = vector.shape_cast %swap3A_115 : vector<1x16xf32> to vector<16xf32>
          %swap3A_117 = vector.shape_cast %bitcast_convert_type3A_112 : vector<16xf32> to vector<1x16xf32>
          tpu.vector_store %arg13[%swap3A_113, %swap3A_114], %swap3A_117 {strides = array<i32>} : memref<80x64xf32, #tpu.memory_space<vmem>>, vector<1x16xf32>,
          %get3A_118 = arith.index_cast %scan3A_59 : i32 to index
          %get3A_119 = arith.constant 32 : index
          %get3A_120 = tpu.vector_load %arg13[%get3A_118, %get3A_119] {strides = array<i32>} : memref<80x64xf32, #tpu.memory_space<vmem>>, vector<1x16xf32>,
          %get3A_121 = vector.shape_cast %get3A_120 : vector<1x16xf32> to vector<16xf32>
          %get3A_122 = arith.index_cast %scan3A_59 : i32 to index
          %get3A_123 = arith.constant 32 : index
          %get3A_124 = tpu.vector_load %arg15[%get3A_122, %get3A_123] {strides = array<i32>} : memref<80x64xf32, #tpu.memory_space<vmem>>, vector<1x16xf32>,
          %get3A_125 = vector.shape_cast %get3A_124 : vector<1x16xf32> to vector<16xf32>
          %add3A_126 = arith.addf %get3A_121, %get3A_125 : vector<16xf32>
          %max3A_127 = arith.constant 0.000000e+00 : f32
          %max3A_128 = vector.broadcast %max3A_127 : f32 to vector<16xf32>
          %max3A_129 = arith.maximumf %add3A_126, %max3A_128 : vector<16xf32>
          %bitcast_convert_type3A_130 = tpu.bitcast %max3A_129 : vector<16xf32> -> vector<16xi32>
          %add3A_131 = arith.constant 32767 : i32
          %add3A_132 = vector.broadcast %add3A_131 : i32 to vector<16xi32>
          %add3A_133 = arith.addi %bitcast_convert_type3A_130, %add3A_132 : vector<16xi32>
          %shift_right_logical3A_134 = arith.constant 16 : i32
          %shift_right_logical3A_135 = vector.broadcast %shift_right_logical3A_134 : i32 to vector<16xi32>
          %shift_right_logical3A_136 = arith.shrui %bitcast_convert_type3A_130, %shift_right_logical3A_135 : vector<16xi32>
          %and3A_137 = arith.constant 1 : i32
          %and3A_138 = vector.broadcast %and3A_137 : i32 to vector<16xi32>
          %and3A_139 = arith.andi %shift_right_logical3A_136, %and3A_138 : vector<16xi32>
          %add3A_140 = arith.addi %add3A_133, %and3A_139 : vector<16xi32>
          %and3A_141 = arith.constant -65536 : i32
          %and3A_142 = vector.broadcast %and3A_141 : i32 to vector<16xi32>
          %and3A_143 = arith.andi %add3A_140, %and3A_142 : vector<16xi32>
          %bitcast_convert_type3A_144 = tpu.bitcast %and3A_143 : vector<16xi32> -> vector<16xf32>
          %swap3A_145 = arith.index_cast %scan3A_59 : i32 to index
          %swap3A_146 = arith.constant 32 : index
          %swap3A_147 = tpu.vector_load %arg13[%swap3A_145, %swap3A_146] {strides = array<i32>} : memref<80x64xf32, #tpu.memory_space<vmem>>, vector<1x16xf32>,
          %swap3A_148 = vector.shape_cast %swap3A_147 : vector<1x16xf32> to vector<16xf32>
          %swap3A_149 = vector.shape_cast %bitcast_convert_type3A_144 : vector<16xf32> to vector<1x16xf32>
          tpu.vector_store %arg13[%swap3A_145, %swap3A_146], %swap3A_149 {strides = array<i32>} : memref<80x64xf32, #tpu.memory_space<vmem>>, vector<1x16xf32>,
          %get3A_150 = arith.index_cast %scan3A_59 : i32 to index
          %get3A_151 = arith.constant 48 : index
          %get3A_152 = tpu.vector_load %arg13[%get3A_150, %get3A_151] {strides = array<i32>} : memref<80x64xf32, #tpu.memory_space<vmem>>, vector<1x16xf32>,
          %get3A_153 = vector.shape_cast %get3A_152 : vector<1x16xf32> to vector<16xf32>
          %get3A_154 = arith.index_cast %scan3A_59 : i32 to index
          %get3A_155 = arith.constant 48 : index
          %get3A_156 = tpu.vector_load %arg15[%get3A_154, %get3A_155] {strides = array<i32>} : memref<80x64xf32, #tpu.memory_space<vmem>>, vector<1x16xf32>,
          %get3A_157 = vector.shape_cast %get3A_156 : vector<1x16xf32> to vector<16xf32>
          %add3A_158 = arith.addf %get3A_153, %get3A_157 : vector<16xf32>
          %max3A_159 = arith.constant 0.000000e+00 : f32
          %max3A_160 = vector.broadcast %max3A_159 : f32 to vector<16xf32>
          %max3A_161 = arith.maximumf %add3A_158, %max3A_160 : vector<16xf32>
          %bitcast_convert_type3A_162 = tpu.bitcast %max3A_161 : vector<16xf32> -> vector<16xi32>
          %add3A_163 = arith.constant 32767 : i32
          %add3A_164 = vector.broadcast %add3A_163 : i32 to vector<16xi32>
          %add3A_165 = arith.addi %bitcast_convert_type3A_162, %add3A_164 : vector<16xi32>
          %shift_right_logical3A_166 = arith.constant 16 : i32
          %shift_right_logical3A_167 = vector.broadcast %shift_right_logical3A_166 : i32 to vector<16xi32>
          %shift_right_logical3A_168 = arith.shrui %bitcast_convert_type3A_162, %shift_right_logical3A_167 : vector<16xi32>
          %and3A_169 = arith.constant 1 : i32
          %and3A_170 = vector.broadcast %and3A_169 : i32 to vector<16xi32>
          %and3A_171 = arith.andi %shift_right_logical3A_168, %and3A_170 : vector<16xi32>
          %add3A_172 = arith.addi %add3A_165, %and3A_171 : vector<16xi32>
          %and3A_173 = arith.constant -65536 : i32
          %and3A_174 = vector.broadcast %and3A_173 : i32 to vector<16xi32>
          %and3A_175 = arith.andi %add3A_172, %and3A_174 : vector<16xi32>
          %bitcast_convert_type3A_176 = tpu.bitcast %and3A_175 : vector<16xi32> -> vector<16xf32>
          %swap3A_177 = arith.index_cast %scan3A_59 : i32 to index
          %swap3A_178 = arith.constant 48 : index
          %swap3A_179 = tpu.vector_load %arg13[%swap3A_177, %swap3A_178] {strides = array<i32>} : memref<80x64xf32, #tpu.memory_space<vmem>>, vector<1x16xf32>,
          %swap3A_180 = vector.shape_cast %swap3A_179 : vector<1x16xf32> to vector<16xf32>
          %swap3A_181 = vector.shape_cast %bitcast_convert_type3A_176 : vector<16xf32> to vector<1x16xf32>
          tpu.vector_store %arg13[%swap3A_177, %swap3A_178], %swap3A_181 {strides = array<i32>} : memref<80x64xf32, #tpu.memory_space<vmem>>, vector<1x16xf32>,
        }
        %scan3A_58 = arith.constant 80 : i32
        "tpu.region"() ({
          %run_scoped3A = tpu.sem_alloc : memref<!tpu.dma_semaphore, #tpu.memory_space<semaphore_mem>>
          %dma_start3A_59 = arith.constant 0 : i32
          %dma_start3A_60 = arith.constant 0 : i32
          %dma_start3A_61 = tpu.memref_slice %arg16[%dma_start3A_59, %dma_start3A_60] : memref<10000x64xf32, #tpu.memory_space<vmem_shared>> -> memref<10000x64xf32, #tpu.memory_space<vmem_shared>>
          tpu.enqueue_indirect_dma source(%arg13 : memref<80x64xf32, #tpu.memory_space<vmem>>) target(%dma_start3A_61 : memref<10000x64xf32, #tpu.memory_space<vmem_shared>>) offsets(%arg11 : memref<80xi32, #tpu.memory_space<vmem>>) semaphore(%run_scoped3A : memref<!tpu.dma_semaphore, #tpu.memory_space<semaphore_mem>>) {add = true}
          %dma_wait3A_62 = arith.constant 0 : i32
          %dma_wait3A_63 = arith.constant 0 : i32
          %dma_wait3A_64 = tpu.memref_slice %arg16[%dma_wait3A_62, %dma_wait3A_63] : memref<10000x64xf32, #tpu.memory_space<vmem_shared>> -> memref<10000x64xf32, #tpu.memory_space<vmem_shared>>
          tpu.wait_indirect_dma semaphore(%run_scoped3A : memref<!tpu.dma_semaphore, #tpu.memory_space<semaphore_mem>>) src(%arg13 : memref<80x64xf32, #tpu.memory_space<vmem>>) dst(%dma_wait3A_64 : memref<10000x64xf32, #tpu.memory_space<vmem_shared>>)
          tpu.yield
        }) : () -> ()
      } else {
      }
    }
    %scan3A_16 = arith.constant 63 : i32
    %barrier3A_17 = arith.constant 0 : index
    tpu.barrier barrier_id(%barrier3A_17)
    %eq3A_18 = arith.constant 0 : i32
    %eq3A_19 = arith.cmpi eq, %arg1, %eq3A_18 : i32
    %convert_element_type3A_20 = arith.extui %eq3A_19 : i1 to i32
    %cond3A_21 = arith.constant 0 : i32
    %cond3A_22 = arith.cmpi ne, %convert_element_type3A_20, %cond3A_21 : i32
    scf.if %cond3A_22 {
      "tpu.region"() ({
        %run_scoped3A = tpu.sem_alloc : memref<!tpu.dma_semaphore, #tpu.memory_space<semaphore_mem>>
        %dma_start3A_23 = arith.constant 0 : i32
        %dma_start3A_24 = arith.constant 0 : i32
        %dma_start3A_25 = tpu.memref_slice %arg7[%arg0, %dma_start3A_23, %dma_start3A_24] : memref<2x10000x64xf32, #tpu.memory_space<hbm>> -> memref<1x10000x64xf32, #tpu.memory_space<hbm>>
        %dma_start3A_26 = tpu.memref_squeeze %dma_start3A_25 : memref<1x10000x64xf32, #tpu.memory_space<hbm>> -> memref<10000x64xf32, #tpu.memory_space<hbm>>
        tpu.enqueue_dma source(%arg16 : memref<10000x64xf32, #tpu.memory_space<vmem_shared>>) target(%dma_start3A_26 : memref<10000x64xf32, #tpu.memory_space<hbm>>) target_semaphore(%run_scoped3A : memref<!tpu.dma_semaphore, #tpu.memory_space<semaphore_mem>>)
        %dma_wait3A = arith.constant 0 : i32
        %dma_wait3A_27 = arith.constant 0 : i32
        %dma_wait3A_28 = tpu.memref_slice %arg7[%arg0, %dma_wait3A, %dma_wait3A_27] : memref<2x10000x64xf32, #tpu.memory_space<hbm>> -> memref<1x10000x64xf32, #tpu.memory_space<hbm>>
        %dma_wait3A_29 = tpu.memref_squeeze %dma_wait3A_28 : memref<1x10000x64xf32, #tpu.memory_space<hbm>> -> memref<10000x64xf32, #tpu.memory_space<hbm>>
        tpu.wait_dma2 semaphore(%run_scoped3A : memref<!tpu.dma_semaphore, #tpu.memory_space<semaphore_mem>>) src(%arg16 : memref<10000x64xf32, #tpu.memory_space<vmem_shared>>) dst(%dma_wait3A_29 : memref<10000x64xf32, #tpu.memory_space<hbm>>)
        tpu.yield
      }) : () -> ()
    } else {
    }
    return
  }
}

#map = affine_map<(d0, d1) -> (0, 0)>
#map1 = affine_map<(d0, d1) -> (0)>
#map2 = affine_map<(d0, d1) -> (0, 0, 0)>
module attributes {stable_mosaic.version = 14 : i64} {
  func.func @sc_edge(%arg0: i32, %arg1: i32, %arg2: memref<10000x64xf32, #tpu.memory_space<hbm>>, %arg3: memref<10000x64xf32, #tpu.memory_space<hbm>>, %arg4: memref<320000xi32, #tpu.memory_space<hbm>>, %arg5: memref<320000xi32, #tpu.memory_space<hbm>>, %arg6: memref<10000x64xf32, #tpu.memory_space<hbm>>, %arg7: memref<2x10000x64xf32, #tpu.memory_space<hbm>>, %arg8: memref<80xi32, #tpu.memory_space<vmem>>, %arg9: memref<80xi32, #tpu.memory_space<vmem>>, %arg10: memref<80xi32, #tpu.memory_space<vmem>>, %arg11: memref<80xi32, #tpu.memory_space<vmem>>, %arg12: memref<80x64xf32, #tpu.memory_space<vmem>>, %arg13: memref<80x64xf32, #tpu.memory_space<vmem>>, %arg14: memref<80x64xf32, #tpu.memory_space<vmem>>, %arg15: memref<80x64xf32, #tpu.memory_space<vmem>>, %arg16: memref<10000x64xf32, #tpu.memory_space<vmem_shared>>, %arg17: memref<!tpu.dma_semaphore, #tpu.memory_space<semaphore_mem>>, %arg18: memref<!tpu.dma_semaphore, #tpu.memory_space<semaphore_mem>>, %arg19: memref<!tpu.dma_semaphore, #tpu.memory_space<semaphore_mem>>, %arg20: memref<!tpu.dma_semaphore, #tpu.memory_space<semaphore_mem>>) attributes {dimension_semantics = [#tpu.dimension_semantics<core_parallel>, #tpu.dimension_semantics<subcore_parallel>], iteration_bounds = array<i64: 2, 16>, scalar_prefetch = 0 : i64, scratch_operands = 13 : i64, tpu.core_type = #tpu.core_type<sc_vector_subcore>, window_params = [{transform_indices = #map}, {transform_indices = #map}, {transform_indices = #map1}, {transform_indices = #map1}, {transform_indices = #map}, {transform_indices = #map2}]} {
    %eq3A = arith.constant 0 : i32
    %eq3A_0 = arith.cmpi eq, %arg1, %eq3A : i32
    %convert_element_type3A = arith.extui %eq3A_0 : i1 to i32
    %cond3A = arith.constant 0 : i32
    %cond3A_1 = arith.cmpi ne, %convert_element_type3A, %cond3A : i32
    scf.if %cond3A_1 {
      "tpu.region"() ({
        %run_scoped3A = tpu.sem_alloc : memref<!tpu.dma_semaphore, #tpu.memory_space<semaphore_mem>>
        tpu.enqueue_dma source(%arg6 : memref<10000x64xf32, #tpu.memory_space<hbm>>) target(%arg16 : memref<10000x64xf32, #tpu.memory_space<vmem_shared>>) target_semaphore(%run_scoped3A : memref<!tpu.dma_semaphore, #tpu.memory_space<semaphore_mem>>)
        tpu.wait_dma2 semaphore(%run_scoped3A : memref<!tpu.dma_semaphore, #tpu.memory_space<semaphore_mem>>) src(%arg6 : memref<10000x64xf32, #tpu.memory_space<hbm>>) dst(%arg16 : memref<10000x64xf32, #tpu.memory_space<vmem_shared>>)
        tpu.yield
      }) : () -> ()
    } else {
    }
    %barrier3A = arith.constant 0 : index
    tpu.barrier barrier_id(%barrier3A)
    %mul3A = arith.constant 16 : i32
    %mul3A_2 = arith.muli %arg0, %mul3A : i32
    %add3A = arith.addi %mul3A_2, %arg1 : i32
    %mul3A_3 = arith.constant 10000 : i32
    %mul3A_4 = arith.muli %add3A, %mul3A_3 : i32
    %add3A_5 = arith.constant 0 : i32
    %add3A_6 = arith.addi %mul3A_4, %add3A_5 : i32
    "tpu.region"() ({
      %run_scoped3A = tpu.sem_alloc : memref<!tpu.dma_semaphore, #tpu.memory_space<semaphore_mem>>
      %dma_start3A_23 = tpu.memref_slice %arg4[%add3A_6] : memref<320000xi32, #tpu.memory_space<hbm>> -> memref<80xi32, #tpu.memory_space<hbm>>
      %dma_start3A_24 = tpu.memref_slice %arg4[%add3A_6] : memref<320000xi32, #tpu.memory_space<hbm>> -> memref<80xi32, #tpu.memory_space<hbm>>
      tpu.enqueue_dma source(%dma_start3A_24 : memref<80xi32, #tpu.memory_space<hbm>>) target(%arg8 : memref<80xi32, #tpu.memory_space<vmem>>) target_semaphore(%run_scoped3A : memref<!tpu.dma_semaphore, #tpu.memory_space<semaphore_mem>>)
      %dma_wait3A = tpu.memref_slice %arg4[%add3A_6] : memref<320000xi32, #tpu.memory_space<hbm>> -> memref<80xi32, #tpu.memory_space<hbm>>
      %dma_wait3A_25 = tpu.memref_slice %arg4[%add3A_6] : memref<320000xi32, #tpu.memory_space<hbm>> -> memref<80xi32, #tpu.memory_space<hbm>>
      tpu.wait_dma2 semaphore(%run_scoped3A : memref<!tpu.dma_semaphore, #tpu.memory_space<semaphore_mem>>) src(%dma_wait3A_25 : memref<80xi32, #tpu.memory_space<hbm>>) dst(%arg8 : memref<80xi32, #tpu.memory_space<vmem>>)
      tpu.yield
    }) : () -> ()
    "tpu.region"() ({
      %run_scoped3A = tpu.sem_alloc : memref<!tpu.dma_semaphore, #tpu.memory_space<semaphore_mem>>
      %dma_start3A_23 = tpu.memref_slice %arg5[%add3A_6] : memref<320000xi32, #tpu.memory_space<hbm>> -> memref<80xi32, #tpu.memory_space<hbm>>
      %dma_start3A_24 = tpu.memref_slice %arg5[%add3A_6] : memref<320000xi32, #tpu.memory_space<hbm>> -> memref<80xi32, #tpu.memory_space<hbm>>
      tpu.enqueue_dma source(%dma_start3A_24 : memref<80xi32, #tpu.memory_space<hbm>>) target(%arg10 : memref<80xi32, #tpu.memory_space<vmem>>) target_semaphore(%run_scoped3A : memref<!tpu.dma_semaphore, #tpu.memory_space<semaphore_mem>>)
      %dma_wait3A = tpu.memref_slice %arg5[%add3A_6] : memref<320000xi32, #tpu.memory_space<hbm>> -> memref<80xi32, #tpu.memory_space<hbm>>
      %dma_wait3A_25 = tpu.memref_slice %arg5[%add3A_6] : memref<320000xi32, #tpu.memory_space<hbm>> -> memref<80xi32, #tpu.memory_space<hbm>>
      tpu.wait_dma2 semaphore(%run_scoped3A : memref<!tpu.dma_semaphore, #tpu.memory_space<semaphore_mem>>) src(%dma_wait3A_25 : memref<80xi32, #tpu.memory_space<hbm>>) dst(%arg10 : memref<80xi32, #tpu.memory_space<vmem>>)
      tpu.yield
    }) : () -> ()
    %dma_start3A = arith.constant 0 : i32
    %dma_start3A_7 = arith.constant 0 : i32
    %dma_start3A_8 = tpu.memref_slice %arg3[%dma_start3A, %dma_start3A_7] : memref<10000x64xf32, #tpu.memory_space<hbm>> -> memref<10000x64xf32, #tpu.memory_space<hbm>>
    tpu.enqueue_indirect_dma source(%dma_start3A_8 : memref<10000x64xf32, #tpu.memory_space<hbm>>) target(%arg14 : memref<80x64xf32, #tpu.memory_space<vmem>>) offsets(%arg8 : memref<80xi32, #tpu.memory_space<vmem>>) semaphore(%arg19 : memref<!tpu.dma_semaphore, #tpu.memory_space<semaphore_mem>>)
    %dma_start3A_9 = arith.constant 0 : i32
    %dma_start3A_10 = arith.constant 0 : i32
    %dma_start3A_11 = tpu.memref_slice %arg2[%dma_start3A_9, %dma_start3A_10] : memref<10000x64xf32, #tpu.memory_space<hbm>> -> memref<10000x64xf32, #tpu.memory_space<hbm>>
    tpu.enqueue_indirect_dma source(%dma_start3A_11 : memref<10000x64xf32, #tpu.memory_space<hbm>>) target(%arg12 : memref<80x64xf32, #tpu.memory_space<vmem>>) offsets(%arg10 : memref<80xi32, #tpu.memory_space<vmem>>) semaphore(%arg17 : memref<!tpu.dma_semaphore, #tpu.memory_space<semaphore_mem>>)
    %scan3A = arith.constant 0 : i32
    %scan3A_12 = arith.constant 0 : i32
    %scan3A_13 = arith.constant 63 : i32
    %scan3A_14 = arith.addi %scan3A_12, %scan3A_13 : i32
    %scan3A_15 = arith.constant 1 : i32
    scf.for %scan3A_23 = %scan3A_12 to %scan3A_14 step %scan3A_15  : i32 {
      %mul3A_24 = arith.constant 2 : i32
      %mul3A_25 = arith.muli %mul3A_24, %scan3A_23 : i32
      %add3A_26 = arith.constant 0 : i32
      %add3A_27 = arith.addi %mul3A_25, %add3A_26 : i32
      %lt3A = arith.constant 125 : i32
      %lt3A_28 = arith.cmpi slt, %add3A_27, %lt3A : i32
      %convert_element_type3A_29 = arith.extui %lt3A_28 : i1 to i32
      %cond3A_30 = arith.constant 0 : i32
      %cond3A_31 = arith.cmpi ne, %convert_element_type3A_29, %cond3A_30 : i32
      scf.if %cond3A_31 {
        %add3A_41 = arith.constant 1 : i32
        %add3A_42 = arith.addi %add3A_27, %add3A_41 : i32
        %lt3A_43 = arith.constant 125 : i32
        %lt3A_44 = arith.cmpi slt, %add3A_42, %lt3A_43 : i32
        %convert_element_type3A_45 = arith.extui %lt3A_44 : i1 to i32
        %cond3A_46 = arith.constant 0 : i32
        %cond3A_47 = arith.cmpi ne, %convert_element_type3A_45, %cond3A_46 : i32
        scf.if %cond3A_47 {
          %add3A_59 = arith.constant 1 : i32
          %add3A_60 = arith.addi %add3A_27, %add3A_59 : i32
          %mul3A_61 = arith.constant 80 : i32
          %mul3A_62 = arith.muli %add3A_60, %mul3A_61 : i32
          %add3A_63 = arith.addi %mul3A_4, %mul3A_62 : i32
          "tpu.region"() ({
            %run_scoped3A = tpu.sem_alloc : memref<!tpu.dma_semaphore, #tpu.memory_space<semaphore_mem>>
            %dma_start3A_70 = tpu.memref_slice %arg4[%add3A_63] : memref<320000xi32, #tpu.memory_space<hbm>> -> memref<80xi32, #tpu.memory_space<hbm>>
            %dma_start3A_71 = tpu.memref_slice %arg4[%add3A_63] : memref<320000xi32, #tpu.memory_space<hbm>> -> memref<80xi32, #tpu.memory_space<hbm>>
            tpu.enqueue_dma source(%dma_start3A_71 : memref<80xi32, #tpu.memory_space<hbm>>) target(%arg9 : memref<80xi32, #tpu.memory_space<vmem>>) target_semaphore(%run_scoped3A : memref<!tpu.dma_semaphore, #tpu.memory_space<semaphore_mem>>)
            %dma_wait3A_72 = tpu.memref_slice %arg4[%add3A_63] : memref<320000xi32, #tpu.memory_space<hbm>> -> memref<80xi32, #tpu.memory_space<hbm>>
            %dma_wait3A_73 = tpu.memref_slice %arg4[%add3A_63] : memref<320000xi32, #tpu.memory_space<hbm>> -> memref<80xi32, #tpu.memory_space<hbm>>
            tpu.wait_dma2 semaphore(%run_scoped3A : memref<!tpu.dma_semaphore, #tpu.memory_space<semaphore_mem>>) src(%dma_wait3A_73 : memref<80xi32, #tpu.memory_space<hbm>>) dst(%arg9 : memref<80xi32, #tpu.memory_space<vmem>>)
            tpu.yield
          }) : () -> ()
          "tpu.region"() ({
            %run_scoped3A = tpu.sem_alloc : memref<!tpu.dma_semaphore, #tpu.memory_space<semaphore_mem>>
            %dma_start3A_70 = tpu.memref_slice %arg5[%add3A_63] : memref<320000xi32, #tpu.memory_space<hbm>> -> memref<80xi32, #tpu.memory_space<hbm>>
            %dma_start3A_71 = tpu.memref_slice %arg5[%add3A_63] : memref<320000xi32, #tpu.memory_space<hbm>> -> memref<80xi32, #tpu.memory_space<hbm>>
            tpu.enqueue_dma source(%dma_start3A_71 : memref<80xi32, #tpu.memory_space<hbm>>) target(%arg11 : memref<80xi32, #tpu.memory_space<vmem>>) target_semaphore(%run_scoped3A : memref<!tpu.dma_semaphore, #tpu.memory_space<semaphore_mem>>)
            %dma_wait3A_72 = tpu.memref_slice %arg5[%add3A_63] : memref<320000xi32, #tpu.memory_space<hbm>> -> memref<80xi32, #tpu.memory_space<hbm>>
            %dma_wait3A_73 = tpu.memref_slice %arg5[%add3A_63] : memref<320000xi32, #tpu.memory_space<hbm>> -> memref<80xi32, #tpu.memory_space<hbm>>
            tpu.wait_dma2 semaphore(%run_scoped3A : memref<!tpu.dma_semaphore, #tpu.memory_space<semaphore_mem>>) src(%dma_wait3A_73 : memref<80xi32, #tpu.memory_space<hbm>>) dst(%arg11 : memref<80xi32, #tpu.memory_space<vmem>>)
            tpu.yield
          }) : () -> ()
          %dma_start3A_64 = arith.constant 0 : i32
          %dma_start3A_65 = arith.constant 0 : i32
          %dma_start3A_66 = tpu.memref_slice %arg3[%dma_start3A_64, %dma_start3A_65] : memref<10000x64xf32, #tpu.memory_space<hbm>> -> memref<10000x64xf32, #tpu.memory_space<hbm>>
          tpu.enqueue_indirect_dma source(%dma_start3A_66 : memref<10000x64xf32, #tpu.memory_space<hbm>>) target(%arg15 : memref<80x64xf32, #tpu.memory_space<vmem>>) offsets(%arg9 : memref<80xi32, #tpu.memory_space<vmem>>) semaphore(%arg20 : memref<!tpu.dma_semaphore, #tpu.memory_space<semaphore_mem>>)
          %dma_start3A_67 = arith.constant 0 : i32
          %dma_start3A_68 = arith.constant 0 : i32
          %dma_start3A_69 = tpu.memref_slice %arg2[%dma_start3A_67, %dma_start3A_68] : memref<10000x64xf32, #tpu.memory_space<hbm>> -> memref<10000x64xf32, #tpu.memory_space<hbm>>
          tpu.enqueue_indirect_dma source(%dma_start3A_69 : memref<10000x64xf32, #tpu.memory_space<hbm>>) target(%arg13 : memref<80x64xf32, #tpu.memory_space<vmem>>) offsets(%arg11 : memref<80xi32, #tpu.memory_space<vmem>>) semaphore(%arg18 : memref<!tpu.dma_semaphore, #tpu.memory_space<semaphore_mem>>)
        } else {
        }
        %dma_wait3A = arith.constant 0 : i32
        %dma_wait3A_48 = arith.constant 0 : i32
        %dma_wait3A_49 = tpu.memref_slice %arg3[%dma_wait3A, %dma_wait3A_48] : memref<10000x64xf32, #tpu.memory_space<hbm>> -> memref<10000x64xf32, #tpu.memory_space<hbm>>
        tpu.wait_indirect_dma semaphore(%arg19 : memref<!tpu.dma_semaphore, #tpu.memory_space<semaphore_mem>>) src(%dma_wait3A_49 : memref<10000x64xf32, #tpu.memory_space<hbm>>) dst(%arg14 : memref<80x64xf32, #tpu.memory_space<vmem>>)
        %dma_wait3A_50 = arith.constant 0 : i32
        %dma_wait3A_51 = arith.constant 0 : i32
        %dma_wait3A_52 = tpu.memref_slice %arg2[%dma_wait3A_50, %dma_wait3A_51] : memref<10000x64xf32, #tpu.memory_space<hbm>> -> memref<10000x64xf32, #tpu.memory_space<hbm>>
        tpu.wait_indirect_dma semaphore(%arg17 : memref<!tpu.dma_semaphore, #tpu.memory_space<semaphore_mem>>) src(%dma_wait3A_52 : memref<10000x64xf32, #tpu.memory_space<hbm>>) dst(%arg12 : memref<80x64xf32, #tpu.memory_space<vmem>>)
        %scan3A_53 = arith.constant 0 : i32
        %scan3A_54 = arith.constant 0 : i32
        %scan3A_55 = arith.constant 80 : i32
        %scan3A_56 = arith.addi %scan3A_54, %scan3A_55 : i32
        %scan3A_57 = arith.constant 1 : i32
        scf.for %scan3A_59 = %scan3A_54 to %scan3A_56 step %scan3A_57  : i32 {
          %get3A = arith.index_cast %scan3A_59 : i32 to index
          %get3A_60 = arith.constant 0 : index
          %get3A_61 = tpu.vector_load %arg12[%get3A, %get3A_60] {strides = array<i32>} : memref<80x64xf32, #tpu.memory_space<vmem>>, vector<1x16xf32>,
          %get3A_62 = vector.shape_cast %get3A_61 : vector<1x16xf32> to vector<16xf32>
          %get3A_63 = arith.index_cast %scan3A_59 : i32 to index
          %get3A_64 = arith.constant 0 : index
          %get3A_65 = tpu.vector_load %arg14[%get3A_63, %get3A_64] {strides = array<i32>} : memref<80x64xf32, #tpu.memory_space<vmem>>, vector<1x16xf32>,
          %get3A_66 = vector.shape_cast %get3A_65 : vector<1x16xf32> to vector<16xf32>
          %add3A_67 = arith.addf %get3A_62, %get3A_66 : vector<16xf32>
          %max3A = arith.constant 0.000000e+00 : f32
          %max3A_68 = vector.broadcast %max3A : f32 to vector<16xf32>
          %max3A_69 = arith.maximumf %add3A_67, %max3A_68 : vector<16xf32>
          %bitcast_convert_type3A = tpu.bitcast %max3A_69 : vector<16xf32> -> vector<16xi32>
          %add3A_70 = arith.constant 32767 : i32
          %add3A_71 = vector.broadcast %add3A_70 : i32 to vector<16xi32>
          %add3A_72 = arith.addi %bitcast_convert_type3A, %add3A_71 : vector<16xi32>
          %shift_right_logical3A = arith.constant 16 : i32
          %shift_right_logical3A_73 = vector.broadcast %shift_right_logical3A : i32 to vector<16xi32>
          %shift_right_logical3A_74 = arith.shrui %bitcast_convert_type3A, %shift_right_logical3A_73 : vector<16xi32>
          %and3A = arith.constant 1 : i32
          %and3A_75 = vector.broadcast %and3A : i32 to vector<16xi32>
          %and3A_76 = arith.andi %shift_right_logical3A_74, %and3A_75 : vector<16xi32>
          %add3A_77 = arith.addi %add3A_72, %and3A_76 : vector<16xi32>
          %and3A_78 = arith.constant -65536 : i32
          %and3A_79 = vector.broadcast %and3A_78 : i32 to vector<16xi32>
          %and3A_80 = arith.andi %add3A_77, %and3A_79 : vector<16xi32>
          %bitcast_convert_type3A_81 = tpu.bitcast %and3A_80 : vector<16xi32> -> vector<16xf32>
          %swap3A = arith.index_cast %scan3A_59 : i32 to index
          %swap3A_82 = arith.constant 0 : index
          %swap3A_83 = tpu.vector_load %arg12[%swap3A, %swap3A_82] {strides = array<i32>} : memref<80x64xf32, #tpu.memory_space<vmem>>, vector<1x16xf32>,
          %swap3A_84 = vector.shape_cast %swap3A_83 : vector<1x16xf32> to vector<16xf32>
          %swap3A_85 = vector.shape_cast %bitcast_convert_type3A_81 : vector<16xf32> to vector<1x16xf32>
          tpu.vector_store %arg12[%swap3A, %swap3A_82], %swap3A_85 {strides = array<i32>} : memref<80x64xf32, #tpu.memory_space<vmem>>, vector<1x16xf32>,
          %get3A_86 = arith.index_cast %scan3A_59 : i32 to index
          %get3A_87 = arith.constant 16 : index
          %get3A_88 = tpu.vector_load %arg12[%get3A_86, %get3A_87] {strides = array<i32>} : memref<80x64xf32, #tpu.memory_space<vmem>>, vector<1x16xf32>,
          %get3A_89 = vector.shape_cast %get3A_88 : vector<1x16xf32> to vector<16xf32>
          %get3A_90 = arith.index_cast %scan3A_59 : i32 to index
          %get3A_91 = arith.constant 16 : index
          %get3A_92 = tpu.vector_load %arg14[%get3A_90, %get3A_91] {strides = array<i32>} : memref<80x64xf32, #tpu.memory_space<vmem>>, vector<1x16xf32>,
          %get3A_93 = vector.shape_cast %get3A_92 : vector<1x16xf32> to vector<16xf32>
          %add3A_94 = arith.addf %get3A_89, %get3A_93 : vector<16xf32>
          %max3A_95 = arith.constant 0.000000e+00 : f32
          %max3A_96 = vector.broadcast %max3A_95 : f32 to vector<16xf32>
          %max3A_97 = arith.maximumf %add3A_94, %max3A_96 : vector<16xf32>
          %bitcast_convert_type3A_98 = tpu.bitcast %max3A_97 : vector<16xf32> -> vector<16xi32>
          %add3A_99 = arith.constant 32767 : i32
          %add3A_100 = vector.broadcast %add3A_99 : i32 to vector<16xi32>
          %add3A_101 = arith.addi %bitcast_convert_type3A_98, %add3A_100 : vector<16xi32>
          %shift_right_logical3A_102 = arith.constant 16 : i32
          %shift_right_logical3A_103 = vector.broadcast %shift_right_logical3A_102 : i32 to vector<16xi32>
          %shift_right_logical3A_104 = arith.shrui %bitcast_convert_type3A_98, %shift_right_logical3A_103 : vector<16xi32>
          %and3A_105 = arith.constant 1 : i32
          %and3A_106 = vector.broadcast %and3A_105 : i32 to vector<16xi32>
          %and3A_107 = arith.andi %shift_right_logical3A_104, %and3A_106 : vector<16xi32>
          %add3A_108 = arith.addi %add3A_101, %and3A_107 : vector<16xi32>
          %and3A_109 = arith.constant -65536 : i32
          %and3A_110 = vector.broadcast %and3A_109 : i32 to vector<16xi32>
          %and3A_111 = arith.andi %add3A_108, %and3A_110 : vector<16xi32>
          %bitcast_convert_type3A_112 = tpu.bitcast %and3A_111 : vector<16xi32> -> vector<16xf32>
          %swap3A_113 = arith.index_cast %scan3A_59 : i32 to index
          %swap3A_114 = arith.constant 16 : index
          %swap3A_115 = tpu.vector_load %arg12[%swap3A_113, %swap3A_114] {strides = array<i32>} : memref<80x64xf32, #tpu.memory_space<vmem>>, vector<1x16xf32>,
          %swap3A_116 = vector.shape_cast %swap3A_115 : vector<1x16xf32> to vector<16xf32>
          %swap3A_117 = vector.shape_cast %bitcast_convert_type3A_112 : vector<16xf32> to vector<1x16xf32>
          tpu.vector_store %arg12[%swap3A_113, %swap3A_114], %swap3A_117 {strides = array<i32>} : memref<80x64xf32, #tpu.memory_space<vmem>>, vector<1x16xf32>,
          %get3A_118 = arith.index_cast %scan3A_59 : i32 to index
          %get3A_119 = arith.constant 32 : index
          %get3A_120 = tpu.vector_load %arg12[%get3A_118, %get3A_119] {strides = array<i32>} : memref<80x64xf32, #tpu.memory_space<vmem>>, vector<1x16xf32>,
          %get3A_121 = vector.shape_cast %get3A_120 : vector<1x16xf32> to vector<16xf32>
          %get3A_122 = arith.index_cast %scan3A_59 : i32 to index
          %get3A_123 = arith.constant 32 : index
          %get3A_124 = tpu.vector_load %arg14[%get3A_122, %get3A_123] {strides = array<i32>} : memref<80x64xf32, #tpu.memory_space<vmem>>, vector<1x16xf32>,
          %get3A_125 = vector.shape_cast %get3A_124 : vector<1x16xf32> to vector<16xf32>
          %add3A_126 = arith.addf %get3A_121, %get3A_125 : vector<16xf32>
          %max3A_127 = arith.constant 0.000000e+00 : f32
          %max3A_128 = vector.broadcast %max3A_127 : f32 to vector<16xf32>
          %max3A_129 = arith.maximumf %add3A_126, %max3A_128 : vector<16xf32>
          %bitcast_convert_type3A_130 = tpu.bitcast %max3A_129 : vector<16xf32> -> vector<16xi32>
          %add3A_131 = arith.constant 32767 : i32
          %add3A_132 = vector.broadcast %add3A_131 : i32 to vector<16xi32>
          %add3A_133 = arith.addi %bitcast_convert_type3A_130, %add3A_132 : vector<16xi32>
          %shift_right_logical3A_134 = arith.constant 16 : i32
          %shift_right_logical3A_135 = vector.broadcast %shift_right_logical3A_134 : i32 to vector<16xi32>
          %shift_right_logical3A_136 = arith.shrui %bitcast_convert_type3A_130, %shift_right_logical3A_135 : vector<16xi32>
          %and3A_137 = arith.constant 1 : i32
          %and3A_138 = vector.broadcast %and3A_137 : i32 to vector<16xi32>
          %and3A_139 = arith.andi %shift_right_logical3A_136, %and3A_138 : vector<16xi32>
          %add3A_140 = arith.addi %add3A_133, %and3A_139 : vector<16xi32>
          %and3A_141 = arith.constant -65536 : i32
          %and3A_142 = vector.broadcast %and3A_141 : i32 to vector<16xi32>
          %and3A_143 = arith.andi %add3A_140, %and3A_142 : vector<16xi32>
          %bitcast_convert_type3A_144 = tpu.bitcast %and3A_143 : vector<16xi32> -> vector<16xf32>
          %swap3A_145 = arith.index_cast %scan3A_59 : i32 to index
          %swap3A_146 = arith.constant 32 : index
          %swap3A_147 = tpu.vector_load %arg12[%swap3A_145, %swap3A_146] {strides = array<i32>} : memref<80x64xf32, #tpu.memory_space<vmem>>, vector<1x16xf32>,
          %swap3A_148 = vector.shape_cast %swap3A_147 : vector<1x16xf32> to vector<16xf32>
          %swap3A_149 = vector.shape_cast %bitcast_convert_type3A_144 : vector<16xf32> to vector<1x16xf32>
          tpu.vector_store %arg12[%swap3A_145, %swap3A_146], %swap3A_149 {strides = array<i32>} : memref<80x64xf32, #tpu.memory_space<vmem>>, vector<1x16xf32>,
          %get3A_150 = arith.index_cast %scan3A_59 : i32 to index
          %get3A_151 = arith.constant 48 : index
          %get3A_152 = tpu.vector_load %arg12[%get3A_150, %get3A_151] {strides = array<i32>} : memref<80x64xf32, #tpu.memory_space<vmem>>, vector<1x16xf32>,
          %get3A_153 = vector.shape_cast %get3A_152 : vector<1x16xf32> to vector<16xf32>
          %get3A_154 = arith.index_cast %scan3A_59 : i32 to index
          %get3A_155 = arith.constant 48 : index
          %get3A_156 = tpu.vector_load %arg14[%get3A_154, %get3A_155] {strides = array<i32>} : memref<80x64xf32, #tpu.memory_space<vmem>>, vector<1x16xf32>,
          %get3A_157 = vector.shape_cast %get3A_156 : vector<1x16xf32> to vector<16xf32>
          %add3A_158 = arith.addf %get3A_153, %get3A_157 : vector<16xf32>
          %max3A_159 = arith.constant 0.000000e+00 : f32
          %max3A_160 = vector.broadcast %max3A_159 : f32 to vector<16xf32>
          %max3A_161 = arith.maximumf %add3A_158, %max3A_160 : vector<16xf32>
          %bitcast_convert_type3A_162 = tpu.bitcast %max3A_161 : vector<16xf32> -> vector<16xi32>
          %add3A_163 = arith.constant 32767 : i32
          %add3A_164 = vector.broadcast %add3A_163 : i32 to vector<16xi32>
          %add3A_165 = arith.addi %bitcast_convert_type3A_162, %add3A_164 : vector<16xi32>
          %shift_right_logical3A_166 = arith.constant 16 : i32
          %shift_right_logical3A_167 = vector.broadcast %shift_right_logical3A_166 : i32 to vector<16xi32>
          %shift_right_logical3A_168 = arith.shrui %bitcast_convert_type3A_162, %shift_right_logical3A_167 : vector<16xi32>
          %and3A_169 = arith.constant 1 : i32
          %and3A_170 = vector.broadcast %and3A_169 : i32 to vector<16xi32>
          %and3A_171 = arith.andi %shift_right_logical3A_168, %and3A_170 : vector<16xi32>
          %add3A_172 = arith.addi %add3A_165, %and3A_171 : vector<16xi32>
          %and3A_173 = arith.constant -65536 : i32
          %and3A_174 = vector.broadcast %and3A_173 : i32 to vector<16xi32>
          %and3A_175 = arith.andi %add3A_172, %and3A_174 : vector<16xi32>
          %bitcast_convert_type3A_176 = tpu.bitcast %and3A_175 : vector<16xi32> -> vector<16xf32>
          %swap3A_177 = arith.index_cast %scan3A_59 : i32 to index
          %swap3A_178 = arith.constant 48 : index
          %swap3A_179 = tpu.vector_load %arg12[%swap3A_177, %swap3A_178] {strides = array<i32>} : memref<80x64xf32, #tpu.memory_space<vmem>>, vector<1x16xf32>,
          %swap3A_180 = vector.shape_cast %swap3A_179 : vector<1x16xf32> to vector<16xf32>
          %swap3A_181 = vector.shape_cast %bitcast_convert_type3A_176 : vector<16xf32> to vector<1x16xf32>
          tpu.vector_store %arg12[%swap3A_177, %swap3A_178], %swap3A_181 {strides = array<i32>} : memref<80x64xf32, #tpu.memory_space<vmem>>, vector<1x16xf32>,
        }
        %scan3A_58 = arith.constant 80 : i32
        "tpu.region"() ({
          %run_scoped3A = tpu.sem_alloc : memref<!tpu.dma_semaphore, #tpu.memory_space<semaphore_mem>>
          %dma_start3A_59 = arith.constant 0 : i32
          %dma_start3A_60 = arith.constant 0 : i32
          %dma_start3A_61 = tpu.memref_slice %arg16[%dma_start3A_59, %dma_start3A_60] : memref<10000x64xf32, #tpu.memory_space<vmem_shared>> -> memref<10000x64xf32, #tpu.memory_space<vmem_shared>>
          tpu.enqueue_indirect_dma source(%arg12 : memref<80x64xf32, #tpu.memory_space<vmem>>) target(%dma_start3A_61 : memref<10000x64xf32, #tpu.memory_space<vmem_shared>>) offsets(%arg10 : memref<80xi32, #tpu.memory_space<vmem>>) semaphore(%run_scoped3A : memref<!tpu.dma_semaphore, #tpu.memory_space<semaphore_mem>>) {add = true}
          %dma_wait3A_62 = arith.constant 0 : i32
          %dma_wait3A_63 = arith.constant 0 : i32
          %dma_wait3A_64 = tpu.memref_slice %arg16[%dma_wait3A_62, %dma_wait3A_63] : memref<10000x64xf32, #tpu.memory_space<vmem_shared>> -> memref<10000x64xf32, #tpu.memory_space<vmem_shared>>
          tpu.wait_indirect_dma semaphore(%run_scoped3A : memref<!tpu.dma_semaphore, #tpu.memory_space<semaphore_mem>>) src(%arg12 : memref<80x64xf32, #tpu.memory_space<vmem>>) dst(%dma_wait3A_64 : memref<10000x64xf32, #tpu.memory_space<vmem_shared>>)
          tpu.yield
        }) : () -> ()
      } else {
      }
      %mul3A_32 = arith.constant 2 : i32
      %mul3A_33 = arith.muli %mul3A_32, %scan3A_23 : i32
      %add3A_34 = arith.constant 1 : i32
      %add3A_35 = arith.addi %mul3A_33, %add3A_34 : i32
      %lt3A_36 = arith.constant 125 : i32
      %lt3A_37 = arith.cmpi slt, %add3A_35, %lt3A_36 : i32
      %convert_element_type3A_38 = arith.extui %lt3A_37 : i1 to i32
      %cond3A_39 = arith.constant 0 : i32
      %cond3A_40 = arith.cmpi ne, %convert_element_type3A_38, %cond3A_39 : i32
      scf.if %cond3A_40 {
        %add3A_41 = arith.constant 1 : i32
        %add3A_42 = arith.addi %add3A_35, %add3A_41 : i32
        %lt3A_43 = arith.constant 125 : i32
        %lt3A_44 = arith.cmpi slt, %add3A_42, %lt3A_43 : i32
        %convert_element_type3A_45 = arith.extui %lt3A_44 : i1 to i32
        %cond3A_46 = arith.constant 0 : i32
        %cond3A_47 = arith.cmpi ne, %convert_element_type3A_45, %cond3A_46 : i32
        scf.if %cond3A_47 {
          %add3A_59 = arith.constant 1 : i32
          %add3A_60 = arith.addi %add3A_35, %add3A_59 : i32
          %mul3A_61 = arith.constant 80 : i32
          %mul3A_62 = arith.muli %add3A_60, %mul3A_61 : i32
          %add3A_63 = arith.addi %mul3A_4, %mul3A_62 : i32
          "tpu.region"() ({
            %run_scoped3A = tpu.sem_alloc : memref<!tpu.dma_semaphore, #tpu.memory_space<semaphore_mem>>
            %dma_start3A_70 = tpu.memref_slice %arg4[%add3A_63] : memref<320000xi32, #tpu.memory_space<hbm>> -> memref<80xi32, #tpu.memory_space<hbm>>
            %dma_start3A_71 = tpu.memref_slice %arg4[%add3A_63] : memref<320000xi32, #tpu.memory_space<hbm>> -> memref<80xi32, #tpu.memory_space<hbm>>
            tpu.enqueue_dma source(%dma_start3A_71 : memref<80xi32, #tpu.memory_space<hbm>>) target(%arg8 : memref<80xi32, #tpu.memory_space<vmem>>) target_semaphore(%run_scoped3A : memref<!tpu.dma_semaphore, #tpu.memory_space<semaphore_mem>>)
            %dma_wait3A_72 = tpu.memref_slice %arg4[%add3A_63] : memref<320000xi32, #tpu.memory_space<hbm>> -> memref<80xi32, #tpu.memory_space<hbm>>
            %dma_wait3A_73 = tpu.memref_slice %arg4[%add3A_63] : memref<320000xi32, #tpu.memory_space<hbm>> -> memref<80xi32, #tpu.memory_space<hbm>>
            tpu.wait_dma2 semaphore(%run_scoped3A : memref<!tpu.dma_semaphore, #tpu.memory_space<semaphore_mem>>) src(%dma_wait3A_73 : memref<80xi32, #tpu.memory_space<hbm>>) dst(%arg8 : memref<80xi32, #tpu.memory_space<vmem>>)
            tpu.yield
          }) : () -> ()
          "tpu.region"() ({
            %run_scoped3A = tpu.sem_alloc : memref<!tpu.dma_semaphore, #tpu.memory_space<semaphore_mem>>
            %dma_start3A_70 = tpu.memref_slice %arg5[%add3A_63] : memref<320000xi32, #tpu.memory_space<hbm>> -> memref<80xi32, #tpu.memory_space<hbm>>
            %dma_start3A_71 = tpu.memref_slice %arg5[%add3A_63] : memref<320000xi32, #tpu.memory_space<hbm>> -> memref<80xi32, #tpu.memory_space<hbm>>
            tpu.enqueue_dma source(%dma_start3A_71 : memref<80xi32, #tpu.memory_space<hbm>>) target(%arg10 : memref<80xi32, #tpu.memory_space<vmem>>) target_semaphore(%run_scoped3A : memref<!tpu.dma_semaphore, #tpu.memory_space<semaphore_mem>>)
            %dma_wait3A_72 = tpu.memref_slice %arg5[%add3A_63] : memref<320000xi32, #tpu.memory_space<hbm>> -> memref<80xi32, #tpu.memory_space<hbm>>
            %dma_wait3A_73 = tpu.memref_slice %arg5[%add3A_63] : memref<320000xi32, #tpu.memory_space<hbm>> -> memref<80xi32, #tpu.memory_space<hbm>>
            tpu.wait_dma2 semaphore(%run_scoped3A : memref<!tpu.dma_semaphore, #tpu.memory_space<semaphore_mem>>) src(%dma_wait3A_73 : memref<80xi32, #tpu.memory_space<hbm>>) dst(%arg10 : memref<80xi32, #tpu.memory_space<vmem>>)
            tpu.yield
          }) : () -> ()
          %dma_start3A_64 = arith.constant 0 : i32
          %dma_start3A_65 = arith.constant 0 : i32
          %dma_start3A_66 = tpu.memref_slice %arg3[%dma_start3A_64, %dma_start3A_65] : memref<10000x64xf32, #tpu.memory_space<hbm>> -> memref<10000x64xf32, #tpu.memory_space<hbm>>
          tpu.enqueue_indirect_dma source(%dma_start3A_66 : memref<10000x64xf32, #tpu.memory_space<hbm>>) target(%arg14 : memref<80x64xf32, #tpu.memory_space<vmem>>) offsets(%arg8 : memref<80xi32, #tpu.memory_space<vmem>>) semaphore(%arg19 : memref<!tpu.dma_semaphore, #tpu.memory_space<semaphore_mem>>)
          %dma_start3A_67 = arith.constant 0 : i32
          %dma_start3A_68 = arith.constant 0 : i32
          %dma_start3A_69 = tpu.memref_slice %arg2[%dma_start3A_67, %dma_start3A_68] : memref<10000x64xf32, #tpu.memory_space<hbm>> -> memref<10000x64xf32, #tpu.memory_space<hbm>>
          tpu.enqueue_indirect_dma source(%dma_start3A_69 : memref<10000x64xf32, #tpu.memory_space<hbm>>) target(%arg12 : memref<80x64xf32, #tpu.memory_space<vmem>>) offsets(%arg10 : memref<80xi32, #tpu.memory_space<vmem>>) semaphore(%arg17 : memref<!tpu.dma_semaphore, #tpu.memory_space<semaphore_mem>>)
        } else {
        }
        %dma_wait3A = arith.constant 0 : i32
        %dma_wait3A_48 = arith.constant 0 : i32
        %dma_wait3A_49 = tpu.memref_slice %arg3[%dma_wait3A, %dma_wait3A_48] : memref<10000x64xf32, #tpu.memory_space<hbm>> -> memref<10000x64xf32, #tpu.memory_space<hbm>>
        tpu.wait_indirect_dma semaphore(%arg20 : memref<!tpu.dma_semaphore, #tpu.memory_space<semaphore_mem>>) src(%dma_wait3A_49 : memref<10000x64xf32, #tpu.memory_space<hbm>>) dst(%arg15 : memref<80x64xf32, #tpu.memory_space<vmem>>)
        %dma_wait3A_50 = arith.constant 0 : i32
        %dma_wait3A_51 = arith.constant 0 : i32
        %dma_wait3A_52 = tpu.memref_slice %arg2[%dma_wait3A_50, %dma_wait3A_51] : memref<10000x64xf32, #tpu.memory_space<hbm>> -> memref<10000x64xf32, #tpu.memory_space<hbm>>
        tpu.wait_indirect_dma semaphore(%arg18 : memref<!tpu.dma_semaphore, #tpu.memory_space<semaphore_mem>>) src(%dma_wait3A_52 : memref<10000x64xf32, #tpu.memory_space<hbm>>) dst(%arg13 : memref<80x64xf32, #tpu.memory_space<vmem>>)
        %scan3A_53 = arith.constant 0 : i32
        %scan3A_54 = arith.constant 0 : i32
        %scan3A_55 = arith.constant 80 : i32
        %scan3A_56 = arith.addi %scan3A_54, %scan3A_55 : i32
        %scan3A_57 = arith.constant 1 : i32
        scf.for %scan3A_59 = %scan3A_54 to %scan3A_56 step %scan3A_57  : i32 {
          %get3A = arith.index_cast %scan3A_59 : i32 to index
          %get3A_60 = arith.constant 0 : index
          %get3A_61 = tpu.vector_load %arg13[%get3A, %get3A_60] {strides = array<i32>} : memref<80x64xf32, #tpu.memory_space<vmem>>, vector<1x16xf32>,
          %get3A_62 = vector.shape_cast %get3A_61 : vector<1x16xf32> to vector<16xf32>
          %get3A_63 = arith.index_cast %scan3A_59 : i32 to index
          %get3A_64 = arith.constant 0 : index
          %get3A_65 = tpu.vector_load %arg15[%get3A_63, %get3A_64] {strides = array<i32>} : memref<80x64xf32, #tpu.memory_space<vmem>>, vector<1x16xf32>,
          %get3A_66 = vector.shape_cast %get3A_65 : vector<1x16xf32> to vector<16xf32>
          %add3A_67 = arith.addf %get3A_62, %get3A_66 : vector<16xf32>
          %max3A = arith.constant 0.000000e+00 : f32
          %max3A_68 = vector.broadcast %max3A : f32 to vector<16xf32>
          %max3A_69 = arith.maximumf %add3A_67, %max3A_68 : vector<16xf32>
          %bitcast_convert_type3A = tpu.bitcast %max3A_69 : vector<16xf32> -> vector<16xi32>
          %add3A_70 = arith.constant 32767 : i32
          %add3A_71 = vector.broadcast %add3A_70 : i32 to vector<16xi32>
          %add3A_72 = arith.addi %bitcast_convert_type3A, %add3A_71 : vector<16xi32>
          %shift_right_logical3A = arith.constant 16 : i32
          %shift_right_logical3A_73 = vector.broadcast %shift_right_logical3A : i32 to vector<16xi32>
          %shift_right_logical3A_74 = arith.shrui %bitcast_convert_type3A, %shift_right_logical3A_73 : vector<16xi32>
          %and3A = arith.constant 1 : i32
          %and3A_75 = vector.broadcast %and3A : i32 to vector<16xi32>
          %and3A_76 = arith.andi %shift_right_logical3A_74, %and3A_75 : vector<16xi32>
          %add3A_77 = arith.addi %add3A_72, %and3A_76 : vector<16xi32>
          %and3A_78 = arith.constant -65536 : i32
          %and3A_79 = vector.broadcast %and3A_78 : i32 to vector<16xi32>
          %and3A_80 = arith.andi %add3A_77, %and3A_79 : vector<16xi32>
          %bitcast_convert_type3A_81 = tpu.bitcast %and3A_80 : vector<16xi32> -> vector<16xf32>
          %swap3A = arith.index_cast %scan3A_59 : i32 to index
          %swap3A_82 = arith.constant 0 : index
          %swap3A_83 = tpu.vector_load %arg13[%swap3A, %swap3A_82] {strides = array<i32>} : memref<80x64xf32, #tpu.memory_space<vmem>>, vector<1x16xf32>,
          %swap3A_84 = vector.shape_cast %swap3A_83 : vector<1x16xf32> to vector<16xf32>
          %swap3A_85 = vector.shape_cast %bitcast_convert_type3A_81 : vector<16xf32> to vector<1x16xf32>
          tpu.vector_store %arg13[%swap3A, %swap3A_82], %swap3A_85 {strides = array<i32>} : memref<80x64xf32, #tpu.memory_space<vmem>>, vector<1x16xf32>,
          %get3A_86 = arith.index_cast %scan3A_59 : i32 to index
          %get3A_87 = arith.constant 16 : index
          %get3A_88 = tpu.vector_load %arg13[%get3A_86, %get3A_87] {strides = array<i32>} : memref<80x64xf32, #tpu.memory_space<vmem>>, vector<1x16xf32>,
          %get3A_89 = vector.shape_cast %get3A_88 : vector<1x16xf32> to vector<16xf32>
          %get3A_90 = arith.index_cast %scan3A_59 : i32 to index
          %get3A_91 = arith.constant 16 : index
          %get3A_92 = tpu.vector_load %arg15[%get3A_90, %get3A_91] {strides = array<i32>} : memref<80x64xf32, #tpu.memory_space<vmem>>, vector<1x16xf32>,
          %get3A_93 = vector.shape_cast %get3A_92 : vector<1x16xf32> to vector<16xf32>
          %add3A_94 = arith.addf %get3A_89, %get3A_93 : vector<16xf32>
          %max3A_95 = arith.constant 0.000000e+00 : f32
          %max3A_96 = vector.broadcast %max3A_95 : f32 to vector<16xf32>
          %max3A_97 = arith.maximumf %add3A_94, %max3A_96 : vector<16xf32>
          %bitcast_convert_type3A_98 = tpu.bitcast %max3A_97 : vector<16xf32> -> vector<16xi32>
          %add3A_99 = arith.constant 32767 : i32
          %add3A_100 = vector.broadcast %add3A_99 : i32 to vector<16xi32>
          %add3A_101 = arith.addi %bitcast_convert_type3A_98, %add3A_100 : vector<16xi32>
          %shift_right_logical3A_102 = arith.constant 16 : i32
          %shift_right_logical3A_103 = vector.broadcast %shift_right_logical3A_102 : i32 to vector<16xi32>
          %shift_right_logical3A_104 = arith.shrui %bitcast_convert_type3A_98, %shift_right_logical3A_103 : vector<16xi32>
          %and3A_105 = arith.constant 1 : i32
          %and3A_106 = vector.broadcast %and3A_105 : i32 to vector<16xi32>
          %and3A_107 = arith.andi %shift_right_logical3A_104, %and3A_106 : vector<16xi32>
          %add3A_108 = arith.addi %add3A_101, %and3A_107 : vector<16xi32>
          %and3A_109 = arith.constant -65536 : i32
          %and3A_110 = vector.broadcast %and3A_109 : i32 to vector<16xi32>
          %and3A_111 = arith.andi %add3A_108, %and3A_110 : vector<16xi32>
          %bitcast_convert_type3A_112 = tpu.bitcast %and3A_111 : vector<16xi32> -> vector<16xf32>
          %swap3A_113 = arith.index_cast %scan3A_59 : i32 to index
          %swap3A_114 = arith.constant 16 : index
          %swap3A_115 = tpu.vector_load %arg13[%swap3A_113, %swap3A_114] {strides = array<i32>} : memref<80x64xf32, #tpu.memory_space<vmem>>, vector<1x16xf32>,
          %swap3A_116 = vector.shape_cast %swap3A_115 : vector<1x16xf32> to vector<16xf32>
          %swap3A_117 = vector.shape_cast %bitcast_convert_type3A_112 : vector<16xf32> to vector<1x16xf32>
          tpu.vector_store %arg13[%swap3A_113, %swap3A_114], %swap3A_117 {strides = array<i32>} : memref<80x64xf32, #tpu.memory_space<vmem>>, vector<1x16xf32>,
          %get3A_118 = arith.index_cast %scan3A_59 : i32 to index
          %get3A_119 = arith.constant 32 : index
          %get3A_120 = tpu.vector_load %arg13[%get3A_118, %get3A_119] {strides = array<i32>} : memref<80x64xf32, #tpu.memory_space<vmem>>, vector<1x16xf32>,
          %get3A_121 = vector.shape_cast %get3A_120 : vector<1x16xf32> to vector<16xf32>
          %get3A_122 = arith.index_cast %scan3A_59 : i32 to index
          %get3A_123 = arith.constant 32 : index
          %get3A_124 = tpu.vector_load %arg15[%get3A_122, %get3A_123] {strides = array<i32>} : memref<80x64xf32, #tpu.memory_space<vmem>>, vector<1x16xf32>,
          %get3A_125 = vector.shape_cast %get3A_124 : vector<1x16xf32> to vector<16xf32>
          %add3A_126 = arith.addf %get3A_121, %get3A_125 : vector<16xf32>
          %max3A_127 = arith.constant 0.000000e+00 : f32
          %max3A_128 = vector.broadcast %max3A_127 : f32 to vector<16xf32>
          %max3A_129 = arith.maximumf %add3A_126, %max3A_128 : vector<16xf32>
          %bitcast_convert_type3A_130 = tpu.bitcast %max3A_129 : vector<16xf32> -> vector<16xi32>
          %add3A_131 = arith.constant 32767 : i32
          %add3A_132 = vector.broadcast %add3A_131 : i32 to vector<16xi32>
          %add3A_133 = arith.addi %bitcast_convert_type3A_130, %add3A_132 : vector<16xi32>
          %shift_right_logical3A_134 = arith.constant 16 : i32
          %shift_right_logical3A_135 = vector.broadcast %shift_right_logical3A_134 : i32 to vector<16xi32>
          %shift_right_logical3A_136 = arith.shrui %bitcast_convert_type3A_130, %shift_right_logical3A_135 : vector<16xi32>
          %and3A_137 = arith.constant 1 : i32
          %and3A_138 = vector.broadcast %and3A_137 : i32 to vector<16xi32>
          %and3A_139 = arith.andi %shift_right_logical3A_136, %and3A_138 : vector<16xi32>
          %add3A_140 = arith.addi %add3A_133, %and3A_139 : vector<16xi32>
          %and3A_141 = arith.constant -65536 : i32
          %and3A_142 = vector.broadcast %and3A_141 : i32 to vector<16xi32>
          %and3A_143 = arith.andi %add3A_140, %and3A_142 : vector<16xi32>
          %bitcast_convert_type3A_144 = tpu.bitcast %and3A_143 : vector<16xi32> -> vector<16xf32>
          %swap3A_145 = arith.index_cast %scan3A_59 : i32 to index
          %swap3A_146 = arith.constant 32 : index
          %swap3A_147 = tpu.vector_load %arg13[%swap3A_145, %swap3A_146] {strides = array<i32>} : memref<80x64xf32, #tpu.memory_space<vmem>>, vector<1x16xf32>,
          %swap3A_148 = vector.shape_cast %swap3A_147 : vector<1x16xf32> to vector<16xf32>
          %swap3A_149 = vector.shape_cast %bitcast_convert_type3A_144 : vector<16xf32> to vector<1x16xf32>
          tpu.vector_store %arg13[%swap3A_145, %swap3A_146], %swap3A_149 {strides = array<i32>} : memref<80x64xf32, #tpu.memory_space<vmem>>, vector<1x16xf32>,
          %get3A_150 = arith.index_cast %scan3A_59 : i32 to index
          %get3A_151 = arith.constant 48 : index
          %get3A_152 = tpu.vector_load %arg13[%get3A_150, %get3A_151] {strides = array<i32>} : memref<80x64xf32, #tpu.memory_space<vmem>>, vector<1x16xf32>,
          %get3A_153 = vector.shape_cast %get3A_152 : vector<1x16xf32> to vector<16xf32>
          %get3A_154 = arith.index_cast %scan3A_59 : i32 to index
          %get3A_155 = arith.constant 48 : index
          %get3A_156 = tpu.vector_load %arg15[%get3A_154, %get3A_155] {strides = array<i32>} : memref<80x64xf32, #tpu.memory_space<vmem>>, vector<1x16xf32>,
          %get3A_157 = vector.shape_cast %get3A_156 : vector<1x16xf32> to vector<16xf32>
          %add3A_158 = arith.addf %get3A_153, %get3A_157 : vector<16xf32>
          %max3A_159 = arith.constant 0.000000e+00 : f32
          %max3A_160 = vector.broadcast %max3A_159 : f32 to vector<16xf32>
          %max3A_161 = arith.maximumf %add3A_158, %max3A_160 : vector<16xf32>
          %bitcast_convert_type3A_162 = tpu.bitcast %max3A_161 : vector<16xf32> -> vector<16xi32>
          %add3A_163 = arith.constant 32767 : i32
          %add3A_164 = vector.broadcast %add3A_163 : i32 to vector<16xi32>
          %add3A_165 = arith.addi %bitcast_convert_type3A_162, %add3A_164 : vector<16xi32>
          %shift_right_logical3A_166 = arith.constant 16 : i32
          %shift_right_logical3A_167 = vector.broadcast %shift_right_logical3A_166 : i32 to vector<16xi32>
          %shift_right_logical3A_168 = arith.shrui %bitcast_convert_type3A_162, %shift_right_logical3A_167 : vector<16xi32>
          %and3A_169 = arith.constant 1 : i32
          %and3A_170 = vector.broadcast %and3A_169 : i32 to vector<16xi32>
          %and3A_171 = arith.andi %shift_right_logical3A_168, %and3A_170 : vector<16xi32>
          %add3A_172 = arith.addi %add3A_165, %and3A_171 : vector<16xi32>
          %and3A_173 = arith.constant -65536 : i32
          %and3A_174 = vector.broadcast %and3A_173 : i32 to vector<16xi32>
          %and3A_175 = arith.andi %add3A_172, %and3A_174 : vector<16xi32>
          %bitcast_convert_type3A_176 = tpu.bitcast %and3A_175 : vector<16xi32> -> vector<16xf32>
          %swap3A_177 = arith.index_cast %scan3A_59 : i32 to index
          %swap3A_178 = arith.constant 48 : index
          %swap3A_179 = tpu.vector_load %arg13[%swap3A_177, %swap3A_178] {strides = array<i32>} : memref<80x64xf32, #tpu.memory_space<vmem>>, vector<1x16xf32>,
          %swap3A_180 = vector.shape_cast %swap3A_179 : vector<1x16xf32> to vector<16xf32>
          %swap3A_181 = vector.shape_cast %bitcast_convert_type3A_176 : vector<16xf32> to vector<1x16xf32>
          tpu.vector_store %arg13[%swap3A_177, %swap3A_178], %swap3A_181 {strides = array<i32>} : memref<80x64xf32, #tpu.memory_space<vmem>>, vector<1x16xf32>,
        }
        %scan3A_58 = arith.constant 80 : i32
        "tpu.region"() ({
          %run_scoped3A = tpu.sem_alloc : memref<!tpu.dma_semaphore, #tpu.memory_space<semaphore_mem>>
          %dma_start3A_59 = arith.constant 0 : i32
          %dma_start3A_60 = arith.constant 0 : i32
          %dma_start3A_61 = tpu.memref_slice %arg16[%dma_start3A_59, %dma_start3A_60] : memref<10000x64xf32, #tpu.memory_space<vmem_shared>> -> memref<10000x64xf32, #tpu.memory_space<vmem_shared>>
          tpu.enqueue_indirect_dma source(%arg13 : memref<80x64xf32, #tpu.memory_space<vmem>>) target(%dma_start3A_61 : memref<10000x64xf32, #tpu.memory_space<vmem_shared>>) offsets(%arg11 : memref<80xi32, #tpu.memory_space<vmem>>) semaphore(%run_scoped3A : memref<!tpu.dma_semaphore, #tpu.memory_space<semaphore_mem>>) {add = true}
          %dma_wait3A_62 = arith.constant 0 : i32
          %dma_wait3A_63 = arith.constant 0 : i32
          %dma_wait3A_64 = tpu.memref_slice %arg16[%dma_wait3A_62, %dma_wait3A_63] : memref<10000x64xf32, #tpu.memory_space<vmem_shared>> -> memref<10000x64xf32, #tpu.memory_space<vmem_shared>>
          tpu.wait_indirect_dma semaphore(%run_scoped3A : memref<!tpu.dma_semaphore, #tpu.memory_space<semaphore_mem>>) src(%arg13 : memref<80x64xf32, #tpu.memory_space<vmem>>) dst(%dma_wait3A_64 : memref<10000x64xf32, #tpu.memory_space<vmem_shared>>)
          tpu.yield
        }) : () -> ()
      } else {
      }
    }
    %scan3A_16 = arith.constant 63 : i32
    %barrier3A_17 = arith.constant 0 : index
    tpu.barrier barrier_id(%barrier3A_17)
    %eq3A_18 = arith.constant 0 : i32
    %eq3A_19 = arith.cmpi eq, %arg1, %eq3A_18 : i32
    %convert_element_type3A_20 = arith.extui %eq3A_19 : i1 to i32
    %cond3A_21 = arith.constant 0 : i32
    %cond3A_22 = arith.cmpi ne, %convert_element_type3A_20, %cond3A_21 : i32
    scf.if %cond3A_22 {
      "tpu.region"() ({
        %run_scoped3A = tpu.sem_alloc : memref<!tpu.dma_semaphore, #tpu.memory_space<semaphore_mem>>
        %dma_start3A_23 = arith.constant 0 : i32
        %dma_start3A_24 = arith.constant 0 : i32
        %dma_start3A_25 = tpu.memref_slice %arg7[%arg0, %dma_start3A_23, %dma_start3A_24] : memref<2x10000x64xf32, #tpu.memory_space<hbm>> -> memref<1x10000x64xf32, #tpu.memory_space<hbm>>
        %dma_start3A_26 = tpu.memref_squeeze %dma_start3A_25 : memref<1x10000x64xf32, #tpu.memory_space<hbm>> -> memref<10000x64xf32, #tpu.memory_space<hbm>>
        tpu.enqueue_dma source(%arg16 : memref<10000x64xf32, #tpu.memory_space<vmem_shared>>) target(%dma_start3A_26 : memref<10000x64xf32, #tpu.memory_space<hbm>>) target_semaphore(%run_scoped3A : memref<!tpu.dma_semaphore, #tpu.memory_space<semaphore_mem>>)
        %dma_wait3A = arith.constant 0 : i32
        %dma_wait3A_27 = arith.constant 0 : i32
        %dma_wait3A_28 = tpu.memref_slice %arg7[%arg0, %dma_wait3A, %dma_wait3A_27] : memref<2x10000x64xf32, #tpu.memory_space<hbm>> -> memref<1x10000x64xf32, #tpu.memory_space<hbm>>
        %dma_wait3A_29 = tpu.memref_squeeze %dma_wait3A_28 : memref<1x10000x64xf32, #tpu.memory_space<hbm>> -> memref<10000x64xf32, #tpu.memory_space<hbm>>
        tpu.wait_dma2 semaphore(%run_scoped3A : memref<!tpu.dma_semaphore, #tpu.memory_space<semaphore_mem>>) src(%arg16 : memref<10000x64xf32, #tpu.memory_space<vmem_shared>>) dst(%dma_wait3A_29 : memref<10000x64xf32, #tpu.memory_space<hbm>>)
        tpu.yield
      }) : () -> ()
    } else {
    }
    return
  }
}

module attributes {stable_mosaic.version = 14 : i64} {
  func.func @body(%arg0: memref<10000x128xf32, #tpu.memory_space<vmem>>, %arg1: memref<128x16xf32, #tpu.memory_space<vmem>>, %arg2: memref<128x16xf32, #tpu.memory_space<vmem>>, %arg3: memref<1x16xf32, #tpu.memory_space<vmem>>, %arg4: memref<10000x16xf32, #tpu.memory_space<vmem>>, %arg5: memref<10000x16xf32, #tpu.memory_space<vmem>>) attributes {dimension_semantics = [], scalar_prefetch = 0 : i64, scratch_operands = 0 : i64, tpu.core_type = #tpu.core_type<tc>} {
    %get3A = arith.constant 0 : index
    %get3A_0 = arith.constant 0 : index
    %get3A_1 = vector.load %arg0[%get3A, %get3A_0] : memref<10000x128xf32, #tpu.memory_space<vmem>>, vector<10000x128xf32>
    %get3A_2 = arith.constant 0 : index
    %get3A_3 = arith.constant 0 : index
    %get3A_4 = vector.load %arg1[%get3A_2, %get3A_3] : memref<128x16xf32, #tpu.memory_space<vmem>>, vector<128x16xf32>
    %convert_element_type3A = arith.truncf %get3A_1 : vector<10000x128xf32> to vector<10000x128xbf16>
    %convert_element_type3A_5 = arith.truncf %get3A_4 : vector<128x16xf32> to vector<128x16xbf16>
    %dot_general3A = arith.constant dense<0.000000e+00> : vector<10000x16xf32>
    %dot_general3A_6 = tpu.matmul %convert_element_type3A, %convert_element_type3A_5, %dot_general3A {dimension_numbers = #tpu.dot_dimension_numbers<[1], [0], [0], [1], [0, 0, 1, 1], [], []>, transpose_lhs_hint = false} : vector<10000x128xbf16>, vector<128x16xbf16>, vector<10000x16xf32> -> vector<10000x16xf32>
    %get3A_7 = arith.constant 0 : index
    %get3A_8 = arith.constant 0 : index
    %get3A_9 = vector.load %arg3[%get3A_7, %get3A_8] : memref<1x16xf32, #tpu.memory_space<vmem>>, vector<1x16xf32>
    %add3A = vector.broadcast %get3A_9 : vector<1x16xf32> to vector<10000x16xf32>
    %add3A_10 = arith.addf %dot_general3A_6, %add3A : vector<10000x16xf32>
    %swap3A = arith.constant 0 : index
    %swap3A_11 = arith.constant 0 : index
    %swap3A_12 = vector.load %arg4[%swap3A, %swap3A_11] : memref<10000x16xf32, #tpu.memory_space<vmem>>, vector<10000x16xf32>
    tpu.vector_store %arg4[%swap3A, %swap3A_11], %add3A_10 {strides = array<i32>} : memref<10000x16xf32, #tpu.memory_space<vmem>>, vector<10000x16xf32>,
    %get3A_13 = arith.constant 0 : index
    %get3A_14 = arith.constant 0 : index
    %get3A_15 = vector.load %arg2[%get3A_13, %get3A_14] : memref<128x16xf32, #tpu.memory_space<vmem>>, vector<128x16xf32>
    %convert_element_type3A_16 = arith.truncf %get3A_1 : vector<10000x128xf32> to vector<10000x128xbf16>
    %convert_element_type3A_17 = arith.truncf %get3A_15 : vector<128x16xf32> to vector<128x16xbf16>
    %dot_general3A_18 = arith.constant dense<0.000000e+00> : vector<10000x16xf32>
    %dot_general3A_19 = tpu.matmul %convert_element_type3A_16, %convert_element_type3A_17, %dot_general3A_18 {dimension_numbers = #tpu.dot_dimension_numbers<[1], [0], [0], [1], [0, 0, 1, 1], [], []>, transpose_lhs_hint = false} : vector<10000x128xbf16>, vector<128x16xbf16>, vector<10000x16xf32> -> vector<10000x16xf32>
    %swap3A_20 = arith.constant 0 : index
    %swap3A_21 = arith.constant 0 : index
    %swap3A_22 = vector.load %arg5[%swap3A_20, %swap3A_21] : memref<10000x16xf32, #tpu.memory_space<vmem>>, vector<10000x16xf32>
    tpu.vector_store %arg5[%swap3A_20, %swap3A_21], %dot_general3A_19 {strides = array<i32>} : memref<10000x16xf32, #tpu.memory_space<vmem>>, vector<10000x16xf32>,
    return
  }
}

module attributes {stable_mosaic.version = 14 : i64} {
  func.func @body(%arg0: memref<10000x128xf32, #tpu.memory_space<vmem>>, %arg1: memref<2x10000x16xf32, #tpu.memory_space<vmem>>, %arg2: memref<2x10000x1xf32, #tpu.memory_space<vmem>>, %arg3: memref<16x16xf32, #tpu.memory_space<vmem>>, %arg4: memref<1x16xf32, #tpu.memory_space<vmem>>, %arg5: memref<144x16xf32, #tpu.memory_space<vmem>>, %arg6: memref<1x16xf32, #tpu.memory_space<vmem>>, %arg7: memref<16x16xf32, #tpu.memory_space<vmem>>, %arg8: memref<1x16xf32, #tpu.memory_space<vmem>>, %arg9: memref<1x16xf32, #tpu.memory_space<vmem>>, %arg10: memref<1x16xf32, #tpu.memory_space<vmem>>, %arg11: memref<128x16xf32, #tpu.memory_space<vmem>>, %arg12: memref<1x16xf32, #tpu.memory_space<vmem>>, %arg13: memref<16x32xf32, #tpu.memory_space<vmem>>, %arg14: memref<16x32xf32, #tpu.memory_space<vmem>>, %arg15: memref<1x32xf32, #tpu.memory_space<vmem>>, %arg16: memref<10000x16xf32, #tpu.memory_space<vmem>>, %arg17: memref<10000x32xf32, #tpu.memory_space<vmem>>, %arg18: memref<10000x32xf32, #tpu.memory_space<vmem>>) attributes {dimension_semantics = [], scalar_prefetch = 0 : i64, scratch_operands = 0 : i64, tpu.core_type = #tpu.core_type<tc>} {
    %get3A = arith.constant 0 : index
    %get3A_0 = arith.constant 0 : index
    %get3A_1 = vector.load %arg0[%get3A, %get3A_0] : memref<10000x128xf32, #tpu.memory_space<vmem>>, vector<10000x128xf32>
    %get3A_2 = arith.constant 0 : index
    %get3A_3 = arith.constant 0 : index
    %get3A_4 = arith.constant 0 : index
    %get3A_5 = vector.load %arg1[%get3A_2, %get3A_3, %get3A_4] : memref<2x10000x16xf32, #tpu.memory_space<vmem>>, vector<1x10000x16xf32>
    %get3A_6 = vector.shape_cast %get3A_5 : vector<1x10000x16xf32> to vector<10000x16xf32>
    %get3A_7 = arith.constant 1 : index
    %get3A_8 = arith.constant 0 : index
    %get3A_9 = arith.constant 0 : index
    %get3A_10 = vector.load %arg1[%get3A_7, %get3A_8, %get3A_9] : memref<2x10000x16xf32, #tpu.memory_space<vmem>>, vector<1x10000x16xf32>
    %get3A_11 = vector.shape_cast %get3A_10 : vector<1x10000x16xf32> to vector<10000x16xf32>
    %add3A = arith.addf %get3A_6, %get3A_11 : vector<10000x16xf32>
    %get3A_12 = arith.constant 0 : index
    %get3A_13 = arith.constant 0 : index
    %get3A_14 = arith.constant 0 : index
    %get3A_15 = vector.load %arg2[%get3A_12, %get3A_13, %get3A_14] : memref<2x10000x1xf32, #tpu.memory_space<vmem>>, vector<1x10000x1xf32>
    %get3A_16 = vector.shape_cast %get3A_15 : vector<1x10000x1xf32> to vector<10000x1xf32>
    %get3A_17 = arith.constant 1 : index
    %get3A_18 = arith.constant 0 : index
    %get3A_19 = arith.constant 0 : index
    %get3A_20 = vector.load %arg2[%get3A_17, %get3A_18, %get3A_19] : memref<2x10000x1xf32, #tpu.memory_space<vmem>>, vector<1x10000x1xf32>
    %get3A_21 = vector.shape_cast %get3A_20 : vector<1x10000x1xf32> to vector<10000x1xf32>
    %add3A_22 = arith.addf %get3A_16, %get3A_21 : vector<10000x1xf32>
    %get3A_23 = arith.constant 0 : index
    %get3A_24 = arith.constant 0 : index
    %get3A_25 = vector.load %arg3[%get3A_23, %get3A_24] : memref<16x16xf32, #tpu.memory_space<vmem>>, vector<16x16xf32>
    %convert_element_type3A = arith.truncf %get3A_25 : vector<16x16xf32> to vector<16x16xbf16>
    %convert_element_type3A_26 = arith.truncf %add3A : vector<10000x16xf32> to vector<10000x16xbf16>
    %convert_element_type3A_27 = arith.extf %convert_element_type3A_26 : vector<10000x16xbf16> to vector<10000x16xf32>
    %sub3A = arith.subf %add3A, %convert_element_type3A_27 : vector<10000x16xf32>
    %convert_element_type3A_28 = arith.truncf %sub3A : vector<10000x16xf32> to vector<10000x16xbf16>
    %convert_element_type3A_29 = arith.extf %convert_element_type3A_28 : vector<10000x16xbf16> to vector<10000x16xf32>
    %sub3A_30 = arith.subf %sub3A, %convert_element_type3A_29 : vector<10000x16xf32>
    %convert_element_type3A_31 = arith.truncf %sub3A_30 : vector<10000x16xf32> to vector<10000x16xbf16>
    %dot_general3A = arith.constant dense<0.000000e+00> : vector<10000x16xf32>
    %dot_general3A_32 = tpu.matmul %convert_element_type3A_26, %convert_element_type3A, %dot_general3A {dimension_numbers = #tpu.dot_dimension_numbers<[1], [0], [0], [1], [0, 0, 1, 1], [], []>, transpose_lhs_hint = false} : vector<10000x16xbf16>, vector<16x16xbf16>, vector<10000x16xf32> -> vector<10000x16xf32>
    %dot_general3A_33 = arith.constant dense<0.000000e+00> : vector<10000x16xf32>
    %dot_general3A_34 = tpu.matmul %convert_element_type3A_28, %convert_element_type3A, %dot_general3A_33 {dimension_numbers = #tpu.dot_dimension_numbers<[1], [0], [0], [1], [0, 0, 1, 1], [], []>, transpose_lhs_hint = false} : vector<10000x16xbf16>, vector<16x16xbf16>, vector<10000x16xf32> -> vector<10000x16xf32>
    %add3A_35 = arith.addf %dot_general3A_32, %dot_general3A_34 : vector<10000x16xf32>
    %dot_general3A_36 = arith.constant dense<0.000000e+00> : vector<10000x16xf32>
    %dot_general3A_37 = tpu.matmul %convert_element_type3A_31, %convert_element_type3A, %dot_general3A_36 {dimension_numbers = #tpu.dot_dimension_numbers<[1], [0], [0], [1], [0, 0, 1, 1], [], []>, transpose_lhs_hint = false} : vector<10000x16xbf16>, vector<16x16xbf16>, vector<10000x16xf32> -> vector<10000x16xf32>
    %add3A_38 = arith.addf %add3A_35, %dot_general3A_37 : vector<10000x16xf32>
    %get3A_39 = arith.constant 0 : index
    %get3A_40 = arith.constant 0 : index
    %get3A_41 = vector.load %arg4[%get3A_39, %get3A_40] : memref<1x16xf32, #tpu.memory_space<vmem>>, vector<1x16xf32>
    %mul3A = vector.broadcast %add3A_22 : vector<10000x1xf32> to vector<10000x16xf32>
    %mul3A_42 = vector.broadcast %get3A_41 : vector<1x16xf32> to vector<10000x16xf32>
    %mul3A_43 = arith.mulf %mul3A, %mul3A_42 : vector<10000x16xf32>
    %add3A_44 = arith.addf %add3A_38, %mul3A_43 : vector<10000x16xf32>
    %concatenate3A = tpu.concatenate %get3A_1, %add3A_44 in 1 : vector<10000x128xf32>, vector<10000x16xf32> -> vector<10000x144xf32>
    %get3A_45 = arith.constant 0 : index
    %get3A_46 = arith.constant 0 : index
    %get3A_47 = vector.load %arg5[%get3A_45, %get3A_46] : memref<144x16xf32, #tpu.memory_space<vmem>>, vector<144x16xf32>
    %convert_element_type3A_48 = arith.truncf %concatenate3A : vector<10000x144xf32> to vector<10000x144xbf16>
    %convert_element_type3A_49 = arith.truncf %get3A_47 : vector<144x16xf32> to vector<144x16xbf16>
    %dot_general3A_50 = arith.constant dense<0.000000e+00> : vector<10000x16xf32>
    %dot_general3A_51 = tpu.matmul %convert_element_type3A_48, %convert_element_type3A_49, %dot_general3A_50 {dimension_numbers = #tpu.dot_dimension_numbers<[1], [0], [0], [1], [0, 0, 1, 1], [], []>, transpose_lhs_hint = false} : vector<10000x144xbf16>, vector<144x16xbf16>, vector<10000x16xf32> -> vector<10000x16xf32>
    %get3A_52 = arith.constant 0 : index
    %get3A_53 = arith.constant 0 : index
    %get3A_54 = vector.load %arg6[%get3A_52, %get3A_53] : memref<1x16xf32, #tpu.memory_space<vmem>>, vector<1x16xf32>
    %add3A_55 = vector.broadcast %get3A_54 : vector<1x16xf32> to vector<10000x16xf32>
    %add3A_56 = arith.addf %dot_general3A_51, %add3A_55 : vector<10000x16xf32>
    %max3A = arith.constant 0.000000e+00 : f32
    %max3A_57 = vector.broadcast %max3A : f32 to vector<10000x16xf32>
    %max3A_58 = arith.maximumf %add3A_56, %max3A_57 : vector<10000x16xf32>
    %get3A_59 = arith.constant 0 : index
    %get3A_60 = arith.constant 0 : index
    %get3A_61 = vector.load %arg7[%get3A_59, %get3A_60] : memref<16x16xf32, #tpu.memory_space<vmem>>, vector<16x16xf32>
    %convert_element_type3A_62 = arith.truncf %max3A_58 : vector<10000x16xf32> to vector<10000x16xbf16>
    %convert_element_type3A_63 = arith.truncf %get3A_61 : vector<16x16xf32> to vector<16x16xbf16>
    %dot_general3A_64 = arith.constant dense<0.000000e+00> : vector<10000x16xf32>
    %dot_general3A_65 = tpu.matmul %convert_element_type3A_62, %convert_element_type3A_63, %dot_general3A_64 {dimension_numbers = #tpu.dot_dimension_numbers<[1], [0], [0], [1], [0, 0, 1, 1], [], []>, transpose_lhs_hint = false} : vector<10000x16xbf16>, vector<16x16xbf16>, vector<10000x16xf32> -> vector<10000x16xf32>
    %get3A_66 = arith.constant 0 : index
    %get3A_67 = arith.constant 0 : index
    %get3A_68 = vector.load %arg8[%get3A_66, %get3A_67] : memref<1x16xf32, #tpu.memory_space<vmem>>, vector<1x16xf32>
    %add3A_69 = vector.broadcast %get3A_68 : vector<1x16xf32> to vector<10000x16xf32>
    %add3A_70 = arith.addf %dot_general3A_65, %add3A_69 : vector<10000x16xf32>
    %reduce_sum3A = arith.constant dense<0.000000e+00> : vector<16xf32>
    %reduce_sum3A_71 = vector.multi_reduction <add>, %add3A_70, %reduce_sum3A [0] : vector<10000x16xf32> to vector<16xf32>
    %broadcast_in_dim3A = vector.shape_cast %reduce_sum3A_71 : vector<16xf32> to vector<1x16xf32>
    %div3A = arith.constant 1.000000e+04 : f32
    %div3A_72 = vector.broadcast %div3A : f32 to vector<1x16xf32>
    %div3A_73 = arith.divf %broadcast_in_dim3A, %div3A_72 : vector<1x16xf32>
    %sub3A_74 = vector.broadcast %div3A_73 : vector<1x16xf32> to vector<10000x16xf32>
    %sub3A_75 = arith.subf %add3A_70, %sub3A_74 : vector<10000x16xf32>
    %integer_pow3A = arith.mulf %sub3A_75, %sub3A_75 : vector<10000x16xf32>
    %reduce_sum3A_76 = arith.constant dense<0.000000e+00> : vector<16xf32>
    %reduce_sum3A_77 = vector.multi_reduction <add>, %integer_pow3A, %reduce_sum3A_76 [0] : vector<10000x16xf32> to vector<16xf32>
    %broadcast_in_dim3A_78 = vector.shape_cast %reduce_sum3A_77 : vector<16xf32> to vector<1x16xf32>
    %div3A_79 = arith.constant 1.000000e+04 : f32
    %div3A_80 = vector.broadcast %div3A_79 : f32 to vector<1x16xf32>
    %div3A_81 = arith.divf %broadcast_in_dim3A_78, %div3A_80 : vector<1x16xf32>
    %sub3A_82 = vector.broadcast %div3A_73 : vector<1x16xf32> to vector<10000x16xf32>
    %sub3A_83 = arith.subf %add3A_70, %sub3A_82 : vector<10000x16xf32>
    %add3A_84 = arith.constant 9.99999974E-6 : f32
    %add3A_85 = vector.broadcast %add3A_84 : f32 to vector<1x16xf32>
    %add3A_86 = arith.addf %div3A_81, %add3A_85 : vector<1x16xf32>
    %sqrt3A = math.sqrt %add3A_86 : vector<1x16xf32>
    %div3A_87 = vector.broadcast %sqrt3A : vector<1x16xf32> to vector<10000x16xf32>
    %div3A_88 = arith.divf %sub3A_83, %div3A_87 : vector<10000x16xf32>
    %get3A_89 = arith.constant 0 : index
    %get3A_90 = arith.constant 0 : index
    %get3A_91 = vector.load %arg9[%get3A_89, %get3A_90] : memref<1x16xf32, #tpu.memory_space<vmem>>, vector<1x16xf32>
    %mul3A_92 = vector.broadcast %get3A_91 : vector<1x16xf32> to vector<10000x16xf32>
    %mul3A_93 = arith.mulf %div3A_88, %mul3A_92 : vector<10000x16xf32>
    %get3A_94 = arith.constant 0 : index
    %get3A_95 = arith.constant 0 : index
    %get3A_96 = vector.load %arg10[%get3A_94, %get3A_95] : memref<1x16xf32, #tpu.memory_space<vmem>>, vector<1x16xf32>
    %add3A_97 = vector.broadcast %get3A_96 : vector<1x16xf32> to vector<10000x16xf32>
    %add3A_98 = arith.addf %mul3A_93, %add3A_97 : vector<10000x16xf32>
    %get3A_99 = arith.constant 0 : index
    %get3A_100 = arith.constant 0 : index
    %get3A_101 = vector.load %arg11[%get3A_99, %get3A_100] : memref<128x16xf32, #tpu.memory_space<vmem>>, vector<128x16xf32>
    %convert_element_type3A_102 = arith.truncf %get3A_1 : vector<10000x128xf32> to vector<10000x128xbf16>
    %convert_element_type3A_103 = arith.truncf %get3A_101 : vector<128x16xf32> to vector<128x16xbf16>
    %dot_general3A_104 = arith.constant dense<0.000000e+00> : vector<10000x16xf32>
    %dot_general3A_105 = tpu.matmul %convert_element_type3A_102, %convert_element_type3A_103, %dot_general3A_104 {dimension_numbers = #tpu.dot_dimension_numbers<[1], [0], [0], [1], [0, 0, 1, 1], [], []>, transpose_lhs_hint = false} : vector<10000x128xbf16>, vector<128x16xbf16>, vector<10000x16xf32> -> vector<10000x16xf32>
    %add3A_106 = arith.addf %add3A_98, %dot_general3A_105 : vector<10000x16xf32>
    %get3A_107 = arith.constant 0 : index
    %get3A_108 = arith.constant 0 : index
    %get3A_109 = vector.load %arg12[%get3A_107, %get3A_108] : memref<1x16xf32, #tpu.memory_space<vmem>>, vector<1x16xf32>
    %add3A_110 = vector.broadcast %get3A_109 : vector<1x16xf32> to vector<10000x16xf32>
    %add3A_111 = arith.addf %add3A_106, %add3A_110 : vector<10000x16xf32>
    %max3A_112 = arith.constant 0.000000e+00 : f32
    %max3A_113 = vector.broadcast %max3A_112 : f32 to vector<10000x16xf32>
    %max3A_114 = arith.maximumf %add3A_111, %max3A_113 : vector<10000x16xf32>
    %swap3A = arith.constant 0 : index
    %swap3A_115 = arith.constant 0 : index
    %swap3A_116 = vector.load %arg16[%swap3A, %swap3A_115] : memref<10000x16xf32, #tpu.memory_space<vmem>>, vector<10000x16xf32>
    tpu.vector_store %arg16[%swap3A, %swap3A_115], %max3A_114 {strides = array<i32>} : memref<10000x16xf32, #tpu.memory_space<vmem>>, vector<10000x16xf32>,
    %get3A_117 = arith.constant 0 : index
    %get3A_118 = arith.constant 0 : index
    %get3A_119 = vector.load %arg13[%get3A_117, %get3A_118] : memref<16x32xf32, #tpu.memory_space<vmem>>, vector<16x32xf32>
    %convert_element_type3A_120 = arith.truncf %max3A_114 : vector<10000x16xf32> to vector<10000x16xbf16>
    %convert_element_type3A_121 = arith.truncf %get3A_119 : vector<16x32xf32> to vector<16x32xbf16>
    %dot_general3A_122 = arith.constant dense<0.000000e+00> : vector<10000x32xf32>
    %dot_general3A_123 = tpu.matmul %convert_element_type3A_120, %convert_element_type3A_121, %dot_general3A_122 {dimension_numbers = #tpu.dot_dimension_numbers<[1], [0], [0], [1], [0, 0, 1, 1], [], []>, transpose_lhs_hint = false} : vector<10000x16xbf16>, vector<16x32xbf16>, vector<10000x32xf32> -> vector<10000x32xf32>
    %get3A_124 = arith.constant 0 : index
    %get3A_125 = arith.constant 0 : index
    %get3A_126 = vector.load %arg15[%get3A_124, %get3A_125] : memref<1x32xf32, #tpu.memory_space<vmem>>, vector<1x32xf32>
    %add3A_127 = vector.broadcast %get3A_126 : vector<1x32xf32> to vector<10000x32xf32>
    %add3A_128 = arith.addf %dot_general3A_123, %add3A_127 : vector<10000x32xf32>
    %swap3A_129 = arith.constant 0 : index
    %swap3A_130 = arith.constant 0 : index
    %swap3A_131 = vector.load %arg17[%swap3A_129, %swap3A_130] : memref<10000x32xf32, #tpu.memory_space<vmem>>, vector<10000x32xf32>
    tpu.vector_store %arg17[%swap3A_129, %swap3A_130], %add3A_128 {strides = array<i32>} : memref<10000x32xf32, #tpu.memory_space<vmem>>, vector<10000x32xf32>,
    %get3A_132 = arith.constant 0 : index
    %get3A_133 = arith.constant 0 : index
    %get3A_134 = vector.load %arg14[%get3A_132, %get3A_133] : memref<16x32xf32, #tpu.memory_space<vmem>>, vector<16x32xf32>
    %convert_element_type3A_135 = arith.truncf %max3A_114 : vector<10000x16xf32> to vector<10000x16xbf16>
    %convert_element_type3A_136 = arith.truncf %get3A_134 : vector<16x32xf32> to vector<16x32xbf16>
    %dot_general3A_137 = arith.constant dense<0.000000e+00> : vector<10000x32xf32>
    %dot_general3A_138 = tpu.matmul %convert_element_type3A_135, %convert_element_type3A_136, %dot_general3A_137 {dimension_numbers = #tpu.dot_dimension_numbers<[1], [0], [0], [1], [0, 0, 1, 1], [], []>, transpose_lhs_hint = false} : vector<10000x16xbf16>, vector<16x32xbf16>, vector<10000x32xf32> -> vector<10000x32xf32>
    %swap3A_139 = arith.constant 0 : index
    %swap3A_140 = arith.constant 0 : index
    %swap3A_141 = vector.load %arg18[%swap3A_139, %swap3A_140] : memref<10000x32xf32, #tpu.memory_space<vmem>>, vector<10000x32xf32>
    tpu.vector_store %arg18[%swap3A_139, %swap3A_140], %dot_general3A_138 {strides = array<i32>} : memref<10000x32xf32, #tpu.memory_space<vmem>>, vector<10000x32xf32>,
    return
  }
}

module attributes {stable_mosaic.version = 14 : i64} {
  func.func @body(%arg0: memref<10000x16xf32, #tpu.memory_space<vmem>>, %arg1: memref<2x10000x32xf32, #tpu.memory_space<vmem>>, %arg2: memref<2x10000x1xf32, #tpu.memory_space<vmem>>, %arg3: memref<32x32xf32, #tpu.memory_space<vmem>>, %arg4: memref<1x32xf32, #tpu.memory_space<vmem>>, %arg5: memref<48x32xf32, #tpu.memory_space<vmem>>, %arg6: memref<1x32xf32, #tpu.memory_space<vmem>>, %arg7: memref<32x32xf32, #tpu.memory_space<vmem>>, %arg8: memref<1x32xf32, #tpu.memory_space<vmem>>, %arg9: memref<1x32xf32, #tpu.memory_space<vmem>>, %arg10: memref<1x32xf32, #tpu.memory_space<vmem>>, %arg11: memref<16x32xf32, #tpu.memory_space<vmem>>, %arg12: memref<1x32xf32, #tpu.memory_space<vmem>>, %arg13: memref<32x64xf32, #tpu.memory_space<vmem>>, %arg14: memref<32x64xf32, #tpu.memory_space<vmem>>, %arg15: memref<1x64xf32, #tpu.memory_space<vmem>>, %arg16: memref<10000x32xf32, #tpu.memory_space<vmem>>, %arg17: memref<10000x64xf32, #tpu.memory_space<vmem>>, %arg18: memref<10000x64xf32, #tpu.memory_space<vmem>>) attributes {dimension_semantics = [], scalar_prefetch = 0 : i64, scratch_operands = 0 : i64, tpu.core_type = #tpu.core_type<tc>} {
    %get3A = arith.constant 0 : index
    %get3A_0 = arith.constant 0 : index
    %get3A_1 = vector.load %arg0[%get3A, %get3A_0] : memref<10000x16xf32, #tpu.memory_space<vmem>>, vector<10000x16xf32>
    %get3A_2 = arith.constant 0 : index
    %get3A_3 = arith.constant 0 : index
    %get3A_4 = arith.constant 0 : index
    %get3A_5 = vector.load %arg1[%get3A_2, %get3A_3, %get3A_4] : memref<2x10000x32xf32, #tpu.memory_space<vmem>>, vector<1x10000x32xf32>
    %get3A_6 = vector.shape_cast %get3A_5 : vector<1x10000x32xf32> to vector<10000x32xf32>
    %get3A_7 = arith.constant 1 : index
    %get3A_8 = arith.constant 0 : index
    %get3A_9 = arith.constant 0 : index
    %get3A_10 = vector.load %arg1[%get3A_7, %get3A_8, %get3A_9] : memref<2x10000x32xf32, #tpu.memory_space<vmem>>, vector<1x10000x32xf32>
    %get3A_11 = vector.shape_cast %get3A_10 : vector<1x10000x32xf32> to vector<10000x32xf32>
    %add3A = arith.addf %get3A_6, %get3A_11 : vector<10000x32xf32>
    %get3A_12 = arith.constant 0 : index
    %get3A_13 = arith.constant 0 : index
    %get3A_14 = arith.constant 0 : index
    %get3A_15 = vector.load %arg2[%get3A_12, %get3A_13, %get3A_14] : memref<2x10000x1xf32, #tpu.memory_space<vmem>>, vector<1x10000x1xf32>
    %get3A_16 = vector.shape_cast %get3A_15 : vector<1x10000x1xf32> to vector<10000x1xf32>
    %get3A_17 = arith.constant 1 : index
    %get3A_18 = arith.constant 0 : index
    %get3A_19 = arith.constant 0 : index
    %get3A_20 = vector.load %arg2[%get3A_17, %get3A_18, %get3A_19] : memref<2x10000x1xf32, #tpu.memory_space<vmem>>, vector<1x10000x1xf32>
    %get3A_21 = vector.shape_cast %get3A_20 : vector<1x10000x1xf32> to vector<10000x1xf32>
    %add3A_22 = arith.addf %get3A_16, %get3A_21 : vector<10000x1xf32>
    %get3A_23 = arith.constant 0 : index
    %get3A_24 = arith.constant 0 : index
    %get3A_25 = vector.load %arg3[%get3A_23, %get3A_24] : memref<32x32xf32, #tpu.memory_space<vmem>>, vector<32x32xf32>
    %convert_element_type3A = arith.truncf %get3A_25 : vector<32x32xf32> to vector<32x32xbf16>
    %convert_element_type3A_26 = arith.truncf %add3A : vector<10000x32xf32> to vector<10000x32xbf16>
    %convert_element_type3A_27 = arith.extf %convert_element_type3A_26 : vector<10000x32xbf16> to vector<10000x32xf32>
    %sub3A = arith.subf %add3A, %convert_element_type3A_27 : vector<10000x32xf32>
    %convert_element_type3A_28 = arith.truncf %sub3A : vector<10000x32xf32> to vector<10000x32xbf16>
    %convert_element_type3A_29 = arith.extf %convert_element_type3A_28 : vector<10000x32xbf16> to vector<10000x32xf32>
    %sub3A_30 = arith.subf %sub3A, %convert_element_type3A_29 : vector<10000x32xf32>
    %convert_element_type3A_31 = arith.truncf %sub3A_30 : vector<10000x32xf32> to vector<10000x32xbf16>
    %dot_general3A = arith.constant dense<0.000000e+00> : vector<10000x32xf32>
    %dot_general3A_32 = tpu.matmul %convert_element_type3A_26, %convert_element_type3A, %dot_general3A {dimension_numbers = #tpu.dot_dimension_numbers<[1], [0], [0], [1], [0, 0, 1, 1], [], []>, transpose_lhs_hint = false} : vector<10000x32xbf16>, vector<32x32xbf16>, vector<10000x32xf32> -> vector<10000x32xf32>
    %dot_general3A_33 = arith.constant dense<0.000000e+00> : vector<10000x32xf32>
    %dot_general3A_34 = tpu.matmul %convert_element_type3A_28, %convert_element_type3A, %dot_general3A_33 {dimension_numbers = #tpu.dot_dimension_numbers<[1], [0], [0], [1], [0, 0, 1, 1], [], []>, transpose_lhs_hint = false} : vector<10000x32xbf16>, vector<32x32xbf16>, vector<10000x32xf32> -> vector<10000x32xf32>
    %add3A_35 = arith.addf %dot_general3A_32, %dot_general3A_34 : vector<10000x32xf32>
    %dot_general3A_36 = arith.constant dense<0.000000e+00> : vector<10000x32xf32>
    %dot_general3A_37 = tpu.matmul %convert_element_type3A_31, %convert_element_type3A, %dot_general3A_36 {dimension_numbers = #tpu.dot_dimension_numbers<[1], [0], [0], [1], [0, 0, 1, 1], [], []>, transpose_lhs_hint = false} : vector<10000x32xbf16>, vector<32x32xbf16>, vector<10000x32xf32> -> vector<10000x32xf32>
    %add3A_38 = arith.addf %add3A_35, %dot_general3A_37 : vector<10000x32xf32>
    %get3A_39 = arith.constant 0 : index
    %get3A_40 = arith.constant 0 : index
    %get3A_41 = vector.load %arg4[%get3A_39, %get3A_40] : memref<1x32xf32, #tpu.memory_space<vmem>>, vector<1x32xf32>
    %mul3A = vector.broadcast %add3A_22 : vector<10000x1xf32> to vector<10000x32xf32>
    %mul3A_42 = vector.broadcast %get3A_41 : vector<1x32xf32> to vector<10000x32xf32>
    %mul3A_43 = arith.mulf %mul3A, %mul3A_42 : vector<10000x32xf32>
    %add3A_44 = arith.addf %add3A_38, %mul3A_43 : vector<10000x32xf32>
    %concatenate3A = tpu.concatenate %get3A_1, %add3A_44 in 1 : vector<10000x16xf32>, vector<10000x32xf32> -> vector<10000x48xf32>
    %get3A_45 = arith.constant 0 : index
    %get3A_46 = arith.constant 0 : index
    %get3A_47 = vector.load %arg5[%get3A_45, %get3A_46] : memref<48x32xf32, #tpu.memory_space<vmem>>, vector<48x32xf32>
    %convert_element_type3A_48 = arith.truncf %concatenate3A : vector<10000x48xf32> to vector<10000x48xbf16>
    %convert_element_type3A_49 = arith.truncf %get3A_47 : vector<48x32xf32> to vector<48x32xbf16>
    %dot_general3A_50 = arith.constant dense<0.000000e+00> : vector<10000x32xf32>
    %dot_general3A_51 = tpu.matmul %convert_element_type3A_48, %convert_element_type3A_49, %dot_general3A_50 {dimension_numbers = #tpu.dot_dimension_numbers<[1], [0], [0], [1], [0, 0, 1, 1], [], []>, transpose_lhs_hint = false} : vector<10000x48xbf16>, vector<48x32xbf16>, vector<10000x32xf32> -> vector<10000x32xf32>
    %get3A_52 = arith.constant 0 : index
    %get3A_53 = arith.constant 0 : index
    %get3A_54 = vector.load %arg6[%get3A_52, %get3A_53] : memref<1x32xf32, #tpu.memory_space<vmem>>, vector<1x32xf32>
    %add3A_55 = vector.broadcast %get3A_54 : vector<1x32xf32> to vector<10000x32xf32>
    %add3A_56 = arith.addf %dot_general3A_51, %add3A_55 : vector<10000x32xf32>
    %max3A = arith.constant 0.000000e+00 : f32
    %max3A_57 = vector.broadcast %max3A : f32 to vector<10000x32xf32>
    %max3A_58 = arith.maximumf %add3A_56, %max3A_57 : vector<10000x32xf32>
    %get3A_59 = arith.constant 0 : index
    %get3A_60 = arith.constant 0 : index
    %get3A_61 = vector.load %arg7[%get3A_59, %get3A_60] : memref<32x32xf32, #tpu.memory_space<vmem>>, vector<32x32xf32>
    %convert_element_type3A_62 = arith.truncf %max3A_58 : vector<10000x32xf32> to vector<10000x32xbf16>
    %convert_element_type3A_63 = arith.truncf %get3A_61 : vector<32x32xf32> to vector<32x32xbf16>
    %dot_general3A_64 = arith.constant dense<0.000000e+00> : vector<10000x32xf32>
    %dot_general3A_65 = tpu.matmul %convert_element_type3A_62, %convert_element_type3A_63, %dot_general3A_64 {dimension_numbers = #tpu.dot_dimension_numbers<[1], [0], [0], [1], [0, 0, 1, 1], [], []>, transpose_lhs_hint = false} : vector<10000x32xbf16>, vector<32x32xbf16>, vector<10000x32xf32> -> vector<10000x32xf32>
    %get3A_66 = arith.constant 0 : index
    %get3A_67 = arith.constant 0 : index
    %get3A_68 = vector.load %arg8[%get3A_66, %get3A_67] : memref<1x32xf32, #tpu.memory_space<vmem>>, vector<1x32xf32>
    %add3A_69 = vector.broadcast %get3A_68 : vector<1x32xf32> to vector<10000x32xf32>
    %add3A_70 = arith.addf %dot_general3A_65, %add3A_69 : vector<10000x32xf32>
    %reduce_sum3A = arith.constant dense<0.000000e+00> : vector<32xf32>
    %reduce_sum3A_71 = vector.multi_reduction <add>, %add3A_70, %reduce_sum3A [0] : vector<10000x32xf32> to vector<32xf32>
    %broadcast_in_dim3A = vector.shape_cast %reduce_sum3A_71 : vector<32xf32> to vector<1x32xf32>
    %div3A = arith.constant 1.000000e+04 : f32
    %div3A_72 = vector.broadcast %div3A : f32 to vector<1x32xf32>
    %div3A_73 = arith.divf %broadcast_in_dim3A, %div3A_72 : vector<1x32xf32>
    %sub3A_74 = vector.broadcast %div3A_73 : vector<1x32xf32> to vector<10000x32xf32>
    %sub3A_75 = arith.subf %add3A_70, %sub3A_74 : vector<10000x32xf32>
    %integer_pow3A = arith.mulf %sub3A_75, %sub3A_75 : vector<10000x32xf32>
    %reduce_sum3A_76 = arith.constant dense<0.000000e+00> : vector<32xf32>
    %reduce_sum3A_77 = vector.multi_reduction <add>, %integer_pow3A, %reduce_sum3A_76 [0] : vector<10000x32xf32> to vector<32xf32>
    %broadcast_in_dim3A_78 = vector.shape_cast %reduce_sum3A_77 : vector<32xf32> to vector<1x32xf32>
    %div3A_79 = arith.constant 1.000000e+04 : f32
    %div3A_80 = vector.broadcast %div3A_79 : f32 to vector<1x32xf32>
    %div3A_81 = arith.divf %broadcast_in_dim3A_78, %div3A_80 : vector<1x32xf32>
    %sub3A_82 = vector.broadcast %div3A_73 : vector<1x32xf32> to vector<10000x32xf32>
    %sub3A_83 = arith.subf %add3A_70, %sub3A_82 : vector<10000x32xf32>
    %add3A_84 = arith.constant 9.99999974E-6 : f32
    %add3A_85 = vector.broadcast %add3A_84 : f32 to vector<1x32xf32>
    %add3A_86 = arith.addf %div3A_81, %add3A_85 : vector<1x32xf32>
    %sqrt3A = math.sqrt %add3A_86 : vector<1x32xf32>
    %div3A_87 = vector.broadcast %sqrt3A : vector<1x32xf32> to vector<10000x32xf32>
    %div3A_88 = arith.divf %sub3A_83, %div3A_87 : vector<10000x32xf32>
    %get3A_89 = arith.constant 0 : index
    %get3A_90 = arith.constant 0 : index
    %get3A_91 = vector.load %arg9[%get3A_89, %get3A_90] : memref<1x32xf32, #tpu.memory_space<vmem>>, vector<1x32xf32>
    %mul3A_92 = vector.broadcast %get3A_91 : vector<1x32xf32> to vector<10000x32xf32>
    %mul3A_93 = arith.mulf %div3A_88, %mul3A_92 : vector<10000x32xf32>
    %get3A_94 = arith.constant 0 : index
    %get3A_95 = arith.constant 0 : index
    %get3A_96 = vector.load %arg10[%get3A_94, %get3A_95] : memref<1x32xf32, #tpu.memory_space<vmem>>, vector<1x32xf32>
    %add3A_97 = vector.broadcast %get3A_96 : vector<1x32xf32> to vector<10000x32xf32>
    %add3A_98 = arith.addf %mul3A_93, %add3A_97 : vector<10000x32xf32>
    %get3A_99 = arith.constant 0 : index
    %get3A_100 = arith.constant 0 : index
    %get3A_101 = vector.load %arg11[%get3A_99, %get3A_100] : memref<16x32xf32, #tpu.memory_space<vmem>>, vector<16x32xf32>
    %convert_element_type3A_102 = arith.truncf %get3A_1 : vector<10000x16xf32> to vector<10000x16xbf16>
    %convert_element_type3A_103 = arith.truncf %get3A_101 : vector<16x32xf32> to vector<16x32xbf16>
    %dot_general3A_104 = arith.constant dense<0.000000e+00> : vector<10000x32xf32>
    %dot_general3A_105 = tpu.matmul %convert_element_type3A_102, %convert_element_type3A_103, %dot_general3A_104 {dimension_numbers = #tpu.dot_dimension_numbers<[1], [0], [0], [1], [0, 0, 1, 1], [], []>, transpose_lhs_hint = false} : vector<10000x16xbf16>, vector<16x32xbf16>, vector<10000x32xf32> -> vector<10000x32xf32>
    %add3A_106 = arith.addf %add3A_98, %dot_general3A_105 : vector<10000x32xf32>
    %get3A_107 = arith.constant 0 : index
    %get3A_108 = arith.constant 0 : index
    %get3A_109 = vector.load %arg12[%get3A_107, %get3A_108] : memref<1x32xf32, #tpu.memory_space<vmem>>, vector<1x32xf32>
    %add3A_110 = vector.broadcast %get3A_109 : vector<1x32xf32> to vector<10000x32xf32>
    %add3A_111 = arith.addf %add3A_106, %add3A_110 : vector<10000x32xf32>
    %max3A_112 = arith.constant 0.000000e+00 : f32
    %max3A_113 = vector.broadcast %max3A_112 : f32 to vector<10000x32xf32>
    %max3A_114 = arith.maximumf %add3A_111, %max3A_113 : vector<10000x32xf32>
    %swap3A = arith.constant 0 : index
    %swap3A_115 = arith.constant 0 : index
    %swap3A_116 = vector.load %arg16[%swap3A, %swap3A_115] : memref<10000x32xf32, #tpu.memory_space<vmem>>, vector<10000x32xf32>
    tpu.vector_store %arg16[%swap3A, %swap3A_115], %max3A_114 {strides = array<i32>} : memref<10000x32xf32, #tpu.memory_space<vmem>>, vector<10000x32xf32>,
    %get3A_117 = arith.constant 0 : index
    %get3A_118 = arith.constant 0 : index
    %get3A_119 = vector.load %arg13[%get3A_117, %get3A_118] : memref<32x64xf32, #tpu.memory_space<vmem>>, vector<32x64xf32>
    %convert_element_type3A_120 = arith.truncf %max3A_114 : vector<10000x32xf32> to vector<10000x32xbf16>
    %convert_element_type3A_121 = arith.truncf %get3A_119 : vector<32x64xf32> to vector<32x64xbf16>
    %dot_general3A_122 = arith.constant dense<0.000000e+00> : vector<10000x64xf32>
    %dot_general3A_123 = tpu.matmul %convert_element_type3A_120, %convert_element_type3A_121, %dot_general3A_122 {dimension_numbers = #tpu.dot_dimension_numbers<[1], [0], [0], [1], [0, 0, 1, 1], [], []>, transpose_lhs_hint = false} : vector<10000x32xbf16>, vector<32x64xbf16>, vector<10000x64xf32> -> vector<10000x64xf32>
    %get3A_124 = arith.constant 0 : index
    %get3A_125 = arith.constant 0 : index
    %get3A_126 = vector.load %arg15[%get3A_124, %get3A_125] : memref<1x64xf32, #tpu.memory_space<vmem>>, vector<1x64xf32>
    %add3A_127 = vector.broadcast %get3A_126 : vector<1x64xf32> to vector<10000x64xf32>
    %add3A_128 = arith.addf %dot_general3A_123, %add3A_127 : vector<10000x64xf32>
    %swap3A_129 = arith.constant 0 : index
    %swap3A_130 = arith.constant 0 : index
    %swap3A_131 = vector.load %arg17[%swap3A_129, %swap3A_130] : memref<10000x64xf32, #tpu.memory_space<vmem>>, vector<10000x64xf32>
    tpu.vector_store %arg17[%swap3A_129, %swap3A_130], %add3A_128 {strides = array<i32>} : memref<10000x64xf32, #tpu.memory_space<vmem>>, vector<10000x64xf32>,
    %get3A_132 = arith.constant 0 : index
    %get3A_133 = arith.constant 0 : index
    %get3A_134 = vector.load %arg14[%get3A_132, %get3A_133] : memref<32x64xf32, #tpu.memory_space<vmem>>, vector<32x64xf32>
    %convert_element_type3A_135 = arith.truncf %max3A_114 : vector<10000x32xf32> to vector<10000x32xbf16>
    %convert_element_type3A_136 = arith.truncf %get3A_134 : vector<32x64xf32> to vector<32x64xbf16>
    %dot_general3A_137 = arith.constant dense<0.000000e+00> : vector<10000x64xf32>
    %dot_general3A_138 = tpu.matmul %convert_element_type3A_135, %convert_element_type3A_136, %dot_general3A_137 {dimension_numbers = #tpu.dot_dimension_numbers<[1], [0], [0], [1], [0, 0, 1, 1], [], []>, transpose_lhs_hint = false} : vector<10000x32xbf16>, vector<32x64xbf16>, vector<10000x64xf32> -> vector<10000x64xf32>
    %swap3A_139 = arith.constant 0 : index
    %swap3A_140 = arith.constant 0 : index
    %swap3A_141 = vector.load %arg18[%swap3A_139, %swap3A_140] : memref<10000x64xf32, #tpu.memory_space<vmem>>, vector<10000x64xf32>
    tpu.vector_store %arg18[%swap3A_139, %swap3A_140], %dot_general3A_138 {strides = array<i32>} : memref<10000x64xf32, #tpu.memory_space<vmem>>, vector<10000x64xf32>,
    return
  }
}

module attributes {stable_mosaic.version = 14 : i64} {
  func.func @body(%arg0: memref<10000x32xf32, #tpu.memory_space<vmem>>, %arg1: memref<2x10000x64xf32, #tpu.memory_space<vmem>>, %arg2: memref<2x10000x1xf32, #tpu.memory_space<vmem>>, %arg3: memref<64x64xf32, #tpu.memory_space<vmem>>, %arg4: memref<1x64xf32, #tpu.memory_space<vmem>>, %arg5: memref<96x64xf32, #tpu.memory_space<vmem>>, %arg6: memref<1x64xf32, #tpu.memory_space<vmem>>, %arg7: memref<64x64xf32, #tpu.memory_space<vmem>>, %arg8: memref<1x64xf32, #tpu.memory_space<vmem>>, %arg9: memref<1x64xf32, #tpu.memory_space<vmem>>, %arg10: memref<1x64xf32, #tpu.memory_space<vmem>>, %arg11: memref<32x64xf32, #tpu.memory_space<vmem>>, %arg12: memref<1x64xf32, #tpu.memory_space<vmem>>, %arg13: memref<64x64xf32, #tpu.memory_space<vmem>>, %arg14: memref<64x64xf32, #tpu.memory_space<vmem>>, %arg15: memref<1x64xf32, #tpu.memory_space<vmem>>, %arg16: memref<10000x64xf32, #tpu.memory_space<vmem>>, %arg17: memref<10000x64xf32, #tpu.memory_space<vmem>>, %arg18: memref<10000x64xf32, #tpu.memory_space<vmem>>) attributes {dimension_semantics = [], scalar_prefetch = 0 : i64, scratch_operands = 0 : i64, tpu.core_type = #tpu.core_type<tc>} {
    %get3A = arith.constant 0 : index
    %get3A_0 = arith.constant 0 : index
    %get3A_1 = vector.load %arg0[%get3A, %get3A_0] : memref<10000x32xf32, #tpu.memory_space<vmem>>, vector<10000x32xf32>
    %get3A_2 = arith.constant 0 : index
    %get3A_3 = arith.constant 0 : index
    %get3A_4 = arith.constant 0 : index
    %get3A_5 = vector.load %arg1[%get3A_2, %get3A_3, %get3A_4] : memref<2x10000x64xf32, #tpu.memory_space<vmem>>, vector<1x10000x64xf32>
    %get3A_6 = vector.shape_cast %get3A_5 : vector<1x10000x64xf32> to vector<10000x64xf32>
    %get3A_7 = arith.constant 1 : index
    %get3A_8 = arith.constant 0 : index
    %get3A_9 = arith.constant 0 : index
    %get3A_10 = vector.load %arg1[%get3A_7, %get3A_8, %get3A_9] : memref<2x10000x64xf32, #tpu.memory_space<vmem>>, vector<1x10000x64xf32>
    %get3A_11 = vector.shape_cast %get3A_10 : vector<1x10000x64xf32> to vector<10000x64xf32>
    %add3A = arith.addf %get3A_6, %get3A_11 : vector<10000x64xf32>
    %get3A_12 = arith.constant 0 : index
    %get3A_13 = arith.constant 0 : index
    %get3A_14 = arith.constant 0 : index
    %get3A_15 = vector.load %arg2[%get3A_12, %get3A_13, %get3A_14] : memref<2x10000x1xf32, #tpu.memory_space<vmem>>, vector<1x10000x1xf32>
    %get3A_16 = vector.shape_cast %get3A_15 : vector<1x10000x1xf32> to vector<10000x1xf32>
    %get3A_17 = arith.constant 1 : index
    %get3A_18 = arith.constant 0 : index
    %get3A_19 = arith.constant 0 : index
    %get3A_20 = vector.load %arg2[%get3A_17, %get3A_18, %get3A_19] : memref<2x10000x1xf32, #tpu.memory_space<vmem>>, vector<1x10000x1xf32>
    %get3A_21 = vector.shape_cast %get3A_20 : vector<1x10000x1xf32> to vector<10000x1xf32>
    %add3A_22 = arith.addf %get3A_16, %get3A_21 : vector<10000x1xf32>
    %get3A_23 = arith.constant 0 : index
    %get3A_24 = arith.constant 0 : index
    %get3A_25 = vector.load %arg3[%get3A_23, %get3A_24] : memref<64x64xf32, #tpu.memory_space<vmem>>, vector<64x64xf32>
    %convert_element_type3A = arith.truncf %get3A_25 : vector<64x64xf32> to vector<64x64xbf16>
    %convert_element_type3A_26 = arith.truncf %add3A : vector<10000x64xf32> to vector<10000x64xbf16>
    %convert_element_type3A_27 = arith.extf %convert_element_type3A_26 : vector<10000x64xbf16> to vector<10000x64xf32>
    %sub3A = arith.subf %add3A, %convert_element_type3A_27 : vector<10000x64xf32>
    %convert_element_type3A_28 = arith.truncf %sub3A : vector<10000x64xf32> to vector<10000x64xbf16>
    %convert_element_type3A_29 = arith.extf %convert_element_type3A_28 : vector<10000x64xbf16> to vector<10000x64xf32>
    %sub3A_30 = arith.subf %sub3A, %convert_element_type3A_29 : vector<10000x64xf32>
    %convert_element_type3A_31 = arith.truncf %sub3A_30 : vector<10000x64xf32> to vector<10000x64xbf16>
    %dot_general3A = arith.constant dense<0.000000e+00> : vector<10000x64xf32>
    %dot_general3A_32 = tpu.matmul %convert_element_type3A_26, %convert_element_type3A, %dot_general3A {dimension_numbers = #tpu.dot_dimension_numbers<[1], [0], [0], [1], [0, 0, 1, 1], [], []>, transpose_lhs_hint = false} : vector<10000x64xbf16>, vector<64x64xbf16>, vector<10000x64xf32> -> vector<10000x64xf32>
    %dot_general3A_33 = arith.constant dense<0.000000e+00> : vector<10000x64xf32>
    %dot_general3A_34 = tpu.matmul %convert_element_type3A_28, %convert_element_type3A, %dot_general3A_33 {dimension_numbers = #tpu.dot_dimension_numbers<[1], [0], [0], [1], [0, 0, 1, 1], [], []>, transpose_lhs_hint = false} : vector<10000x64xbf16>, vector<64x64xbf16>, vector<10000x64xf32> -> vector<10000x64xf32>
    %add3A_35 = arith.addf %dot_general3A_32, %dot_general3A_34 : vector<10000x64xf32>
    %dot_general3A_36 = arith.constant dense<0.000000e+00> : vector<10000x64xf32>
    %dot_general3A_37 = tpu.matmul %convert_element_type3A_31, %convert_element_type3A, %dot_general3A_36 {dimension_numbers = #tpu.dot_dimension_numbers<[1], [0], [0], [1], [0, 0, 1, 1], [], []>, transpose_lhs_hint = false} : vector<10000x64xbf16>, vector<64x64xbf16>, vector<10000x64xf32> -> vector<10000x64xf32>
    %add3A_38 = arith.addf %add3A_35, %dot_general3A_37 : vector<10000x64xf32>
    %get3A_39 = arith.constant 0 : index
    %get3A_40 = arith.constant 0 : index
    %get3A_41 = vector.load %arg4[%get3A_39, %get3A_40] : memref<1x64xf32, #tpu.memory_space<vmem>>, vector<1x64xf32>
    %mul3A = vector.broadcast %add3A_22 : vector<10000x1xf32> to vector<10000x64xf32>
    %mul3A_42 = vector.broadcast %get3A_41 : vector<1x64xf32> to vector<10000x64xf32>
    %mul3A_43 = arith.mulf %mul3A, %mul3A_42 : vector<10000x64xf32>
    %add3A_44 = arith.addf %add3A_38, %mul3A_43 : vector<10000x64xf32>
    %concatenate3A = tpu.concatenate %get3A_1, %add3A_44 in 1 : vector<10000x32xf32>, vector<10000x64xf32> -> vector<10000x96xf32>
    %get3A_45 = arith.constant 0 : index
    %get3A_46 = arith.constant 0 : index
    %get3A_47 = vector.load %arg5[%get3A_45, %get3A_46] : memref<96x64xf32, #tpu.memory_space<vmem>>, vector<96x64xf32>
    %convert_element_type3A_48 = arith.truncf %concatenate3A : vector<10000x96xf32> to vector<10000x96xbf16>
    %convert_element_type3A_49 = arith.truncf %get3A_47 : vector<96x64xf32> to vector<96x64xbf16>
    %dot_general3A_50 = arith.constant dense<0.000000e+00> : vector<10000x64xf32>
    %dot_general3A_51 = tpu.matmul %convert_element_type3A_48, %convert_element_type3A_49, %dot_general3A_50 {dimension_numbers = #tpu.dot_dimension_numbers<[1], [0], [0], [1], [0, 0, 1, 1], [], []>, transpose_lhs_hint = false} : vector<10000x96xbf16>, vector<96x64xbf16>, vector<10000x64xf32> -> vector<10000x64xf32>
    %get3A_52 = arith.constant 0 : index
    %get3A_53 = arith.constant 0 : index
    %get3A_54 = vector.load %arg6[%get3A_52, %get3A_53] : memref<1x64xf32, #tpu.memory_space<vmem>>, vector<1x64xf32>
    %add3A_55 = vector.broadcast %get3A_54 : vector<1x64xf32> to vector<10000x64xf32>
    %add3A_56 = arith.addf %dot_general3A_51, %add3A_55 : vector<10000x64xf32>
    %max3A = arith.constant 0.000000e+00 : f32
    %max3A_57 = vector.broadcast %max3A : f32 to vector<10000x64xf32>
    %max3A_58 = arith.maximumf %add3A_56, %max3A_57 : vector<10000x64xf32>
    %get3A_59 = arith.constant 0 : index
    %get3A_60 = arith.constant 0 : index
    %get3A_61 = vector.load %arg7[%get3A_59, %get3A_60] : memref<64x64xf32, #tpu.memory_space<vmem>>, vector<64x64xf32>
    %convert_element_type3A_62 = arith.truncf %max3A_58 : vector<10000x64xf32> to vector<10000x64xbf16>
    %convert_element_type3A_63 = arith.truncf %get3A_61 : vector<64x64xf32> to vector<64x64xbf16>
    %dot_general3A_64 = arith.constant dense<0.000000e+00> : vector<10000x64xf32>
    %dot_general3A_65 = tpu.matmul %convert_element_type3A_62, %convert_element_type3A_63, %dot_general3A_64 {dimension_numbers = #tpu.dot_dimension_numbers<[1], [0], [0], [1], [0, 0, 1, 1], [], []>, transpose_lhs_hint = false} : vector<10000x64xbf16>, vector<64x64xbf16>, vector<10000x64xf32> -> vector<10000x64xf32>
    %get3A_66 = arith.constant 0 : index
    %get3A_67 = arith.constant 0 : index
    %get3A_68 = vector.load %arg8[%get3A_66, %get3A_67] : memref<1x64xf32, #tpu.memory_space<vmem>>, vector<1x64xf32>
    %add3A_69 = vector.broadcast %get3A_68 : vector<1x64xf32> to vector<10000x64xf32>
    %add3A_70 = arith.addf %dot_general3A_65, %add3A_69 : vector<10000x64xf32>
    %reduce_sum3A = arith.constant dense<0.000000e+00> : vector<64xf32>
    %reduce_sum3A_71 = vector.multi_reduction <add>, %add3A_70, %reduce_sum3A [0] : vector<10000x64xf32> to vector<64xf32>
    %broadcast_in_dim3A = vector.shape_cast %reduce_sum3A_71 : vector<64xf32> to vector<1x64xf32>
    %div3A = arith.constant 1.000000e+04 : f32
    %div3A_72 = vector.broadcast %div3A : f32 to vector<1x64xf32>
    %div3A_73 = arith.divf %broadcast_in_dim3A, %div3A_72 : vector<1x64xf32>
    %sub3A_74 = vector.broadcast %div3A_73 : vector<1x64xf32> to vector<10000x64xf32>
    %sub3A_75 = arith.subf %add3A_70, %sub3A_74 : vector<10000x64xf32>
    %integer_pow3A = arith.mulf %sub3A_75, %sub3A_75 : vector<10000x64xf32>
    %reduce_sum3A_76 = arith.constant dense<0.000000e+00> : vector<64xf32>
    %reduce_sum3A_77 = vector.multi_reduction <add>, %integer_pow3A, %reduce_sum3A_76 [0] : vector<10000x64xf32> to vector<64xf32>
    %broadcast_in_dim3A_78 = vector.shape_cast %reduce_sum3A_77 : vector<64xf32> to vector<1x64xf32>
    %div3A_79 = arith.constant 1.000000e+04 : f32
    %div3A_80 = vector.broadcast %div3A_79 : f32 to vector<1x64xf32>
    %div3A_81 = arith.divf %broadcast_in_dim3A_78, %div3A_80 : vector<1x64xf32>
    %sub3A_82 = vector.broadcast %div3A_73 : vector<1x64xf32> to vector<10000x64xf32>
    %sub3A_83 = arith.subf %add3A_70, %sub3A_82 : vector<10000x64xf32>
    %add3A_84 = arith.constant 9.99999974E-6 : f32
    %add3A_85 = vector.broadcast %add3A_84 : f32 to vector<1x64xf32>
    %add3A_86 = arith.addf %div3A_81, %add3A_85 : vector<1x64xf32>
    %sqrt3A = math.sqrt %add3A_86 : vector<1x64xf32>
    %div3A_87 = vector.broadcast %sqrt3A : vector<1x64xf32> to vector<10000x64xf32>
    %div3A_88 = arith.divf %sub3A_83, %div3A_87 : vector<10000x64xf32>
    %get3A_89 = arith.constant 0 : index
    %get3A_90 = arith.constant 0 : index
    %get3A_91 = vector.load %arg9[%get3A_89, %get3A_90] : memref<1x64xf32, #tpu.memory_space<vmem>>, vector<1x64xf32>
    %mul3A_92 = vector.broadcast %get3A_91 : vector<1x64xf32> to vector<10000x64xf32>
    %mul3A_93 = arith.mulf %div3A_88, %mul3A_92 : vector<10000x64xf32>
    %get3A_94 = arith.constant 0 : index
    %get3A_95 = arith.constant 0 : index
    %get3A_96 = vector.load %arg10[%get3A_94, %get3A_95] : memref<1x64xf32, #tpu.memory_space<vmem>>, vector<1x64xf32>
    %add3A_97 = vector.broadcast %get3A_96 : vector<1x64xf32> to vector<10000x64xf32>
    %add3A_98 = arith.addf %mul3A_93, %add3A_97 : vector<10000x64xf32>
    %get3A_99 = arith.constant 0 : index
    %get3A_100 = arith.constant 0 : index
    %get3A_101 = vector.load %arg11[%get3A_99, %get3A_100] : memref<32x64xf32, #tpu.memory_space<vmem>>, vector<32x64xf32>
    %convert_element_type3A_102 = arith.truncf %get3A_1 : vector<10000x32xf32> to vector<10000x32xbf16>
    %convert_element_type3A_103 = arith.truncf %get3A_101 : vector<32x64xf32> to vector<32x64xbf16>
    %dot_general3A_104 = arith.constant dense<0.000000e+00> : vector<10000x64xf32>
    %dot_general3A_105 = tpu.matmul %convert_element_type3A_102, %convert_element_type3A_103, %dot_general3A_104 {dimension_numbers = #tpu.dot_dimension_numbers<[1], [0], [0], [1], [0, 0, 1, 1], [], []>, transpose_lhs_hint = false} : vector<10000x32xbf16>, vector<32x64xbf16>, vector<10000x64xf32> -> vector<10000x64xf32>
    %add3A_106 = arith.addf %add3A_98, %dot_general3A_105 : vector<10000x64xf32>
    %get3A_107 = arith.constant 0 : index
    %get3A_108 = arith.constant 0 : index
    %get3A_109 = vector.load %arg12[%get3A_107, %get3A_108] : memref<1x64xf32, #tpu.memory_space<vmem>>, vector<1x64xf32>
    %add3A_110 = vector.broadcast %get3A_109 : vector<1x64xf32> to vector<10000x64xf32>
    %add3A_111 = arith.addf %add3A_106, %add3A_110 : vector<10000x64xf32>
    %max3A_112 = arith.constant 0.000000e+00 : f32
    %max3A_113 = vector.broadcast %max3A_112 : f32 to vector<10000x64xf32>
    %max3A_114 = arith.maximumf %add3A_111, %max3A_113 : vector<10000x64xf32>
    %swap3A = arith.constant 0 : index
    %swap3A_115 = arith.constant 0 : index
    %swap3A_116 = vector.load %arg16[%swap3A, %swap3A_115] : memref<10000x64xf32, #tpu.memory_space<vmem>>, vector<10000x64xf32>
    tpu.vector_store %arg16[%swap3A, %swap3A_115], %max3A_114 {strides = array<i32>} : memref<10000x64xf32, #tpu.memory_space<vmem>>, vector<10000x64xf32>,
    %get3A_117 = arith.constant 0 : index
    %get3A_118 = arith.constant 0 : index
    %get3A_119 = vector.load %arg13[%get3A_117, %get3A_118] : memref<64x64xf32, #tpu.memory_space<vmem>>, vector<64x64xf32>
    %convert_element_type3A_120 = arith.truncf %max3A_114 : vector<10000x64xf32> to vector<10000x64xbf16>
    %convert_element_type3A_121 = arith.truncf %get3A_119 : vector<64x64xf32> to vector<64x64xbf16>
    %dot_general3A_122 = arith.constant dense<0.000000e+00> : vector<10000x64xf32>
    %dot_general3A_123 = tpu.matmul %convert_element_type3A_120, %convert_element_type3A_121, %dot_general3A_122 {dimension_numbers = #tpu.dot_dimension_numbers<[1], [0], [0], [1], [0, 0, 1, 1], [], []>, transpose_lhs_hint = false} : vector<10000x64xbf16>, vector<64x64xbf16>, vector<10000x64xf32> -> vector<10000x64xf32>
    %get3A_124 = arith.constant 0 : index
    %get3A_125 = arith.constant 0 : index
    %get3A_126 = vector.load %arg15[%get3A_124, %get3A_125] : memref<1x64xf32, #tpu.memory_space<vmem>>, vector<1x64xf32>
    %add3A_127 = vector.broadcast %get3A_126 : vector<1x64xf32> to vector<10000x64xf32>
    %add3A_128 = arith.addf %dot_general3A_123, %add3A_127 : vector<10000x64xf32>
    %swap3A_129 = arith.constant 0 : index
    %swap3A_130 = arith.constant 0 : index
    %swap3A_131 = vector.load %arg17[%swap3A_129, %swap3A_130] : memref<10000x64xf32, #tpu.memory_space<vmem>>, vector<10000x64xf32>
    tpu.vector_store %arg17[%swap3A_129, %swap3A_130], %add3A_128 {strides = array<i32>} : memref<10000x64xf32, #tpu.memory_space<vmem>>, vector<10000x64xf32>,
    %get3A_132 = arith.constant 0 : index
    %get3A_133 = arith.constant 0 : index
    %get3A_134 = vector.load %arg14[%get3A_132, %get3A_133] : memref<64x64xf32, #tpu.memory_space<vmem>>, vector<64x64xf32>
    %convert_element_type3A_135 = arith.truncf %max3A_114 : vector<10000x64xf32> to vector<10000x64xbf16>
    %convert_element_type3A_136 = arith.truncf %get3A_134 : vector<64x64xf32> to vector<64x64xbf16>
    %dot_general3A_137 = arith.constant dense<0.000000e+00> : vector<10000x64xf32>
    %dot_general3A_138 = tpu.matmul %convert_element_type3A_135, %convert_element_type3A_136, %dot_general3A_137 {dimension_numbers = #tpu.dot_dimension_numbers<[1], [0], [0], [1], [0, 0, 1, 1], [], []>, transpose_lhs_hint = false} : vector<10000x64xbf16>, vector<64x64xbf16>, vector<10000x64xf32> -> vector<10000x64xf32>
    %swap3A_139 = arith.constant 0 : index
    %swap3A_140 = arith.constant 0 : index
    %swap3A_141 = vector.load %arg18[%swap3A_139, %swap3A_140] : memref<10000x64xf32, #tpu.memory_space<vmem>>, vector<10000x64xf32>
    tpu.vector_store %arg18[%swap3A_139, %swap3A_140], %dot_general3A_138 {strides = array<i32>} : memref<10000x64xf32, #tpu.memory_space<vmem>>, vector<10000x64xf32>,
    return
  }
}

module attributes {stable_mosaic.version = 14 : i64} {
  func.func @body(%arg0: memref<10000x64xf32, #tpu.memory_space<vmem>>, %arg1: memref<2x10000x64xf32, #tpu.memory_space<vmem>>, %arg2: memref<2x10000x1xf32, #tpu.memory_space<vmem>>, %arg3: memref<64x64xf32, #tpu.memory_space<vmem>>, %arg4: memref<1x64xf32, #tpu.memory_space<vmem>>, %arg5: memref<128x64xf32, #tpu.memory_space<vmem>>, %arg6: memref<1x64xf32, #tpu.memory_space<vmem>>, %arg7: memref<64x64xf32, #tpu.memory_space<vmem>>, %arg8: memref<1x64xf32, #tpu.memory_space<vmem>>, %arg9: memref<1x64xf32, #tpu.memory_space<vmem>>, %arg10: memref<1x64xf32, #tpu.memory_space<vmem>>, %arg11: memref<64x64xf32, #tpu.memory_space<vmem>>, %arg12: memref<1x64xf32, #tpu.memory_space<vmem>>, %arg13: memref<64x64xf32, #tpu.memory_space<vmem>>, %arg14: memref<64x64xf32, #tpu.memory_space<vmem>>, %arg15: memref<1x64xf32, #tpu.memory_space<vmem>>, %arg16: memref<10000x64xf32, #tpu.memory_space<vmem>>, %arg17: memref<10000x64xf32, #tpu.memory_space<vmem>>, %arg18: memref<10000x64xf32, #tpu.memory_space<vmem>>) attributes {dimension_semantics = [], scalar_prefetch = 0 : i64, scratch_operands = 0 : i64, tpu.core_type = #tpu.core_type<tc>} {
    %get3A = arith.constant 0 : index
    %get3A_0 = arith.constant 0 : index
    %get3A_1 = vector.load %arg0[%get3A, %get3A_0] : memref<10000x64xf32, #tpu.memory_space<vmem>>, vector<10000x64xf32>
    %get3A_2 = arith.constant 0 : index
    %get3A_3 = arith.constant 0 : index
    %get3A_4 = arith.constant 0 : index
    %get3A_5 = vector.load %arg1[%get3A_2, %get3A_3, %get3A_4] : memref<2x10000x64xf32, #tpu.memory_space<vmem>>, vector<1x10000x64xf32>
    %get3A_6 = vector.shape_cast %get3A_5 : vector<1x10000x64xf32> to vector<10000x64xf32>
    %get3A_7 = arith.constant 1 : index
    %get3A_8 = arith.constant 0 : index
    %get3A_9 = arith.constant 0 : index
    %get3A_10 = vector.load %arg1[%get3A_7, %get3A_8, %get3A_9] : memref<2x10000x64xf32, #tpu.memory_space<vmem>>, vector<1x10000x64xf32>
    %get3A_11 = vector.shape_cast %get3A_10 : vector<1x10000x64xf32> to vector<10000x64xf32>
    %add3A = arith.addf %get3A_6, %get3A_11 : vector<10000x64xf32>
    %get3A_12 = arith.constant 0 : index
    %get3A_13 = arith.constant 0 : index
    %get3A_14 = arith.constant 0 : index
    %get3A_15 = vector.load %arg2[%get3A_12, %get3A_13, %get3A_14] : memref<2x10000x1xf32, #tpu.memory_space<vmem>>, vector<1x10000x1xf32>
    %get3A_16 = vector.shape_cast %get3A_15 : vector<1x10000x1xf32> to vector<10000x1xf32>
    %get3A_17 = arith.constant 1 : index
    %get3A_18 = arith.constant 0 : index
    %get3A_19 = arith.constant 0 : index
    %get3A_20 = vector.load %arg2[%get3A_17, %get3A_18, %get3A_19] : memref<2x10000x1xf32, #tpu.memory_space<vmem>>, vector<1x10000x1xf32>
    %get3A_21 = vector.shape_cast %get3A_20 : vector<1x10000x1xf32> to vector<10000x1xf32>
    %add3A_22 = arith.addf %get3A_16, %get3A_21 : vector<10000x1xf32>
    %get3A_23 = arith.constant 0 : index
    %get3A_24 = arith.constant 0 : index
    %get3A_25 = vector.load %arg3[%get3A_23, %get3A_24] : memref<64x64xf32, #tpu.memory_space<vmem>>, vector<64x64xf32>
    %convert_element_type3A = arith.truncf %get3A_25 : vector<64x64xf32> to vector<64x64xbf16>
    %convert_element_type3A_26 = arith.truncf %add3A : vector<10000x64xf32> to vector<10000x64xbf16>
    %convert_element_type3A_27 = arith.extf %convert_element_type3A_26 : vector<10000x64xbf16> to vector<10000x64xf32>
    %sub3A = arith.subf %add3A, %convert_element_type3A_27 : vector<10000x64xf32>
    %convert_element_type3A_28 = arith.truncf %sub3A : vector<10000x64xf32> to vector<10000x64xbf16>
    %convert_element_type3A_29 = arith.extf %convert_element_type3A_28 : vector<10000x64xbf16> to vector<10000x64xf32>
    %sub3A_30 = arith.subf %sub3A, %convert_element_type3A_29 : vector<10000x64xf32>
    %convert_element_type3A_31 = arith.truncf %sub3A_30 : vector<10000x64xf32> to vector<10000x64xbf16>
    %dot_general3A = arith.constant dense<0.000000e+00> : vector<10000x64xf32>
    %dot_general3A_32 = tpu.matmul %convert_element_type3A_26, %convert_element_type3A, %dot_general3A {dimension_numbers = #tpu.dot_dimension_numbers<[1], [0], [0], [1], [0, 0, 1, 1], [], []>, transpose_lhs_hint = false} : vector<10000x64xbf16>, vector<64x64xbf16>, vector<10000x64xf32> -> vector<10000x64xf32>
    %dot_general3A_33 = arith.constant dense<0.000000e+00> : vector<10000x64xf32>
    %dot_general3A_34 = tpu.matmul %convert_element_type3A_28, %convert_element_type3A, %dot_general3A_33 {dimension_numbers = #tpu.dot_dimension_numbers<[1], [0], [0], [1], [0, 0, 1, 1], [], []>, transpose_lhs_hint = false} : vector<10000x64xbf16>, vector<64x64xbf16>, vector<10000x64xf32> -> vector<10000x64xf32>
    %add3A_35 = arith.addf %dot_general3A_32, %dot_general3A_34 : vector<10000x64xf32>
    %dot_general3A_36 = arith.constant dense<0.000000e+00> : vector<10000x64xf32>
    %dot_general3A_37 = tpu.matmul %convert_element_type3A_31, %convert_element_type3A, %dot_general3A_36 {dimension_numbers = #tpu.dot_dimension_numbers<[1], [0], [0], [1], [0, 0, 1, 1], [], []>, transpose_lhs_hint = false} : vector<10000x64xbf16>, vector<64x64xbf16>, vector<10000x64xf32> -> vector<10000x64xf32>
    %add3A_38 = arith.addf %add3A_35, %dot_general3A_37 : vector<10000x64xf32>
    %get3A_39 = arith.constant 0 : index
    %get3A_40 = arith.constant 0 : index
    %get3A_41 = vector.load %arg4[%get3A_39, %get3A_40] : memref<1x64xf32, #tpu.memory_space<vmem>>, vector<1x64xf32>
    %mul3A = vector.broadcast %add3A_22 : vector<10000x1xf32> to vector<10000x64xf32>
    %mul3A_42 = vector.broadcast %get3A_41 : vector<1x64xf32> to vector<10000x64xf32>
    %mul3A_43 = arith.mulf %mul3A, %mul3A_42 : vector<10000x64xf32>
    %add3A_44 = arith.addf %add3A_38, %mul3A_43 : vector<10000x64xf32>
    %concatenate3A = tpu.concatenate %get3A_1, %add3A_44 in 1 : vector<10000x64xf32>, vector<10000x64xf32> -> vector<10000x128xf32>
    %get3A_45 = arith.constant 0 : index
    %get3A_46 = arith.constant 0 : index
    %get3A_47 = vector.load %arg5[%get3A_45, %get3A_46] : memref<128x64xf32, #tpu.memory_space<vmem>>, vector<128x64xf32>
    %convert_element_type3A_48 = arith.truncf %concatenate3A : vector<10000x128xf32> to vector<10000x128xbf16>
    %convert_element_type3A_49 = arith.truncf %get3A_47 : vector<128x64xf32> to vector<128x64xbf16>
    %dot_general3A_50 = arith.constant dense<0.000000e+00> : vector<10000x64xf32>
    %dot_general3A_51 = tpu.matmul %convert_element_type3A_48, %convert_element_type3A_49, %dot_general3A_50 {dimension_numbers = #tpu.dot_dimension_numbers<[1], [0], [0], [1], [0, 0, 1, 1], [], []>, transpose_lhs_hint = false} : vector<10000x128xbf16>, vector<128x64xbf16>, vector<10000x64xf32> -> vector<10000x64xf32>
    %get3A_52 = arith.constant 0 : index
    %get3A_53 = arith.constant 0 : index
    %get3A_54 = vector.load %arg6[%get3A_52, %get3A_53] : memref<1x64xf32, #tpu.memory_space<vmem>>, vector<1x64xf32>
    %add3A_55 = vector.broadcast %get3A_54 : vector<1x64xf32> to vector<10000x64xf32>
    %add3A_56 = arith.addf %dot_general3A_51, %add3A_55 : vector<10000x64xf32>
    %max3A = arith.constant 0.000000e+00 : f32
    %max3A_57 = vector.broadcast %max3A : f32 to vector<10000x64xf32>
    %max3A_58 = arith.maximumf %add3A_56, %max3A_57 : vector<10000x64xf32>
    %get3A_59 = arith.constant 0 : index
    %get3A_60 = arith.constant 0 : index
    %get3A_61 = vector.load %arg7[%get3A_59, %get3A_60] : memref<64x64xf32, #tpu.memory_space<vmem>>, vector<64x64xf32>
    %convert_element_type3A_62 = arith.truncf %max3A_58 : vector<10000x64xf32> to vector<10000x64xbf16>
    %convert_element_type3A_63 = arith.truncf %get3A_61 : vector<64x64xf32> to vector<64x64xbf16>
    %dot_general3A_64 = arith.constant dense<0.000000e+00> : vector<10000x64xf32>
    %dot_general3A_65 = tpu.matmul %convert_element_type3A_62, %convert_element_type3A_63, %dot_general3A_64 {dimension_numbers = #tpu.dot_dimension_numbers<[1], [0], [0], [1], [0, 0, 1, 1], [], []>, transpose_lhs_hint = false} : vector<10000x64xbf16>, vector<64x64xbf16>, vector<10000x64xf32> -> vector<10000x64xf32>
    %get3A_66 = arith.constant 0 : index
    %get3A_67 = arith.constant 0 : index
    %get3A_68 = vector.load %arg8[%get3A_66, %get3A_67] : memref<1x64xf32, #tpu.memory_space<vmem>>, vector<1x64xf32>
    %add3A_69 = vector.broadcast %get3A_68 : vector<1x64xf32> to vector<10000x64xf32>
    %add3A_70 = arith.addf %dot_general3A_65, %add3A_69 : vector<10000x64xf32>
    %reduce_sum3A = arith.constant dense<0.000000e+00> : vector<64xf32>
    %reduce_sum3A_71 = vector.multi_reduction <add>, %add3A_70, %reduce_sum3A [0] : vector<10000x64xf32> to vector<64xf32>
    %broadcast_in_dim3A = vector.shape_cast %reduce_sum3A_71 : vector<64xf32> to vector<1x64xf32>
    %div3A = arith.constant 1.000000e+04 : f32
    %div3A_72 = vector.broadcast %div3A : f32 to vector<1x64xf32>
    %div3A_73 = arith.divf %broadcast_in_dim3A, %div3A_72 : vector<1x64xf32>
    %sub3A_74 = vector.broadcast %div3A_73 : vector<1x64xf32> to vector<10000x64xf32>
    %sub3A_75 = arith.subf %add3A_70, %sub3A_74 : vector<10000x64xf32>
    %integer_pow3A = arith.mulf %sub3A_75, %sub3A_75 : vector<10000x64xf32>
    %reduce_sum3A_76 = arith.constant dense<0.000000e+00> : vector<64xf32>
    %reduce_sum3A_77 = vector.multi_reduction <add>, %integer_pow3A, %reduce_sum3A_76 [0] : vector<10000x64xf32> to vector<64xf32>
    %broadcast_in_dim3A_78 = vector.shape_cast %reduce_sum3A_77 : vector<64xf32> to vector<1x64xf32>
    %div3A_79 = arith.constant 1.000000e+04 : f32
    %div3A_80 = vector.broadcast %div3A_79 : f32 to vector<1x64xf32>
    %div3A_81 = arith.divf %broadcast_in_dim3A_78, %div3A_80 : vector<1x64xf32>
    %sub3A_82 = vector.broadcast %div3A_73 : vector<1x64xf32> to vector<10000x64xf32>
    %sub3A_83 = arith.subf %add3A_70, %sub3A_82 : vector<10000x64xf32>
    %add3A_84 = arith.constant 9.99999974E-6 : f32
    %add3A_85 = vector.broadcast %add3A_84 : f32 to vector<1x64xf32>
    %add3A_86 = arith.addf %div3A_81, %add3A_85 : vector<1x64xf32>
    %sqrt3A = math.sqrt %add3A_86 : vector<1x64xf32>
    %div3A_87 = vector.broadcast %sqrt3A : vector<1x64xf32> to vector<10000x64xf32>
    %div3A_88 = arith.divf %sub3A_83, %div3A_87 : vector<10000x64xf32>
    %get3A_89 = arith.constant 0 : index
    %get3A_90 = arith.constant 0 : index
    %get3A_91 = vector.load %arg9[%get3A_89, %get3A_90] : memref<1x64xf32, #tpu.memory_space<vmem>>, vector<1x64xf32>
    %mul3A_92 = vector.broadcast %get3A_91 : vector<1x64xf32> to vector<10000x64xf32>
    %mul3A_93 = arith.mulf %div3A_88, %mul3A_92 : vector<10000x64xf32>
    %get3A_94 = arith.constant 0 : index
    %get3A_95 = arith.constant 0 : index
    %get3A_96 = vector.load %arg10[%get3A_94, %get3A_95] : memref<1x64xf32, #tpu.memory_space<vmem>>, vector<1x64xf32>
    %add3A_97 = vector.broadcast %get3A_96 : vector<1x64xf32> to vector<10000x64xf32>
    %add3A_98 = arith.addf %mul3A_93, %add3A_97 : vector<10000x64xf32>
    %get3A_99 = arith.constant 0 : index
    %get3A_100 = arith.constant 0 : index
    %get3A_101 = vector.load %arg11[%get3A_99, %get3A_100] : memref<64x64xf32, #tpu.memory_space<vmem>>, vector<64x64xf32>
    %convert_element_type3A_102 = arith.truncf %get3A_1 : vector<10000x64xf32> to vector<10000x64xbf16>
    %convert_element_type3A_103 = arith.truncf %get3A_101 : vector<64x64xf32> to vector<64x64xbf16>
    %dot_general3A_104 = arith.constant dense<0.000000e+00> : vector<10000x64xf32>
    %dot_general3A_105 = tpu.matmul %convert_element_type3A_102, %convert_element_type3A_103, %dot_general3A_104 {dimension_numbers = #tpu.dot_dimension_numbers<[1], [0], [0], [1], [0, 0, 1, 1], [], []>, transpose_lhs_hint = false} : vector<10000x64xbf16>, vector<64x64xbf16>, vector<10000x64xf32> -> vector<10000x64xf32>
    %add3A_106 = arith.addf %add3A_98, %dot_general3A_105 : vector<10000x64xf32>
    %get3A_107 = arith.constant 0 : index
    %get3A_108 = arith.constant 0 : index
    %get3A_109 = vector.load %arg12[%get3A_107, %get3A_108] : memref<1x64xf32, #tpu.memory_space<vmem>>, vector<1x64xf32>
    %add3A_110 = vector.broadcast %get3A_109 : vector<1x64xf32> to vector<10000x64xf32>
    %add3A_111 = arith.addf %add3A_106, %add3A_110 : vector<10000x64xf32>
    %max3A_112 = arith.constant 0.000000e+00 : f32
    %max3A_113 = vector.broadcast %max3A_112 : f32 to vector<10000x64xf32>
    %max3A_114 = arith.maximumf %add3A_111, %max3A_113 : vector<10000x64xf32>
    %swap3A = arith.constant 0 : index
    %swap3A_115 = arith.constant 0 : index
    %swap3A_116 = vector.load %arg16[%swap3A, %swap3A_115] : memref<10000x64xf32, #tpu.memory_space<vmem>>, vector<10000x64xf32>
    tpu.vector_store %arg16[%swap3A, %swap3A_115], %max3A_114 {strides = array<i32>} : memref<10000x64xf32, #tpu.memory_space<vmem>>, vector<10000x64xf32>,
    %get3A_117 = arith.constant 0 : index
    %get3A_118 = arith.constant 0 : index
    %get3A_119 = vector.load %arg13[%get3A_117, %get3A_118] : memref<64x64xf32, #tpu.memory_space<vmem>>, vector<64x64xf32>
    %convert_element_type3A_120 = arith.truncf %max3A_114 : vector<10000x64xf32> to vector<10000x64xbf16>
    %convert_element_type3A_121 = arith.truncf %get3A_119 : vector<64x64xf32> to vector<64x64xbf16>
    %dot_general3A_122 = arith.constant dense<0.000000e+00> : vector<10000x64xf32>
    %dot_general3A_123 = tpu.matmul %convert_element_type3A_120, %convert_element_type3A_121, %dot_general3A_122 {dimension_numbers = #tpu.dot_dimension_numbers<[1], [0], [0], [1], [0, 0, 1, 1], [], []>, transpose_lhs_hint = false} : vector<10000x64xbf16>, vector<64x64xbf16>, vector<10000x64xf32> -> vector<10000x64xf32>
    %get3A_124 = arith.constant 0 : index
    %get3A_125 = arith.constant 0 : index
    %get3A_126 = vector.load %arg15[%get3A_124, %get3A_125] : memref<1x64xf32, #tpu.memory_space<vmem>>, vector<1x64xf32>
    %add3A_127 = vector.broadcast %get3A_126 : vector<1x64xf32> to vector<10000x64xf32>
    %add3A_128 = arith.addf %dot_general3A_123, %add3A_127 : vector<10000x64xf32>
    %swap3A_129 = arith.constant 0 : index
    %swap3A_130 = arith.constant 0 : index
    %swap3A_131 = vector.load %arg17[%swap3A_129, %swap3A_130] : memref<10000x64xf32, #tpu.memory_space<vmem>>, vector<10000x64xf32>
    tpu.vector_store %arg17[%swap3A_129, %swap3A_130], %add3A_128 {strides = array<i32>} : memref<10000x64xf32, #tpu.memory_space<vmem>>, vector<10000x64xf32>,
    %get3A_132 = arith.constant 0 : index
    %get3A_133 = arith.constant 0 : index
    %get3A_134 = vector.load %arg14[%get3A_132, %get3A_133] : memref<64x64xf32, #tpu.memory_space<vmem>>, vector<64x64xf32>
    %convert_element_type3A_135 = arith.truncf %max3A_114 : vector<10000x64xf32> to vector<10000x64xbf16>
    %convert_element_type3A_136 = arith.truncf %get3A_134 : vector<64x64xf32> to vector<64x64xbf16>
    %dot_general3A_137 = arith.constant dense<0.000000e+00> : vector<10000x64xf32>
    %dot_general3A_138 = tpu.matmul %convert_element_type3A_135, %convert_element_type3A_136, %dot_general3A_137 {dimension_numbers = #tpu.dot_dimension_numbers<[1], [0], [0], [1], [0, 0, 1, 1], [], []>, transpose_lhs_hint = false} : vector<10000x64xbf16>, vector<64x64xbf16>, vector<10000x64xf32> -> vector<10000x64xf32>
    %swap3A_139 = arith.constant 0 : index
    %swap3A_140 = arith.constant 0 : index
    %swap3A_141 = vector.load %arg18[%swap3A_139, %swap3A_140] : memref<10000x64xf32, #tpu.memory_space<vmem>>, vector<10000x64xf32>
    tpu.vector_store %arg18[%swap3A_139, %swap3A_140], %dot_general3A_138 {strides = array<i32>} : memref<10000x64xf32, #tpu.memory_space<vmem>>, vector<10000x64xf32>,
    return
  }
}

module attributes {stable_mosaic.version = 14 : i64} {
  func.func @body(%arg0: memref<10000x64xf32, #tpu.memory_space<vmem>>, %arg1: memref<2x10000x64xf32, #tpu.memory_space<vmem>>, %arg2: memref<2x10000x1xf32, #tpu.memory_space<vmem>>, %arg3: memref<64x64xf32, #tpu.memory_space<vmem>>, %arg4: memref<1x64xf32, #tpu.memory_space<vmem>>, %arg5: memref<128x64xf32, #tpu.memory_space<vmem>>, %arg6: memref<1x64xf32, #tpu.memory_space<vmem>>, %arg7: memref<64x64xf32, #tpu.memory_space<vmem>>, %arg8: memref<1x64xf32, #tpu.memory_space<vmem>>, %arg9: memref<1x64xf32, #tpu.memory_space<vmem>>, %arg10: memref<1x64xf32, #tpu.memory_space<vmem>>, %arg11: memref<64x64xf32, #tpu.memory_space<vmem>>, %arg12: memref<1x64xf32, #tpu.memory_space<vmem>>, %arg13: memref<1x64xf32, #tpu.memory_space<vmem>>, %arg14: memref<1x64xf32, #tpu.memory_space<vmem>>, %arg15: memref<10000x64xf32, #tpu.memory_space<vmem>>) attributes {dimension_semantics = [], scalar_prefetch = 0 : i64, scratch_operands = 0 : i64, tpu.core_type = #tpu.core_type<tc>} {
    %get3A = arith.constant 0 : index
    %get3A_0 = arith.constant 0 : index
    %get3A_1 = vector.load %arg0[%get3A, %get3A_0] : memref<10000x64xf32, #tpu.memory_space<vmem>>, vector<10000x64xf32>
    %get3A_2 = arith.constant 0 : index
    %get3A_3 = arith.constant 0 : index
    %get3A_4 = arith.constant 0 : index
    %get3A_5 = vector.load %arg1[%get3A_2, %get3A_3, %get3A_4] : memref<2x10000x64xf32, #tpu.memory_space<vmem>>, vector<1x10000x64xf32>
    %get3A_6 = vector.shape_cast %get3A_5 : vector<1x10000x64xf32> to vector<10000x64xf32>
    %get3A_7 = arith.constant 1 : index
    %get3A_8 = arith.constant 0 : index
    %get3A_9 = arith.constant 0 : index
    %get3A_10 = vector.load %arg1[%get3A_7, %get3A_8, %get3A_9] : memref<2x10000x64xf32, #tpu.memory_space<vmem>>, vector<1x10000x64xf32>
    %get3A_11 = vector.shape_cast %get3A_10 : vector<1x10000x64xf32> to vector<10000x64xf32>
    %add3A = arith.addf %get3A_6, %get3A_11 : vector<10000x64xf32>
    %get3A_12 = arith.constant 0 : index
    %get3A_13 = arith.constant 0 : index
    %get3A_14 = arith.constant 0 : index
    %get3A_15 = vector.load %arg2[%get3A_12, %get3A_13, %get3A_14] : memref<2x10000x1xf32, #tpu.memory_space<vmem>>, vector<1x10000x1xf32>
    %get3A_16 = vector.shape_cast %get3A_15 : vector<1x10000x1xf32> to vector<10000x1xf32>
    %get3A_17 = arith.constant 1 : index
    %get3A_18 = arith.constant 0 : index
    %get3A_19 = arith.constant 0 : index
    %get3A_20 = vector.load %arg2[%get3A_17, %get3A_18, %get3A_19] : memref<2x10000x1xf32, #tpu.memory_space<vmem>>, vector<1x10000x1xf32>
    %get3A_21 = vector.shape_cast %get3A_20 : vector<1x10000x1xf32> to vector<10000x1xf32>
    %add3A_22 = arith.addf %get3A_16, %get3A_21 : vector<10000x1xf32>
    %get3A_23 = arith.constant 0 : index
    %get3A_24 = arith.constant 0 : index
    %get3A_25 = vector.load %arg3[%get3A_23, %get3A_24] : memref<64x64xf32, #tpu.memory_space<vmem>>, vector<64x64xf32>
    %convert_element_type3A = arith.truncf %get3A_25 : vector<64x64xf32> to vector<64x64xbf16>
    %convert_element_type3A_26 = arith.truncf %add3A : vector<10000x64xf32> to vector<10000x64xbf16>
    %convert_element_type3A_27 = arith.extf %convert_element_type3A_26 : vector<10000x64xbf16> to vector<10000x64xf32>
    %sub3A = arith.subf %add3A, %convert_element_type3A_27 : vector<10000x64xf32>
    %convert_element_type3A_28 = arith.truncf %sub3A : vector<10000x64xf32> to vector<10000x64xbf16>
    %convert_element_type3A_29 = arith.extf %convert_element_type3A_28 : vector<10000x64xbf16> to vector<10000x64xf32>
    %sub3A_30 = arith.subf %sub3A, %convert_element_type3A_29 : vector<10000x64xf32>
    %convert_element_type3A_31 = arith.truncf %sub3A_30 : vector<10000x64xf32> to vector<10000x64xbf16>
    %dot_general3A = arith.constant dense<0.000000e+00> : vector<10000x64xf32>
    %dot_general3A_32 = tpu.matmul %convert_element_type3A_26, %convert_element_type3A, %dot_general3A {dimension_numbers = #tpu.dot_dimension_numbers<[1], [0], [0], [1], [0, 0, 1, 1], [], []>, transpose_lhs_hint = false} : vector<10000x64xbf16>, vector<64x64xbf16>, vector<10000x64xf32> -> vector<10000x64xf32>
    %dot_general3A_33 = arith.constant dense<0.000000e+00> : vector<10000x64xf32>
    %dot_general3A_34 = tpu.matmul %convert_element_type3A_28, %convert_element_type3A, %dot_general3A_33 {dimension_numbers = #tpu.dot_dimension_numbers<[1], [0], [0], [1], [0, 0, 1, 1], [], []>, transpose_lhs_hint = false} : vector<10000x64xbf16>, vector<64x64xbf16>, vector<10000x64xf32> -> vector<10000x64xf32>
    %add3A_35 = arith.addf %dot_general3A_32, %dot_general3A_34 : vector<10000x64xf32>
    %dot_general3A_36 = arith.constant dense<0.000000e+00> : vector<10000x64xf32>
    %dot_general3A_37 = tpu.matmul %convert_element_type3A_31, %convert_element_type3A, %dot_general3A_36 {dimension_numbers = #tpu.dot_dimension_numbers<[1], [0], [0], [1], [0, 0, 1, 1], [], []>, transpose_lhs_hint = false} : vector<10000x64xbf16>, vector<64x64xbf16>, vector<10000x64xf32> -> vector<10000x64xf32>
    %add3A_38 = arith.addf %add3A_35, %dot_general3A_37 : vector<10000x64xf32>
    %get3A_39 = arith.constant 0 : index
    %get3A_40 = arith.constant 0 : index
    %get3A_41 = vector.load %arg4[%get3A_39, %get3A_40] : memref<1x64xf32, #tpu.memory_space<vmem>>, vector<1x64xf32>
    %mul3A = vector.broadcast %add3A_22 : vector<10000x1xf32> to vector<10000x64xf32>
    %mul3A_42 = vector.broadcast %get3A_41 : vector<1x64xf32> to vector<10000x64xf32>
    %mul3A_43 = arith.mulf %mul3A, %mul3A_42 : vector<10000x64xf32>
    %add3A_44 = arith.addf %add3A_38, %mul3A_43 : vector<10000x64xf32>
    %concatenate3A = tpu.concatenate %get3A_1, %add3A_44 in 1 : vector<10000x64xf32>, vector<10000x64xf32> -> vector<10000x128xf32>
    %get3A_45 = arith.constant 0 : index
    %get3A_46 = arith.constant 0 : index
    %get3A_47 = vector.load %arg5[%get3A_45, %get3A_46] : memref<128x64xf32, #tpu.memory_space<vmem>>, vector<128x64xf32>
    %convert_element_type3A_48 = arith.truncf %concatenate3A : vector<10000x128xf32> to vector<10000x128xbf16>
    %convert_element_type3A_49 = arith.truncf %get3A_47 : vector<128x64xf32> to vector<128x64xbf16>
    %dot_general3A_50 = arith.constant dense<0.000000e+00> : vector<10000x64xf32>
    %dot_general3A_51 = tpu.matmul %convert_element_type3A_48, %convert_element_type3A_49, %dot_general3A_50 {dimension_numbers = #tpu.dot_dimension_numbers<[1], [0], [0], [1], [0, 0, 1, 1], [], []>, transpose_lhs_hint = false} : vector<10000x128xbf16>, vector<128x64xbf16>, vector<10000x64xf32> -> vector<10000x64xf32>
    %get3A_52 = arith.constant 0 : index
    %get3A_53 = arith.constant 0 : index
    %get3A_54 = vector.load %arg6[%get3A_52, %get3A_53] : memref<1x64xf32, #tpu.memory_space<vmem>>, vector<1x64xf32>
    %add3A_55 = vector.broadcast %get3A_54 : vector<1x64xf32> to vector<10000x64xf32>
    %add3A_56 = arith.addf %dot_general3A_51, %add3A_55 : vector<10000x64xf32>
    %max3A = arith.constant 0.000000e+00 : f32
    %max3A_57 = vector.broadcast %max3A : f32 to vector<10000x64xf32>
    %max3A_58 = arith.maximumf %add3A_56, %max3A_57 : vector<10000x64xf32>
    %get3A_59 = arith.constant 0 : index
    %get3A_60 = arith.constant 0 : index
    %get3A_61 = vector.load %arg7[%get3A_59, %get3A_60] : memref<64x64xf32, #tpu.memory_space<vmem>>, vector<64x64xf32>
    %convert_element_type3A_62 = arith.truncf %max3A_58 : vector<10000x64xf32> to vector<10000x64xbf16>
    %convert_element_type3A_63 = arith.truncf %get3A_61 : vector<64x64xf32> to vector<64x64xbf16>
    %dot_general3A_64 = arith.constant dense<0.000000e+00> : vector<10000x64xf32>
    %dot_general3A_65 = tpu.matmul %convert_element_type3A_62, %convert_element_type3A_63, %dot_general3A_64 {dimension_numbers = #tpu.dot_dimension_numbers<[1], [0], [0], [1], [0, 0, 1, 1], [], []>, transpose_lhs_hint = false} : vector<10000x64xbf16>, vector<64x64xbf16>, vector<10000x64xf32> -> vector<10000x64xf32>
    %get3A_66 = arith.constant 0 : index
    %get3A_67 = arith.constant 0 : index
    %get3A_68 = vector.load %arg8[%get3A_66, %get3A_67] : memref<1x64xf32, #tpu.memory_space<vmem>>, vector<1x64xf32>
    %add3A_69 = vector.broadcast %get3A_68 : vector<1x64xf32> to vector<10000x64xf32>
    %add3A_70 = arith.addf %dot_general3A_65, %add3A_69 : vector<10000x64xf32>
    %reduce_sum3A = arith.constant dense<0.000000e+00> : vector<64xf32>
    %reduce_sum3A_71 = vector.multi_reduction <add>, %add3A_70, %reduce_sum3A [0] : vector<10000x64xf32> to vector<64xf32>
    %broadcast_in_dim3A = vector.shape_cast %reduce_sum3A_71 : vector<64xf32> to vector<1x64xf32>
    %div3A = arith.constant 1.000000e+04 : f32
    %div3A_72 = vector.broadcast %div3A : f32 to vector<1x64xf32>
    %div3A_73 = arith.divf %broadcast_in_dim3A, %div3A_72 : vector<1x64xf32>
    %sub3A_74 = vector.broadcast %div3A_73 : vector<1x64xf32> to vector<10000x64xf32>
    %sub3A_75 = arith.subf %add3A_70, %sub3A_74 : vector<10000x64xf32>
    %integer_pow3A = arith.mulf %sub3A_75, %sub3A_75 : vector<10000x64xf32>
    %reduce_sum3A_76 = arith.constant dense<0.000000e+00> : vector<64xf32>
    %reduce_sum3A_77 = vector.multi_reduction <add>, %integer_pow3A, %reduce_sum3A_76 [0] : vector<10000x64xf32> to vector<64xf32>
    %broadcast_in_dim3A_78 = vector.shape_cast %reduce_sum3A_77 : vector<64xf32> to vector<1x64xf32>
    %div3A_79 = arith.constant 1.000000e+04 : f32
    %div3A_80 = vector.broadcast %div3A_79 : f32 to vector<1x64xf32>
    %div3A_81 = arith.divf %broadcast_in_dim3A_78, %div3A_80 : vector<1x64xf32>
    %sub3A_82 = vector.broadcast %div3A_73 : vector<1x64xf32> to vector<10000x64xf32>
    %sub3A_83 = arith.subf %add3A_70, %sub3A_82 : vector<10000x64xf32>
    %add3A_84 = arith.constant 9.99999974E-6 : f32
    %add3A_85 = vector.broadcast %add3A_84 : f32 to vector<1x64xf32>
    %add3A_86 = arith.addf %div3A_81, %add3A_85 : vector<1x64xf32>
    %sqrt3A = math.sqrt %add3A_86 : vector<1x64xf32>
    %div3A_87 = vector.broadcast %sqrt3A : vector<1x64xf32> to vector<10000x64xf32>
    %div3A_88 = arith.divf %sub3A_83, %div3A_87 : vector<10000x64xf32>
    %get3A_89 = arith.constant 0 : index
    %get3A_90 = arith.constant 0 : index
    %get3A_91 = vector.load %arg9[%get3A_89, %get3A_90] : memref<1x64xf32, #tpu.memory_space<vmem>>, vector<1x64xf32>
    %mul3A_92 = vector.broadcast %get3A_91 : vector<1x64xf32> to vector<10000x64xf32>
    %mul3A_93 = arith.mulf %div3A_88, %mul3A_92 : vector<10000x64xf32>
    %get3A_94 = arith.constant 0 : index
    %get3A_95 = arith.constant 0 : index
    %get3A_96 = vector.load %arg10[%get3A_94, %get3A_95] : memref<1x64xf32, #tpu.memory_space<vmem>>, vector<1x64xf32>
    %add3A_97 = vector.broadcast %get3A_96 : vector<1x64xf32> to vector<10000x64xf32>
    %add3A_98 = arith.addf %mul3A_93, %add3A_97 : vector<10000x64xf32>
    %get3A_99 = arith.constant 0 : index
    %get3A_100 = arith.constant 0 : index
    %get3A_101 = vector.load %arg11[%get3A_99, %get3A_100] : memref<64x64xf32, #tpu.memory_space<vmem>>, vector<64x64xf32>
    %convert_element_type3A_102 = arith.truncf %get3A_1 : vector<10000x64xf32> to vector<10000x64xbf16>
    %convert_element_type3A_103 = arith.truncf %get3A_101 : vector<64x64xf32> to vector<64x64xbf16>
    %dot_general3A_104 = arith.constant dense<0.000000e+00> : vector<10000x64xf32>
    %dot_general3A_105 = tpu.matmul %convert_element_type3A_102, %convert_element_type3A_103, %dot_general3A_104 {dimension_numbers = #tpu.dot_dimension_numbers<[1], [0], [0], [1], [0, 0, 1, 1], [], []>, transpose_lhs_hint = false} : vector<10000x64xbf16>, vector<64x64xbf16>, vector<10000x64xf32> -> vector<10000x64xf32>
    %add3A_106 = arith.addf %add3A_98, %dot_general3A_105 : vector<10000x64xf32>
    %get3A_107 = arith.constant 0 : index
    %get3A_108 = arith.constant 0 : index
    %get3A_109 = vector.load %arg12[%get3A_107, %get3A_108] : memref<1x64xf32, #tpu.memory_space<vmem>>, vector<1x64xf32>
    %add3A_110 = vector.broadcast %get3A_109 : vector<1x64xf32> to vector<10000x64xf32>
    %add3A_111 = arith.addf %add3A_106, %add3A_110 : vector<10000x64xf32>
    %max3A_112 = arith.constant 0.000000e+00 : f32
    %max3A_113 = vector.broadcast %max3A_112 : f32 to vector<10000x64xf32>
    %max3A_114 = arith.maximumf %add3A_111, %max3A_113 : vector<10000x64xf32>
    %reduce_sum3A_115 = arith.constant dense<0.000000e+00> : vector<10000xf32>
    %reduce_sum3A_116 = vector.multi_reduction <add>, %max3A_114, %reduce_sum3A_115 [1] : vector<10000x64xf32> to vector<10000xf32>
    %broadcast_in_dim3A_117 = vector.shape_cast %reduce_sum3A_116 : vector<10000xf32> to vector<10000x1xf32>
    %div3A_118 = arith.constant 6.400000e+01 : f32
    %div3A_119 = vector.broadcast %div3A_118 : f32 to vector<10000x1xf32>
    %div3A_120 = arith.divf %broadcast_in_dim3A_117, %div3A_119 : vector<10000x1xf32>
    %sub3A_121 = vector.broadcast %div3A_120 : vector<10000x1xf32> to vector<10000x64xf32>
    %sub3A_122 = arith.subf %max3A_114, %sub3A_121 : vector<10000x64xf32>
    %integer_pow3A_123 = arith.mulf %sub3A_122, %sub3A_122 : vector<10000x64xf32>
    %reduce_sum3A_124 = arith.constant dense<0.000000e+00> : vector<10000xf32>
    %reduce_sum3A_125 = vector.multi_reduction <add>, %integer_pow3A_123, %reduce_sum3A_124 [1] : vector<10000x64xf32> to vector<10000xf32>
    %broadcast_in_dim3A_126 = vector.shape_cast %reduce_sum3A_125 : vector<10000xf32> to vector<10000x1xf32>
    %div3A_127 = arith.constant 6.400000e+01 : f32
    %div3A_128 = vector.broadcast %div3A_127 : f32 to vector<10000x1xf32>
    %div3A_129 = arith.divf %broadcast_in_dim3A_126, %div3A_128 : vector<10000x1xf32>
    %sub3A_130 = vector.broadcast %div3A_120 : vector<10000x1xf32> to vector<10000x64xf32>
    %sub3A_131 = arith.subf %max3A_114, %sub3A_130 : vector<10000x64xf32>
    %add3A_132 = arith.constant 9.99999974E-6 : f32
    %add3A_133 = vector.broadcast %add3A_132 : f32 to vector<10000x1xf32>
    %add3A_134 = arith.addf %div3A_129, %add3A_133 : vector<10000x1xf32>
    %sqrt3A_135 = math.sqrt %add3A_134 : vector<10000x1xf32>
    %div3A_136 = vector.broadcast %sqrt3A_135 : vector<10000x1xf32> to vector<10000x64xf32>
    %div3A_137 = arith.divf %sub3A_131, %div3A_136 : vector<10000x64xf32>
    %get3A_138 = arith.constant 0 : index
    %get3A_139 = arith.constant 0 : index
    %get3A_140 = vector.load %arg13[%get3A_138, %get3A_139] : memref<1x64xf32, #tpu.memory_space<vmem>>, vector<1x64xf32>
    %mul3A_141 = vector.broadcast %get3A_140 : vector<1x64xf32> to vector<10000x64xf32>
    %mul3A_142 = arith.mulf %div3A_137, %mul3A_141 : vector<10000x64xf32>
    %get3A_143 = arith.constant 0 : index
    %get3A_144 = arith.constant 0 : index
    %get3A_145 = vector.load %arg14[%get3A_143, %get3A_144] : memref<1x64xf32, #tpu.memory_space<vmem>>, vector<1x64xf32>
    %add3A_146 = vector.broadcast %get3A_145 : vector<1x64xf32> to vector<10000x64xf32>
    %add3A_147 = arith.addf %mul3A_142, %add3A_146 : vector<10000x64xf32>
    %swap3A = arith.constant 0 : index
    %swap3A_148 = arith.constant 0 : index
    %swap3A_149 = vector.load %arg15[%swap3A, %swap3A_148] : memref<10000x64xf32, #tpu.memory_space<vmem>>, vector<10000x64xf32>
    tpu.vector_store %arg15[%swap3A, %swap3A_148], %add3A_147 {strides = array<i32>} : memref<10000x64xf32, #tpu.memory_space<vmem>>, vector<10000x64xf32>,
    return
  }
}

</mosaic_0001>

<sc_bundles>
// kernel: kernel.14.cloned.1.call-start
scs
__scs_entry_jumppad:
0x0: {  	(pc) =	sbr.rel $0x88, $3  }
0x1: {  	(tag) =	ssettag $0x0;
	lr =	simm.s32 $0x1  }
0x2: {  	[smem:$0x3F61] =	sst lr;
	_ =	strace $0xD0000000  }
0x3: {  	_ = 	snop  }
0x4: {  	_ = 	snop  }
0x5: {  	_ = 	snop  }
0x6: {  	_ = 	snop  }
0x7: {  	_ = 	snop  }
__scs_overlays_trampoline_lowered:
0x8: {  	[smem:$0x3F70] =	sst s0  }
0x9: {  	[smem:$0x3F71] =	sst s1  }
0xa: {  	[smem:$0x3F72] =	sst s2  }
0xb: {  	[smem:$0x3F73] =	sst s3  }
0xc: {  	[smem:$0x3F74] =	sst s4  }
0xd: {  	[smem:$0x3F75] =	sst s5  }
0xe: {  	[smem:$0x3F76] =	sst s6  }
0xf: {  	[smem:$0x3F77] =	sst s7  }
0x10: {  	[smem:$0x3F78] =	sst s8  }
0x11: {  	[smem:$0x3F79] =	sst s9;
	s0 =	simm.s32 @!p0 $0x0  }
0x12: {  	s1 =	sld [smem:$0x3F5F];
	s0 =	simm.s32 @p0 $0x1  }
0x13: {  	[smem:$0x3F7A] =	sst s0;
	s0 =	simm.s32 @!p1 $0x0  }
0x14: {  	s2 =	sld [smem:$0x3F5E];
	s0 =	simm.s32 @p1 $0x1  }
0x15: {  	[smem:$0x3F7B] =	sst s0;
	s0 =	simm.s32 @!p2 $0x0  }
0x16: {  	s3 =	sld [smem:$0x3FDB];
	s0 =	simm.s32 @p2 $0x1  }
0x17: {  	s4 =	simm.s32 $0x1BF5;
	[smem:$0x3F7D] =	sst s0  }
0x18: {  	s0 =	sld [smem:$0x3F60];
	_ =	swait.ge [sflag:s4], $0x0  }
0x19: {  	s7 =	sld [smem:$0x3F61]  }
0x1a: {  	s8 =	sadd.s32 $0xFFFFE003, lr  }
0x1b: {  	s9 =	sadd.s32 $0xFFFFFEF7, lr;
	s5 =	simm.s32 $0xFFFFFFFF;
	p2 =	slt.u32 s8, $0xFFFFF086  }
0x1c: {  	p1 =	slt.u32 s9, $0xF7A;
	s5 =	simm.s32 @!p2 $0x0  }
0x1d: {  	s5 =	simm.s32 @p1 $0x1;
	p0 =	seq.s32 s7, s2  }
0x1e: {  	s7 =	smul.u32 @!p0 $0xF7A, s2;
	p2 =	seq.s32 @!p0 s5, $0x0  }
0x1f: {  	s9 =	smul.u32 $0xF7A, s1;
	s8 =	simm.s32 @!p0 $0x1BF5;
	p2 =	por !p2, p0  }
0x20: {  	[sflag:s8] =	ssyncset.s32 @!p0 $0xFFFFF086;
	s6 =	sadd.s32 @!p0 s3, s7;
	s7 =	simm.s32 @!p0 $0x108  }
0x21: {  	s3 =	sadd.s32 s3, s9;
	s6 =	sadd.s32 @!p0 $0x88, s6;
	s7 =	simm.s32 @p2 $0x1082  }
0x22: {  	[simem:s7], [sflag:s8] =	dma.local @!p0 [hbm:s6], $0xF7A  }
0x23: {  	s9 =	sor.u32 $0xD0000000, s2;
	s6 =	simm.s32 $0x108;
	_ =	swait.ge @!p0 [sflag:s8], $0x0  }
0x24: {  	s3 =	sadd.s32 $0x88, s3;
	s6 =	simm.s32 @!p1 $0x1082;
	[sflag:s4] =	ssyncset.s32 $0xFFFFF086  }
0x25: {  	[simem:s6], [sflag:s4] =	dma.local [hbm:s3], $0xF7A  }
0x26: {  	[smem:$0x3F61] =	sst s1;
	(tag) =	ssettag s2;
	_ =	strace s9  }
0x27: {  	s1 =	sld [smem:$0x3F71]  }
0x28: {  	s2 =	sld [smem:$0x3F72]  }
0x29: {  	s4 =	sld [smem:$0x3F74]  }
0x2a: {  	p0 =	seq.s32 s5, $0x0;
	s5 =	sld [smem:$0x3F75]  }
0x2b: {  	s6 =	sld [smem:$0x3F76]  }
0x2c: {  	s7 =	sld [smem:$0x3F77]  }
0x2d: {  	s3 =	simm.s32 $0x108;
	s8 =	sld [smem:$0x3F78]  }
0x2e: {  	s3 =	simm.s32 @!p0 $0x1082;
	s9 =	sld [smem:$0x3F79]  }
0x2f: {  	lr =	sadd.s32 s0, s3;
	s0 =	sld [smem:$0x3F70]  }
0x30: {  	s3 =	sld [smem:$0x3F73]  }
0x31: {  	[smem:$0x3F7C] =	sst s10  }
0x32: {  	s10 =	sld [smem:$0x3F7A];
	_ =	sdelay $0x3  }
0x33: {  	p0 =	seq.s32 s10, $0x1;
	s10 =	sld [smem:$0x3F7C];
	_ =	sdelay $0x3  }
0x34: {  	[smem:$0x3F7C] =	sst s10  }
0x35: {  	s10 =	sld [smem:$0x3F7B];
	_ =	sdelay $0x3  }
0x36: {  	p1 =	seq.s32 s10, $0x1;
	s10 =	sld [smem:$0x3F7C];
	_ =	sdelay $0x3  }
0x37: {  	[smem:$0x3F7C] =	sst s10  }
0x38: {  	s10 =	sld [smem:$0x3F7D]  }
0x39: {  	_ = 	snop;
	(pc) =	sbr.ind lr, $3  }
0x3a: {  	_ = 	snop  }
0x3b: {  	_ = 	snop  }
0x3c: {  	p2 =	seq.s32 s10, $0x1;
	s10 =	sld [smem:$0x3F7C]  }
0x3d: {  	_ =	shalt  }
0x3e: {  	_ =	shalt  }
0x3f: {  	_ =	shalt  }
0x40: {  	_ =	shalt  }
0x41: {  	_ =	shalt  }
0x42: {  	_ =	shalt  }
0x43: {  	_ =	shalt  }
0x44: {  	_ =	shalt  }
0x45: {  	_ =	shalt  }
0x46: {  	_ =	shalt  }
0x47: {  	_ =	shalt  }
0x48: {  	_ =	shalt  }
0x49: {  	_ =	shalt  }
0x4a: {  	_ =	shalt  }
0x4b: {  	_ =	shalt  }
0x4c: {  	_ =	shalt  }
0x4d: {  	_ =	shalt  }
0x4e: {  	_ =	shalt  }
0x4f: {  	_ =	shalt  }
0x50: {  	_ =	shalt  }
0x51: {  	_ =	shalt  }
0x52: {  	_ =	shalt  }
0x53: {  	_ =	shalt  }
0x54: {  	_ =	shalt  }
0x55: {  	_ =	shalt  }
0x56: {  	_ =	shalt  }
0x57: {  	_ =	shalt  }
0x58: {  	_ =	shalt  }
0x59: {  	_ =	shalt  }
0x5a: {  	_ =	shalt  }
0x5b: {  	_ =	shalt  }
0x5c: {  	_ =	shalt  }
0x5d: {  	_ =	shalt  }
0x5e: {  	_ =	shalt  }
0x5f: {  	_ =	shalt  }
0x60: {  	_ =	shalt  }
0x61: {  	_ =	shalt  }
0x62: {  	_ =	shalt  }
0x63: {  	_ =	shalt  }
0x64: {  	_ =	shalt  }
0x65: {  	_ =	shalt  }
0x66: {  	_ =	shalt  }
0x67: {  	_ =	shalt  }
0x68: {  	_ =	shalt  }
0x69: {  	_ =	shalt  }
0x6a: {  	_ =	shalt  }
0x6b: {  	_ =	shalt  }
0x6c: {  	_ =	shalt  }
0x6d: {  	_ =	shalt  }
0x6e: {  	_ =	shalt  }
0x6f: {  	_ =	shalt  }
0x70: {  	_ =	shalt  }
0x71: {  	_ =	shalt  }
0x72: {  	_ =	shalt  }
0x73: {  	_ =	shalt  }
0x74: {  	_ =	shalt  }
0x75: {  	_ =	shalt  }
0x76: {  	_ =	shalt  }
0x77: {  	_ =	shalt  }
0x78: {  	_ =	shalt  }
0x79: {  	_ =	shalt  }
0x7a: {  	_ =	shalt  }
0x7b: {  	_ =	shalt  }
0x7c: {  	_ =	shalt  }
0x7d: {  	_ =	shalt  }
0x7e: {  	_ =	shalt  }
0x7f: {  	_ =	shalt  }
0x80: {  	_ =	shalt  }
0x81: {  	_ =	shalt  }
0x82: {  	_ =	shalt  }
0x83: {  	_ =	shalt  }
0x84: {  	_ =	shalt  }
0x85: {  	_ =	shalt  }
0x86: {  	_ =	shalt  }
0x87: {  	_ =	shalt  }
.Lfunc_end0:
.L_simem_size_0:
called_computation_lowered:
.L_overlay_start_0:
0x88: {  	s2 =	sld [smem:$0x3FD9]  }
0x89: {  	s3 =	sld [smem:$0x3FFE];
	_ =	sdelay $0x1  }
0x8a: {  	s1 =	srdreg.scid  }
0x8b: {  	s0 =	sand.u32 $0x1, s1  }
0x8c: {  	s17 =	sshll.u32 s0, $0xA;
	s2 =	sadd.s32 s3, s2  }
0x8d: {  	s2 =	sadd.s32 s2, s17  }
0x8e: {  	[smem:$0x3F88] =	sst s2  }
0x8f: {  	_ = 	snop  }
0x90: {  	(tm) =	ssettm $0x1  }
0x91: {  	s18 =	sld [smem:$0x3FFB];
	_ =	sdelay $0x3  }
0x92: {  	_ =	strace s18  }
0x93: {  	s2 =	sld [smem:$0x3FFC];
	_ =	sdelay $0x3  }
0x94: {  	_ =	strace s2  }
0x95: {  	s2 =	sld [smem:$0x3FFD];
	_ =	sdelay $0x3  }
0x96: {  	_ =	strace s2  }
0x97: {  	_ =	strace $0x8FFFFFFF  }
0x98: {  	s19 =	sld [smem:$0x3FDB];
	_ =	sdelay $0x1  }
0x99: {  	s20 =	simm.s32 $_scs_section_size  }
0x9a: {  	s4 =	simm.s32 $_size__tile_overlayer_lowered;
	s5 =	simm.s32 $_tile_overlayer_lowered  }
0x9b: {  	s6 =	simm.s32 $0x1BFF;
	s21 =	sshll.u32 s5, $0x1;
	s3 =	sadd.s32 s20, s19  }
0x9c: {  	s22 =	simm.s32 $0x0;
	s4 =	sshll.u32 s4, $0x1;
	s5 =	sadd.s32 s21, s3  }
0x9d: {  	[timem:s22], [sflag:s6] =	dma.local [hbm:s5], s4  }
0x9e: {  	_ =	swait.ge [sflag:s6], s4  }
0x9f: {  	s4 =	ssub.s32 $0x0, s4;
	[sflag:s6] =	ssyncset.done $0x0  }
0xa0: {  	[sflag:s6] =	ssyncadd.s32 s4;
	_ =	sdelay $0x1  }
0xa1: {  	s23 =	simm.s32 $0x1B8B  }
0xa2: {  	_ =	swait.ge [sflag:s23], $0x1  }
0xa3: {  	[sflag:s23] =	ssyncset.done $0x0  }
0xa4: {  	[sflag:s23] =	ssyncadd.s32 $0xFFFFFFFF  }
0xa5: {  	s4 =	sld [smem:$0x0]  }
0xa6: {  	s5 =	sand.u32 $0xFFFFFFFE, s1  }
0xa7: {  	p0 =	sne.s32 s1, s5  }
0xa8: {  	s5 =	sshll.u32 @p0 s5, $0xE  }
0xa9: {  	s5 =	sadd.s32 @p0 $0x11B8D, s5;
	s6 =	sshll.u32 @p0 s4, $0x11  }
0xaa: {  	s5 =	sor.u32 @p0 s6, s5  }
0xab: {  	[sflag:s5] =	ssyncadd.remote.s32 @p0 $0x1;
	_ =	sdelay $0x1  }
0xac: {  	s5 =	simm.s32 @p0 $0x1B8D  }
0xad: {  	_ =	swait.eq @p0 [sflag:s5], $0x1  }
0xae: {  	[sflag:s5] =	ssyncadd.s32 @p0 $0xFFFFFFFF  }
0xaf: {  	s6 =	sshll.u32 @!p0 s1, $0xE  }
0xb0: {  	s6 =	sor.u32 @!p0 $0x4000, s6;
	s5 =	simm.s32 @!p0 $0x1B8D  }
0xb1: {  	s4 =	sshll.u32 @!p0 s4, $0x11;
	s6 =	sadd.s32 @!p0 $0x11B8D, s6;
	_ =	swait.eq @!p0 [sflag:s5], $0x1  }
0xb2: {  	s4 =	sor.u32 @!p0 s4, s6;
	[sflag:s5] =	ssyncadd.s32 @!p0 $0xFFFFFFFF  }
0xb3: {  	s25 =	simm.s32 $0x1B8E;
	s24 =	sld [smem:$0x3FFE];
	[sflag:s4] =	ssyncadd.remote.s32 @!p0 $0x1  }
0xb4: {  	s26 =	simm.s32 $execute0_lowered;
	[smem:$0x3FD2] =	sst s25  }
0xb5: {  	s5 =	sshll.u32 s26, $0x1;
	_ =	strace $0x80000049;
	[dreg:$0x1] =	wrdreg $0xFFFFFFFF  }
0xb6: {  	s28 =	simm.s32 $_size_execute0_lowered;
	s3 =	sadd.s32 s3, s5;
	[dreg:$0x0] =	wrdreg $0x0  }
0xb7: {  	s5 =	sshll.u32 s28, $0x1;
	[dreg:$0x2] =	wrdreg s3  }
0xb8: {  	[dreg:$0x3] =	wrdreg s5  }
0xb9: {  	[dreg:$0x4] =	wrdreg $0xC0  }
0xba: {  	_ =	task [dreg:s22], $0x5FFFF  }
0xbb: {  	[dreg:$0x1] =	wrdreg $0xFFFFFFFF  }
0xbc: {  	[dreg:$0x0] =	wrdreg $0x60  }
0xbd: {  	[dreg:$0x2] =	wrdreg s24  }
0xbe: {  	[dreg:$0x3] =	wrdreg $0xA00  }
0xbf: {  	[dreg:$0x4] =	wrdreg $0x9  }
0xc0: {  	_ =	task.clear_ibuf [dreg:s22], $0x5FFFF;
	_ =	strace $0x90000049  }
0xc1: {  	s29 =	simm.s32 $0x9;
	_ =	strace $0x8000004B  }
0xc2: {  	_ =	swait.ge [sflag:s29], $0x1  }
0xc3: {  	[sflag:s29] =	ssyncadd.s32 $0xFFFFFFFF  }
0xc4: {  	_ =	strace $0x9000004B  }
0xc5: {  	_ =	sfence  }
0xc6: {  	s30 =	sld [smem:$0x0];
	_ =	sdelay $0x2  }
0xc7: {  	s31 =	sshll.u32 s1, $0xD;
	s1 =	sshrl.u32 s1, $0x2  }
0xc8: {  	s4 =	sand.u32 $0x4000, s31;
	s1 =	sadd.s32 s1, s30  }
0xc9: {  	s0 =	sor.u32 s4, s0;
	s1 =	sshll.u32 s1, $0x11  }
0xca: {  	s0 =	sor.u32 s1, s0  }
0xcb: {  	s0 =	sadd.s32 $0x8F2B, s0  }
0xcc: {  	[sflag:s0] =	ssyncadd.remote.s32 $0x1  }
0xcd: {  	_ =	sfence.sel $0xFFFF  }
0xce: {  	[dreg:$0x0] =	wrdreg $0xFFFFFFFF;
	(pc) =	sbr.abs _section_cstart, $3  }
0xcf: {  	[dreg:$0x1] =	wrdreg $0xFFFFFFFF  }
0xd0: {  	_ =	task.clear_ibuf [dreg:s22], $0x2FFFF;
	_ =	strace $0x9FFFFFFF  }
0xd1: {  	(tm) =	ssettm $0x7FFFFFFF  }
tec
execute0_lowered:
.L_overlay_start_1:
0x0: {  	(tag) =	ssettag $0x1  }
0x1: {  	s0 =	srdreg.scid;
	s6 =	rddreg [dreg:$0x0]  }
0x2: {  	s5 =	stileid.u32;
	s1 =	rddreg [dreg:$0x1]  }
0x3: {  	s2 =	simm.s32 $0x0;
	s9 =	simm.s32 $0x50;
	s10 =	simm.s32 $0x0  }
0x4: {  	s3 =	sand.u32 $0x1, s0;
	s7 =	smul.u32 $0x2710, s5;
	s0 =	rddreg [dreg:$0x2]  }
0x5: {  	[smem:$0x7FF] =	sst s2;
	s4 =	smul.u32 $0x27100, s3;
	s30 =	ssub.s32 $0x2, s3  }
0x6: {  	p0 =	sne.s32 s5, $0x0;
	s29 =	smul.u32 $0x4E2, s3;
	s31 =	sshrl.u32 s30, $0x1  }
0x7: {  	_ =	strace $0x8000004A;
	s4 =	sadd.s32 s7, s4;
	s7 =	ssub.s32 s30, s31  }
0x8: {  	s3 =	sadd.s32 $0x2CE00, s6;
	s4 =	sshrl.u32 s4, $0x3;
	s5 =	smax.u32 s7, $0x1  }
0x9: {  	s7 =	sshrl.u32 @!p0 s1, $0x3;
	s8 =	sadd.s32 s4, s6;
	s6 =	sadd.s32 s29, s6  }
0xa: {  	v0 =	vimm.f32 $1.000000000e+00;
	s4 =	sadd.s32 $0x2D400, s6;
	s6 =	sadd.s32 $0xA200, s8;
	s8 =	simm.s32 $0x1  }
.LBB2_1:
0xb: {  	[tilespmem:$0x50] =	vst v0  }
0xc: {  	[tilespmem:$0x60] =	vst v0  }
0xd: {  	[tilespmem:$0x70] =	vst v0  }
0xe: {  	[tilespmem:$0x80] =	vst v0  }
0xf: {  	[tilespmem:$0x90] =	vst v0;
	s11 =	simm.s32 @!p0 $0x1C01  }
0x10: {  	[spmem:s7], [sflag:s11] =	dma.local @!p0 [hbm:s3], $0x4E2  }
0x11: {  	s11 =	simm.s32 @!p0 $0x1  }
0x12: {  	_ =	swait.ge @!p0 [sflag:s11], $0x4E2  }
0x13: {  	[sflag:s11] =	ssyncset.done @!p0 $0x0  }
0x14: {  	[sflag:s11] =	ssyncadd.s32 @!p0 $0xFFFFFB1E  }
0x15: {  	s31 =	sadd.s32 $0x0, s6;
	[bflag:$0x0] =	sbarrier.arrive $0xFFFF  }
0x16: {  	[tilespmem:s2], [sflag:$0x1] =	stream.linear.gather [hbm4b:s31+s2], $0x50, $0x38;
	[tilespmem:$0x318] =	vst v63  }
0x17: {  	_ =	swait.ge [sflag:s8], $0x50  }
0x18: {  	[sflag:s8] =	ssyncset.done $0x0  }
0x19: {  	[sflag:s8] =	ssyncadd.s32 $0xFFFFFFB0  }
0x1a: {  	[spmem:s1] =	stream.indirect.scatter.add.f32 [tilespmem:s9], [sflag:$0x1], $0x1, s2, s9, $0xb8;
	[tilespmem:$0x318] =	vst v63  }
0x1b: {  	_ =	swait.ge [sflag:s8], $0x50  }
0x1c: {  	s12 =	simm.s32 $0x14;
	s11 =	simm.s32 $0xA;
	[sflag:s8] =	ssyncset.done $0x0  }
.LBB2_2:
0x1d: {  	s13 =	sadd.s32 s11, s6  }
0x1e: {  	[sflag:s8] =	ssyncadd.s32 $0xFFFFFFB0;
	s11 =	smov.u32 s12;
	s14 =	sadd.s32 $0xA, s12  }
0x1f: {  	[tilespmem:s2], [sflag:$0x1] =	stream.linear.gather [hbm4b:s13+s2], $0x50, $0x38;
	[tilespmem:$0x318] =	vst v63  }
0x20: {  	p1 =	sne.s32 s12, $0x4D8;
	_ =	swait.ge [sflag:s8], $0x50  }
.Ltmp0:
0x21: {  	[sflag:s8] =	ssyncset.done $0x0;
	(pc) =	sbr.rel @p1 .LBB2_2-.Ltmp0, $4  }
0x22: {  	[sflag:s8] =	ssyncadd.s32 $0xFFFFFFB0  }
0x23: {  	[spmem:s1] =	stream.indirect.scatter.add.f32 [tilespmem:s9], [sflag:$0x1], $0x1, s2, s9, $0xb8;
	[tilespmem:$0x318] =	vst v63  }
0x24: {  	_ =	swait.ge [sflag:s8], $0x50  }
0x25: {  	s12 =	smov.u32 s14;
	[sflag:s8] =	ssyncset.done $0x0  }
0x26: {  	s11 =	sadd.s32 s11, s6;
	[sflag:s8] =	ssyncadd.s32 $0xFFFFFFB0  }
0x27: {  	[tilespmem:s2], [sflag:$0x1] =	stream.linear.gather [hbm4b:s11+s2], $0x50, $0x38;
	[tilespmem:$0x318] =	vst v63  }
0x28: {  	_ =	swait.ge [sflag:s8], $0x50  }
0x29: {  	[sflag:s8] =	ssyncset.done $0x0  }
0x2a: {  	[sflag:s8] =	ssyncadd.s32 $0xFFFFFFB0  }
0x2b: {  	[spmem:s1] =	stream.indirect.scatter.add.f32 [tilespmem:s9], [sflag:$0x1], $0x1, s2, s9, $0xb8;
	[tilespmem:$0x318] =	vst v63  }
0x2c: {  	_ =	swait.ge [sflag:s8], $0x50  }
0x2d: {  	[sflag:s8] =	ssyncset.done $0x0  }
0x2e: {  	s10 =	sadd.s32 $0x1, s10;
	[sflag:s8] =	ssyncadd.s32 $0xFFFFFFB0  }
0x2f: {  	s11 =	simm.s32 @!p0 $0x1C01;
	p1 =	sne.s32 s10, s5;
	[bflag:$0x0] =	sbarrier.arrive $0xFFFF  }
0x30: {  	[hbm:s4], [sflag:s11] =	dma.local @!p0 [spmem:s7], $0x4E2  }
.Ltmp1:
0x31: {  	_ = 	snop;
	(pc) =	sbr.rel @p1 .LBB2_1-.Ltmp1, $4  }
0x32: {  	s11 =	simm.s32 @!p0 $0x1  }
0x33: {  	_ =	swait.ge @!p0 [sflag:s11], $0x4E2  }
0x34: {  	[sflag:s11] =	ssyncset.done @!p0 $0x0  }
0x35: {  	[sflag:s11] =	ssyncadd.s32 @!p0 $0xFFFFFB1E  }
0x36: {  	_ =	sfence.sel $0x180000  }
0x37: {  	[bflag:$0x0] =	sbarrier.arrive $0xFFFF  }
0x38: {  	_ =	strace $0x9000004A  }
0x39: {  	s0 =	sadd.s32 @!p0 $0x100000, s0;
	[bflag:$0x2] =	sbarrier.arrive $0xFFFF  }
0x3a: {  	[sflag:s0] =	ssyncadd.tile.s32 @!p0 $0x1;
	_ =	shalt  }
.Lfunc_end2:
_tile_overlayer_lowered:
.L_overlay_start_2:
0x3b: {  	(tag) =	ssettag $0x2  }
0x3c: {  	s0 =	rddreg [dreg:$0x0];
	s2 =	stileid.u32  }
0x3d: {  	s1 =	rddreg [dreg:$0x1];
	p0 =	sne.s32 s2, $0x0  }
0x3e: {  	s3 =	rddreg [dreg:$0x2];
	[bflag:$0x3] =	sbarrier.arrive $0xFFFF;
	s2 =	simm.s32 @!p0 $0x1C01  }
0x3f: {  	[timem:s3], [sflag:s2] =	dma.local @!p0 [hbm:s0], s1  }
0x40: {  	s0 =	simm.s32 @!p0 $0x1  }
0x41: {  	_ =	swait.ge @!p0 [sflag:s0], s1  }
0x42: {  	s1 =	ssub.s32 @!p0 $0x0, s1;
	[sflag:s0] =	ssyncset.done @!p0 $0x0  }
0x43: {  	[sflag:s0] =	ssyncadd.s32 @!p0 s1  }
0x44: {  	[bflag:$0x3] =	sbarrier.arrive $0xFFFF  }
0x45: {  	_ =	shalt  }

// kernel: kernel.17.cloned.1.call-start
scs
__scs_entry_jumppad:
0x0: {  	(pc) =	sbr.rel $0x88, $3  }
0x1: {  	(tag) =	ssettag $0x0;
	lr =	simm.s32 $0x1  }
0x2: {  	[smem:$0x3F61] =	sst lr;
	_ =	strace $0xD0000000  }
0x3: {  	_ = 	snop  }
0x4: {  	_ = 	snop  }
0x5: {  	_ = 	snop  }
0x6: {  	_ = 	snop  }
0x7: {  	_ = 	snop  }
__scs_overlays_trampoline_lowered:
0x8: {  	[smem:$0x3F70] =	sst s0  }
0x9: {  	[smem:$0x3F71] =	sst s1  }
0xa: {  	[smem:$0x3F72] =	sst s2  }
0xb: {  	[smem:$0x3F73] =	sst s3  }
0xc: {  	[smem:$0x3F74] =	sst s4  }
0xd: {  	[smem:$0x3F75] =	sst s5  }
0xe: {  	[smem:$0x3F76] =	sst s6  }
0xf: {  	[smem:$0x3F77] =	sst s7  }
0x10: {  	[smem:$0x3F78] =	sst s8  }
0x11: {  	[smem:$0x3F79] =	sst s9;
	s0 =	simm.s32 @!p0 $0x0  }
0x12: {  	s1 =	sld [smem:$0x3F5F];
	s0 =	simm.s32 @p0 $0x1  }
0x13: {  	[smem:$0x3F7A] =	sst s0;
	s0 =	simm.s32 @!p1 $0x0  }
0x14: {  	s2 =	sld [smem:$0x3F5E];
	s0 =	simm.s32 @p1 $0x1  }
0x15: {  	[smem:$0x3F7B] =	sst s0;
	s0 =	simm.s32 @!p2 $0x0  }
0x16: {  	s3 =	sld [smem:$0x3FDB];
	s0 =	simm.s32 @p2 $0x1  }
0x17: {  	s4 =	simm.s32 $0x1BF5;
	[smem:$0x3F7D] =	sst s0  }
0x18: {  	s0 =	sld [smem:$0x3F60];
	_ =	swait.ge [sflag:s4], $0x0  }
0x19: {  	s7 =	sld [smem:$0x3F61]  }
0x1a: {  	s8 =	sadd.s32 $0xFFFFE003, lr  }
0x1b: {  	s9 =	sadd.s32 $0xFFFFFEF7, lr;
	s5 =	simm.s32 $0xFFFFFFFF;
	p2 =	slt.u32 s8, $0xFFFFF086  }
0x1c: {  	p1 =	slt.u32 s9, $0xF7A;
	s5 =	simm.s32 @!p2 $0x0  }
0x1d: {  	s5 =	simm.s32 @p1 $0x1;
	p0 =	seq.s32 s7, s2  }
0x1e: {  	s7 =	smul.u32 @!p0 $0xF7A, s2;
	p2 =	seq.s32 @!p0 s5, $0x0  }
0x1f: {  	s9 =	smul.u32 $0xF7A, s1;
	s8 =	simm.s32 @!p0 $0x1BF5;
	p2 =	por !p2, p0  }
0x20: {  	[sflag:s8] =	ssyncset.s32 @!p0 $0xFFFFF086;
	s6 =	sadd.s32 @!p0 s3, s7;
	s7 =	simm.s32 @!p0 $0x108  }
0x21: {  	s3 =	sadd.s32 s3, s9;
	s6 =	sadd.s32 @!p0 $0x88, s6;
	s7 =	simm.s32 @p2 $0x1082  }
0x22: {  	[simem:s7], [sflag:s8] =	dma.local @!p0 [hbm:s6], $0xF7A  }
0x23: {  	s9 =	sor.u32 $0xD0000000, s2;
	s6 =	simm.s32 $0x108;
	_ =	swait.ge @!p0 [sflag:s8], $0x0  }
0x24: {  	s3 =	sadd.s32 $0x88, s3;
	s6 =	simm.s32 @!p1 $0x1082;
	[sflag:s4] =	ssyncset.s32 $0xFFFFF086  }
0x25: {  	[simem:s6], [sflag:s4] =	dma.local [hbm:s3], $0xF7A  }
0x26: {  	[smem:$0x3F61] =	sst s1;
	(tag) =	ssettag s2;
	_ =	strace s9  }
0x27: {  	s1 =	sld [smem:$0x3F71]  }
0x28: {  	s2 =	sld [smem:$0x3F72]  }
0x29: {  	s4 =	sld [smem:$0x3F74]  }
0x2a: {  	p0 =	seq.s32 s5, $0x0;
	s5 =	sld [smem:$0x3F75]  }
0x2b: {  	s6 =	sld [smem:$0x3F76]  }
0x2c: {  	s7 =	sld [smem:$0x3F77]  }
0x2d: {  	s3 =	simm.s32 $0x108;
	s8 =	sld [smem:$0x3F78]  }
0x2e: {  	s3 =	simm.s32 @!p0 $0x1082;
	s9 =	sld [smem:$0x3F79]  }
0x2f: {  	lr =	sadd.s32 s0, s3;
	s0 =	sld [smem:$0x3F70]  }
0x30: {  	s3 =	sld [smem:$0x3F73]  }
0x31: {  	[smem:$0x3F7C] =	sst s10  }
0x32: {  	s10 =	sld [smem:$0x3F7A];
	_ =	sdelay $0x3  }
0x33: {  	p0 =	seq.s32 s10, $0x1;
	s10 =	sld [smem:$0x3F7C];
	_ =	sdelay $0x3  }
0x34: {  	[smem:$0x3F7C] =	sst s10  }
0x35: {  	s10 =	sld [smem:$0x3F7B];
	_ =	sdelay $0x3  }
0x36: {  	p1 =	seq.s32 s10, $0x1;
	s10 =	sld [smem:$0x3F7C];
	_ =	sdelay $0x3  }
0x37: {  	[smem:$0x3F7C] =	sst s10  }
0x38: {  	s10 =	sld [smem:$0x3F7D]  }
0x39: {  	_ = 	snop;
	(pc) =	sbr.ind lr, $3  }
0x3a: {  	_ = 	snop  }
0x3b: {  	_ = 	snop  }
0x3c: {  	p2 =	seq.s32 s10, $0x1;
	s10 =	sld [smem:$0x3F7C]  }
0x3d: {  	_ =	shalt  }
0x3e: {  	_ =	shalt  }
0x3f: {  	_ =	shalt  }
0x40: {  	_ =	shalt  }
0x41: {  	_ =	shalt  }
0x42: {  	_ =	shalt  }
0x43: {  	_ =	shalt  }
0x44: {  	_ =	shalt  }
0x45: {  	_ =	shalt  }
0x46: {  	_ =	shalt  }
0x47: {  	_ =	shalt  }
0x48: {  	_ =	shalt  }
0x49: {  	_ =	shalt  }
0x4a: {  	_ =	shalt  }
0x4b: {  	_ =	shalt  }
0x4c: {  	_ =	shalt  }
0x4d: {  	_ =	shalt  }
0x4e: {  	_ =	shalt  }
0x4f: {  	_ =	shalt  }
0x50: {  	_ =	shalt  }
0x51: {  	_ =	shalt  }
0x52: {  	_ =	shalt  }
0x53: {  	_ =	shalt  }
0x54: {  	_ =	shalt  }
0x55: {  	_ =	shalt  }
0x56: {  	_ =	shalt  }
0x57: {  	_ =	shalt  }
0x58: {  	_ =	shalt  }
0x59: {  	_ =	shalt  }
0x5a: {  	_ =	shalt  }
0x5b: {  	_ =	shalt  }
0x5c: {  	_ =	shalt  }
0x5d: {  	_ =	shalt  }
0x5e: {  	_ =	shalt  }
0x5f: {  	_ =	shalt  }
0x60: {  	_ =	shalt  }
0x61: {  	_ =	shalt  }
0x62: {  	_ =	shalt  }
0x63: {  	_ =	shalt  }
0x64: {  	_ =	shalt  }
0x65: {  	_ =	shalt  }
0x66: {  	_ =	shalt  }
0x67: {  	_ =	shalt  }
0x68: {  	_ =	shalt  }
0x69: {  	_ =	shalt  }
0x6a: {  	_ =	shalt  }
0x6b: {  	_ =	shalt  }
0x6c: {  	_ =	shalt  }
0x6d: {  	_ =	shalt  }
0x6e: {  	_ =	shalt  }
0x6f: {  	_ =	shalt  }
0x70: {  	_ =	shalt  }
0x71: {  	_ =	shalt  }
0x72: {  	_ =	shalt  }
0x73: {  	_ =	shalt  }
0x74: {  	_ =	shalt  }
0x75: {  	_ =	shalt  }
0x76: {  	_ =	shalt  }
0x77: {  	_ =	shalt  }
0x78: {  	_ =	shalt  }
0x79: {  	_ =	shalt  }
0x7a: {  	_ =	shalt  }
0x7b: {  	_ =	shalt  }
0x7c: {  	_ =	shalt  }
0x7d: {  	_ =	shalt  }
0x7e: {  	_ =	shalt  }
0x7f: {  	_ =	shalt  }
0x80: {  	_ =	shalt  }
0x81: {  	_ =	shalt  }
0x82: {  	_ =	shalt  }
0x83: {  	_ =	shalt  }
0x84: {  	_ =	shalt  }
0x85: {  	_ =	shalt  }
0x86: {  	_ =	shalt  }
0x87: {  	_ =	shalt  }
.Lfunc_end0:
.L_simem_size_0:
called_computation.1_lowered:
.L_overlay_start_0:
0x88: {  	s2 =	sld [smem:$0x3FD9]  }
0x89: {  	s3 =	sld [smem:$0x3FFE];
	_ =	sdelay $0x1  }
0x8a: {  	s1 =	srdreg.scid  }
0x8b: {  	s0 =	sand.u32 $0x1, s1  }
0x8c: {  	s17 =	sshll.u32 s0, $0xA;
	s2 =	sadd.s32 s3, s2  }
0x8d: {  	s2 =	sadd.s32 s2, s17  }
0x8e: {  	[smem:$0x3F88] =	sst s2  }
0x8f: {  	_ = 	snop  }
0x90: {  	s2 =	sld [smem:$0x3FD0];
	(tm) =	ssettm $0x1  }
0x91: {  	s18 =	sld [smem:$0x3FFB];
	_ =	sdelay $0x3  }
0x92: {  	_ =	strace s18  }
0x93: {  	s3 =	sld [smem:$0x3FFC];
	_ =	sdelay $0x3  }
0x94: {  	_ =	strace s3  }
0x95: {  	s3 =	sld [smem:$0x3FFD];
	_ =	sdelay $0x3  }
0x96: {  	_ =	strace s3  }
0x97: {  	_ =	strace $0x8FFFFFFF  }
0x98: {  	s19 =	sld [smem:$0x3FDB];
	_ =	sdelay $0x1  }
0x99: {  	s4 =	simm.s32 $_scs_section_size  }
0x9a: {  	s5 =	simm.s32 $_size__tile_overlayer_lowered;
	s6 =	simm.s32 $_tile_overlayer_lowered  }
0x9b: {  	s22 =	simm.s32 $0x1BFF;
	s21 =	sshll.u32 s6, $0x1;
	s3 =	sadd.s32 s4, s19  }
0x9c: {  	s7 =	simm.s32 $0x0;
	s20 =	sshll.u32 s5, $0x1;
	s5 =	sadd.s32 s21, s3  }
0x9d: {  	[timem:s7], [sflag:s22] =	dma.local [hbm:s5], s20  }
0x9e: {  	_ =	swait.ge [sflag:s22], s20  }
0x9f: {  	s4 =	ssub.s32 $0x0, s20;
	[sflag:s22] =	ssyncset.done $0x0  }
0xa0: {  	[sflag:s22] =	ssyncadd.s32 s4;
	_ =	sdelay $0x1  }
0xa1: {  	s23 =	simm.s32 $0x1B8B  }
0xa2: {  	_ =	swait.ge [sflag:s23], $0x1  }
0xa3: {  	[sflag:s23] =	ssyncset.done $0x0  }
0xa4: {  	s25 =	simm.s32 $0x1B8E;
	s24 =	sld [smem:$0x3FFE];
	[sflag:s23] =	ssyncadd.s32 $0xFFFFFFFF  }
0xa5: {  	s26 =	simm.s32 $execute0_lowered;
	[smem:$0x3FD2] =	sst s25  }
0xa6: {  	s5 =	sshll.u32 s26, $0x1;
	_ =	strace $0x80000046;
	[dreg:$0x1] =	wrdreg $0xFFFFFFFF  }
0xa7: {  	s28 =	simm.s32 $_size_execute0_lowered;
	s3 =	sadd.s32 s3, s5;
	[dreg:$0x0] =	wrdreg $0x0  }
0xa8: {  	s5 =	sshll.u32 s28, $0x1;
	[dreg:$0x2] =	wrdreg s3  }
0xa9: {  	[dreg:$0x3] =	wrdreg s5  }
0xaa: {  	[dreg:$0x4] =	wrdreg $0xC0  }
0xab: {  	_ =	task [dreg:s7], $0x5FFFF  }
0xac: {  	[dreg:$0x1] =	wrdreg $0xFFFFFFFF  }
0xad: {  	[dreg:$0x0] =	wrdreg $0x60  }
0xae: {  	[dreg:$0x2] =	wrdreg s24  }
0xaf: {  	[dreg:$0x3] =	wrdreg s2  }
0xb0: {  	[dreg:$0x4] =	wrdreg $0x15400  }
0xb1: {  	[dreg:$0x5] =	wrdreg $0xA  }
0xb2: {  	_ =	task.clear_ibuf [dreg:s7], $0x6FFFF;
	_ =	strace $0x90000046  }
0xb3: {  	s29 =	simm.s32 $0xA;
	_ =	strace $0x80000048  }
0xb4: {  	_ =	swait.ge [sflag:s29], $0x1  }
0xb5: {  	[sflag:s29] =	ssyncadd.s32 $0xFFFFFFFF  }
0xb6: {  	_ =	strace $0x90000048  }
0xb7: {  	_ =	sfence  }
0xb8: {  	s30 =	sld [smem:$0x0];
	_ =	sdelay $0x2  }
0xb9: {  	s31 =	sshll.u32 s1, $0xD;
	s1 =	sshrl.u32 s1, $0x2  }
0xba: {  	s3 =	sand.u32 $0x4000, s31;
	s1 =	sadd.s32 s1, s30  }
0xbb: {  	s0 =	sor.u32 s3, s0;
	s1 =	sshll.u32 s1, $0x11  }
0xbc: {  	s0 =	sor.u32 s1, s0  }
0xbd: {  	s0 =	sadd.s32 $0x8F2B, s0  }
0xbe: {  	[sflag:s0] =	ssyncadd.remote.s32 $0x1  }
0xbf: {  	_ =	sfence.sel $0xFFFF  }
0xc0: {  	[dreg:$0x0] =	wrdreg $0xFFFFFFFF;
	(pc) =	sbr.abs _section_cstart, $3  }
0xc1: {  	[dreg:$0x1] =	wrdreg $0xFFFFFFFF  }
0xc2: {  	_ =	task.clear_ibuf [dreg:s7], $0x2FFFF;
	_ =	strace $0x9FFFFFFF  }
0xc3: {  	(tm) =	ssettm $0x7FFFFFFF  }
tec
execute0_lowered:
.L_overlay_start_1:
0x0: {  	(tag) =	ssettag $0x1  }
0x1: {  	s8 =	rddreg [dreg:$0x0]  }
0x2: {  	s12 =	rddreg [dreg:$0x1]  }
0x3: {  	s1 =	rddreg [dreg:$0x2]  }
0x4: {  	s3 =	srdreg.scid;
	s2 =	simm.s32 $0x0;
	s13 =	stileid.u32  }
0x5: {  	s17 =	simm.s32 $0x50;
	s18 =	simm.s32 $0xB40;
	s19 =	simm.s32 $0x140  }
0x6: {  	s20 =	simm.s32 $0x3;
	s21 =	simm.s32 $0x1;
	s22 =	simm.s32 $0x6  }
0x7: {  	s23 =	simm.s32 $0x4;
	s24 =	simm.s32 $0x2;
	s25 =	simm.s32 $0xF0  }
0x8: {  	s26 =	simm.s32 $0x640;
	s28 =	simm.s32 $0x0;
	s9 =	sand.u32 $0x1, s3  }
0x9: {  	[smem:$0x7FF] =	sst s2;
	s3 =	sadd.s32 $0x22E00, s8;
	s5 =	sadd.s32 $0x14000, s8  }
0xa: {  	s7 =	sadd.s32 $0xA200, s8;
	s0 =	sadd.s32 $0x27E00, s8;
	s4 =	sshll.u32 s9, $0x4  }
0xb: {  	p0 =	sne.s32 s13, $0x0;
	s15 =	smul.u32 $0x4E20, s9;
	s6 =	sor.u32 s13, s4  }
0xc: {  	_ =	strace $0x80000047;
	s10 =	ssub.s32 $0x2, s9;
	s6 =	smul.u32 $0x2710, s6  }
.Ltmp0:
0xd: {  	[dreg:$0x4] =	wrdreg s0;
	s11 =	sshrl.u32 s10, $0x1;
	(pc) =	sbr.rel .LBB2_1-.Ltmp0, $4  }
0xe: {  	s4 =	sadd.s32 $0x1DE00, s8;
	s16 =	ssub.s32 s10, s11;
	s12 =	sadd.s32 s12, s15  }
0xf: {  	s15 =	simm.s32 $0x5;
	s13 =	smax.u32 s16, $0x1;
	s14 =	sshrl.u32 s6, $0x3  }
0x10: {  	s16 =	simm.s32 $0xA0;
	s11 =	sadd.s32 $0xA0, s6;
	s31 =	sadd.s32 s5, s14  }
0x11: {  	s10 =	sadd.s32 s7, s14;
	s14 =	sshrl.u32 @!p0 s1, $0x3;
	[dreg:$0x5] =	wrdreg s31  }
.LBB2_9:
0x12: {  	[bflag:$0x0] =	sbarrier.arrive $0xFFFF;
	s0 =	simm.s32 @!p0 $0x1C05;
	s28 =	sadd.s32 $0x1, s28  }
0x13: {  	[hbm:s12], [sflag:s0] =	dma.local @!p0 [spmem:s14], $0x4E20  }
0x14: {  	p1 =	sne.s32 s28, s13  }
.Ltmp1:
0x15: {  	_ = 	snop;
	(pc) =	sbr.rel @!p1 .LBB2_10-.Ltmp1, $4  }
0x16: {  	s0 =	simm.s32 @!p0 $0x5  }
0x17: {  	_ =	swait.ge @!p0 [sflag:s0], $0x4E20  }
0x18: {  	[sflag:s0] =	ssyncset.done @!p0 $0x0  }
0x19: {  	[sflag:s0] =	ssyncadd.s32 @!p0 $0xFFFFB1E0  }
.LBB2_1:
0x1a: {  	s29 =	simm.s32 @!p0 $0x1C05;
	s0 =	rddreg [dreg:$0x4]  }
0x1b: {  	[spmem:s14], [sflag:s29] =	dma.local @!p0 [hbm:s0], $0x4E20  }
0x1c: {  	s29 =	simm.s32 @!p0 $0x5  }
0x1d: {  	_ =	swait.ge @!p0 [sflag:s29], $0x4E20  }
0x1e: {  	[sflag:s29] =	ssyncset.done @!p0 $0x0  }
0x1f: {  	[sflag:s29] =	ssyncadd.s32 @!p0 $0xFFFFB1E0  }
0x20: {  	[bflag:$0x0] =	sbarrier.arrive $0xFFFF  }
0x21: {  	s31 =	rddreg [dreg:$0x5]  }
0x22: {  	[tilespmem:s2], [sflag:$0x5] =	stream.linear.gather [hbm4b:s31+s2], $0x50, $0x38;
	[tilespmem:$0x3C50] =	vst v63  }
0x23: {  	_ =	swait.ge [sflag:s15], $0x50  }
0x24: {  	[sflag:s15] =	ssyncset.done $0x0  }
0x25: {  	[sflag:s15] =	ssyncadd.s32 $0xFFFFFFB0  }
0x26: {  	[tilespmem:s16], [sflag:$0x5] =	stream.linear.gather [hbm4b:s10+s2], $0x50, $0x38;
	[tilespmem:$0x3C50] =	vst v63  }
0x27: {  	_ =	swait.ge [sflag:s15], $0x50  }
.Ltmp2:
0x28: {  	[sflag:s15] =	ssyncset.done $0x0;
	(pc) =	sbr.rel .LBB2_2-.Ltmp2, $4  }
0x29: {  	[sflag:s15] =	ssyncadd.s32 $0xFFFFFFB0  }
0x2a: {  	[tilespmem:s18], [sflag:$0x3] =	stream.indirect.gather [hbm4b:s4+s17], $0x10, s2, s17, $0xb8;
	[tilespmem:$0x3C50] =	vst v63  }
0x2b: {  	s29 =	simm.s32 $0x0  }
0x2c: {  	[tilespmem:s19], [sflag:$0x1] =	stream.indirect.gather [hbm4b:s3+s17], $0x10, s16, s17, $0xb8;
	[tilespmem:$0x3C50] =	vst v63  }
.LBB2_8:
0x2d: {  	s29 =	sadd.s32 $0x1, s29  }
0x2e: {  	p1 =	sne.s32 s29, $0x3F  }
.Ltmp3:
0x2f: {  	_ = 	snop;
	(pc) =	sbr.rel @!p1 .LBB2_9-.Ltmp3, $1  }
0x30: {  	_ =	sdelay $0x3  }
.LBB2_2:
0x31: {  	s30 =	sshllo.u32 s29, $0x1  }
0x32: {  	p1 =	sgt.u32 s30, $0x7C  }
0x33: {  	s30 =	smul.u32 @!p1 $0x50, s30;
	_ =	sdelay $0x1  }
0x34: {  	s30 =	sadd.s32 @!p1 s6, s30  }
0x35: {  	s30 =	sshrl.u32 @!p1 s30, $0x3  }
0x36: {  	s0 =	simm.s32 @!p1 $0x0;
	s8 =	simm.s32 @!p1 $0x50;
	s31 =	sadd.s32 @!p1 s5, s30  }
0x37: {  	[tilespmem:s8], [sflag:$0x6] =	stream.linear.gather @!p1 [hbm4b:s31+s0], $0x50, $0x38;
	[tilespmem:$0x3C50] =	vst v63  }
0x38: {  	s31 =	simm.s32 @!p1 $0x6  }
0x39: {  	_ =	swait.ge @!p1 [sflag:s31], $0x50  }
0x3a: {  	[sflag:s31] =	ssyncset.done @!p1 $0x0  }
0x3b: {  	s9 =	simm.s32 @!p1 $0xF0;
	s30 =	sadd.s32 @!p1 s7, s30;
	[sflag:s31] =	ssyncadd.s32 @!p1 $0xFFFFFFB0  }
0x3c: {  	[tilespmem:s9], [sflag:$0x6] =	stream.linear.gather @!p1 [hbm4b:s30+s0], $0x50, $0x38;
	[tilespmem:$0x3C50] =	vst v63  }
0x3d: {  	_ =	swait.ge @!p1 [sflag:s31], $0x50  }
0x3e: {  	[sflag:s31] =	ssyncset.done @!p1 $0x0  }
0x3f: {  	s0 =	simm.s32 @!p1 $0x1040;
	[sflag:s31] =	ssyncadd.s32 @!p1 $0xFFFFFFB0  }
0x40: {  	[tilespmem:s0], [sflag:$0x4] =	stream.indirect.gather @!p1 [hbm4b:s4+s8], $0x10, s8, s8, $0xb8;
	[tilespmem:$0x3C50] =	vst v63  }
0x41: {  	s0 =	simm.s32 @!p1 $0x640  }
0x42: {  	[tilespmem:s0], [sflag:$0x2] =	stream.indirect.gather @!p1 [hbm4b:s3+s8], $0x10, s9, s8, $0xb8;
	[tilespmem:$0x3C50] =	vst v63  }
0x43: {  	_ =	swait.ge [sflag:s20], $0x500  }
0x44: {  	[sflag:s20] =	ssyncset.done $0x0  }
0x45: {  	[sflag:s20] =	ssyncadd.s32 $0xFFFFFB00  }
0x46: {  	_ =	swait.ge [sflag:s21], $0x500  }
0x47: {  	[sflag:s21] =	ssyncset.done $0x0  }
0x48: {  	s30 =	simm.s32 $0x0;
	[sflag:s21] =	ssyncadd.s32 $0xFFFFFB00  }
0x49: {  	s31 =	simm.s32 $0x40;
	v0 =	vld [tilespmem:s30+$0xB40]  }
.LBB2_3:
0x4a: {  	p2 =	sne.s32 s31, $0x13C0;
	v1 =	vld [tilespmem:s30+$0x140];
	_ =	sdelay $0x4  }
0x4b: {  	v0 =	vadd.f32 v0, v1;
	_ =	sdelay $0x1  }
0x4c: {  	v0 =	vmax.f32 v0, $0.0e+00  }
0x4d: {  	v1 =	vshrl.u32 v0, $0x10  }
.Ltmp4:
0x4e: {  	v1 =	vand.u32 $0x1, v1;
	(pc) =	sbr.rel @p2 .LBB2_3-.Ltmp4, $4  }
0x4f: {  	v0 =	vadd.s32 v1, v0  }
0x50: {  	v0 =	vadd.s32 $0x7FFF, v0  }
0x51: {  	s0 =	sshra.s32 s31, $0x2;
	v1 =	vand.u32 $0xFFFF0000, v0  }
0x52: {  	s31 =	sadd.s32 $0x40, s31;
	v0 =	vld [tilespmem:s0+$0xB40];
	[tilespmem:s30+$0x140] =	vst v1;
	s30 =	smov.u32 s0  }
0x53: {  	v1 =	vld [tilespmem:s30+$0x140];
	_ =	sdelay $0x4  }
0x54: {  	v0 =	vadd.f32 v0, v1;
	_ =	sdelay $0x1  }
0x55: {  	v0 =	vmax.f32 v0, $0.0e+00  }
0x56: {  	v63 =	vshrl.u32 v0, $0x10  }
0x57: {  	v1 =	vand.u32 $0x1, v63  }
0x58: {  	v0 =	vadd.s32 v1, v0  }
0x59: {  	v0 =	vadd.s32 $0x7FFF, v0  }
0x5a: {  	v0 =	vand.u32 $0xFFFF0000, v0  }
.Ltmp5:
0x5b: {  	[tilespmem:s30+$0x140] =	vst v0;
	(pc) =	sbr.rel @p1 .LBB2_8-.Ltmp5, $4  }
0x5c: {  	[spmem:s1] =	stream.indirect.scatter.add.f32 [tilespmem:s19], [sflag:$0x6], $0x10, s16, s17, $0xb8;
	[tilespmem:$0x3C50] =	vst v63  }
0x5d: {  	_ =	swait.ge [sflag:s22], $0x500  }
0x5e: {  	[sflag:s22] =	ssyncset.done $0x0  }
0x5f: {  	[sflag:s22] =	ssyncadd.s32 $0xFFFFFB00  }
0x60: {  	s0 =	smul.u32 $0xA0, s29;
	_ =	sdelay $0x1  }
0x61: {  	s0 =	sadd.s32 s0, s11  }
0x62: {  	s0 =	sshrl.u32 s0, $0x3  }
0x63: {  	s9 =	simm.s32 $0x0;
	s8 =	sadd.s32 s5, s0  }
0x64: {  	[tilespmem:s9], [sflag:$0x6] =	stream.linear.gather [hbm4b:s8+s9], $0x50, $0x38;
	[tilespmem:$0x3C50] =	vst v63  }
0x65: {  	_ =	swait.ge [sflag:s22], $0x50  }
0x66: {  	[sflag:s22] =	ssyncset.done $0x0  }
0x67: {  	s0 =	sadd.s32 s7, s0;
	[sflag:s22] =	ssyncadd.s32 $0xFFFFFFB0  }
0x68: {  	[tilespmem:s16], [sflag:$0x6] =	stream.linear.gather [hbm4b:s0+s9], $0x50, $0x38;
	[tilespmem:$0x3C50] =	vst v63  }
0x69: {  	_ =	swait.ge [sflag:s22], $0x50  }
0x6a: {  	[sflag:s22] =	ssyncset.done $0x0  }
0x6b: {  	[sflag:s22] =	ssyncadd.s32 $0xFFFFFFB0  }
0x6c: {  	[tilespmem:s18], [sflag:$0x3] =	stream.indirect.gather [hbm4b:s4+s17], $0x10, s9, s17, $0xb8;
	[tilespmem:$0x3C50] =	vst v63  }
0x6d: {  	_ = 	snop  }
0x6e: {  	[tilespmem:s19], [sflag:$0x1] =	stream.indirect.gather [hbm4b:s3+s17], $0x10, s16, s17, $0xb8;
	[tilespmem:$0x3C50] =	vst v63  }
0x6f: {  	_ =	swait.ge [sflag:s23], $0x500  }
0x70: {  	[sflag:s23] =	ssyncset.done $0x0  }
0x71: {  	[sflag:s23] =	ssyncadd.s32 $0xFFFFFB00  }
0x72: {  	_ =	swait.ge [sflag:s24], $0x500  }
0x73: {  	[sflag:s24] =	ssyncset.done $0x0  }
0x74: {  	s30 =	simm.s32 $0x0;
	[sflag:s24] =	ssyncadd.s32 $0xFFFFFB00  }
0x75: {  	s31 =	simm.s32 $0x40;
	v0 =	vld [tilespmem:s30+$0x1040]  }
.LBB2_6:
0x76: {  	p1 =	sne.s32 s31, $0x13C0;
	v1 =	vld [tilespmem:s30+$0x640];
	_ =	sdelay $0x4  }
0x77: {  	v0 =	vadd.f32 v0, v1;
	_ =	sdelay $0x1  }
0x78: {  	v0 =	vmax.f32 v0, $0.0e+00  }
0x79: {  	v1 =	vshrl.u32 v0, $0x10  }
.Ltmp6:
0x7a: {  	v1 =	vand.u32 $0x1, v1;
	(pc) =	sbr.rel @p1 .LBB2_6-.Ltmp6, $4  }
0x7b: {  	v0 =	vadd.s32 v1, v0  }
0x7c: {  	v0 =	vadd.s32 $0x7FFF, v0  }
0x7d: {  	s0 =	sshra.s32 s31, $0x2;
	v1 =	vand.u32 $0xFFFF0000, v0  }
0x7e: {  	s31 =	sadd.s32 $0x40, s31;
	v0 =	vld [tilespmem:s0+$0x1040];
	[tilespmem:s30+$0x640] =	vst v1;
	s30 =	smov.u32 s0  }
0x7f: {  	v1 =	vld [tilespmem:s30+$0x640];
	_ =	sdelay $0x4  }
0x80: {  	v0 =	vadd.f32 v0, v1;
	_ =	sdelay $0x1  }
0x81: {  	v0 =	vmax.f32 v0, $0.0e+00  }
0x82: {  	v63 =	vshrl.u32 v0, $0x10  }
0x83: {  	v1 =	vand.u32 $0x1, v63  }
0x84: {  	v0 =	vadd.s32 v1, v0  }
0x85: {  	v0 =	vadd.s32 $0x7FFF, v0  }
0x86: {  	v0 =	vand.u32 $0xFFFF0000, v0  }
.Ltmp7:
0x87: {  	[tilespmem:s30+$0x640] =	vst v0;
	(pc) =	sbr.rel .LBB2_8-.Ltmp7, $4  }
0x88: {  	[spmem:s1] =	stream.indirect.scatter.add.f32 [tilespmem:s26], [sflag:$0x5], $0x10, s25, s17, $0xb8;
	[tilespmem:$0x3C50] =	vst v63  }
0x89: {  	_ =	swait.ge [sflag:s15], $0x500  }
0x8a: {  	[sflag:s15] =	ssyncset.done $0x0  }
0x8b: {  	[sflag:s15] =	ssyncadd.s32 $0xFFFFFB00  }
.LBB2_10:
0x8c: {  	_ =	sfence.sel $0x180000  }
0x8d: {  	[bflag:$0x0] =	sbarrier.arrive $0xFFFF  }
0x8e: {  	_ =	strace $0x90000047  }
0x8f: {  	[bflag:$0x2] =	sbarrier.arrive $0xFFFF  }
0x90: {  	s0 =	rddreg [dreg:$0x3]  }
0x91: {  	s0 =	sadd.s32 @!p0 $0x100000, s0  }
0x92: {  	[sflag:s0] =	ssyncadd.tile.s32 @!p0 $0x1;
	_ =	shalt  }
.Lfunc_end2:
_tile_overlayer_lowered:
.L_overlay_start_2:
0x93: {  	(tag) =	ssettag $0x2  }
0x94: {  	s0 =	rddreg [dreg:$0x0];
	s2 =	stileid.u32  }
0x95: {  	s1 =	rddreg [dreg:$0x1];
	p0 =	sne.s32 s2, $0x0  }
0x96: {  	s3 =	rddreg [dreg:$0x2];
	[bflag:$0x3] =	sbarrier.arrive $0xFFFF;
	s2 =	simm.s32 @!p0 $0x1C05  }
0x97: {  	[timem:s3], [sflag:s2] =	dma.local @!p0 [hbm:s0], s1  }
0x98: {  	s0 =	simm.s32 @!p0 $0x5  }
0x99: {  	_ =	swait.ge @!p0 [sflag:s0], s1  }
0x9a: {  	s1 =	ssub.s32 @!p0 $0x0, s1;
	[sflag:s0] =	ssyncset.done @!p0 $0x0  }
0x9b: {  	[sflag:s0] =	ssyncadd.s32 @!p0 s1  }
0x9c: {  	[bflag:$0x3] =	sbarrier.arrive $0xFFFF  }
0x9d: {  	_ =	shalt  }

// kernel: kernel.20.cloned.1.call-start
scs
__scs_entry_jumppad:
0x0: {  	(pc) =	sbr.rel $0x88, $3  }
0x1: {  	(tag) =	ssettag $0x0;
	lr =	simm.s32 $0x1  }
0x2: {  	[smem:$0x3F61] =	sst lr;
	_ =	strace $0xD0000000  }
0x3: {  	_ = 	snop  }
0x4: {  	_ = 	snop  }
0x5: {  	_ = 	snop  }
0x6: {  	_ = 	snop  }
0x7: {  	_ = 	snop  }
__scs_overlays_trampoline_lowered:
0x8: {  	[smem:$0x3F70] =	sst s0  }
0x9: {  	[smem:$0x3F71] =	sst s1  }
0xa: {  	[smem:$0x3F72] =	sst s2  }
0xb: {  	[smem:$0x3F73] =	sst s3  }
0xc: {  	[smem:$0x3F74] =	sst s4  }
0xd: {  	[smem:$0x3F75] =	sst s5  }
0xe: {  	[smem:$0x3F76] =	sst s6  }
0xf: {  	[smem:$0x3F77] =	sst s7  }
0x10: {  	[smem:$0x3F78] =	sst s8  }
0x11: {  	[smem:$0x3F79] =	sst s9;
	s0 =	simm.s32 @!p0 $0x0  }
0x12: {  	s1 =	sld [smem:$0x3F5F];
	s0 =	simm.s32 @p0 $0x1  }
0x13: {  	[smem:$0x3F7A] =	sst s0;
	s0 =	simm.s32 @!p1 $0x0  }
0x14: {  	s2 =	sld [smem:$0x3F5E];
	s0 =	simm.s32 @p1 $0x1  }
0x15: {  	[smem:$0x3F7B] =	sst s0;
	s0 =	simm.s32 @!p2 $0x0  }
0x16: {  	s3 =	sld [smem:$0x3FDB];
	s0 =	simm.s32 @p2 $0x1  }
0x17: {  	s4 =	simm.s32 $0x1BF5;
	[smem:$0x3F7D] =	sst s0  }
0x18: {  	s0 =	sld [smem:$0x3F60];
	_ =	swait.ge [sflag:s4], $0x0  }
0x19: {  	s7 =	sld [smem:$0x3F61]  }
0x1a: {  	s8 =	sadd.s32 $0xFFFFE003, lr  }
0x1b: {  	s9 =	sadd.s32 $0xFFFFFEF7, lr;
	s5 =	simm.s32 $0xFFFFFFFF;
	p2 =	slt.u32 s8, $0xFFFFF086  }
0x1c: {  	p1 =	slt.u32 s9, $0xF7A;
	s5 =	simm.s32 @!p2 $0x0  }
0x1d: {  	s5 =	simm.s32 @p1 $0x1;
	p0 =	seq.s32 s7, s2  }
0x1e: {  	s7 =	smul.u32 @!p0 $0xF7A, s2;
	p2 =	seq.s32 @!p0 s5, $0x0  }
0x1f: {  	s9 =	smul.u32 $0xF7A, s1;
	s8 =	simm.s32 @!p0 $0x1BF5;
	p2 =	por !p2, p0  }
0x20: {  	[sflag:s8] =	ssyncset.s32 @!p0 $0xFFFFF086;
	s6 =	sadd.s32 @!p0 s3, s7;
	s7 =	simm.s32 @!p0 $0x108  }
0x21: {  	s3 =	sadd.s32 s3, s9;
	s6 =	sadd.s32 @!p0 $0x88, s6;
	s7 =	simm.s32 @p2 $0x1082  }
0x22: {  	[simem:s7], [sflag:s8] =	dma.local @!p0 [hbm:s6], $0xF7A  }
0x23: {  	s9 =	sor.u32 $0xD0000000, s2;
	s6 =	simm.s32 $0x108;
	_ =	swait.ge @!p0 [sflag:s8], $0x0  }
0x24: {  	s3 =	sadd.s32 $0x88, s3;
	s6 =	simm.s32 @!p1 $0x1082;
	[sflag:s4] =	ssyncset.s32 $0xFFFFF086  }
0x25: {  	[simem:s6], [sflag:s4] =	dma.local [hbm:s3], $0xF7A  }
0x26: {  	[smem:$0x3F61] =	sst s1;
	(tag) =	ssettag s2;
	_ =	strace s9  }
0x27: {  	s1 =	sld [smem:$0x3F71]  }
0x28: {  	s2 =	sld [smem:$0x3F72]  }
0x29: {  	s4 =	sld [smem:$0x3F74]  }
0x2a: {  	p0 =	seq.s32 s5, $0x0;
	s5 =	sld [smem:$0x3F75]  }
0x2b: {  	s6 =	sld [smem:$0x3F76]  }
0x2c: {  	s7 =	sld [smem:$0x3F77]  }
0x2d: {  	s3 =	simm.s32 $0x108;
	s8 =	sld [smem:$0x3F78]  }
0x2e: {  	s3 =	simm.s32 @!p0 $0x1082;
	s9 =	sld [smem:$0x3F79]  }
0x2f: {  	lr =	sadd.s32 s0, s3;
	s0 =	sld [smem:$0x3F70]  }
0x30: {  	s3 =	sld [smem:$0x3F73]  }
0x31: {  	[smem:$0x3F7C] =	sst s10  }
0x32: {  	s10 =	sld [smem:$0x3F7A];
	_ =	sdelay $0x3  }
0x33: {  	p0 =	seq.s32 s10, $0x1;
	s10 =	sld [smem:$0x3F7C];
	_ =	sdelay $0x3  }
0x34: {  	[smem:$0x3F7C] =	sst s10  }
0x35: {  	s10 =	sld [smem:$0x3F7B];
	_ =	sdelay $0x3  }
0x36: {  	p1 =	seq.s32 s10, $0x1;
	s10 =	sld [smem:$0x3F7C];
	_ =	sdelay $0x3  }
0x37: {  	[smem:$0x3F7C] =	sst s10  }
0x38: {  	s10 =	sld [smem:$0x3F7D]  }
0x39: {  	_ = 	snop;
	(pc) =	sbr.ind lr, $3  }
0x3a: {  	_ = 	snop  }
0x3b: {  	_ = 	snop  }
0x3c: {  	p2 =	seq.s32 s10, $0x1;
	s10 =	sld [smem:$0x3F7C]  }
0x3d: {  	_ =	shalt  }
0x3e: {  	_ =	shalt  }
0x3f: {  	_ =	shalt  }
0x40: {  	_ =	shalt  }
0x41: {  	_ =	shalt  }
0x42: {  	_ =	shalt  }
0x43: {  	_ =	shalt  }
0x44: {  	_ =	shalt  }
0x45: {  	_ =	shalt  }
0x46: {  	_ =	shalt  }
0x47: {  	_ =	shalt  }
0x48: {  	_ =	shalt  }
0x49: {  	_ =	shalt  }
0x4a: {  	_ =	shalt  }
0x4b: {  	_ =	shalt  }
0x4c: {  	_ =	shalt  }
0x4d: {  	_ =	shalt  }
0x4e: {  	_ =	shalt  }
0x4f: {  	_ =	shalt  }
0x50: {  	_ =	shalt  }
0x51: {  	_ =	shalt  }
0x52: {  	_ =	shalt  }
0x53: {  	_ =	shalt  }
0x54: {  	_ =	shalt  }
0x55: {  	_ =	shalt  }
0x56: {  	_ =	shalt  }
0x57: {  	_ =	shalt  }
0x58: {  	_ =	shalt  }
0x59: {  	_ =	shalt  }
0x5a: {  	_ =	shalt  }
0x5b: {  	_ =	shalt  }
0x5c: {  	_ =	shalt  }
0x5d: {  	_ =	shalt  }
0x5e: {  	_ =	shalt  }
0x5f: {  	_ =	shalt  }
0x60: {  	_ =	shalt  }
0x61: {  	_ =	shalt  }
0x62: {  	_ =	shalt  }
0x63: {  	_ =	shalt  }
0x64: {  	_ =	shalt  }
0x65: {  	_ =	shalt  }
0x66: {  	_ =	shalt  }
0x67: {  	_ =	shalt  }
0x68: {  	_ =	shalt  }
0x69: {  	_ =	shalt  }
0x6a: {  	_ =	shalt  }
0x6b: {  	_ =	shalt  }
0x6c: {  	_ =	shalt  }
0x6d: {  	_ =	shalt  }
0x6e: {  	_ =	shalt  }
0x6f: {  	_ =	shalt  }
0x70: {  	_ =	shalt  }
0x71: {  	_ =	shalt  }
0x72: {  	_ =	shalt  }
0x73: {  	_ =	shalt  }
0x74: {  	_ =	shalt  }
0x75: {  	_ =	shalt  }
0x76: {  	_ =	shalt  }
0x77: {  	_ =	shalt  }
0x78: {  	_ =	shalt  }
0x79: {  	_ =	shalt  }
0x7a: {  	_ =	shalt  }
0x7b: {  	_ =	shalt  }
0x7c: {  	_ =	shalt  }
0x7d: {  	_ =	shalt  }
0x7e: {  	_ =	shalt  }
0x7f: {  	_ =	shalt  }
0x80: {  	_ =	shalt  }
0x81: {  	_ =	shalt  }
0x82: {  	_ =	shalt  }
0x83: {  	_ =	shalt  }
0x84: {  	_ =	shalt  }
0x85: {  	_ =	shalt  }
0x86: {  	_ =	shalt  }
0x87: {  	_ =	shalt  }
.Lfunc_end0:
.L_simem_size_0:
called_computation.2_lowered:
.L_overlay_start_0:
0x88: {  	s2 =	sld [smem:$0x3FD9]  }
0x89: {  	s3 =	sld [smem:$0x3FFE];
	_ =	sdelay $0x1  }
0x8a: {  	s1 =	srdreg.scid  }
0x8b: {  	s0 =	sand.u32 $0x1, s1  }
0x8c: {  	s17 =	sshll.u32 s0, $0xA;
	s2 =	sadd.s32 s3, s2  }
0x8d: {  	s2 =	sadd.s32 s2, s17  }
0x8e: {  	[smem:$0x3F88] =	sst s2  }
0x8f: {  	_ = 	snop  }
0x90: {  	s2 =	sld [smem:$0x3FD0];
	(tm) =	ssettm $0x1  }
0x91: {  	s18 =	sld [smem:$0x3FFB];
	_ =	sdelay $0x3  }
0x92: {  	_ =	strace s18  }
0x93: {  	s3 =	sld [smem:$0x3FFC];
	_ =	sdelay $0x3  }
0x94: {  	_ =	strace s3  }
0x95: {  	s3 =	sld [smem:$0x3FFD];
	_ =	sdelay $0x3  }
0x96: {  	_ =	strace s3  }
0x97: {  	_ =	strace $0x8FFFFFFF  }
0x98: {  	s19 =	sld [smem:$0x3FDB];
	_ =	sdelay $0x1  }
0x99: {  	s4 =	simm.s32 $_scs_section_size  }
0x9a: {  	s5 =	simm.s32 $_size__tile_overlayer_lowered;
	s6 =	simm.s32 $_tile_overlayer_lowered  }
0x9b: {  	s22 =	simm.s32 $0x1BFF;
	s21 =	sshll.u32 s6, $0x1;
	s3 =	sadd.s32 s4, s19  }
0x9c: {  	s7 =	simm.s32 $0x0;
	s20 =	sshll.u32 s5, $0x1;
	s5 =	sadd.s32 s21, s3  }
0x9d: {  	[timem:s7], [sflag:s22] =	dma.local [hbm:s5], s20  }
0x9e: {  	_ =	swait.ge [sflag:s22], s20  }
0x9f: {  	s4 =	ssub.s32 $0x0, s20;
	[sflag:s22] =	ssyncset.done $0x0  }
0xa0: {  	[sflag:s22] =	ssyncadd.s32 s4;
	_ =	sdelay $0x1  }
0xa1: {  	s23 =	simm.s32 $0x1B8B  }
0xa2: {  	_ =	swait.ge [sflag:s23], $0x1  }
0xa3: {  	[sflag:s23] =	ssyncset.done $0x0  }
0xa4: {  	s25 =	simm.s32 $0x1B8E;
	s24 =	sld [smem:$0x3FFE];
	[sflag:s23] =	ssyncadd.s32 $0xFFFFFFFF  }
0xa5: {  	s26 =	simm.s32 $execute0_lowered;
	[smem:$0x3FD2] =	sst s25  }
0xa6: {  	s5 =	sshll.u32 s26, $0x1;
	_ =	strace $0x8000004C;
	[dreg:$0x1] =	wrdreg $0xFFFFFFFF  }
0xa7: {  	s28 =	simm.s32 $_size_execute0_lowered;
	s3 =	sadd.s32 s3, s5;
	[dreg:$0x0] =	wrdreg $0x0  }
0xa8: {  	s5 =	sshll.u32 s28, $0x1;
	[dreg:$0x2] =	wrdreg s3  }
0xa9: {  	[dreg:$0x3] =	wrdreg s5  }
0xaa: {  	[dreg:$0x4] =	wrdreg $0xC0  }
0xab: {  	_ =	task [dreg:s7], $0x5FFFF  }
0xac: {  	[dreg:$0x1] =	wrdreg $0xFFFFFFFF  }
0xad: {  	[dreg:$0x0] =	wrdreg $0x60  }
0xae: {  	[dreg:$0x2] =	wrdreg s24  }
0xaf: {  	[dreg:$0x3] =	wrdreg s2  }
0xb0: {  	[dreg:$0x4] =	wrdreg $0x29400  }
0xb1: {  	[dreg:$0x5] =	wrdreg $0x9  }
0xb2: {  	_ =	task.clear_ibuf [dreg:s7], $0x6FFFF;
	_ =	strace $0x9000004C  }
0xb3: {  	s29 =	simm.s32 $0x9;
	_ =	strace $0x8000004E  }
0xb4: {  	_ =	swait.ge [sflag:s29], $0x1  }
0xb5: {  	[sflag:s29] =	ssyncadd.s32 $0xFFFFFFFF  }
0xb6: {  	_ =	strace $0x9000004E  }
0xb7: {  	_ =	sfence  }
0xb8: {  	s30 =	sld [smem:$0x0];
	_ =	sdelay $0x2  }
0xb9: {  	s31 =	sshll.u32 s1, $0xD;
	s1 =	sshrl.u32 s1, $0x2  }
0xba: {  	s3 =	sand.u32 $0x4000, s31;
	s1 =	sadd.s32 s1, s30  }
0xbb: {  	s0 =	sor.u32 s3, s0;
	s1 =	sshll.u32 s1, $0x11  }
0xbc: {  	s0 =	sor.u32 s1, s0  }
0xbd: {  	s0 =	sadd.s32 $0x8F2B, s0  }
0xbe: {  	[sflag:s0] =	ssyncadd.remote.s32 $0x1  }
0xbf: {  	_ =	sfence.sel $0xFFFF  }
0xc0: {  	[dreg:$0x0] =	wrdreg $0xFFFFFFFF;
	(pc) =	sbr.abs _section_cstart, $3  }
0xc1: {  	[dreg:$0x1] =	wrdreg $0xFFFFFFFF  }
0xc2: {  	_ =	task.clear_ibuf [dreg:s7], $0x2FFFF;
	_ =	strace $0x9FFFFFFF  }
0xc3: {  	(tm) =	ssettm $0x7FFFFFFF  }
tec
execute0_lowered:
.L_overlay_start_1:
0x0: {  	(tag) =	ssettag $0x1  }
0x1: {  	s8 =	rddreg [dreg:$0x0]  }
0x2: {  	s12 =	rddreg [dreg:$0x1]  }
0x3: {  	s1 =	rddreg [dreg:$0x2]  }
0x4: {  	s3 =	srdreg.scid;
	s2 =	simm.s32 $0x0;
	s13 =	stileid.u32  }
0x5: {  	s17 =	simm.s32 $0x50;
	s18 =	simm.s32 $0x1540;
	s19 =	simm.s32 $0x140  }
0x6: {  	s20 =	simm.s32 $0x3;
	s21 =	simm.s32 $0x1;
	s22 =	simm.s32 $0x6  }
0x7: {  	s23 =	simm.s32 $0x4;
	s24 =	simm.s32 $0x2;
	s25 =	simm.s32 $0xF0  }
0x8: {  	s26 =	simm.s32 $0xB40;
	s28 =	simm.s32 $0x0;
	s9 =	sand.u32 $0x1, s3  }
0x9: {  	[smem:$0x7FF] =	sst s2;
	s3 =	sadd.s32 $0x27C00, s8;
	s5 =	sadd.s32 $0x14000, s8  }
0xa: {  	s7 =	sadd.s32 $0xA200, s8;
	s0 =	sadd.s32 $0x31A00, s8;
	s4 =	sshll.u32 s9, $0x4  }
0xb: {  	p0 =	sne.s32 s13, $0x0;
	s15 =	smul.u32 $0x9C40, s9;
	s6 =	sor.u32 s13, s4  }
0xc: {  	_ =	strace $0x8000004D;
	s10 =	ssub.s32 $0x2, s9;
	s6 =	smul.u32 $0x2710, s6  }
.Ltmp0:
0xd: {  	[dreg:$0x4] =	wrdreg s0;
	s11 =	sshrl.u32 s10, $0x1;
	(pc) =	sbr.rel .LBB2_1-.Ltmp0, $4  }
0xe: {  	s4 =	sadd.s32 $0x1DE00, s8;
	s16 =	ssub.s32 s10, s11;
	s12 =	sadd.s32 s12, s15  }
0xf: {  	s15 =	simm.s32 $0x5;
	s13 =	smax.u32 s16, $0x1;
	s14 =	sshrl.u32 s6, $0x3  }
0x10: {  	s16 =	simm.s32 $0xA0;
	s11 =	sadd.s32 $0xA0, s6;
	s31 =	sadd.s32 s5, s14  }
0x11: {  	s10 =	sadd.s32 s7, s14;
	s14 =	sshrl.u32 @!p0 s1, $0x3;
	[dreg:$0x5] =	wrdreg s31  }
.LBB2_9:
0x12: {  	[bflag:$0x0] =	sbarrier.arrive $0xFFFF;
	s0 =	simm.s32 @!p0 $0x1C05;
	s28 =	sadd.s32 $0x1, s28  }
0x13: {  	[hbm:s12], [sflag:s0] =	dma.local @!p0 [spmem:s14], $0x9C40  }
0x14: {  	p1 =	sne.s32 s28, s13  }
.Ltmp1:
0x15: {  	_ = 	snop;
	(pc) =	sbr.rel @!p1 .LBB2_10-.Ltmp1, $4  }
0x16: {  	s0 =	simm.s32 @!p0 $0x5  }
0x17: {  	_ =	swait.ge @!p0 [sflag:s0], $0x9C40  }
0x18: {  	[sflag:s0] =	ssyncset.done @!p0 $0x0  }
0x19: {  	[sflag:s0] =	ssyncadd.s32 @!p0 $0xFFFF63C0  }
.LBB2_1:
0x1a: {  	s29 =	simm.s32 @!p0 $0x1C05;
	s0 =	rddreg [dreg:$0x4]  }
0x1b: {  	[spmem:s14], [sflag:s29] =	dma.local @!p0 [hbm:s0], $0x9C40  }
0x1c: {  	s29 =	simm.s32 @!p0 $0x5  }
0x1d: {  	_ =	swait.ge @!p0 [sflag:s29], $0x9C40  }
0x1e: {  	[sflag:s29] =	ssyncset.done @!p0 $0x0  }
0x1f: {  	[sflag:s29] =	ssyncadd.s32 @!p0 $0xFFFF63C0  }
0x20: {  	[bflag:$0x0] =	sbarrier.arrive $0xFFFF  }
0x21: {  	s31 =	rddreg [dreg:$0x5]  }
0x22: {  	[tilespmem:s2], [sflag:$0x5] =	stream.linear.gather [hbm4b:s31+s2], $0x50, $0x38;
	[tilespmem:$0x7760] =	vst v63  }
0x23: {  	_ =	swait.ge [sflag:s15], $0x50  }
0x24: {  	[sflag:s15] =	ssyncset.done $0x0  }
0x25: {  	[sflag:s15] =	ssyncadd.s32 $0xFFFFFFB0  }
0x26: {  	[tilespmem:s16], [sflag:$0x5] =	stream.linear.gather [hbm4b:s10+s2], $0x50, $0x38;
	[tilespmem:$0x7760] =	vst v63  }
0x27: {  	_ =	swait.ge [sflag:s15], $0x50  }
.Ltmp2:
0x28: {  	[sflag:s15] =	ssyncset.done $0x0;
	(pc) =	sbr.rel .LBB2_2-.Ltmp2, $4  }
0x29: {  	[sflag:s15] =	ssyncadd.s32 $0xFFFFFFB0  }
0x2a: {  	[tilespmem:s18], [sflag:$0x3] =	stream.indirect.gather [hbm4b:s4+s17], $0x20, s2, s17, $0xb8;
	[tilespmem:$0x7760] =	vst v63  }
0x2b: {  	s29 =	simm.s32 $0x0  }
0x2c: {  	[tilespmem:s19], [sflag:$0x1] =	stream.indirect.gather [hbm4b:s3+s17], $0x20, s16, s17, $0xb8;
	[tilespmem:$0x7760] =	vst v63  }
.LBB2_8:
0x2d: {  	s29 =	sadd.s32 $0x1, s29  }
0x2e: {  	p1 =	sne.s32 s29, $0x3F  }
.Ltmp3:
0x2f: {  	_ = 	snop;
	(pc) =	sbr.rel @!p1 .LBB2_9-.Ltmp3, $1  }
0x30: {  	_ =	sdelay $0x3  }
.LBB2_2:
0x31: {  	s30 =	sshllo.u32 s29, $0x1  }
0x32: {  	p1 =	sgt.u32 s30, $0x7C  }
0x33: {  	s30 =	smul.u32 @!p1 $0x50, s30;
	_ =	sdelay $0x1  }
0x34: {  	s30 =	sadd.s32 @!p1 s6, s30  }
0x35: {  	s30 =	sshrl.u32 @!p1 s30, $0x3  }
0x36: {  	s0 =	simm.s32 @!p1 $0x0;
	s8 =	simm.s32 @!p1 $0x50;
	s31 =	sadd.s32 @!p1 s5, s30  }
0x37: {  	[tilespmem:s8], [sflag:$0x6] =	stream.linear.gather @!p1 [hbm4b:s31+s0], $0x50, $0x38;
	[tilespmem:$0x7760] =	vst v63  }
0x38: {  	s31 =	simm.s32 @!p1 $0x6  }
0x39: {  	_ =	swait.ge @!p1 [sflag:s31], $0x50  }
0x3a: {  	[sflag:s31] =	ssyncset.done @!p1 $0x0  }
0x3b: {  	s9 =	simm.s32 @!p1 $0xF0;
	s30 =	sadd.s32 @!p1 s7, s30;
	[sflag:s31] =	ssyncadd.s32 @!p1 $0xFFFFFFB0  }
0x3c: {  	[tilespmem:s9], [sflag:$0x6] =	stream.linear.gather @!p1 [hbm4b:s30+s0], $0x50, $0x38;
	[tilespmem:$0x7760] =	vst v63  }
0x3d: {  	_ =	swait.ge @!p1 [sflag:s31], $0x50  }
0x3e: {  	[sflag:s31] =	ssyncset.done @!p1 $0x0  }
0x3f: {  	s0 =	simm.s32 @!p1 $0x1F40;
	[sflag:s31] =	ssyncadd.s32 @!p1 $0xFFFFFFB0  }
0x40: {  	[tilespmem:s0], [sflag:$0x4] =	stream.indirect.gather @!p1 [hbm4b:s4+s8], $0x20, s8, s8, $0xb8;
	[tilespmem:$0x7760] =	vst v63  }
0x41: {  	s0 =	simm.s32 @!p1 $0xB40  }
0x42: {  	[tilespmem:s0], [sflag:$0x2] =	stream.indirect.gather @!p1 [hbm4b:s3+s8], $0x20, s9, s8, $0xb8;
	[tilespmem:$0x7760] =	vst v63  }
0x43: {  	_ =	swait.ge [sflag:s20], $0xA00  }
0x44: {  	[sflag:s20] =	ssyncset.done $0x0  }
0x45: {  	[sflag:s20] =	ssyncadd.s32 $0xFFFFF600  }
0x46: {  	_ =	swait.ge [sflag:s21], $0xA00  }
0x47: {  	[sflag:s21] =	ssyncset.done $0x0  }
0x48: {  	s30 =	simm.s32 $0x0;
	[sflag:s21] =	ssyncadd.s32 $0xFFFFF600  }
0x49: {  	v0 =	vld [tilespmem:s30+$0x1540]  }
0x4a: {  	v1 =	vld [tilespmem:s30+$0x1550]  }
0x4b: {  	s31 =	simm.s32 $0x80;
	v2 =	vld [tilespmem:s30+$0x140]  }
.LBB2_3:
0x4c: {  	p2 =	sne.s32 s31, $0x2780;
	v3 =	vld [tilespmem:s30+$0x150];
	_ =	sdelay $0x3  }
0x4d: {  	v0 =	vadd.f32 v0, v2  }
0x4e: {  	v1 =	vadd.f32 v1, v3  }
0x4f: {  	v0 =	vmax.f32 v0, $0.0e+00  }
0x50: {  	v2 =	vshrl.u32 v0, $0x10;
	v1 =	vmax.f32 v1, $0.0e+00  }
0x51: {  	v2 =	vand.u32 $0x1, v2;
	v3 =	vshrl.u32 v1, $0x10  }
.Ltmp4:
0x52: {  	v0 =	vadd.s32 v2, v0;
	v2 =	vand.u32 $0x1, v3;
	(pc) =	sbr.rel @p2 .LBB2_3-.Ltmp4, $4  }
0x53: {  	s0 =	sshra.s32 s31, $0x2;
	v3 =	vadd.s32 $0x7FFF, v0;
	v1 =	vadd.s32 v2, v1  }
0x54: {  	v0 =	vld [tilespmem:s0+$0x1540];
	v2 =	vand.u32 $0xFFFF0000, v3;
	v3 =	vadd.s32 $0x7FFF, v1  }
0x55: {  	v1 =	vld [tilespmem:s0+$0x1550];
	[tilespmem:s30+$0x140] =	vst v2;
	v3 =	vand.u32 $0xFFFF0000, v3  }
0x56: {  	s31 =	sadd.s32 $0x80, s31;
	v2 =	vld [tilespmem:s0+$0x140];
	[tilespmem:s30+$0x150] =	vst v3;
	s30 =	smov.u32 s0  }
0x57: {  	v3 =	vld [tilespmem:s30+$0x150];
	_ =	sdelay $0x3  }
0x58: {  	v0 =	vadd.f32 v0, v2  }
0x59: {  	v1 =	vadd.f32 v1, v3  }
0x5a: {  	v0 =	vmax.f32 v0, $0.0e+00  }
0x5b: {  	v60 =	vshrl.u32 v0, $0x10;
	v1 =	vmax.f32 v1, $0.0e+00  }
0x5c: {  	v2 =	vand.u32 $0x1, v60;
	v61 =	vshrl.u32 v1, $0x10  }
0x5d: {  	v0 =	vadd.s32 v2, v0;
	v62 =	vand.u32 $0x1, v61  }
0x5e: {  	v0 =	vadd.s32 $0x7FFF, v0;
	v1 =	vadd.s32 v62, v1  }
0x5f: {  	v0 =	vand.u32 $0xFFFF0000, v0;
	v1 =	vadd.s32 $0x7FFF, v1  }
0x60: {  	[tilespmem:s30+$0x140] =	vst v0;
	v63 =	vand.u32 $0xFFFF0000, v1  }
.Ltmp5:
0x61: {  	[tilespmem:s30+$0x150] =	vst v63;
	(pc) =	sbr.rel @p1 .LBB2_8-.Ltmp5, $4  }
0x62: {  	[spmem:s1] =	stream.indirect.scatter.add.f32 [tilespmem:s19], [sflag:$0x6], $0x20, s16, s17, $0xb8;
	[tilespmem:$0x7760] =	vst v63  }
0x63: {  	_ =	swait.ge [sflag:s22], $0xA00  }
0x64: {  	[sflag:s22] =	ssyncset.done $0x0  }
0x65: {  	[sflag:s22] =	ssyncadd.s32 $0xFFFFF600  }
0x66: {  	s0 =	smul.u32 $0xA0, s29;
	_ =	sdelay $0x1  }
0x67: {  	s0 =	sadd.s32 s0, s11  }
0x68: {  	s0 =	sshrl.u32 s0, $0x3  }
0x69: {  	s9 =	simm.s32 $0x0;
	s8 =	sadd.s32 s5, s0  }
0x6a: {  	[tilespmem:s9], [sflag:$0x6] =	stream.linear.gather [hbm4b:s8+s9], $0x50, $0x38;
	[tilespmem:$0x7760] =	vst v63  }
0x6b: {  	_ =	swait.ge [sflag:s22], $0x50  }
0x6c: {  	[sflag:s22] =	ssyncset.done $0x0  }
0x6d: {  	s0 =	sadd.s32 s7, s0;
	[sflag:s22] =	ssyncadd.s32 $0xFFFFFFB0  }
0x6e: {  	[tilespmem:s16], [sflag:$0x6] =	stream.linear.gather [hbm4b:s0+s9], $0x50, $0x38;
	[tilespmem:$0x7760] =	vst v63  }
0x6f: {  	_ =	swait.ge [sflag:s22], $0x50  }
0x70: {  	[sflag:s22] =	ssyncset.done $0x0  }
0x71: {  	[sflag:s22] =	ssyncadd.s32 $0xFFFFFFB0  }
0x72: {  	[tilespmem:s18], [sflag:$0x3] =	stream.indirect.gather [hbm4b:s4+s17], $0x20, s9, s17, $0xb8;
	[tilespmem:$0x7760] =	vst v63  }
0x73: {  	_ = 	snop  }
0x74: {  	[tilespmem:s19], [sflag:$0x1] =	stream.indirect.gather [hbm4b:s3+s17], $0x20, s16, s17, $0xb8;
	[tilespmem:$0x7760] =	vst v63  }
0x75: {  	_ =	swait.ge [sflag:s23], $0xA00  }
0x76: {  	[sflag:s23] =	ssyncset.done $0x0  }
0x77: {  	[sflag:s23] =	ssyncadd.s32 $0xFFFFF600  }
0x78: {  	_ =	swait.ge [sflag:s24], $0xA00  }
0x79: {  	[sflag:s24] =	ssyncset.done $0x0  }
0x7a: {  	s30 =	simm.s32 $0x0;
	[sflag:s24] =	ssyncadd.s32 $0xFFFFF600  }
0x7b: {  	v0 =	vld [tilespmem:s30+$0x1F40]  }
0x7c: {  	v1 =	vld [tilespmem:s30+$0x1F50]  }
0x7d: {  	s31 =	simm.s32 $0x80;
	v2 =	vld [tilespmem:s30+$0xB40]  }
.LBB2_6:
0x7e: {  	p1 =	sne.s32 s31, $0x2780;
	v3 =	vld [tilespmem:s30+$0xB50];
	_ =	sdelay $0x3  }
0x7f: {  	v0 =	vadd.f32 v0, v2  }
0x80: {  	v1 =	vadd.f32 v1, v3  }
0x81: {  	v0 =	vmax.f32 v0, $0.0e+00  }
0x82: {  	v2 =	vshrl.u32 v0, $0x10;
	v1 =	vmax.f32 v1, $0.0e+00  }
0x83: {  	v2 =	vand.u32 $0x1, v2;
	v3 =	vshrl.u32 v1, $0x10  }
.Ltmp6:
0x84: {  	v0 =	vadd.s32 v2, v0;
	v2 =	vand.u32 $0x1, v3;
	(pc) =	sbr.rel @p1 .LBB2_6-.Ltmp6, $4  }
0x85: {  	s0 =	sshra.s32 s31, $0x2;
	v3 =	vadd.s32 $0x7FFF, v0;
	v1 =	vadd.s32 v2, v1  }
0x86: {  	v0 =	vld [tilespmem:s0+$0x1F40];
	v2 =	vand.u32 $0xFFFF0000, v3;
	v3 =	vadd.s32 $0x7FFF, v1  }
0x87: {  	v1 =	vld [tilespmem:s0+$0x1F50];
	[tilespmem:s30+$0xB40] =	vst v2;
	v3 =	vand.u32 $0xFFFF0000, v3  }
0x88: {  	s31 =	sadd.s32 $0x80, s31;
	v2 =	vld [tilespmem:s0+$0xB40];
	[tilespmem:s30+$0xB50] =	vst v3;
	s30 =	smov.u32 s0  }
0x89: {  	v3 =	vld [tilespmem:s30+$0xB50];
	_ =	sdelay $0x3  }
0x8a: {  	v0 =	vadd.f32 v0, v2  }
0x8b: {  	v1 =	vadd.f32 v1, v3  }
0x8c: {  	v0 =	vmax.f32 v0, $0.0e+00  }
0x8d: {  	v60 =	vshrl.u32 v0, $0x10;
	v1 =	vmax.f32 v1, $0.0e+00  }
0x8e: {  	v2 =	vand.u32 $0x1, v60;
	v61 =	vshrl.u32 v1, $0x10  }
0x8f: {  	v0 =	vadd.s32 v2, v0;
	v62 =	vand.u32 $0x1, v61  }
0x90: {  	v0 =	vadd.s32 $0x7FFF, v0;
	v1 =	vadd.s32 v62, v1  }
0x91: {  	v0 =	vand.u32 $0xFFFF0000, v0;
	v1 =	vadd.s32 $0x7FFF, v1  }
0x92: {  	[tilespmem:s30+$0xB40] =	vst v0;
	v63 =	vand.u32 $0xFFFF0000, v1  }
.Ltmp7:
0x93: {  	[tilespmem:s30+$0xB50] =	vst v63;
	(pc) =	sbr.rel .LBB2_8-.Ltmp7, $4  }
0x94: {  	[spmem:s1] =	stream.indirect.scatter.add.f32 [tilespmem:s26], [sflag:$0x5], $0x20, s25, s17, $0xb8;
	[tilespmem:$0x7760] =	vst v63  }
0x95: {  	_ =	swait.ge [sflag:s15], $0xA00  }
0x96: {  	[sflag:s15] =	ssyncset.done $0x0  }
0x97: {  	[sflag:s15] =	ssyncadd.s32 $0xFFFFF600  }
.LBB2_10:
0x98: {  	_ =	sfence.sel $0x180000  }
0x99: {  	[bflag:$0x0] =	sbarrier.arrive $0xFFFF  }
0x9a: {  	_ =	strace $0x9000004D  }
0x9b: {  	[bflag:$0x2] =	sbarrier.arrive $0xFFFF  }
0x9c: {  	s0 =	rddreg [dreg:$0x3]  }
0x9d: {  	s0 =	sadd.s32 @!p0 $0x100000, s0  }
0x9e: {  	[sflag:s0] =	ssyncadd.tile.s32 @!p0 $0x1;
	_ =	shalt  }
.Lfunc_end2:
_tile_overlayer_lowered:
.L_overlay_start_2:
0x9f: {  	(tag) =	ssettag $0x2  }
0xa0: {  	s0 =	rddreg [dreg:$0x0];
	s2 =	stileid.u32  }
0xa1: {  	s1 =	rddreg [dreg:$0x1];
	p0 =	sne.s32 s2, $0x0  }
0xa2: {  	s3 =	rddreg [dreg:$0x2];
	[bflag:$0x3] =	sbarrier.arrive $0xFFFF;
	s2 =	simm.s32 @!p0 $0x1C05  }
0xa3: {  	[timem:s3], [sflag:s2] =	dma.local @!p0 [hbm:s0], s1  }
0xa4: {  	s0 =	simm.s32 @!p0 $0x5  }
0xa5: {  	_ =	swait.ge @!p0 [sflag:s0], s1  }
0xa6: {  	s1 =	ssub.s32 @!p0 $0x0, s1;
	[sflag:s0] =	ssyncset.done @!p0 $0x0  }
0xa7: {  	[sflag:s0] =	ssyncadd.s32 @!p0 s1  }
0xa8: {  	[bflag:$0x3] =	sbarrier.arrive $0xFFFF  }
0xa9: {  	_ =	shalt  }

// kernel: kernel.23.cloned.1.call-start
scs
__scs_entry_jumppad:
0x0: {  	(pc) =	sbr.rel $0x88, $3  }
0x1: {  	(tag) =	ssettag $0x0;
	lr =	simm.s32 $0x1  }
0x2: {  	[smem:$0x3F61] =	sst lr;
	_ =	strace $0xD0000000  }
0x3: {  	_ = 	snop  }
0x4: {  	_ = 	snop  }
0x5: {  	_ = 	snop  }
0x6: {  	_ = 	snop  }
0x7: {  	_ = 	snop  }
__scs_overlays_trampoline_lowered:
0x8: {  	[smem:$0x3F70] =	sst s0  }
0x9: {  	[smem:$0x3F71] =	sst s1  }
0xa: {  	[smem:$0x3F72] =	sst s2  }
0xb: {  	[smem:$0x3F73] =	sst s3  }
0xc: {  	[smem:$0x3F74] =	sst s4  }
0xd: {  	[smem:$0x3F75] =	sst s5  }
0xe: {  	[smem:$0x3F76] =	sst s6  }
0xf: {  	[smem:$0x3F77] =	sst s7  }
0x10: {  	[smem:$0x3F78] =	sst s8  }
0x11: {  	[smem:$0x3F79] =	sst s9;
	s0 =	simm.s32 @!p0 $0x0  }
0x12: {  	s1 =	sld [smem:$0x3F5F];
	s0 =	simm.s32 @p0 $0x1  }
0x13: {  	[smem:$0x3F7A] =	sst s0;
	s0 =	simm.s32 @!p1 $0x0  }
0x14: {  	s2 =	sld [smem:$0x3F5E];
	s0 =	simm.s32 @p1 $0x1  }
0x15: {  	[smem:$0x3F7B] =	sst s0;
	s0 =	simm.s32 @!p2 $0x0  }
0x16: {  	s3 =	sld [smem:$0x3FDB];
	s0 =	simm.s32 @p2 $0x1  }
0x17: {  	s4 =	simm.s32 $0x1BF5;
	[smem:$0x3F7D] =	sst s0  }
0x18: {  	s0 =	sld [smem:$0x3F60];
	_ =	swait.ge [sflag:s4], $0x0  }
0x19: {  	s7 =	sld [smem:$0x3F61]  }
0x1a: {  	s8 =	sadd.s32 $0xFFFFE003, lr  }
0x1b: {  	s9 =	sadd.s32 $0xFFFFFEF7, lr;
	s5 =	simm.s32 $0xFFFFFFFF;
	p2 =	slt.u32 s8, $0xFFFFF086  }
0x1c: {  	p1 =	slt.u32 s9, $0xF7A;
	s5 =	simm.s32 @!p2 $0x0  }
0x1d: {  	s5 =	simm.s32 @p1 $0x1;
	p0 =	seq.s32 s7, s2  }
0x1e: {  	s7 =	smul.u32 @!p0 $0xF7A, s2;
	p2 =	seq.s32 @!p0 s5, $0x0  }
0x1f: {  	s9 =	smul.u32 $0xF7A, s1;
	s8 =	simm.s32 @!p0 $0x1BF5;
	p2 =	por !p2, p0  }
0x20: {  	[sflag:s8] =	ssyncset.s32 @!p0 $0xFFFFF086;
	s6 =	sadd.s32 @!p0 s3, s7;
	s7 =	simm.s32 @!p0 $0x108  }
0x21: {  	s3 =	sadd.s32 s3, s9;
	s6 =	sadd.s32 @!p0 $0x88, s6;
	s7 =	simm.s32 @p2 $0x1082  }
0x22: {  	[simem:s7], [sflag:s8] =	dma.local @!p0 [hbm:s6], $0xF7A  }
0x23: {  	s9 =	sor.u32 $0xD0000000, s2;
	s6 =	simm.s32 $0x108;
	_ =	swait.ge @!p0 [sflag:s8], $0x0  }
0x24: {  	s3 =	sadd.s32 $0x88, s3;
	s6 =	simm.s32 @!p1 $0x1082;
	[sflag:s4] =	ssyncset.s32 $0xFFFFF086  }
0x25: {  	[simem:s6], [sflag:s4] =	dma.local [hbm:s3], $0xF7A  }
0x26: {  	[smem:$0x3F61] =	sst s1;
	(tag) =	ssettag s2;
	_ =	strace s9  }
0x27: {  	s1 =	sld [smem:$0x3F71]  }
0x28: {  	s2 =	sld [smem:$0x3F72]  }
0x29: {  	s4 =	sld [smem:$0x3F74]  }
0x2a: {  	p0 =	seq.s32 s5, $0x0;
	s5 =	sld [smem:$0x3F75]  }
0x2b: {  	s6 =	sld [smem:$0x3F76]  }
0x2c: {  	s7 =	sld [smem:$0x3F77]  }
0x2d: {  	s3 =	simm.s32 $0x108;
	s8 =	sld [smem:$0x3F78]  }
0x2e: {  	s3 =	simm.s32 @!p0 $0x1082;
	s9 =	sld [smem:$0x3F79]  }
0x2f: {  	lr =	sadd.s32 s0, s3;
	s0 =	sld [smem:$0x3F70]  }
0x30: {  	s3 =	sld [smem:$0x3F73]  }
0x31: {  	[smem:$0x3F7C] =	sst s10  }
0x32: {  	s10 =	sld [smem:$0x3F7A];
	_ =	sdelay $0x3  }
0x33: {  	p0 =	seq.s32 s10, $0x1;
	s10 =	sld [smem:$0x3F7C];
	_ =	sdelay $0x3  }
0x34: {  	[smem:$0x3F7C] =	sst s10  }
0x35: {  	s10 =	sld [smem:$0x3F7B];
	_ =	sdelay $0x3  }
0x36: {  	p1 =	seq.s32 s10, $0x1;
	s10 =	sld [smem:$0x3F7C];
	_ =	sdelay $0x3  }
0x37: {  	[smem:$0x3F7C] =	sst s10  }
0x38: {  	s10 =	sld [smem:$0x3F7D]  }
0x39: {  	_ = 	snop;
	(pc) =	sbr.ind lr, $3  }
0x3a: {  	_ = 	snop  }
0x3b: {  	_ = 	snop  }
0x3c: {  	p2 =	seq.s32 s10, $0x1;
	s10 =	sld [smem:$0x3F7C]  }
0x3d: {  	_ =	shalt  }
0x3e: {  	_ =	shalt  }
0x3f: {  	_ =	shalt  }
0x40: {  	_ =	shalt  }
0x41: {  	_ =	shalt  }
0x42: {  	_ =	shalt  }
0x43: {  	_ =	shalt  }
0x44: {  	_ =	shalt  }
0x45: {  	_ =	shalt  }
0x46: {  	_ =	shalt  }
0x47: {  	_ =	shalt  }
0x48: {  	_ =	shalt  }
0x49: {  	_ =	shalt  }
0x4a: {  	_ =	shalt  }
0x4b: {  	_ =	shalt  }
0x4c: {  	_ =	shalt  }
0x4d: {  	_ =	shalt  }
0x4e: {  	_ =	shalt  }
0x4f: {  	_ =	shalt  }
0x50: {  	_ =	shalt  }
0x51: {  	_ =	shalt  }
0x52: {  	_ =	shalt  }
0x53: {  	_ =	shalt  }
0x54: {  	_ =	shalt  }
0x55: {  	_ =	shalt  }
0x56: {  	_ =	shalt  }
0x57: {  	_ =	shalt  }
0x58: {  	_ =	shalt  }
0x59: {  	_ =	shalt  }
0x5a: {  	_ =	shalt  }
0x5b: {  	_ =	shalt  }
0x5c: {  	_ =	shalt  }
0x5d: {  	_ =	shalt  }
0x5e: {  	_ =	shalt  }
0x5f: {  	_ =	shalt  }
0x60: {  	_ =	shalt  }
0x61: {  	_ =	shalt  }
0x62: {  	_ =	shalt  }
0x63: {  	_ =	shalt  }
0x64: {  	_ =	shalt  }
0x65: {  	_ =	shalt  }
0x66: {  	_ =	shalt  }
0x67: {  	_ =	shalt  }
0x68: {  	_ =	shalt  }
0x69: {  	_ =	shalt  }
0x6a: {  	_ =	shalt  }
0x6b: {  	_ =	shalt  }
0x6c: {  	_ =	shalt  }
0x6d: {  	_ =	shalt  }
0x6e: {  	_ =	shalt  }
0x6f: {  	_ =	shalt  }
0x70: {  	_ =	shalt  }
0x71: {  	_ =	shalt  }
0x72: {  	_ =	shalt  }
0x73: {  	_ =	shalt  }
0x74: {  	_ =	shalt  }
0x75: {  	_ =	shalt  }
0x76: {  	_ =	shalt  }
0x77: {  	_ =	shalt  }
0x78: {  	_ =	shalt  }
0x79: {  	_ =	shalt  }
0x7a: {  	_ =	shalt  }
0x7b: {  	_ =	shalt  }
0x7c: {  	_ =	shalt  }
0x7d: {  	_ =	shalt  }
0x7e: {  	_ =	shalt  }
0x7f: {  	_ =	shalt  }
0x80: {  	_ =	shalt  }
0x81: {  	_ =	shalt  }
0x82: {  	_ =	shalt  }
0x83: {  	_ =	shalt  }
0x84: {  	_ =	shalt  }
0x85: {  	_ =	shalt  }
0x86: {  	_ =	shalt  }
0x87: {  	_ =	shalt  }
.Lfunc_end0:
.L_simem_size_0:
called_computation.3_lowered:
.L_overlay_start_0:
0x88: {  	s2 =	sld [smem:$0x3FD9]  }
0x89: {  	s3 =	sld [smem:$0x3FFE];
	_ =	sdelay $0x1  }
0x8a: {  	s1 =	srdreg.scid  }
0x8b: {  	s0 =	sand.u32 $0x1, s1  }
0x8c: {  	s17 =	sshll.u32 s0, $0xA;
	s2 =	sadd.s32 s3, s2  }
0x8d: {  	s2 =	sadd.s32 s2, s17  }
0x8e: {  	[smem:$0x3F88] =	sst s2  }
0x8f: {  	_ = 	snop  }
0x90: {  	s2 =	sld [smem:$0x3FD0];
	(tm) =	ssettm $0x1  }
0x91: {  	s18 =	sld [smem:$0x3FFB];
	_ =	sdelay $0x3  }
0x92: {  	_ =	strace s18  }
0x93: {  	s3 =	sld [smem:$0x3FFC];
	_ =	sdelay $0x3  }
0x94: {  	_ =	strace s3  }
0x95: {  	s3 =	sld [smem:$0x3FFD];
	_ =	sdelay $0x3  }
0x96: {  	_ =	strace s3  }
0x97: {  	_ =	strace $0x8FFFFFFF  }
0x98: {  	s19 =	sld [smem:$0x3FDB];
	_ =	sdelay $0x1  }
0x99: {  	s4 =	simm.s32 $_scs_section_size  }
0x9a: {  	s5 =	simm.s32 $_size__tile_overlayer_lowered;
	s6 =	simm.s32 $_tile_overlayer_lowered  }
0x9b: {  	s22 =	simm.s32 $0x1BFF;
	s21 =	sshll.u32 s6, $0x1;
	s3 =	sadd.s32 s4, s19  }
0x9c: {  	s7 =	simm.s32 $0x0;
	s20 =	sshll.u32 s5, $0x1;
	s5 =	sadd.s32 s21, s3  }
0x9d: {  	[timem:s7], [sflag:s22] =	dma.local [hbm:s5], s20  }
0x9e: {  	_ =	swait.ge [sflag:s22], s20  }
0x9f: {  	s4 =	ssub.s32 $0x0, s20;
	[sflag:s22] =	ssyncset.done $0x0  }
0xa0: {  	[sflag:s22] =	ssyncadd.s32 s4;
	_ =	sdelay $0x1  }
0xa1: {  	s23 =	simm.s32 $0x1B8B  }
0xa2: {  	_ =	swait.ge [sflag:s23], $0x1  }
0xa3: {  	[sflag:s23] =	ssyncset.done $0x0  }
0xa4: {  	s25 =	simm.s32 $0x1B8E;
	s24 =	sld [smem:$0x3FFE];
	[sflag:s23] =	ssyncadd.s32 $0xFFFFFFFF  }
0xa5: {  	s26 =	simm.s32 $execute0_lowered;
	[smem:$0x3FD2] =	sst s25  }
0xa6: {  	s5 =	sshll.u32 s26, $0x1;
	_ =	strace $0x8000004F;
	[dreg:$0x1] =	wrdreg $0xFFFFFFFF  }
0xa7: {  	s28 =	simm.s32 $_size_execute0_lowered;
	s3 =	sadd.s32 s3, s5;
	[dreg:$0x0] =	wrdreg $0x0  }
0xa8: {  	s5 =	sshll.u32 s28, $0x1;
	[dreg:$0x2] =	wrdreg s3  }
0xa9: {  	[dreg:$0x3] =	wrdreg s5  }
0xaa: {  	[dreg:$0x4] =	wrdreg $0xC0  }
0xab: {  	_ =	task [dreg:s7], $0x5FFFF  }
0xac: {  	[dreg:$0x1] =	wrdreg $0xFFFFFFFF  }
0xad: {  	[dreg:$0x0] =	wrdreg $0x60  }
0xae: {  	[dreg:$0x2] =	wrdreg s2  }
0xaf: {  	[dreg:$0x3] =	wrdreg s24  }
0xb0: {  	[dreg:$0x4] =	wrdreg $0x51400  }
0xb1: {  	[dreg:$0x5] =	wrdreg $0x9  }
0xb2: {  	_ =	task.clear_ibuf [dreg:s7], $0x6FFFF;
	_ =	strace $0x9000004F  }
0xb3: {  	s29 =	simm.s32 $0x9;
	_ =	strace $0x80000051  }
0xb4: {  	_ =	swait.ge [sflag:s29], $0x1  }
0xb5: {  	[sflag:s29] =	ssyncadd.s32 $0xFFFFFFFF  }
0xb6: {  	_ =	strace $0x90000051  }
0xb7: {  	_ =	sfence  }
0xb8: {  	s30 =	sld [smem:$0x0];
	_ =	sdelay $0x2  }
0xb9: {  	s31 =	sshll.u32 s1, $0xD;
	s1 =	sshrl.u32 s1, $0x2  }
0xba: {  	s3 =	sand.u32 $0x4000, s31;
	s1 =	sadd.s32 s1, s30  }
0xbb: {  	s0 =	sor.u32 s3, s0;
	s1 =	sshll.u32 s1, $0x11  }
0xbc: {  	s0 =	sor.u32 s1, s0  }
0xbd: {  	s0 =	sadd.s32 $0x8F2B, s0  }
0xbe: {  	[sflag:s0] =	ssyncadd.remote.s32 $0x1  }
0xbf: {  	_ =	sfence.sel $0xFFFF  }
0xc0: {  	[dreg:$0x0] =	wrdreg $0xFFFFFFFF;
	(pc) =	sbr.abs _section_cstart, $3  }
0xc1: {  	[dreg:$0x1] =	wrdreg $0xFFFFFFFF  }
0xc2: {  	_ =	task.clear_ibuf [dreg:s7], $0x2FFFF;
	_ =	strace $0x9FFFFFFF  }
0xc3: {  	(tm) =	ssettm $0x7FFFFFFF  }
tec
execute0_lowered:
.L_overlay_start_1:
0x0: {  	(tag) =	ssettag $0x1  }
0x1: {  	s1 =	rddreg [dreg:$0x0]  }
0x2: {  	s0 =	rddreg [dreg:$0x1]  }
0x3: {  	s2 =	rddreg [dreg:$0x2]  }
0x4: {  	s4 =	srdreg.scid;
	s3 =	simm.s32 $0x0;
	s13 =	stileid.u32  }
0x5: {  	s15 =	simm.s32 $0x5;
	s16 =	simm.s32 $0xA0;
	s17 =	simm.s32 $0x50  }
0x6: {  	s18 =	simm.s32 $0x2940;
	s19 =	simm.s32 $0x140;
	s20 =	simm.s32 $0x3  }
0x7: {  	s21 =	simm.s32 $0x1;
	s22 =	simm.s32 $0x6;
	s23 =	simm.s32 $0x4  }
0x8: {  	s24 =	simm.s32 $0x2;
	s25 =	simm.s32 $0xF0;
	s26 =	simm.s32 $0x1540  }
0x9: {  	s28 =	simm.s32 $0x0;
	s9 =	sand.u32 $0x1, s4;
	[smem:$0x7FF] =	sst s3  }
0xa: {  	s5 =	sadd.s32 $0x14000, s0;
	s7 =	sadd.s32 $0xA200, s0;
	s4 =	sshll.u32 s9, $0x4  }
0xb: {  	s8 =	sadd.s32 $0x31800, s0;
	s10 =	smul.u32 $0x13880, s9;
	s6 =	sor.u32 s13, s4  }
0xc: {  	p0 =	sne.s32 s13, $0x0;
	_ =	strace $0x80000050;
	s6 =	smul.u32 $0x2710, s6  }
.Ltmp0:
0xd: {  	[dreg:$0x4] =	wrdreg s8;
	s9 =	ssub.s32 $0x2, s9;
	(pc) =	sbr.rel .LBB2_1-.Ltmp0, $4  }
0xe: {  	s4 =	sadd.s32 $0x1DE00, s0;
	s30 =	sshrl.u32 s9, $0x1;
	s0 =	sadd.s32 s10, s0  }
0xf: {  	s14 =	ssub.s32 s9, s30;
	s12 =	sadd.s32 $0x45200, s0;
	s11 =	sshrl.u32 s6, $0x3  }
0x10: {  	s13 =	smax.u32 s14, $0x1;
	s14 =	sshrl.u32 @!p0 s2, $0x3;
	s31 =	sadd.s32 s5, s11  }
0x11: {  	s10 =	sadd.s32 s7, s11;
	s11 =	sadd.s32 $0xA0, s6;
	[dreg:$0x5] =	wrdreg s31  }
.LBB2_9:
0x12: {  	[bflag:$0x0] =	sbarrier.arrive $0xFFFF;
	s0 =	simm.s32 @!p0 $0x1C05;
	s28 =	sadd.s32 $0x1, s28  }
0x13: {  	[hbm:s12], [sflag:s0] =	dma.local @!p0 [spmem:s14], $0x13880  }
0x14: {  	p1 =	sne.s32 s28, s13  }
.Ltmp1:
0x15: {  	_ = 	snop;
	(pc) =	sbr.rel @!p1 .LBB2_10-.Ltmp1, $4  }
0x16: {  	s0 =	simm.s32 @!p0 $0x5  }
0x17: {  	_ =	swait.ge @!p0 [sflag:s0], $0x13880  }
0x18: {  	[sflag:s0] =	ssyncset.done @!p0 $0x0  }
0x19: {  	[sflag:s0] =	ssyncadd.s32 @!p0 $0xFFFEC780  }
.LBB2_1:
0x1a: {  	s0 =	simm.s32 @!p0 $0x1C05;
	s8 =	rddreg [dreg:$0x4]  }
0x1b: {  	[spmem:s14], [sflag:s0] =	dma.local @!p0 [hbm:s8], $0x13880  }
0x1c: {  	s0 =	simm.s32 @!p0 $0x5  }
0x1d: {  	_ =	swait.ge @!p0 [sflag:s0], $0x13880  }
0x1e: {  	[sflag:s0] =	ssyncset.done @!p0 $0x0  }
0x1f: {  	[sflag:s0] =	ssyncadd.s32 @!p0 $0xFFFEC780  }
0x20: {  	[bflag:$0x0] =	sbarrier.arrive $0xFFFF  }
0x21: {  	s31 =	rddreg [dreg:$0x5]  }
0x22: {  	[tilespmem:s3], [sflag:$0x5] =	stream.linear.gather [hbm4b:s31+s3], $0x50, $0x38;
	[tilespmem:$0xED80] =	vst v63  }
0x23: {  	_ =	swait.ge [sflag:s15], $0x50  }
0x24: {  	[sflag:s15] =	ssyncset.done $0x0  }
0x25: {  	[sflag:s15] =	ssyncadd.s32 $0xFFFFFFB0  }
0x26: {  	[tilespmem:s16], [sflag:$0x5] =	stream.linear.gather [hbm4b:s10+s3], $0x50, $0x38;
	[tilespmem:$0xED80] =	vst v63  }
0x27: {  	_ =	swait.ge [sflag:s15], $0x50  }
.Ltmp2:
0x28: {  	[sflag:s15] =	ssyncset.done $0x0;
	(pc) =	sbr.rel .LBB2_2-.Ltmp2, $4  }
0x29: {  	[sflag:s15] =	ssyncadd.s32 $0xFFFFFFB0  }
0x2a: {  	[tilespmem:s18], [sflag:$0x3] =	stream.indirect.gather [hbm4b:s4+s17], $0x40, s3, s17, $0xb8;
	[tilespmem:$0xED80] =	vst v63  }
0x2b: {  	s29 =	simm.s32 $0x0  }
0x2c: {  	[tilespmem:s19], [sflag:$0x1] =	stream.indirect.gather [hbm4b:s1+s17], $0x40, s16, s17, $0xb8;
	[tilespmem:$0xED80] =	vst v63  }
.LBB2_8:
0x2d: {  	s29 =	sadd.s32 $0x1, s29  }
0x2e: {  	p1 =	sne.s32 s29, $0x3F  }
.Ltmp3:
0x2f: {  	_ = 	snop;
	(pc) =	sbr.rel @!p1 .LBB2_9-.Ltmp3, $1  }
0x30: {  	_ =	sdelay $0x3  }
.LBB2_2:
0x31: {  	s0 =	sshllo.u32 s29, $0x1  }
0x32: {  	p1 =	sgt.u32 s0, $0x7C  }
0x33: {  	s0 =	smul.u32 @!p1 $0x50, s0;
	_ =	sdelay $0x1  }
0x34: {  	s0 =	sadd.s32 @!p1 s6, s0  }
0x35: {  	s0 =	sshrl.u32 @!p1 s0, $0x3  }
0x36: {  	s31 =	simm.s32 @!p1 $0x0;
	s8 =	simm.s32 @!p1 $0x50;
	s30 =	sadd.s32 @!p1 s5, s0  }
0x37: {  	[tilespmem:s8], [sflag:$0x6] =	stream.linear.gather @!p1 [hbm4b:s30+s31], $0x50, $0x38;
	[tilespmem:$0xED80] =	vst v63  }
0x38: {  	s30 =	simm.s32 @!p1 $0x6  }
0x39: {  	_ =	swait.ge @!p1 [sflag:s30], $0x50  }
0x3a: {  	[sflag:s30] =	ssyncset.done @!p1 $0x0  }
0x3b: {  	s9 =	simm.s32 @!p1 $0xF0;
	s0 =	sadd.s32 @!p1 s7, s0;
	[sflag:s30] =	ssyncadd.s32 @!p1 $0xFFFFFFB0  }
0x3c: {  	[tilespmem:s9], [sflag:$0x6] =	stream.linear.gather @!p1 [hbm4b:s0+s31], $0x50, $0x38;
	[tilespmem:$0xED80] =	vst v63  }
0x3d: {  	_ =	swait.ge @!p1 [sflag:s30], $0x50  }
0x3e: {  	[sflag:s30] =	ssyncset.done @!p1 $0x0  }
0x3f: {  	s0 =	simm.s32 @!p1 $0x3D40;
	[sflag:s30] =	ssyncadd.s32 @!p1 $0xFFFFFFB0  }
0x40: {  	[tilespmem:s0], [sflag:$0x4] =	stream.indirect.gather @!p1 [hbm4b:s4+s8], $0x40, s8, s8, $0xb8;
	[tilespmem:$0xED80] =	vst v63  }
0x41: {  	s0 =	simm.s32 @!p1 $0x1540  }
0x42: {  	[tilespmem:s0], [sflag:$0x2] =	stream.indirect.gather @!p1 [hbm4b:s1+s8], $0x40, s9, s8, $0xb8;
	[tilespmem:$0xED80] =	vst v63  }
0x43: {  	_ =	swait.ge [sflag:s20], $0x1400  }
0x44: {  	[sflag:s20] =	ssyncset.done $0x0  }
0x45: {  	[sflag:s20] =	ssyncadd.s32 $0xFFFFEC00  }
0x46: {  	_ =	swait.ge [sflag:s21], $0x1400  }
0x47: {  	[sflag:s21] =	ssyncset.done $0x0  }
0x48: {  	s30 =	simm.s32 $0x0;
	[sflag:s21] =	ssyncadd.s32 $0xFFFFEC00  }
0x49: {  	v0 =	vld [tilespmem:s30+$0x2960]  }
0x4a: {  	v1 =	vld [tilespmem:s30+$0x160];
	_ =	sdelay $0x4  }
0x4b: {  	v2 =	vld [tilespmem:s30+$0x2950];
	v0 =	vadd.f32 v0, v1  }
0x4c: {  	v3 =	vld [tilespmem:s30+$0x2970]  }
0x4d: {  	v4 =	vld [tilespmem:s30+$0x170];
	v1 =	vmax.f32 v0, $0.0e+00  }
0x4e: {  	v5 =	vld [tilespmem:s30+$0x150];
	v0 =	vshrl.u32 v1, $0x10  }
0x4f: {  	v6 =	vand.u32 $0x1, v0;
	v0 =	vld [tilespmem:s30+$0x2940]  }
0x50: {  	v6 =	vadd.s32 v6, v1;
	v1 =	vld [tilespmem:s30+$0x140];
	_ =	sdelay $0x2  }
0x51: {  	s31 =	simm.s32 $0x200;
	s0 =	simm.s32 $0x100;
	v3 =	vadd.f32 v3, v4;
	v2 =	vadd.f32 v2, v5;
	v4 =	vadd.s32 $0x7FFF, v6  }
.LBB2_3:
0x52: {  	p2 =	sne.s32 s31, $0x4F00  }
0x53: {  	s8 =	sshra.s32 s0, $0x2;
	v0 =	vadd.f32 v0, v1;
	v1 =	vand.u32 $0xFFFF0000, v4;
	v3 =	vmax.f32 v3, $0.0e+00;
	s0 =	smov.u32 s31;
	s31 =	sadd.s32 $0x100, s31  }
0x54: {  	v4 =	vld [tilespmem:s8+$0x2960];
	v2 =	vmax.f32 v2, $0.0e+00;
	[tilespmem:s30+$0x160] =	vst v1;
	v1 =	vshrl.u32 v3, $0x10  }
0x55: {  	v5 =	vld [tilespmem:s8+$0x160];
	v6 =	vmax.f32 v0, $0.0e+00;
	v0 =	vshrl.u32 v2, $0x10;
	v1 =	vand.u32 $0x1, v1  }
0x56: {  	v7 =	vshrl.u32 v6, $0x10;
	v0 =	vand.u32 $0x1, v0;
	v1 =	vadd.s32 v1, v3  }
0x57: {  	v8 =	vld [tilespmem:s8+$0x2950];
	v3 =	vand.u32 $0x1, v7;
	v2 =	vadd.s32 v0, v2;
	v1 =	vadd.s32 $0x7FFF, v1  }
0x58: {  	v0 =	vld [tilespmem:s8+$0x2940];
	v3 =	vadd.s32 v3, v6;
	v2 =	vadd.s32 $0x7FFF, v2;
	v1 =	vand.u32 $0xFFFF0000, v1  }
0x59: {  	v6 =	vld [tilespmem:s8+$0x2970];
	v3 =	vadd.s32 $0x7FFF, v3;
	v2 =	vand.u32 $0xFFFF0000, v2;
	[tilespmem:s30+$0x170] =	vst v1  }
0x5a: {  	v4 =	vadd.f32 v4, v5;
	v5 =	vld [tilespmem:s8+$0x170];
	v1 =	vand.u32 $0xFFFF0000, v3;
	[tilespmem:s30+$0x150] =	vst v2  }
0x5b: {  	v2 =	vld [tilespmem:s8+$0x150];
	[tilespmem:s30+$0x140] =	vst v1;
	s30 =	smov.u32 s8  }
.Ltmp4:
0x5c: {  	v1 =	vld [tilespmem:s30+$0x140];
	v3 =	vmax.f32 v4, $0.0e+00;
	(pc) =	sbr.rel @p2 .LBB2_3-.Ltmp4, $4  }
0x5d: {  	v4 =	vshrl.u32 v3, $0x10  }
0x5e: {  	v4 =	vand.u32 $0x1, v4  }
0x5f: {  	v4 =	vadd.s32 v4, v3;
	v3 =	vadd.f32 v6, v5  }
0x60: {  	v2 =	vadd.f32 v8, v2;
	v4 =	vadd.s32 $0x7FFF, v4  }
0x61: {  	v3 =	vmax.f32 v3, $0.0e+00;
	v0 =	vadd.f32 v0, v1  }
0x62: {  	s0 =	sshra.s32 s0, $0x2;
	v4 =	vand.u32 $0xFFFF0000, v4;
	v51 =	vshrl.u32 v3, $0x10;
	v52 =	vmax.f32 v2, $0.0e+00  }
0x63: {  	v5 =	vld [tilespmem:s0+$0x2960];
	[tilespmem:s30+$0x160] =	vst v4;
	v4 =	vand.u32 $0x1, v51;
	v6 =	vshrl.u32 v52, $0x10;
	v0 =	vmax.f32 v0, $0.0e+00  }
0x64: {  	v53 =	vld [tilespmem:s0+$0x160];
	v3 =	vadd.s32 v4, v3;
	v6 =	vand.u32 $0x1, v6;
	v8 =	vshrl.u32 v0, $0x10  }
0x65: {  	v54 =	vld [tilespmem:s0+$0x2950];
	v3 =	vadd.s32 $0x7FFF, v3;
	v1 =	vadd.s32 v6, v52;
	v56 =	vand.u32 $0x1, v8  }
0x66: {  	v7 =	vld [tilespmem:s0+$0x2940];
	v3 =	vand.u32 $0xFFFF0000, v3;
	v1 =	vadd.s32 $0x7FFF, v1;
	v0 =	vadd.s32 v56, v0  }
0x67: {  	v55 =	vld [tilespmem:s0+$0x2970];
	[tilespmem:s30+$0x170] =	vst v3;
	v1 =	vand.u32 $0xFFFF0000, v1;
	v0 =	vadd.s32 $0x7FFF, v0  }
0x68: {  	v57 =	vld [tilespmem:s0+$0x170];
	[tilespmem:s30+$0x150] =	vst v1;
	v0 =	vand.u32 $0xFFFF0000, v0  }
0x69: {  	v2 =	vadd.f32 v5, v53;
	v1 =	vld [tilespmem:s0+$0x150];
	[tilespmem:s30+$0x140] =	vst v0  }
0x6a: {  	v0 =	vld [tilespmem:s0+$0x140]  }
0x6b: {  	v2 =	vmax.f32 v2, $0.0e+00  }
0x6c: {  	v58 =	vshrl.u32 v2, $0x10  }
0x6d: {  	v5 =	vand.u32 $0x1, v58;
	v3 =	vadd.f32 v55, v57  }
0x6e: {  	v2 =	vadd.s32 v5, v2;
	v1 =	vadd.f32 v54, v1  }
0x6f: {  	v2 =	vadd.s32 $0x7FFF, v2;
	v0 =	vadd.f32 v7, v0;
	v3 =	vmax.f32 v3, $0.0e+00  }
0x70: {  	v2 =	vand.u32 $0xFFFF0000, v2;
	v1 =	vmax.f32 v1, $0.0e+00;
	v59 =	vshrl.u32 v3, $0x10  }
0x71: {  	v0 =	vmax.f32 v0, $0.0e+00;
	v60 =	vshrl.u32 v1, $0x10;
	v4 =	vand.u32 $0x1, v59  }
0x72: {  	v61 =	vshrl.u32 v0, $0x10;
	v5 =	vand.u32 $0x1, v60;
	v3 =	vadd.s32 v4, v3  }
0x73: {  	v62 =	vand.u32 $0x1, v61;
	v1 =	vadd.s32 v5, v1;
	v3 =	vadd.s32 $0x7FFF, v3  }
0x74: {  	[tilespmem:s0+$0x160] =	vst v2;
	v0 =	vadd.s32 v62, v0;
	v1 =	vadd.s32 $0x7FFF, v1;
	v63 =	vand.u32 $0xFFFF0000, v3  }
0x75: {  	v0 =	vadd.s32 $0x7FFF, v0;
	v1 =	vand.u32 $0xFFFF0000, v1;
	[tilespmem:s0+$0x170] =	vst v63  }
0x76: {  	v0 =	vand.u32 $0xFFFF0000, v0;
	[tilespmem:s0+$0x150] =	vst v1  }
.Ltmp5:
0x77: {  	[tilespmem:s0+$0x140] =	vst v0;
	(pc) =	sbr.rel @p1 .LBB2_8-.Ltmp5, $4  }
0x78: {  	[spmem:s2] =	stream.indirect.scatter.add.f32 [tilespmem:s19], [sflag:$0x6], $0x40, s16, s17, $0xb8;
	[tilespmem:$0xED80] =	vst v63  }
0x79: {  	_ =	swait.ge [sflag:s22], $0x1400  }
0x7a: {  	[sflag:s22] =	ssyncset.done $0x0  }
0x7b: {  	[sflag:s22] =	ssyncadd.s32 $0xFFFFEC00  }
0x7c: {  	s0 =	smul.u32 $0xA0, s29;
	_ =	sdelay $0x1  }
0x7d: {  	s0 =	sadd.s32 s0, s11  }
0x7e: {  	s0 =	sshrl.u32 s0, $0x3  }
0x7f: {  	s9 =	simm.s32 $0x0;
	s8 =	sadd.s32 s5, s0  }
0x80: {  	[tilespmem:s9], [sflag:$0x6] =	stream.linear.gather [hbm4b:s8+s9], $0x50, $0x38;
	[tilespmem:$0xED80] =	vst v63  }
0x81: {  	_ =	swait.ge [sflag:s22], $0x50  }
0x82: {  	[sflag:s22] =	ssyncset.done $0x0  }
0x83: {  	s0 =	sadd.s32 s7, s0;
	[sflag:s22] =	ssyncadd.s32 $0xFFFFFFB0  }
0x84: {  	[tilespmem:s16], [sflag:$0x6] =	stream.linear.gather [hbm4b:s0+s9], $0x50, $0x38;
	[tilespmem:$0xED80] =	vst v63  }
0x85: {  	_ =	swait.ge [sflag:s22], $0x50  }
0x86: {  	[sflag:s22] =	ssyncset.done $0x0  }
0x87: {  	[sflag:s22] =	ssyncadd.s32 $0xFFFFFFB0  }
0x88: {  	[tilespmem:s18], [sflag:$0x3] =	stream.indirect.gather [hbm4b:s4+s17], $0x40, s9, s17, $0xb8;
	[tilespmem:$0xED80] =	vst v63  }
0x89: {  	_ = 	snop  }
0x8a: {  	[tilespmem:s19], [sflag:$0x1] =	stream.indirect.gather [hbm4b:s1+s17], $0x40, s16, s17, $0xb8;
	[tilespmem:$0xED80] =	vst v63  }
0x8b: {  	_ =	swait.ge [sflag:s23], $0x1400  }
0x8c: {  	[sflag:s23] =	ssyncset.done $0x0  }
0x8d: {  	[sflag:s23] =	ssyncadd.s32 $0xFFFFEC00  }
0x8e: {  	_ =	swait.ge [sflag:s24], $0x1400  }
0x8f: {  	[sflag:s24] =	ssyncset.done $0x0  }
0x90: {  	s30 =	simm.s32 $0x0;
	[sflag:s24] =	ssyncadd.s32 $0xFFFFEC00  }
0x91: {  	v0 =	vld [tilespmem:s30+$0x3D60]  }
0x92: {  	v1 =	vld [tilespmem:s30+$0x1560];
	_ =	sdelay $0x4  }
0x93: {  	v2 =	vld [tilespmem:s30+$0x3D50];
	v0 =	vadd.f32 v0, v1  }
0x94: {  	v3 =	vld [tilespmem:s30+$0x3D70]  }
0x95: {  	v4 =	vld [tilespmem:s30+$0x1570];
	v1 =	vmax.f32 v0, $0.0e+00  }
0x96: {  	v5 =	vld [tilespmem:s30+$0x1550];
	v0 =	vshrl.u32 v1, $0x10  }
0x97: {  	v6 =	vand.u32 $0x1, v0;
	v0 =	vld [tilespmem:s30+$0x3D40]  }
0x98: {  	v6 =	vadd.s32 v6, v1;
	v1 =	vld [tilespmem:s30+$0x1540];
	_ =	sdelay $0x2  }
0x99: {  	s31 =	simm.s32 $0x200;
	s0 =	simm.s32 $0x100;
	v3 =	vadd.f32 v3, v4;
	v2 =	vadd.f32 v2, v5;
	v4 =	vadd.s32 $0x7FFF, v6  }
.LBB2_6:
0x9a: {  	p1 =	sne.s32 s31, $0x4F00  }
0x9b: {  	s8 =	sshra.s32 s0, $0x2;
	v0 =	vadd.f32 v0, v1;
	v1 =	vand.u32 $0xFFFF0000, v4;
	v3 =	vmax.f32 v3, $0.0e+00;
	s0 =	smov.u32 s31;
	s31 =	sadd.s32 $0x100, s31  }
0x9c: {  	v4 =	vld [tilespmem:s8+$0x3D60];
	v2 =	vmax.f32 v2, $0.0e+00;
	[tilespmem:s30+$0x1560] =	vst v1;
	v1 =	vshrl.u32 v3, $0x10  }
0x9d: {  	v5 =	vld [tilespmem:s8+$0x1560];
	v6 =	vmax.f32 v0, $0.0e+00;
	v0 =	vshrl.u32 v2, $0x10;
	v1 =	vand.u32 $0x1, v1  }
0x9e: {  	v7 =	vshrl.u32 v6, $0x10;
	v0 =	vand.u32 $0x1, v0;
	v1 =	vadd.s32 v1, v3  }
0x9f: {  	v8 =	vld [tilespmem:s8+$0x3D50];
	v3 =	vand.u32 $0x1, v7;
	v2 =	vadd.s32 v0, v2;
	v1 =	vadd.s32 $0x7FFF, v1  }
0xa0: {  	v0 =	vld [tilespmem:s8+$0x3D40];
	v3 =	vadd.s32 v3, v6;
	v2 =	vadd.s32 $0x7FFF, v2;
	v1 =	vand.u32 $0xFFFF0000, v1  }
0xa1: {  	v6 =	vld [tilespmem:s8+$0x3D70];
	v3 =	vadd.s32 $0x7FFF, v3;
	v2 =	vand.u32 $0xFFFF0000, v2;
	[tilespmem:s30+$0x1570] =	vst v1  }
0xa2: {  	v4 =	vadd.f32 v4, v5;
	v5 =	vld [tilespmem:s8+$0x1570];
	v1 =	vand.u32 $0xFFFF0000, v3;
	[tilespmem:s30+$0x1550] =	vst v2  }
0xa3: {  	v2 =	vld [tilespmem:s8+$0x1550];
	[tilespmem:s30+$0x1540] =	vst v1;
	s30 =	smov.u32 s8  }
.Ltmp6:
0xa4: {  	v1 =	vld [tilespmem:s30+$0x1540];
	v3 =	vmax.f32 v4, $0.0e+00;
	(pc) =	sbr.rel @p1 .LBB2_6-.Ltmp6, $4  }
0xa5: {  	v4 =	vshrl.u32 v3, $0x10  }
0xa6: {  	v4 =	vand.u32 $0x1, v4  }
0xa7: {  	v4 =	vadd.s32 v4, v3;
	v3 =	vadd.f32 v6, v5  }
0xa8: {  	v2 =	vadd.f32 v8, v2;
	v4 =	vadd.s32 $0x7FFF, v4  }
0xa9: {  	v3 =	vmax.f32 v3, $0.0e+00;
	v0 =	vadd.f32 v0, v1  }
0xaa: {  	s0 =	sshra.s32 s0, $0x2;
	v4 =	vand.u32 $0xFFFF0000, v4;
	v51 =	vshrl.u32 v3, $0x10;
	v52 =	vmax.f32 v2, $0.0e+00  }
0xab: {  	v5 =	vld [tilespmem:s0+$0x3D60];
	[tilespmem:s30+$0x1560] =	vst v4;
	v4 =	vand.u32 $0x1, v51;
	v6 =	vshrl.u32 v52, $0x10;
	v0 =	vmax.f32 v0, $0.0e+00  }
0xac: {  	v53 =	vld [tilespmem:s0+$0x1560];
	v3 =	vadd.s32 v4, v3;
	v6 =	vand.u32 $0x1, v6;
	v8 =	vshrl.u32 v0, $0x10  }
0xad: {  	v54 =	vld [tilespmem:s0+$0x3D50];
	v3 =	vadd.s32 $0x7FFF, v3;
	v1 =	vadd.s32 v6, v52;
	v56 =	vand.u32 $0x1, v8  }
0xae: {  	v7 =	vld [tilespmem:s0+$0x3D40];
	v3 =	vand.u32 $0xFFFF0000, v3;
	v1 =	vadd.s32 $0x7FFF, v1;
	v0 =	vadd.s32 v56, v0  }
0xaf: {  	v55 =	vld [tilespmem:s0+$0x3D70];
	[tilespmem:s30+$0x1570] =	vst v3;
	v1 =	vand.u32 $0xFFFF0000, v1;
	v0 =	vadd.s32 $0x7FFF, v0  }
0xb0: {  	v57 =	vld [tilespmem:s0+$0x1570];
	[tilespmem:s30+$0x1550] =	vst v1;
	v0 =	vand.u32 $0xFFFF0000, v0  }
0xb1: {  	v2 =	vadd.f32 v5, v53;
	v1 =	vld [tilespmem:s0+$0x1550];
	[tilespmem:s30+$0x1540] =	vst v0  }
0xb2: {  	v0 =	vld [tilespmem:s0+$0x1540]  }
0xb3: {  	v2 =	vmax.f32 v2, $0.0e+00  }
0xb4: {  	v58 =	vshrl.u32 v2, $0x10  }
0xb5: {  	v5 =	vand.u32 $0x1, v58;
	v3 =	vadd.f32 v55, v57  }
0xb6: {  	v2 =	vadd.s32 v5, v2;
	v1 =	vadd.f32 v54, v1  }
0xb7: {  	v2 =	vadd.s32 $0x7FFF, v2;
	v0 =	vadd.f32 v7, v0;
	v3 =	vmax.f32 v3, $0.0e+00  }
0xb8: {  	v2 =	vand.u32 $0xFFFF0000, v2;
	v1 =	vmax.f32 v1, $0.0e+00;
	v59 =	vshrl.u32 v3, $0x10  }
0xb9: {  	v0 =	vmax.f32 v0, $0.0e+00;
	v60 =	vshrl.u32 v1, $0x10;
	v4 =	vand.u32 $0x1, v59  }
0xba: {  	v61 =	vshrl.u32 v0, $0x10;
	v5 =	vand.u32 $0x1, v60;
	v3 =	vadd.s32 v4, v3  }
0xbb: {  	v62 =	vand.u32 $0x1, v61;
	v1 =	vadd.s32 v5, v1;
	v3 =	vadd.s32 $0x7FFF, v3  }
0xbc: {  	[tilespmem:s0+$0x1560] =	vst v2;
	v0 =	vadd.s32 v62, v0;
	v1 =	vadd.s32 $0x7FFF, v1;
	v63 =	vand.u32 $0xFFFF0000, v3  }
0xbd: {  	v0 =	vadd.s32 $0x7FFF, v0;
	v1 =	vand.u32 $0xFFFF0000, v1;
	[tilespmem:s0+$0x1570] =	vst v63  }
0xbe: {  	v0 =	vand.u32 $0xFFFF0000, v0;
	[tilespmem:s0+$0x1550] =	vst v1  }
.Ltmp7:
0xbf: {  	[tilespmem:s0+$0x1540] =	vst v0;
	(pc) =	sbr.rel .LBB2_8-.Ltmp7, $4  }
0xc0: {  	[spmem:s2] =	stream.indirect.scatter.add.f32 [tilespmem:s26], [sflag:$0x5], $0x40, s25, s17, $0xb8;
	[tilespmem:$0xED80] =	vst v63  }
0xc1: {  	_ =	swait.ge [sflag:s15], $0x1400  }
0xc2: {  	[sflag:s15] =	ssyncset.done $0x0  }
0xc3: {  	[sflag:s15] =	ssyncadd.s32 $0xFFFFEC00  }
.LBB2_10:
0xc4: {  	_ =	sfence.sel $0x180000  }
0xc5: {  	[bflag:$0x0] =	sbarrier.arrive $0xFFFF  }
0xc6: {  	_ =	strace $0x90000050  }
0xc7: {  	[bflag:$0x2] =	sbarrier.arrive $0xFFFF  }
0xc8: {  	s0 =	rddreg [dreg:$0x3]  }
0xc9: {  	s0 =	sadd.s32 @!p0 $0x100000, s0  }
0xca: {  	[sflag:s0] =	ssyncadd.tile.s32 @!p0 $0x1;
	_ =	shalt  }
.Lfunc_end2:
_tile_overlayer_lowered:
.L_overlay_start_2:
0xcb: {  	(tag) =	ssettag $0x2  }
0xcc: {  	s0 =	rddreg [dreg:$0x0];
	s2 =	stileid.u32  }
0xcd: {  	s1 =	rddreg [dreg:$0x1];
	p0 =	sne.s32 s2, $0x0  }
0xce: {  	s3 =	rddreg [dreg:$0x2];
	[bflag:$0x3] =	sbarrier.arrive $0xFFFF;
	s2 =	simm.s32 @!p0 $0x1C05  }
0xcf: {  	[timem:s3], [sflag:s2] =	dma.local @!p0 [hbm:s0], s1  }
0xd0: {  	s0 =	simm.s32 @!p0 $0x5  }
0xd1: {  	_ =	swait.ge @!p0 [sflag:s0], s1  }
0xd2: {  	s1 =	ssub.s32 @!p0 $0x0, s1;
	[sflag:s0] =	ssyncset.done @!p0 $0x0  }
0xd3: {  	[sflag:s0] =	ssyncadd.s32 @!p0 s1  }
0xd4: {  	[bflag:$0x3] =	sbarrier.arrive $0xFFFF  }
0xd5: {  	_ =	shalt  }

// kernel: kernel.26.cloned.1.call-start
scs
__scs_entry_jumppad:
0x0: {  	(pc) =	sbr.rel $0x88, $3  }
0x1: {  	(tag) =	ssettag $0x0;
	lr =	simm.s32 $0x1  }
0x2: {  	[smem:$0x3F61] =	sst lr;
	_ =	strace $0xD0000000  }
0x3: {  	_ = 	snop  }
0x4: {  	_ = 	snop  }
0x5: {  	_ = 	snop  }
0x6: {  	_ = 	snop  }
0x7: {  	_ = 	snop  }
__scs_overlays_trampoline_lowered:
0x8: {  	[smem:$0x3F70] =	sst s0  }
0x9: {  	[smem:$0x3F71] =	sst s1  }
0xa: {  	[smem:$0x3F72] =	sst s2  }
0xb: {  	[smem:$0x3F73] =	sst s3  }
0xc: {  	[smem:$0x3F74] =	sst s4  }
0xd: {  	[smem:$0x3F75] =	sst s5  }
0xe: {  	[smem:$0x3F76] =	sst s6  }
0xf: {  	[smem:$0x3F77] =	sst s7  }
0x10: {  	[smem:$0x3F78] =	sst s8  }
0x11: {  	[smem:$0x3F79] =	sst s9;
	s0 =	simm.s32 @!p0 $0x0  }
0x12: {  	s1 =	sld [smem:$0x3F5F];
	s0 =	simm.s32 @p0 $0x1  }
0x13: {  	[smem:$0x3F7A] =	sst s0;
	s0 =	simm.s32 @!p1 $0x0  }
0x14: {  	s2 =	sld [smem:$0x3F5E];
	s0 =	simm.s32 @p1 $0x1  }
0x15: {  	[smem:$0x3F7B] =	sst s0;
	s0 =	simm.s32 @!p2 $0x0  }
0x16: {  	s3 =	sld [smem:$0x3FDB];
	s0 =	simm.s32 @p2 $0x1  }
0x17: {  	s4 =	simm.s32 $0x1BF5;
	[smem:$0x3F7D] =	sst s0  }
0x18: {  	s0 =	sld [smem:$0x3F60];
	_ =	swait.ge [sflag:s4], $0x0  }
0x19: {  	s7 =	sld [smem:$0x3F61]  }
0x1a: {  	s8 =	sadd.s32 $0xFFFFE003, lr  }
0x1b: {  	s9 =	sadd.s32 $0xFFFFFEF7, lr;
	s5 =	simm.s32 $0xFFFFFFFF;
	p2 =	slt.u32 s8, $0xFFFFF086  }
0x1c: {  	p1 =	slt.u32 s9, $0xF7A;
	s5 =	simm.s32 @!p2 $0x0  }
0x1d: {  	s5 =	simm.s32 @p1 $0x1;
	p0 =	seq.s32 s7, s2  }
0x1e: {  	s7 =	smul.u32 @!p0 $0xF7A, s2;
	p2 =	seq.s32 @!p0 s5, $0x0  }
0x1f: {  	s9 =	smul.u32 $0xF7A, s1;
	s8 =	simm.s32 @!p0 $0x1BF5;
	p2 =	por !p2, p0  }
0x20: {  	[sflag:s8] =	ssyncset.s32 @!p0 $0xFFFFF086;
	s6 =	sadd.s32 @!p0 s3, s7;
	s7 =	simm.s32 @!p0 $0x108  }
0x21: {  	s3 =	sadd.s32 s3, s9;
	s6 =	sadd.s32 @!p0 $0x88, s6;
	s7 =	simm.s32 @p2 $0x1082  }
0x22: {  	[simem:s7], [sflag:s8] =	dma.local @!p0 [hbm:s6], $0xF7A  }
0x23: {  	s9 =	sor.u32 $0xD0000000, s2;
	s6 =	simm.s32 $0x108;
	_ =	swait.ge @!p0 [sflag:s8], $0x0  }
0x24: {  	s3 =	sadd.s32 $0x88, s3;
	s6 =	simm.s32 @!p1 $0x1082;
	[sflag:s4] =	ssyncset.s32 $0xFFFFF086  }
0x25: {  	[simem:s6], [sflag:s4] =	dma.local [hbm:s3], $0xF7A  }
0x26: {  	[smem:$0x3F61] =	sst s1;
	(tag) =	ssettag s2;
	_ =	strace s9  }
0x27: {  	s1 =	sld [smem:$0x3F71]  }
0x28: {  	s2 =	sld [smem:$0x3F72]  }
0x29: {  	s4 =	sld [smem:$0x3F74]  }
0x2a: {  	p0 =	seq.s32 s5, $0x0;
	s5 =	sld [smem:$0x3F75]  }
0x2b: {  	s6 =	sld [smem:$0x3F76]  }
0x2c: {  	s7 =	sld [smem:$0x3F77]  }
0x2d: {  	s3 =	simm.s32 $0x108;
	s8 =	sld [smem:$0x3F78]  }
0x2e: {  	s3 =	simm.s32 @!p0 $0x1082;
	s9 =	sld [smem:$0x3F79]  }
0x2f: {  	lr =	sadd.s32 s0, s3;
	s0 =	sld [smem:$0x3F70]  }
0x30: {  	s3 =	sld [smem:$0x3F73]  }
0x31: {  	[smem:$0x3F7C] =	sst s10  }
0x32: {  	s10 =	sld [smem:$0x3F7A];
	_ =	sdelay $0x3  }
0x33: {  	p0 =	seq.s32 s10, $0x1;
	s10 =	sld [smem:$0x3F7C];
	_ =	sdelay $0x3  }
0x34: {  	[smem:$0x3F7C] =	sst s10  }
0x35: {  	s10 =	sld [smem:$0x3F7B];
	_ =	sdelay $0x3  }
0x36: {  	p1 =	seq.s32 s10, $0x1;
	s10 =	sld [smem:$0x3F7C];
	_ =	sdelay $0x3  }
0x37: {  	[smem:$0x3F7C] =	sst s10  }
0x38: {  	s10 =	sld [smem:$0x3F7D]  }
0x39: {  	_ = 	snop;
	(pc) =	sbr.ind lr, $3  }
0x3a: {  	_ = 	snop  }
0x3b: {  	_ = 	snop  }
0x3c: {  	p2 =	seq.s32 s10, $0x1;
	s10 =	sld [smem:$0x3F7C]  }
0x3d: {  	_ =	shalt  }
0x3e: {  	_ =	shalt  }
0x3f: {  	_ =	shalt  }
0x40: {  	_ =	shalt  }
0x41: {  	_ =	shalt  }
0x42: {  	_ =	shalt  }
0x43: {  	_ =	shalt  }
0x44: {  	_ =	shalt  }
0x45: {  	_ =	shalt  }
0x46: {  	_ =	shalt  }
0x47: {  	_ =	shalt  }
0x48: {  	_ =	shalt  }
0x49: {  	_ =	shalt  }
0x4a: {  	_ =	shalt  }
0x4b: {  	_ =	shalt  }
0x4c: {  	_ =	shalt  }
0x4d: {  	_ =	shalt  }
0x4e: {  	_ =	shalt  }
0x4f: {  	_ =	shalt  }
0x50: {  	_ =	shalt  }
0x51: {  	_ =	shalt  }
0x52: {  	_ =	shalt  }
0x53: {  	_ =	shalt  }
0x54: {  	_ =	shalt  }
0x55: {  	_ =	shalt  }
0x56: {  	_ =	shalt  }
0x57: {  	_ =	shalt  }
0x58: {  	_ =	shalt  }
0x59: {  	_ =	shalt  }
0x5a: {  	_ =	shalt  }
0x5b: {  	_ =	shalt  }
0x5c: {  	_ =	shalt  }
0x5d: {  	_ =	shalt  }
0x5e: {  	_ =	shalt  }
0x5f: {  	_ =	shalt  }
0x60: {  	_ =	shalt  }
0x61: {  	_ =	shalt  }
0x62: {  	_ =	shalt  }
0x63: {  	_ =	shalt  }
0x64: {  	_ =	shalt  }
0x65: {  	_ =	shalt  }
0x66: {  	_ =	shalt  }
0x67: {  	_ =	shalt  }
0x68: {  	_ =	shalt  }
0x69: {  	_ =	shalt  }
0x6a: {  	_ =	shalt  }
0x6b: {  	_ =	shalt  }
0x6c: {  	_ =	shalt  }
0x6d: {  	_ =	shalt  }
0x6e: {  	_ =	shalt  }
0x6f: {  	_ =	shalt  }
0x70: {  	_ =	shalt  }
0x71: {  	_ =	shalt  }
0x72: {  	_ =	shalt  }
0x73: {  	_ =	shalt  }
0x74: {  	_ =	shalt  }
0x75: {  	_ =	shalt  }
0x76: {  	_ =	shalt  }
0x77: {  	_ =	shalt  }
0x78: {  	_ =	shalt  }
0x79: {  	_ =	shalt  }
0x7a: {  	_ =	shalt  }
0x7b: {  	_ =	shalt  }
0x7c: {  	_ =	shalt  }
0x7d: {  	_ =	shalt  }
0x7e: {  	_ =	shalt  }
0x7f: {  	_ =	shalt  }
0x80: {  	_ =	shalt  }
0x81: {  	_ =	shalt  }
0x82: {  	_ =	shalt  }
0x83: {  	_ =	shalt  }
0x84: {  	_ =	shalt  }
0x85: {  	_ =	shalt  }
0x86: {  	_ =	shalt  }
0x87: {  	_ =	shalt  }
.Lfunc_end0:
.L_simem_size_0:
called_computation.4_lowered:
.L_overlay_start_0:
0x88: {  	s2 =	sld [smem:$0x3FD9]  }
0x89: {  	s3 =	sld [smem:$0x3FFE];
	_ =	sdelay $0x1  }
0x8a: {  	s1 =	srdreg.scid  }
0x8b: {  	s0 =	sand.u32 $0x1, s1  }
0x8c: {  	s17 =	sshll.u32 s0, $0xA;
	s2 =	sadd.s32 s3, s2  }
0x8d: {  	s2 =	sadd.s32 s2, s17  }
0x8e: {  	[smem:$0x3F88] =	sst s2  }
0x8f: {  	_ = 	snop  }
0x90: {  	s2 =	sld [smem:$0x3FD0];
	(tm) =	ssettm $0x1  }
0x91: {  	s18 =	sld [smem:$0x3FFB];
	_ =	sdelay $0x3  }
0x92: {  	_ =	strace s18  }
0x93: {  	s3 =	sld [smem:$0x3FFC];
	_ =	sdelay $0x3  }
0x94: {  	_ =	strace s3  }
0x95: {  	s3 =	sld [smem:$0x3FFD];
	_ =	sdelay $0x3  }
0x96: {  	_ =	strace s3  }
0x97: {  	_ =	strace $0x8FFFFFFF  }
0x98: {  	s19 =	sld [smem:$0x3FDB];
	_ =	sdelay $0x1  }
0x99: {  	s4 =	simm.s32 $_scs_section_size  }
0x9a: {  	s5 =	simm.s32 $_size__tile_overlayer_lowered;
	s6 =	simm.s32 $_tile_overlayer_lowered  }
0x9b: {  	s22 =	simm.s32 $0x1BFF;
	s21 =	sshll.u32 s6, $0x1;
	s3 =	sadd.s32 s4, s19  }
0x9c: {  	s7 =	simm.s32 $0x0;
	s20 =	sshll.u32 s5, $0x1;
	s5 =	sadd.s32 s21, s3  }
0x9d: {  	[timem:s7], [sflag:s22] =	dma.local [hbm:s5], s20  }
0x9e: {  	_ =	swait.ge [sflag:s22], s20  }
0x9f: {  	s4 =	ssub.s32 $0x0, s20;
	[sflag:s22] =	ssyncset.done $0x0  }
0xa0: {  	[sflag:s22] =	ssyncadd.s32 s4;
	_ =	sdelay $0x1  }
0xa1: {  	s23 =	simm.s32 $0x1B8B  }
0xa2: {  	_ =	swait.ge [sflag:s23], $0x1  }
0xa3: {  	[sflag:s23] =	ssyncset.done $0x0  }
0xa4: {  	s25 =	simm.s32 $0x1B8E;
	s24 =	sld [smem:$0x3FFE];
	[sflag:s23] =	ssyncadd.s32 $0xFFFFFFFF  }
0xa5: {  	s26 =	simm.s32 $execute0_lowered;
	[smem:$0x3FD2] =	sst s25  }
0xa6: {  	s5 =	sshll.u32 s26, $0x1;
	_ =	strace $0x80000052;
	[dreg:$0x1] =	wrdreg $0xFFFFFFFF  }
0xa7: {  	s28 =	simm.s32 $_size_execute0_lowered;
	s3 =	sadd.s32 s3, s5;
	[dreg:$0x0] =	wrdreg $0x0  }
0xa8: {  	s5 =	sshll.u32 s28, $0x1;
	[dreg:$0x2] =	wrdreg s3  }
0xa9: {  	[dreg:$0x3] =	wrdreg s5  }
0xaa: {  	[dreg:$0x4] =	wrdreg $0xC0  }
0xab: {  	_ =	task [dreg:s7], $0x5FFFF  }
0xac: {  	[dreg:$0x1] =	wrdreg $0xFFFFFFFF  }
0xad: {  	[dreg:$0x0] =	wrdreg $0x60  }
0xae: {  	[dreg:$0x2] =	wrdreg s2  }
0xaf: {  	[dreg:$0x3] =	wrdreg s24  }
0xb0: {  	[dreg:$0x4] =	wrdreg $0x51400  }
0xb1: {  	[dreg:$0x5] =	wrdreg $0x9  }
0xb2: {  	_ =	task.clear_ibuf [dreg:s7], $0x6FFFF;
	_ =	strace $0x90000052  }
0xb3: {  	s29 =	simm.s32 $0x9;
	_ =	strace $0x80000054  }
0xb4: {  	_ =	swait.ge [sflag:s29], $0x1  }
0xb5: {  	[sflag:s29] =	ssyncadd.s32 $0xFFFFFFFF  }
0xb6: {  	_ =	strace $0x90000054  }
0xb7: {  	_ =	sfence  }
0xb8: {  	s30 =	sld [smem:$0x0];
	_ =	sdelay $0x2  }
0xb9: {  	s31 =	sshll.u32 s1, $0xD;
	s1 =	sshrl.u32 s1, $0x2  }
0xba: {  	s3 =	sand.u32 $0x4000, s31;
	s1 =	sadd.s32 s1, s30  }
0xbb: {  	s0 =	sor.u32 s3, s0;
	s1 =	sshll.u32 s1, $0x11  }
0xbc: {  	s0 =	sor.u32 s1, s0  }
0xbd: {  	s0 =	sadd.s32 $0x8F2B, s0  }
0xbe: {  	[sflag:s0] =	ssyncadd.remote.s32 $0x1  }
0xbf: {  	_ =	sfence.sel $0xFFFF  }
0xc0: {  	[dreg:$0x0] =	wrdreg $0xFFFFFFFF;
	(pc) =	sbr.abs _section_cstart, $3  }
0xc1: {  	[dreg:$0x1] =	wrdreg $0xFFFFFFFF  }
0xc2: {  	_ =	task.clear_ibuf [dreg:s7], $0x2FFFF;
	_ =	strace $0x9FFFFFFF  }
0xc3: {  	(tm) =	ssettm $0x7FFFFFFF  }
tec
execute0_lowered:
.L_overlay_start_1:
0x0: {  	(tag) =	ssettag $0x1  }
0x1: {  	s1 =	rddreg [dreg:$0x0]  }
0x2: {  	s0 =	rddreg [dreg:$0x1]  }
0x3: {  	s2 =	rddreg [dreg:$0x2]  }
0x4: {  	s4 =	srdreg.scid;
	s3 =	simm.s32 $0x0;
	s13 =	stileid.u32  }
0x5: {  	s15 =	simm.s32 $0x5;
	s16 =	simm.s32 $0xA0;
	s17 =	simm.s32 $0x50  }
0x6: {  	s18 =	simm.s32 $0x2940;
	s19 =	simm.s32 $0x140;
	s20 =	simm.s32 $0x3  }
0x7: {  	s21 =	simm.s32 $0x1;
	s22 =	simm.s32 $0x6;
	s23 =	simm.s32 $0x4  }
0x8: {  	s24 =	simm.s32 $0x2;
	s25 =	simm.s32 $0xF0;
	s26 =	simm.s32 $0x1540  }
0x9: {  	s28 =	simm.s32 $0x0;
	s9 =	sand.u32 $0x1, s4;
	[smem:$0x7FF] =	sst s3  }
0xa: {  	s5 =	sadd.s32 $0x14000, s0;
	s7 =	sadd.s32 $0xA200, s0;
	s4 =	sshll.u32 s9, $0x4  }
0xb: {  	s8 =	sadd.s32 $0x31800, s0;
	s10 =	smul.u32 $0x13880, s9;
	s6 =	sor.u32 s13, s4  }
0xc: {  	p0 =	sne.s32 s13, $0x0;
	_ =	strace $0x80000053;
	s6 =	smul.u32 $0x2710, s6  }
.Ltmp0:
0xd: {  	[dreg:$0x4] =	wrdreg s8;
	s9 =	ssub.s32 $0x2, s9;
	(pc) =	sbr.rel .LBB2_1-.Ltmp0, $4  }
0xe: {  	s4 =	sadd.s32 $0x1DE00, s0;
	s30 =	sshrl.u32 s9, $0x1;
	s0 =	sadd.s32 s10, s0  }
0xf: {  	s14 =	ssub.s32 s9, s30;
	s12 =	sadd.s32 $0x45200, s0;
	s11 =	sshrl.u32 s6, $0x3  }
0x10: {  	s13 =	smax.u32 s14, $0x1;
	s14 =	sshrl.u32 @!p0 s2, $0x3;
	s31 =	sadd.s32 s5, s11  }
0x11: {  	s10 =	sadd.s32 s7, s11;
	s11 =	sadd.s32 $0xA0, s6;
	[dreg:$0x5] =	wrdreg s31  }
.LBB2_9:
0x12: {  	[bflag:$0x0] =	sbarrier.arrive $0xFFFF;
	s0 =	simm.s32 @!p0 $0x1C05;
	s28 =	sadd.s32 $0x1, s28  }
0x13: {  	[hbm:s12], [sflag:s0] =	dma.local @!p0 [spmem:s14], $0x13880  }
0x14: {  	p1 =	sne.s32 s28, s13  }
.Ltmp1:
0x15: {  	_ = 	snop;
	(pc) =	sbr.rel @!p1 .LBB2_10-.Ltmp1, $4  }
0x16: {  	s0 =	simm.s32 @!p0 $0x5  }
0x17: {  	_ =	swait.ge @!p0 [sflag:s0], $0x13880  }
0x18: {  	[sflag:s0] =	ssyncset.done @!p0 $0x0  }
0x19: {  	[sflag:s0] =	ssyncadd.s32 @!p0 $0xFFFEC780  }
.LBB2_1:
0x1a: {  	s0 =	simm.s32 @!p0 $0x1C05;
	s8 =	rddreg [dreg:$0x4]  }
0x1b: {  	[spmem:s14], [sflag:s0] =	dma.local @!p0 [hbm:s8], $0x13880  }
0x1c: {  	s0 =	simm.s32 @!p0 $0x5  }
0x1d: {  	_ =	swait.ge @!p0 [sflag:s0], $0x13880  }
0x1e: {  	[sflag:s0] =	ssyncset.done @!p0 $0x0  }
0x1f: {  	[sflag:s0] =	ssyncadd.s32 @!p0 $0xFFFEC780  }
0x20: {  	[bflag:$0x0] =	sbarrier.arrive $0xFFFF  }
0x21: {  	s31 =	rddreg [dreg:$0x5]  }
0x22: {  	[tilespmem:s3], [sflag:$0x5] =	stream.linear.gather [hbm4b:s31+s3], $0x50, $0x38;
	[tilespmem:$0xED80] =	vst v63  }
0x23: {  	_ =	swait.ge [sflag:s15], $0x50  }
0x24: {  	[sflag:s15] =	ssyncset.done $0x0  }
0x25: {  	[sflag:s15] =	ssyncadd.s32 $0xFFFFFFB0  }
0x26: {  	[tilespmem:s16], [sflag:$0x5] =	stream.linear.gather [hbm4b:s10+s3], $0x50, $0x38;
	[tilespmem:$0xED80] =	vst v63  }
0x27: {  	_ =	swait.ge [sflag:s15], $0x50  }
.Ltmp2:
0x28: {  	[sflag:s15] =	ssyncset.done $0x0;
	(pc) =	sbr.rel .LBB2_2-.Ltmp2, $4  }
0x29: {  	[sflag:s15] =	ssyncadd.s32 $0xFFFFFFB0  }
0x2a: {  	[tilespmem:s18], [sflag:$0x3] =	stream.indirect.gather [hbm4b:s4+s17], $0x40, s3, s17, $0xb8;
	[tilespmem:$0xED80] =	vst v63  }
0x2b: {  	s29 =	simm.s32 $0x0  }
0x2c: {  	[tilespmem:s19], [sflag:$0x1] =	stream.indirect.gather [hbm4b:s1+s17], $0x40, s16, s17, $0xb8;
	[tilespmem:$0xED80] =	vst v63  }
.LBB2_8:
0x2d: {  	s29 =	sadd.s32 $0x1, s29  }
0x2e: {  	p1 =	sne.s32 s29, $0x3F  }
.Ltmp3:
0x2f: {  	_ = 	snop;
	(pc) =	sbr.rel @!p1 .LBB2_9-.Ltmp3, $1  }
0x30: {  	_ =	sdelay $0x3  }
.LBB2_2:
0x31: {  	s0 =	sshllo.u32 s29, $0x1  }
0x32: {  	p1 =	sgt.u32 s0, $0x7C  }
0x33: {  	s0 =	smul.u32 @!p1 $0x50, s0;
	_ =	sdelay $0x1  }
0x34: {  	s0 =	sadd.s32 @!p1 s6, s0  }
0x35: {  	s0 =	sshrl.u32 @!p1 s0, $0x3  }
0x36: {  	s31 =	simm.s32 @!p1 $0x0;
	s8 =	simm.s32 @!p1 $0x50;
	s30 =	sadd.s32 @!p1 s5, s0  }
0x37: {  	[tilespmem:s8], [sflag:$0x6] =	stream.linear.gather @!p1 [hbm4b:s30+s31], $0x50, $0x38;
	[tilespmem:$0xED80] =	vst v63  }
0x38: {  	s30 =	simm.s32 @!p1 $0x6  }
0x39: {  	_ =	swait.ge @!p1 [sflag:s30], $0x50  }
0x3a: {  	[sflag:s30] =	ssyncset.done @!p1 $0x0  }
0x3b: {  	s9 =	simm.s32 @!p1 $0xF0;
	s0 =	sadd.s32 @!p1 s7, s0;
	[sflag:s30] =	ssyncadd.s32 @!p1 $0xFFFFFFB0  }
0x3c: {  	[tilespmem:s9], [sflag:$0x6] =	stream.linear.gather @!p1 [hbm4b:s0+s31], $0x50, $0x38;
	[tilespmem:$0xED80] =	vst v63  }
0x3d: {  	_ =	swait.ge @!p1 [sflag:s30], $0x50  }
0x3e: {  	[sflag:s30] =	ssyncset.done @!p1 $0x0  }
0x3f: {  	s0 =	simm.s32 @!p1 $0x3D40;
	[sflag:s30] =	ssyncadd.s32 @!p1 $0xFFFFFFB0  }
0x40: {  	[tilespmem:s0], [sflag:$0x4] =	stream.indirect.gather @!p1 [hbm4b:s4+s8], $0x40, s8, s8, $0xb8;
	[tilespmem:$0xED80] =	vst v63  }
0x41: {  	s0 =	simm.s32 @!p1 $0x1540  }
0x42: {  	[tilespmem:s0], [sflag:$0x2] =	stream.indirect.gather @!p1 [hbm4b:s1+s8], $0x40, s9, s8, $0xb8;
	[tilespmem:$0xED80] =	vst v63  }
0x43: {  	_ =	swait.ge [sflag:s20], $0x1400  }
0x44: {  	[sflag:s20] =	ssyncset.done $0x0  }
0x45: {  	[sflag:s20] =	ssyncadd.s32 $0xFFFFEC00  }
0x46: {  	_ =	swait.ge [sflag:s21], $0x1400  }
0x47: {  	[sflag:s21] =	ssyncset.done $0x0  }
0x48: {  	s30 =	simm.s32 $0x0;
	[sflag:s21] =	ssyncadd.s32 $0xFFFFEC00  }
0x49: {  	v0 =	vld [tilespmem:s30+$0x2960]  }
0x4a: {  	v1 =	vld [tilespmem:s30+$0x160];
	_ =	sdelay $0x4  }
0x4b: {  	v2 =	vld [tilespmem:s30+$0x2950];
	v0 =	vadd.f32 v0, v1  }
0x4c: {  	v3 =	vld [tilespmem:s30+$0x2970]  }
0x4d: {  	v4 =	vld [tilespmem:s30+$0x170];
	v1 =	vmax.f32 v0, $0.0e+00  }
0x4e: {  	v5 =	vld [tilespmem:s30+$0x150];
	v0 =	vshrl.u32 v1, $0x10  }
0x4f: {  	v6 =	vand.u32 $0x1, v0;
	v0 =	vld [tilespmem:s30+$0x2940]  }
0x50: {  	v6 =	vadd.s32 v6, v1;
	v1 =	vld [tilespmem:s30+$0x140];
	_ =	sdelay $0x2  }
0x51: {  	s31 =	simm.s32 $0x200;
	s0 =	simm.s32 $0x100;
	v3 =	vadd.f32 v3, v4;
	v2 =	vadd.f32 v2, v5;
	v4 =	vadd.s32 $0x7FFF, v6  }
.LBB2_3:
0x52: {  	p2 =	sne.s32 s31, $0x4F00  }
0x53: {  	s8 =	sshra.s32 s0, $0x2;
	v0 =	vadd.f32 v0, v1;
	v1 =	vand.u32 $0xFFFF0000, v4;
	v3 =	vmax.f32 v3, $0.0e+00;
	s0 =	smov.u32 s31;
	s31 =	sadd.s32 $0x100, s31  }
0x54: {  	v4 =	vld [tilespmem:s8+$0x2960];
	v2 =	vmax.f32 v2, $0.0e+00;
	[tilespmem:s30+$0x160] =	vst v1;
	v1 =	vshrl.u32 v3, $0x10  }
0x55: {  	v5 =	vld [tilespmem:s8+$0x160];
	v6 =	vmax.f32 v0, $0.0e+00;
	v0 =	vshrl.u32 v2, $0x10;
	v1 =	vand.u32 $0x1, v1  }
0x56: {  	v7 =	vshrl.u32 v6, $0x10;
	v0 =	vand.u32 $0x1, v0;
	v1 =	vadd.s32 v1, v3  }
0x57: {  	v8 =	vld [tilespmem:s8+$0x2950];
	v3 =	vand.u32 $0x1, v7;
	v2 =	vadd.s32 v0, v2;
	v1 =	vadd.s32 $0x7FFF, v1  }
0x58: {  	v0 =	vld [tilespmem:s8+$0x2940];
	v3 =	vadd.s32 v3, v6;
	v2 =	vadd.s32 $0x7FFF, v2;
	v1 =	vand.u32 $0xFFFF0000, v1  }
0x59: {  	v6 =	vld [tilespmem:s8+$0x2970];
	v3 =	vadd.s32 $0x7FFF, v3;
	v2 =	vand.u32 $0xFFFF0000, v2;
	[tilespmem:s30+$0x170] =	vst v1  }
0x5a: {  	v4 =	vadd.f32 v4, v5;
	v5 =	vld [tilespmem:s8+$0x170];
	v1 =	vand.u32 $0xFFFF0000, v3;
	[tilespmem:s30+$0x150] =	vst v2  }
0x5b: {  	v2 =	vld [tilespmem:s8+$0x150];
	[tilespmem:s30+$0x140] =	vst v1;
	s30 =	smov.u32 s8  }
.Ltmp4:
0x5c: {  	v1 =	vld [tilespmem:s30+$0x140];
	v3 =	vmax.f32 v4, $0.0e+00;
	(pc) =	sbr.rel @p2 .LBB2_3-.Ltmp4, $4  }
0x5d: {  	v4 =	vshrl.u32 v3, $0x10  }
0x5e: {  	v4 =	vand.u32 $0x1, v4  }
0x5f: {  	v4 =	vadd.s32 v4, v3;
	v3 =	vadd.f32 v6, v5  }
0x60: {  	v2 =	vadd.f32 v8, v2;
	v4 =	vadd.s32 $0x7FFF, v4  }
0x61: {  	v3 =	vmax.f32 v3, $0.0e+00;
	v0 =	vadd.f32 v0, v1  }
0x62: {  	s0 =	sshra.s32 s0, $0x2;
	v4 =	vand.u32 $0xFFFF0000, v4;
	v51 =	vshrl.u32 v3, $0x10;
	v52 =	vmax.f32 v2, $0.0e+00  }
0x63: {  	v5 =	vld [tilespmem:s0+$0x2960];
	[tilespmem:s30+$0x160] =	vst v4;
	v4 =	vand.u32 $0x1, v51;
	v6 =	vshrl.u32 v52, $0x10;
	v0 =	vmax.f32 v0, $0.0e+00  }
0x64: {  	v53 =	vld [tilespmem:s0+$0x160];
	v3 =	vadd.s32 v4, v3;
	v6 =	vand.u32 $0x1, v6;
	v8 =	vshrl.u32 v0, $0x10  }
0x65: {  	v54 =	vld [tilespmem:s0+$0x2950];
	v3 =	vadd.s32 $0x7FFF, v3;
	v1 =	vadd.s32 v6, v52;
	v56 =	vand.u32 $0x1, v8  }
0x66: {  	v7 =	vld [tilespmem:s0+$0x2940];
	v3 =	vand.u32 $0xFFFF0000, v3;
	v1 =	vadd.s32 $0x7FFF, v1;
	v0 =	vadd.s32 v56, v0  }
0x67: {  	v55 =	vld [tilespmem:s0+$0x2970];
	[tilespmem:s30+$0x170] =	vst v3;
	v1 =	vand.u32 $0xFFFF0000, v1;
	v0 =	vadd.s32 $0x7FFF, v0  }
0x68: {  	v57 =	vld [tilespmem:s0+$0x170];
	[tilespmem:s30+$0x150] =	vst v1;
	v0 =	vand.u32 $0xFFFF0000, v0  }
0x69: {  	v2 =	vadd.f32 v5, v53;
	v1 =	vld [tilespmem:s0+$0x150];
	[tilespmem:s30+$0x140] =	vst v0  }
0x6a: {  	v0 =	vld [tilespmem:s0+$0x140]  }
0x6b: {  	v2 =	vmax.f32 v2, $0.0e+00  }
0x6c: {  	v58 =	vshrl.u32 v2, $0x10  }
0x6d: {  	v5 =	vand.u32 $0x1, v58;
	v3 =	vadd.f32 v55, v57  }
0x6e: {  	v2 =	vadd.s32 v5, v2;
	v1 =	vadd.f32 v54, v1  }
0x6f: {  	v2 =	vadd.s32 $0x7FFF, v2;
	v0 =	vadd.f32 v7, v0;
	v3 =	vmax.f32 v3, $0.0e+00  }
0x70: {  	v2 =	vand.u32 $0xFFFF0000, v2;
	v1 =	vmax.f32 v1, $0.0e+00;
	v59 =	vshrl.u32 v3, $0x10  }
0x71: {  	v0 =	vmax.f32 v0, $0.0e+00;
	v60 =	vshrl.u32 v1, $0x10;
	v4 =	vand.u32 $0x1, v59  }
0x72: {  	v61 =	vshrl.u32 v0, $0x10;
	v5 =	vand.u32 $0x1, v60;
	v3 =	vadd.s32 v4, v3  }
0x73: {  	v62 =	vand.u32 $0x1, v61;
	v1 =	vadd.s32 v5, v1;
	v3 =	vadd.s32 $0x7FFF, v3  }
0x74: {  	[tilespmem:s0+$0x160] =	vst v2;
	v0 =	vadd.s32 v62, v0;
	v1 =	vadd.s32 $0x7FFF, v1;
	v63 =	vand.u32 $0xFFFF0000, v3  }
0x75: {  	v0 =	vadd.s32 $0x7FFF, v0;
	v1 =	vand.u32 $0xFFFF0000, v1;
	[tilespmem:s0+$0x170] =	vst v63  }
0x76: {  	v0 =	vand.u32 $0xFFFF0000, v0;
	[tilespmem:s0+$0x150] =	vst v1  }
.Ltmp5:
0x77: {  	[tilespmem:s0+$0x140] =	vst v0;
	(pc) =	sbr.rel @p1 .LBB2_8-.Ltmp5, $4  }
0x78: {  	[spmem:s2] =	stream.indirect.scatter.add.f32 [tilespmem:s19], [sflag:$0x6], $0x40, s16, s17, $0xb8;
	[tilespmem:$0xED80] =	vst v63  }
0x79: {  	_ =	swait.ge [sflag:s22], $0x1400  }
0x7a: {  	[sflag:s22] =	ssyncset.done $0x0  }
0x7b: {  	[sflag:s22] =	ssyncadd.s32 $0xFFFFEC00  }
0x7c: {  	s0 =	smul.u32 $0xA0, s29;
	_ =	sdelay $0x1  }
0x7d: {  	s0 =	sadd.s32 s0, s11  }
0x7e: {  	s0 =	sshrl.u32 s0, $0x3  }
0x7f: {  	s9 =	simm.s32 $0x0;
	s8 =	sadd.s32 s5, s0  }
0x80: {  	[tilespmem:s9], [sflag:$0x6] =	stream.linear.gather [hbm4b:s8+s9], $0x50, $0x38;
	[tilespmem:$0xED80] =	vst v63  }
0x81: {  	_ =	swait.ge [sflag:s22], $0x50  }
0x82: {  	[sflag:s22] =	ssyncset.done $0x0  }
0x83: {  	s0 =	sadd.s32 s7, s0;
	[sflag:s22] =	ssyncadd.s32 $0xFFFFFFB0  }
0x84: {  	[tilespmem:s16], [sflag:$0x6] =	stream.linear.gather [hbm4b:s0+s9], $0x50, $0x38;
	[tilespmem:$0xED80] =	vst v63  }
0x85: {  	_ =	swait.ge [sflag:s22], $0x50  }
0x86: {  	[sflag:s22] =	ssyncset.done $0x0  }
0x87: {  	[sflag:s22] =	ssyncadd.s32 $0xFFFFFFB0  }
0x88: {  	[tilespmem:s18], [sflag:$0x3] =	stream.indirect.gather [hbm4b:s4+s17], $0x40, s9, s17, $0xb8;
	[tilespmem:$0xED80] =	vst v63  }
0x89: {  	_ = 	snop  }
0x8a: {  	[tilespmem:s19], [sflag:$0x1] =	stream.indirect.gather [hbm4b:s1+s17], $0x40, s16, s17, $0xb8;
	[tilespmem:$0xED80] =	vst v63  }
0x8b: {  	_ =	swait.ge [sflag:s23], $0x1400  }
0x8c: {  	[sflag:s23] =	ssyncset.done $0x0  }
0x8d: {  	[sflag:s23] =	ssyncadd.s32 $0xFFFFEC00  }
0x8e: {  	_ =	swait.ge [sflag:s24], $0x1400  }
0x8f: {  	[sflag:s24] =	ssyncset.done $0x0  }
0x90: {  	s30 =	simm.s32 $0x0;
	[sflag:s24] =	ssyncadd.s32 $0xFFFFEC00  }
0x91: {  	v0 =	vld [tilespmem:s30+$0x3D60]  }
0x92: {  	v1 =	vld [tilespmem:s30+$0x1560];
	_ =	sdelay $0x4  }
0x93: {  	v2 =	vld [tilespmem:s30+$0x3D50];
	v0 =	vadd.f32 v0, v1  }
0x94: {  	v3 =	vld [tilespmem:s30+$0x3D70]  }
0x95: {  	v4 =	vld [tilespmem:s30+$0x1570];
	v1 =	vmax.f32 v0, $0.0e+00  }
0x96: {  	v5 =	vld [tilespmem:s30+$0x1550];
	v0 =	vshrl.u32 v1, $0x10  }
0x97: {  	v6 =	vand.u32 $0x1, v0;
	v0 =	vld [tilespmem:s30+$0x3D40]  }
0x98: {  	v6 =	vadd.s32 v6, v1;
	v1 =	vld [tilespmem:s30+$0x1540];
	_ =	sdelay $0x2  }
0x99: {  	s31 =	simm.s32 $0x200;
	s0 =	simm.s32 $0x100;
	v3 =	vadd.f32 v3, v4;
	v2 =	vadd.f32 v2, v5;
	v4 =	vadd.s32 $0x7FFF, v6  }
.LBB2_6:
0x9a: {  	p1 =	sne.s32 s31, $0x4F00  }
0x9b: {  	s8 =	sshra.s32 s0, $0x2;
	v0 =	vadd.f32 v0, v1;
	v1 =	vand.u32 $0xFFFF0000, v4;
	v3 =	vmax.f32 v3, $0.0e+00;
	s0 =	smov.u32 s31;
	s31 =	sadd.s32 $0x100, s31  }
0x9c: {  	v4 =	vld [tilespmem:s8+$0x3D60];
	v2 =	vmax.f32 v2, $0.0e+00;
	[tilespmem:s30+$0x1560] =	vst v1;
	v1 =	vshrl.u32 v3, $0x10  }
0x9d: {  	v5 =	vld [tilespmem:s8+$0x1560];
	v6 =	vmax.f32 v0, $0.0e+00;
	v0 =	vshrl.u32 v2, $0x10;
	v1 =	vand.u32 $0x1, v1  }
0x9e: {  	v7 =	vshrl.u32 v6, $0x10;
	v0 =	vand.u32 $0x1, v0;
	v1 =	vadd.s32 v1, v3  }
0x9f: {  	v8 =	vld [tilespmem:s8+$0x3D50];
	v3 =	vand.u32 $0x1, v7;
	v2 =	vadd.s32 v0, v2;
	v1 =	vadd.s32 $0x7FFF, v1  }
0xa0: {  	v0 =	vld [tilespmem:s8+$0x3D40];
	v3 =	vadd.s32 v3, v6;
	v2 =	vadd.s32 $0x7FFF, v2;
	v1 =	vand.u32 $0xFFFF0000, v1  }
0xa1: {  	v6 =	vld [tilespmem:s8+$0x3D70];
	v3 =	vadd.s32 $0x7FFF, v3;
	v2 =	vand.u32 $0xFFFF0000, v2;
	[tilespmem:s30+$0x1570] =	vst v1  }
0xa2: {  	v4 =	vadd.f32 v4, v5;
	v5 =	vld [tilespmem:s8+$0x1570];
	v1 =	vand.u32 $0xFFFF0000, v3;
	[tilespmem:s30+$0x1550] =	vst v2  }
0xa3: {  	v2 =	vld [tilespmem:s8+$0x1550];
	[tilespmem:s30+$0x1540] =	vst v1;
	s30 =	smov.u32 s8  }
.Ltmp6:
0xa4: {  	v1 =	vld [tilespmem:s30+$0x1540];
	v3 =	vmax.f32 v4, $0.0e+00;
	(pc) =	sbr.rel @p1 .LBB2_6-.Ltmp6, $4  }
0xa5: {  	v4 =	vshrl.u32 v3, $0x10  }
0xa6: {  	v4 =	vand.u32 $0x1, v4  }
0xa7: {  	v4 =	vadd.s32 v4, v3;
	v3 =	vadd.f32 v6, v5  }
0xa8: {  	v2 =	vadd.f32 v8, v2;
	v4 =	vadd.s32 $0x7FFF, v4  }
0xa9: {  	v3 =	vmax.f32 v3, $0.0e+00;
	v0 =	vadd.f32 v0, v1  }
0xaa: {  	s0 =	sshra.s32 s0, $0x2;
	v4 =	vand.u32 $0xFFFF0000, v4;
	v51 =	vshrl.u32 v3, $0x10;
	v52 =	vmax.f32 v2, $0.0e+00  }
0xab: {  	v5 =	vld [tilespmem:s0+$0x3D60];
	[tilespmem:s30+$0x1560] =	vst v4;
	v4 =	vand.u32 $0x1, v51;
	v6 =	vshrl.u32 v52, $0x10;
	v0 =	vmax.f32 v0, $0.0e+00  }
0xac: {  	v53 =	vld [tilespmem:s0+$0x1560];
	v3 =	vadd.s32 v4, v3;
	v6 =	vand.u32 $0x1, v6;
	v8 =	vshrl.u32 v0, $0x10  }
0xad: {  	v54 =	vld [tilespmem:s0+$0x3D50];
	v3 =	vadd.s32 $0x7FFF, v3;
	v1 =	vadd.s32 v6, v52;
	v56 =	vand.u32 $0x1, v8  }
0xae: {  	v7 =	vld [tilespmem:s0+$0x3D40];
	v3 =	vand.u32 $0xFFFF0000, v3;
	v1 =	vadd.s32 $0x7FFF, v1;
	v0 =	vadd.s32 v56, v0  }
0xaf: {  	v55 =	vld [tilespmem:s0+$0x3D70];
	[tilespmem:s30+$0x1570] =	vst v3;
	v1 =	vand.u32 $0xFFFF0000, v1;
	v0 =	vadd.s32 $0x7FFF, v0  }
0xb0: {  	v57 =	vld [tilespmem:s0+$0x1570];
	[tilespmem:s30+$0x1550] =	vst v1;
	v0 =	vand.u32 $0xFFFF0000, v0  }
0xb1: {  	v2 =	vadd.f32 v5, v53;
	v1 =	vld [tilespmem:s0+$0x1550];
	[tilespmem:s30+$0x1540] =	vst v0  }
0xb2: {  	v0 =	vld [tilespmem:s0+$0x1540]  }
0xb3: {  	v2 =	vmax.f32 v2, $0.0e+00  }
0xb4: {  	v58 =	vshrl.u32 v2, $0x10  }
0xb5: {  	v5 =	vand.u32 $0x1, v58;
	v3 =	vadd.f32 v55, v57  }
0xb6: {  	v2 =	vadd.s32 v5, v2;
	v1 =	vadd.f32 v54, v1  }
0xb7: {  	v2 =	vadd.s32 $0x7FFF, v2;
	v0 =	vadd.f32 v7, v0;
	v3 =	vmax.f32 v3, $0.0e+00  }
0xb8: {  	v2 =	vand.u32 $0xFFFF0000, v2;
	v1 =	vmax.f32 v1, $0.0e+00;
	v59 =	vshrl.u32 v3, $0x10  }
0xb9: {  	v0 =	vmax.f32 v0, $0.0e+00;
	v60 =	vshrl.u32 v1, $0x10;
	v4 =	vand.u32 $0x1, v59  }
0xba: {  	v61 =	vshrl.u32 v0, $0x10;
	v5 =	vand.u32 $0x1, v60;
	v3 =	vadd.s32 v4, v3  }
0xbb: {  	v62 =	vand.u32 $0x1, v61;
	v1 =	vadd.s32 v5, v1;
	v3 =	vadd.s32 $0x7FFF, v3  }
0xbc: {  	[tilespmem:s0+$0x1560] =	vst v2;
	v0 =	vadd.s32 v62, v0;
	v1 =	vadd.s32 $0x7FFF, v1;
	v63 =	vand.u32 $0xFFFF0000, v3  }
0xbd: {  	v0 =	vadd.s32 $0x7FFF, v0;
	v1 =	vand.u32 $0xFFFF0000, v1;
	[tilespmem:s0+$0x1570] =	vst v63  }
0xbe: {  	v0 =	vand.u32 $0xFFFF0000, v0;
	[tilespmem:s0+$0x1550] =	vst v1  }
.Ltmp7:
0xbf: {  	[tilespmem:s0+$0x1540] =	vst v0;
	(pc) =	sbr.rel .LBB2_8-.Ltmp7, $4  }
0xc0: {  	[spmem:s2] =	stream.indirect.scatter.add.f32 [tilespmem:s26], [sflag:$0x5], $0x40, s25, s17, $0xb8;
	[tilespmem:$0xED80] =	vst v63  }
0xc1: {  	_ =	swait.ge [sflag:s15], $0x1400  }
0xc2: {  	[sflag:s15] =	ssyncset.done $0x0  }
0xc3: {  	[sflag:s15] =	ssyncadd.s32 $0xFFFFEC00  }
.LBB2_10:
0xc4: {  	_ =	sfence.sel $0x180000  }
0xc5: {  	[bflag:$0x0] =	sbarrier.arrive $0xFFFF  }
0xc6: {  	_ =	strace $0x90000053  }
0xc7: {  	[bflag:$0x2] =	sbarrier.arrive $0xFFFF  }
0xc8: {  	s0 =	rddreg [dreg:$0x3]  }
0xc9: {  	s0 =	sadd.s32 @!p0 $0x100000, s0  }
0xca: {  	[sflag:s0] =	ssyncadd.tile.s32 @!p0 $0x1;
	_ =	shalt  }
.Lfunc_end2:
_tile_overlayer_lowered:
.L_overlay_start_2:
0xcb: {  	(tag) =	ssettag $0x2  }
0xcc: {  	s0 =	rddreg [dreg:$0x0];
	s2 =	stileid.u32  }
0xcd: {  	s1 =	rddreg [dreg:$0x1];
	p0 =	sne.s32 s2, $0x0  }
0xce: {  	s3 =	rddreg [dreg:$0x2];
	[bflag:$0x3] =	sbarrier.arrive $0xFFFF;
	s2 =	simm.s32 @!p0 $0x1C05  }
0xcf: {  	[timem:s3], [sflag:s2] =	dma.local @!p0 [hbm:s0], s1  }
0xd0: {  	s0 =	simm.s32 @!p0 $0x5  }
0xd1: {  	_ =	swait.ge @!p0 [sflag:s0], s1  }
0xd2: {  	s1 =	ssub.s32 @!p0 $0x0, s1;
	[sflag:s0] =	ssyncset.done @!p0 $0x0  }
0xd3: {  	[sflag:s0] =	ssyncadd.s32 @!p0 s1  }
0xd4: {  	[bflag:$0x3] =	sbarrier.arrive $0xFFFF  }
0xd5: {  	_ =	shalt  }

// kernel: kernel.29.cloned.1.call-start
scs
__scs_entry_jumppad:
0x0: {  	(pc) =	sbr.rel $0x88, $3  }
0x1: {  	(tag) =	ssettag $0x0;
	lr =	simm.s32 $0x1  }
0x2: {  	[smem:$0x3F61] =	sst lr;
	_ =	strace $0xD0000000  }
0x3: {  	_ = 	snop  }
0x4: {  	_ = 	snop  }
0x5: {  	_ = 	snop  }
0x6: {  	_ = 	snop  }
0x7: {  	_ = 	snop  }
__scs_overlays_trampoline_lowered:
0x8: {  	[smem:$0x3F70] =	sst s0  }
0x9: {  	[smem:$0x3F71] =	sst s1  }
0xa: {  	[smem:$0x3F72] =	sst s2  }
0xb: {  	[smem:$0x3F73] =	sst s3  }
0xc: {  	[smem:$0x3F74] =	sst s4  }
0xd: {  	[smem:$0x3F75] =	sst s5  }
0xe: {  	[smem:$0x3F76] =	sst s6  }
0xf: {  	[smem:$0x3F77] =	sst s7  }
0x10: {  	[smem:$0x3F78] =	sst s8  }
0x11: {  	[smem:$0x3F79] =	sst s9;
	s0 =	simm.s32 @!p0 $0x0  }
0x12: {  	s1 =	sld [smem:$0x3F5F];
	s0 =	simm.s32 @p0 $0x1  }
0x13: {  	[smem:$0x3F7A] =	sst s0;
	s0 =	simm.s32 @!p1 $0x0  }
0x14: {  	s2 =	sld [smem:$0x3F5E];
	s0 =	simm.s32 @p1 $0x1  }
0x15: {  	[smem:$0x3F7B] =	sst s0;
	s0 =	simm.s32 @!p2 $0x0  }
0x16: {  	s3 =	sld [smem:$0x3FDB];
	s0 =	simm.s32 @p2 $0x1  }
0x17: {  	s4 =	simm.s32 $0x1BF5;
	[smem:$0x3F7D] =	sst s0  }
0x18: {  	s0 =	sld [smem:$0x3F60];
	_ =	swait.ge [sflag:s4], $0x0  }
0x19: {  	s7 =	sld [smem:$0x3F61]  }
0x1a: {  	s8 =	sadd.s32 $0xFFFFE003, lr  }
0x1b: {  	s9 =	sadd.s32 $0xFFFFFEF7, lr;
	s5 =	simm.s32 $0xFFFFFFFF;
	p2 =	slt.u32 s8, $0xFFFFF086  }
0x1c: {  	p1 =	slt.u32 s9, $0xF7A;
	s5 =	simm.s32 @!p2 $0x0  }
0x1d: {  	s5 =	simm.s32 @p1 $0x1;
	p0 =	seq.s32 s7, s2  }
0x1e: {  	s7 =	smul.u32 @!p0 $0xF7A, s2;
	p2 =	seq.s32 @!p0 s5, $0x0  }
0x1f: {  	s9 =	smul.u32 $0xF7A, s1;
	s8 =	simm.s32 @!p0 $0x1BF5;
	p2 =	por !p2, p0  }
0x20: {  	[sflag:s8] =	ssyncset.s32 @!p0 $0xFFFFF086;
	s6 =	sadd.s32 @!p0 s3, s7;
	s7 =	simm.s32 @!p0 $0x108  }
0x21: {  	s3 =	sadd.s32 s3, s9;
	s6 =	sadd.s32 @!p0 $0x88, s6;
	s7 =	simm.s32 @p2 $0x1082  }
0x22: {  	[simem:s7], [sflag:s8] =	dma.local @!p0 [hbm:s6], $0xF7A  }
0x23: {  	s9 =	sor.u32 $0xD0000000, s2;
	s6 =	simm.s32 $0x108;
	_ =	swait.ge @!p0 [sflag:s8], $0x0  }
0x24: {  	s3 =	sadd.s32 $0x88, s3;
	s6 =	simm.s32 @!p1 $0x1082;
	[sflag:s4] =	ssyncset.s32 $0xFFFFF086  }
0x25: {  	[simem:s6], [sflag:s4] =	dma.local [hbm:s3], $0xF7A  }
0x26: {  	[smem:$0x3F61] =	sst s1;
	(tag) =	ssettag s2;
	_ =	strace s9  }
0x27: {  	s1 =	sld [smem:$0x3F71]  }
0x28: {  	s2 =	sld [smem:$0x3F72]  }
0x29: {  	s4 =	sld [smem:$0x3F74]  }
0x2a: {  	p0 =	seq.s32 s5, $0x0;
	s5 =	sld [smem:$0x3F75]  }
0x2b: {  	s6 =	sld [smem:$0x3F76]  }
0x2c: {  	s7 =	sld [smem:$0x3F77]  }
0x2d: {  	s3 =	simm.s32 $0x108;
	s8 =	sld [smem:$0x3F78]  }
0x2e: {  	s3 =	simm.s32 @!p0 $0x1082;
	s9 =	sld [smem:$0x3F79]  }
0x2f: {  	lr =	sadd.s32 s0, s3;
	s0 =	sld [smem:$0x3F70]  }
0x30: {  	s3 =	sld [smem:$0x3F73]  }
0x31: {  	[smem:$0x3F7C] =	sst s10  }
0x32: {  	s10 =	sld [smem:$0x3F7A];
	_ =	sdelay $0x3  }
0x33: {  	p0 =	seq.s32 s10, $0x1;
	s10 =	sld [smem:$0x3F7C];
	_ =	sdelay $0x3  }
0x34: {  	[smem:$0x3F7C] =	sst s10  }
0x35: {  	s10 =	sld [smem:$0x3F7B];
	_ =	sdelay $0x3  }
0x36: {  	p1 =	seq.s32 s10, $0x1;
	s10 =	sld [smem:$0x3F7C];
	_ =	sdelay $0x3  }
0x37: {  	[smem:$0x3F7C] =	sst s10  }
0x38: {  	s10 =	sld [smem:$0x3F7D]  }
0x39: {  	_ = 	snop;
	(pc) =	sbr.ind lr, $3  }
0x3a: {  	_ = 	snop  }
0x3b: {  	_ = 	snop  }
0x3c: {  	p2 =	seq.s32 s10, $0x1;
	s10 =	sld [smem:$0x3F7C]  }
0x3d: {  	_ =	shalt  }
0x3e: {  	_ =	shalt  }
0x3f: {  	_ =	shalt  }
0x40: {  	_ =	shalt  }
0x41: {  	_ =	shalt  }
0x42: {  	_ =	shalt  }
0x43: {  	_ =	shalt  }
0x44: {  	_ =	shalt  }
0x45: {  	_ =	shalt  }
0x46: {  	_ =	shalt  }
0x47: {  	_ =	shalt  }
0x48: {  	_ =	shalt  }
0x49: {  	_ =	shalt  }
0x4a: {  	_ =	shalt  }
0x4b: {  	_ =	shalt  }
0x4c: {  	_ =	shalt  }
0x4d: {  	_ =	shalt  }
0x4e: {  	_ =	shalt  }
0x4f: {  	_ =	shalt  }
0x50: {  	_ =	shalt  }
0x51: {  	_ =	shalt  }
0x52: {  	_ =	shalt  }
0x53: {  	_ =	shalt  }
0x54: {  	_ =	shalt  }
0x55: {  	_ =	shalt  }
0x56: {  	_ =	shalt  }
0x57: {  	_ =	shalt  }
0x58: {  	_ =	shalt  }
0x59: {  	_ =	shalt  }
0x5a: {  	_ =	shalt  }
0x5b: {  	_ =	shalt  }
0x5c: {  	_ =	shalt  }
0x5d: {  	_ =	shalt  }
0x5e: {  	_ =	shalt  }
0x5f: {  	_ =	shalt  }
0x60: {  	_ =	shalt  }
0x61: {  	_ =	shalt  }
0x62: {  	_ =	shalt  }
0x63: {  	_ =	shalt  }
0x64: {  	_ =	shalt  }
0x65: {  	_ =	shalt  }
0x66: {  	_ =	shalt  }
0x67: {  	_ =	shalt  }
0x68: {  	_ =	shalt  }
0x69: {  	_ =	shalt  }
0x6a: {  	_ =	shalt  }
0x6b: {  	_ =	shalt  }
0x6c: {  	_ =	shalt  }
0x6d: {  	_ =	shalt  }
0x6e: {  	_ =	shalt  }
0x6f: {  	_ =	shalt  }
0x70: {  	_ =	shalt  }
0x71: {  	_ =	shalt  }
0x72: {  	_ =	shalt  }
0x73: {  	_ =	shalt  }
0x74: {  	_ =	shalt  }
0x75: {  	_ =	shalt  }
0x76: {  	_ =	shalt  }
0x77: {  	_ =	shalt  }
0x78: {  	_ =	shalt  }
0x79: {  	_ =	shalt  }
0x7a: {  	_ =	shalt  }
0x7b: {  	_ =	shalt  }
0x7c: {  	_ =	shalt  }
0x7d: {  	_ =	shalt  }
0x7e: {  	_ =	shalt  }
0x7f: {  	_ =	shalt  }
0x80: {  	_ =	shalt  }
0x81: {  	_ =	shalt  }
0x82: {  	_ =	shalt  }
0x83: {  	_ =	shalt  }
0x84: {  	_ =	shalt  }
0x85: {  	_ =	shalt  }
0x86: {  	_ =	shalt  }
0x87: {  	_ =	shalt  }
.Lfunc_end0:
.L_simem_size_0:
called_computation.5_lowered:
.L_overlay_start_0:
0x88: {  	s2 =	sld [smem:$0x3FD9]  }
0x89: {  	s3 =	sld [smem:$0x3FFE];
	_ =	sdelay $0x1  }
0x8a: {  	s1 =	srdreg.scid  }
0x8b: {  	s0 =	sand.u32 $0x1, s1  }
0x8c: {  	s17 =	sshll.u32 s0, $0xA;
	s2 =	sadd.s32 s3, s2  }
0x8d: {  	s2 =	sadd.s32 s2, s17  }
0x8e: {  	[smem:$0x3F88] =	sst s2  }
0x8f: {  	_ = 	snop  }
0x90: {  	s2 =	sld [smem:$0x3FD0];
	(tm) =	ssettm $0x1  }
0x91: {  	s18 =	sld [smem:$0x3FFB];
	_ =	sdelay $0x3  }
0x92: {  	_ =	strace s18  }
0x93: {  	s3 =	sld [smem:$0x3FFC];
	_ =	sdelay $0x3  }
0x94: {  	_ =	strace s3  }
0x95: {  	s3 =	sld [smem:$0x3FFD];
	_ =	sdelay $0x3  }
0x96: {  	_ =	strace s3  }
0x97: {  	_ =	strace $0x8FFFFFFF  }
0x98: {  	s19 =	sld [smem:$0x3FDB];
	_ =	sdelay $0x1  }
0x99: {  	s4 =	simm.s32 $_scs_section_size  }
0x9a: {  	s5 =	simm.s32 $_size__tile_overlayer_lowered;
	s6 =	simm.s32 $_tile_overlayer_lowered  }
0x9b: {  	s22 =	simm.s32 $0x1BFF;
	s21 =	sshll.u32 s6, $0x1;
	s3 =	sadd.s32 s4, s19  }
0x9c: {  	s7 =	simm.s32 $0x0;
	s20 =	sshll.u32 s5, $0x1;
	s5 =	sadd.s32 s21, s3  }
0x9d: {  	[timem:s7], [sflag:s22] =	dma.local [hbm:s5], s20  }
0x9e: {  	_ =	swait.ge [sflag:s22], s20  }
0x9f: {  	s4 =	ssub.s32 $0x0, s20;
	[sflag:s22] =	ssyncset.done $0x0  }
0xa0: {  	[sflag:s22] =	ssyncadd.s32 s4;
	_ =	sdelay $0x1  }
0xa1: {  	s23 =	simm.s32 $0x1B8B  }
0xa2: {  	_ =	swait.ge [sflag:s23], $0x1  }
0xa3: {  	[sflag:s23] =	ssyncset.done $0x0  }
0xa4: {  	s25 =	simm.s32 $0x1B8E;
	s24 =	sld [smem:$0x3FFE];
	[sflag:s23] =	ssyncadd.s32 $0xFFFFFFFF  }
0xa5: {  	s26 =	simm.s32 $execute0_lowered;
	[smem:$0x3FD2] =	sst s25  }
0xa6: {  	s5 =	sshll.u32 s26, $0x1;
	_ =	strace $0x80000055;
	[dreg:$0x1] =	wrdreg $0xFFFFFFFF  }
0xa7: {  	s28 =	simm.s32 $_size_execute0_lowered;
	s3 =	sadd.s32 s3, s5;
	[dreg:$0x0] =	wrdreg $0x0  }
0xa8: {  	s5 =	sshll.u32 s28, $0x1;
	[dreg:$0x2] =	wrdreg s3  }
0xa9: {  	[dreg:$0x3] =	wrdreg s5  }
0xaa: {  	[dreg:$0x4] =	wrdreg $0xC0  }
0xab: {  	_ =	task [dreg:s7], $0x5FFFF  }
0xac: {  	[dreg:$0x1] =	wrdreg $0xFFFFFFFF  }
0xad: {  	[dreg:$0x0] =	wrdreg $0x60  }
0xae: {  	[dreg:$0x2] =	wrdreg s2  }
0xaf: {  	[dreg:$0x3] =	wrdreg s24  }
0xb0: {  	[dreg:$0x4] =	wrdreg $0x51400  }
0xb1: {  	[dreg:$0x5] =	wrdreg $0x9  }
0xb2: {  	_ =	task.clear_ibuf [dreg:s7], $0x6FFFF;
	_ =	strace $0x90000055  }
0xb3: {  	s29 =	simm.s32 $0x9;
	_ =	strace $0x80000057  }
0xb4: {  	_ =	swait.ge [sflag:s29], $0x1  }
0xb5: {  	[sflag:s29] =	ssyncadd.s32 $0xFFFFFFFF  }
0xb6: {  	_ =	strace $0x90000057  }
0xb7: {  	_ =	sfence  }
0xb8: {  	s30 =	sld [smem:$0x0];
	_ =	sdelay $0x2  }
0xb9: {  	s31 =	sshll.u32 s1, $0xD;
	s1 =	sshrl.u32 s1, $0x2  }
0xba: {  	s3 =	sand.u32 $0x4000, s31;
	s1 =	sadd.s32 s1, s30  }
0xbb: {  	s0 =	sor.u32 s3, s0;
	s1 =	sshll.u32 s1, $0x11  }
0xbc: {  	s0 =	sor.u32 s1, s0  }
0xbd: {  	s0 =	sadd.s32 $0x8F2B, s0  }
0xbe: {  	[sflag:s0] =	ssyncadd.remote.s32 $0x1  }
0xbf: {  	_ =	sfence.sel $0xFFFF  }
0xc0: {  	[dreg:$0x0] =	wrdreg $0xFFFFFFFF;
	(pc) =	sbr.abs _section_cstart, $3  }
0xc1: {  	[dreg:$0x1] =	wrdreg $0xFFFFFFFF  }
0xc2: {  	_ =	task.clear_ibuf [dreg:s7], $0x2FFFF;
	_ =	strace $0x9FFFFFFF  }
0xc3: {  	(tm) =	ssettm $0x7FFFFFFF  }
tec
execute0_lowered:
.L_overlay_start_1:
0x0: {  	(tag) =	ssettag $0x1  }
0x1: {  	s1 =	rddreg [dreg:$0x0]  }
0x2: {  	s0 =	rddreg [dreg:$0x1]  }
0x3: {  	s2 =	rddreg [dreg:$0x2]  }
0x4: {  	s4 =	srdreg.scid;
	s3 =	simm.s32 $0x0;
	s13 =	stileid.u32  }
0x5: {  	s15 =	simm.s32 $0x5;
	s16 =	simm.s32 $0xA0;
	s17 =	simm.s32 $0x50  }
0x6: {  	s18 =	simm.s32 $0x2940;
	s19 =	simm.s32 $0x140;
	s20 =	simm.s32 $0x3  }
0x7: {  	s21 =	simm.s32 $0x1;
	s22 =	simm.s32 $0x6;
	s23 =	simm.s32 $0x4  }
0x8: {  	s24 =	simm.s32 $0x2;
	s25 =	simm.s32 $0xF0;
	s26 =	simm.s32 $0x1540  }
0x9: {  	s28 =	simm.s32 $0x0;
	s9 =	sand.u32 $0x1, s4;
	[smem:$0x7FF] =	sst s3  }
0xa: {  	s5 =	sadd.s32 $0x14000, s0;
	s7 =	sadd.s32 $0xA200, s0;
	s4 =	sshll.u32 s9, $0x4  }
0xb: {  	s8 =	sadd.s32 $0x31800, s0;
	s10 =	smul.u32 $0x13880, s9;
	s6 =	sor.u32 s13, s4  }
0xc: {  	p0 =	sne.s32 s13, $0x0;
	_ =	strace $0x80000056;
	s6 =	smul.u32 $0x2710, s6  }
.Ltmp0:
0xd: {  	[dreg:$0x4] =	wrdreg s8;
	s9 =	ssub.s32 $0x2, s9;
	(pc) =	sbr.rel .LBB2_1-.Ltmp0, $4  }
0xe: {  	s4 =	sadd.s32 $0x1DE00, s0;
	s30 =	sshrl.u32 s9, $0x1;
	s0 =	sadd.s32 s10, s0  }
0xf: {  	s14 =	ssub.s32 s9, s30;
	s12 =	sadd.s32 $0x45200, s0;
	s11 =	sshrl.u32 s6, $0x3  }
0x10: {  	s13 =	smax.u32 s14, $0x1;
	s14 =	sshrl.u32 @!p0 s2, $0x3;
	s31 =	sadd.s32 s5, s11  }
0x11: {  	s10 =	sadd.s32 s7, s11;
	s11 =	sadd.s32 $0xA0, s6;
	[dreg:$0x5] =	wrdreg s31  }
.LBB2_9:
0x12: {  	[bflag:$0x0] =	sbarrier.arrive $0xFFFF;
	s0 =	simm.s32 @!p0 $0x1C05;
	s28 =	sadd.s32 $0x1, s28  }
0x13: {  	[hbm:s12], [sflag:s0] =	dma.local @!p0 [spmem:s14], $0x13880  }
0x14: {  	p1 =	sne.s32 s28, s13  }
.Ltmp1:
0x15: {  	_ = 	snop;
	(pc) =	sbr.rel @!p1 .LBB2_10-.Ltmp1, $4  }
0x16: {  	s0 =	simm.s32 @!p0 $0x5  }
0x17: {  	_ =	swait.ge @!p0 [sflag:s0], $0x13880  }
0x18: {  	[sflag:s0] =	ssyncset.done @!p0 $0x0  }
0x19: {  	[sflag:s0] =	ssyncadd.s32 @!p0 $0xFFFEC780  }
.LBB2_1:
0x1a: {  	s0 =	simm.s32 @!p0 $0x1C05;
	s8 =	rddreg [dreg:$0x4]  }
0x1b: {  	[spmem:s14], [sflag:s0] =	dma.local @!p0 [hbm:s8], $0x13880  }
0x1c: {  	s0 =	simm.s32 @!p0 $0x5  }
0x1d: {  	_ =	swait.ge @!p0 [sflag:s0], $0x13880  }
0x1e: {  	[sflag:s0] =	ssyncset.done @!p0 $0x0  }
0x1f: {  	[sflag:s0] =	ssyncadd.s32 @!p0 $0xFFFEC780  }
0x20: {  	[bflag:$0x0] =	sbarrier.arrive $0xFFFF  }
0x21: {  	s31 =	rddreg [dreg:$0x5]  }
0x22: {  	[tilespmem:s3], [sflag:$0x5] =	stream.linear.gather [hbm4b:s31+s3], $0x50, $0x38;
	[tilespmem:$0xED80] =	vst v63  }
0x23: {  	_ =	swait.ge [sflag:s15], $0x50  }
0x24: {  	[sflag:s15] =	ssyncset.done $0x0  }
0x25: {  	[sflag:s15] =	ssyncadd.s32 $0xFFFFFFB0  }
0x26: {  	[tilespmem:s16], [sflag:$0x5] =	stream.linear.gather [hbm4b:s10+s3], $0x50, $0x38;
	[tilespmem:$0xED80] =	vst v63  }
0x27: {  	_ =	swait.ge [sflag:s15], $0x50  }
.Ltmp2:
0x28: {  	[sflag:s15] =	ssyncset.done $0x0;
	(pc) =	sbr.rel .LBB2_2-.Ltmp2, $4  }
0x29: {  	[sflag:s15] =	ssyncadd.s32 $0xFFFFFFB0  }
0x2a: {  	[tilespmem:s18], [sflag:$0x3] =	stream.indirect.gather [hbm4b:s4+s17], $0x40, s3, s17, $0xb8;
	[tilespmem:$0xED80] =	vst v63  }
0x2b: {  	s29 =	simm.s32 $0x0  }
0x2c: {  	[tilespmem:s19], [sflag:$0x1] =	stream.indirect.gather [hbm4b:s1+s17], $0x40, s16, s17, $0xb8;
	[tilespmem:$0xED80] =	vst v63  }
.LBB2_8:
0x2d: {  	s29 =	sadd.s32 $0x1, s29  }
0x2e: {  	p1 =	sne.s32 s29, $0x3F  }
.Ltmp3:
0x2f: {  	_ = 	snop;
	(pc) =	sbr.rel @!p1 .LBB2_9-.Ltmp3, $1  }
0x30: {  	_ =	sdelay $0x3  }
.LBB2_2:
0x31: {  	s0 =	sshllo.u32 s29, $0x1  }
0x32: {  	p1 =	sgt.u32 s0, $0x7C  }
0x33: {  	s0 =	smul.u32 @!p1 $0x50, s0;
	_ =	sdelay $0x1  }
0x34: {  	s0 =	sadd.s32 @!p1 s6, s0  }
0x35: {  	s0 =	sshrl.u32 @!p1 s0, $0x3  }
0x36: {  	s31 =	simm.s32 @!p1 $0x0;
	s8 =	simm.s32 @!p1 $0x50;
	s30 =	sadd.s32 @!p1 s5, s0  }
0x37: {  	[tilespmem:s8], [sflag:$0x6] =	stream.linear.gather @!p1 [hbm4b:s30+s31], $0x50, $0x38;
	[tilespmem:$0xED80] =	vst v63  }
0x38: {  	s30 =	simm.s32 @!p1 $0x6  }
0x39: {  	_ =	swait.ge @!p1 [sflag:s30], $0x50  }
0x3a: {  	[sflag:s30] =	ssyncset.done @!p1 $0x0  }
0x3b: {  	s9 =	simm.s32 @!p1 $0xF0;
	s0 =	sadd.s32 @!p1 s7, s0;
	[sflag:s30] =	ssyncadd.s32 @!p1 $0xFFFFFFB0  }
0x3c: {  	[tilespmem:s9], [sflag:$0x6] =	stream.linear.gather @!p1 [hbm4b:s0+s31], $0x50, $0x38;
	[tilespmem:$0xED80] =	vst v63  }
0x3d: {  	_ =	swait.ge @!p1 [sflag:s30], $0x50  }
0x3e: {  	[sflag:s30] =	ssyncset.done @!p1 $0x0  }
0x3f: {  	s0 =	simm.s32 @!p1 $0x3D40;
	[sflag:s30] =	ssyncadd.s32 @!p1 $0xFFFFFFB0  }
0x40: {  	[tilespmem:s0], [sflag:$0x4] =	stream.indirect.gather @!p1 [hbm4b:s4+s8], $0x40, s8, s8, $0xb8;
	[tilespmem:$0xED80] =	vst v63  }
0x41: {  	s0 =	simm.s32 @!p1 $0x1540  }
0x42: {  	[tilespmem:s0], [sflag:$0x2] =	stream.indirect.gather @!p1 [hbm4b:s1+s8], $0x40, s9, s8, $0xb8;
	[tilespmem:$0xED80] =	vst v63  }
0x43: {  	_ =	swait.ge [sflag:s20], $0x1400  }
0x44: {  	[sflag:s20] =	ssyncset.done $0x0  }
0x45: {  	[sflag:s20] =	ssyncadd.s32 $0xFFFFEC00  }
0x46: {  	_ =	swait.ge [sflag:s21], $0x1400  }
0x47: {  	[sflag:s21] =	ssyncset.done $0x0  }
0x48: {  	s30 =	simm.s32 $0x0;
	[sflag:s21] =	ssyncadd.s32 $0xFFFFEC00  }
0x49: {  	v0 =	vld [tilespmem:s30+$0x2960]  }
0x4a: {  	v1 =	vld [tilespmem:s30+$0x160];
	_ =	sdelay $0x4  }
0x4b: {  	v2 =	vld [tilespmem:s30+$0x2950];
	v0 =	vadd.f32 v0, v1  }
0x4c: {  	v3 =	vld [tilespmem:s30+$0x2970]  }
0x4d: {  	v4 =	vld [tilespmem:s30+$0x170];
	v1 =	vmax.f32 v0, $0.0e+00  }
0x4e: {  	v5 =	vld [tilespmem:s30+$0x150];
	v0 =	vshrl.u32 v1, $0x10  }
0x4f: {  	v6 =	vand.u32 $0x1, v0;
	v0 =	vld [tilespmem:s30+$0x2940]  }
0x50: {  	v6 =	vadd.s32 v6, v1;
	v1 =	vld [tilespmem:s30+$0x140];
	_ =	sdelay $0x2  }
0x51: {  	s31 =	simm.s32 $0x200;
	s0 =	simm.s32 $0x100;
	v3 =	vadd.f32 v3, v4;
	v2 =	vadd.f32 v2, v5;
	v4 =	vadd.s32 $0x7FFF, v6  }
.LBB2_3:
0x52: {  	p2 =	sne.s32 s31, $0x4F00  }
0x53: {  	s8 =	sshra.s32 s0, $0x2;
	v0 =	vadd.f32 v0, v1;
	v1 =	vand.u32 $0xFFFF0000, v4;
	v3 =	vmax.f32 v3, $0.0e+00;
	s0 =	smov.u32 s31;
	s31 =	sadd.s32 $0x100, s31  }
0x54: {  	v4 =	vld [tilespmem:s8+$0x2960];
	v2 =	vmax.f32 v2, $0.0e+00;
	[tilespmem:s30+$0x160] =	vst v1;
	v1 =	vshrl.u32 v3, $0x10  }
0x55: {  	v5 =	vld [tilespmem:s8+$0x160];
	v6 =	vmax.f32 v0, $0.0e+00;
	v0 =	vshrl.u32 v2, $0x10;
	v1 =	vand.u32 $0x1, v1  }
0x56: {  	v7 =	vshrl.u32 v6, $0x10;
	v0 =	vand.u32 $0x1, v0;
	v1 =	vadd.s32 v1, v3  }
0x57: {  	v8 =	vld [tilespmem:s8+$0x2950];
	v3 =	vand.u32 $0x1, v7;
	v2 =	vadd.s32 v0, v2;
	v1 =	vadd.s32 $0x7FFF, v1  }
0x58: {  	v0 =	vld [tilespmem:s8+$0x2940];
	v3 =	vadd.s32 v3, v6;
	v2 =	vadd.s32 $0x7FFF, v2;
	v1 =	vand.u32 $0xFFFF0000, v1  }
0x59: {  	v6 =	vld [tilespmem:s8+$0x2970];
	v3 =	vadd.s32 $0x7FFF, v3;
	v2 =	vand.u32 $0xFFFF0000, v2;
	[tilespmem:s30+$0x170] =	vst v1  }
0x5a: {  	v4 =	vadd.f32 v4, v5;
	v5 =	vld [tilespmem:s8+$0x170];
	v1 =	vand.u32 $0xFFFF0000, v3;
	[tilespmem:s30+$0x150] =	vst v2  }
0x5b: {  	v2 =	vld [tilespmem:s8+$0x150];
	[tilespmem:s30+$0x140] =	vst v1;
	s30 =	smov.u32 s8  }
.Ltmp4:
0x5c: {  	v1 =	vld [tilespmem:s30+$0x140];
	v3 =	vmax.f32 v4, $0.0e+00;
	(pc) =	sbr.rel @p2 .LBB2_3-.Ltmp4, $4  }
0x5d: {  	v4 =	vshrl.u32 v3, $0x10  }
0x5e: {  	v4 =	vand.u32 $0x1, v4  }
0x5f: {  	v4 =	vadd.s32 v4, v3;
	v3 =	vadd.f32 v6, v5  }
0x60: {  	v2 =	vadd.f32 v8, v2;
	v4 =	vadd.s32 $0x7FFF, v4  }
0x61: {  	v3 =	vmax.f32 v3, $0.0e+00;
	v0 =	vadd.f32 v0, v1  }
0x62: {  	s0 =	sshra.s32 s0, $0x2;
	v4 =	vand.u32 $0xFFFF0000, v4;
	v51 =	vshrl.u32 v3, $0x10;
	v52 =	vmax.f32 v2, $0.0e+00  }
0x63: {  	v5 =	vld [tilespmem:s0+$0x2960];
	[tilespmem:s30+$0x160] =	vst v4;
	v4 =	vand.u32 $0x1, v51;
	v6 =	vshrl.u32 v52, $0x10;
	v0 =	vmax.f32 v0, $0.0e+00  }
0x64: {  	v53 =	vld [tilespmem:s0+$0x160];
	v3 =	vadd.s32 v4, v3;
	v6 =	vand.u32 $0x1, v6;
	v8 =	vshrl.u32 v0, $0x10  }
0x65: {  	v54 =	vld [tilespmem:s0+$0x2950];
	v3 =	vadd.s32 $0x7FFF, v3;
	v1 =	vadd.s32 v6, v52;
	v56 =	vand.u32 $0x1, v8  }
0x66: {  	v7 =	vld [tilespmem:s0+$0x2940];
	v3 =	vand.u32 $0xFFFF0000, v3;
	v1 =	vadd.s32 $0x7FFF, v1;
	v0 =	vadd.s32 v56, v0  }
0x67: {  	v55 =	vld [tilespmem:s0+$0x2970];
	[tilespmem:s30+$0x170] =	vst v3;
	v1 =	vand.u32 $0xFFFF0000, v1;
	v0 =	vadd.s32 $0x7FFF, v0  }
0x68: {  	v57 =	vld [tilespmem:s0+$0x170];
	[tilespmem:s30+$0x150] =	vst v1;
	v0 =	vand.u32 $0xFFFF0000, v0  }
0x69: {  	v2 =	vadd.f32 v5, v53;
	v1 =	vld [tilespmem:s0+$0x150];
	[tilespmem:s30+$0x140] =	vst v0  }
0x6a: {  	v0 =	vld [tilespmem:s0+$0x140]  }
0x6b: {  	v2 =	vmax.f32 v2, $0.0e+00  }
0x6c: {  	v58 =	vshrl.u32 v2, $0x10  }
0x6d: {  	v5 =	vand.u32 $0x1, v58;
	v3 =	vadd.f32 v55, v57  }
0x6e: {  	v2 =	vadd.s32 v5, v2;
	v1 =	vadd.f32 v54, v1  }
0x6f: {  	v2 =	vadd.s32 $0x7FFF, v2;
	v0 =	vadd.f32 v7, v0;
	v3 =	vmax.f32 v3, $0.0e+00  }
0x70: {  	v2 =	vand.u32 $0xFFFF0000, v2;
	v1 =	vmax.f32 v1, $0.0e+00;
	v59 =	vshrl.u32 v3, $0x10  }
0x71: {  	v0 =	vmax.f32 v0, $0.0e+00;
	v60 =	vshrl.u32 v1, $0x10;
	v4 =	vand.u32 $0x1, v59  }
0x72: {  	v61 =	vshrl.u32 v0, $0x10;
	v5 =	vand.u32 $0x1, v60;
	v3 =	vadd.s32 v4, v3  }
0x73: {  	v62 =	vand.u32 $0x1, v61;
	v1 =	vadd.s32 v5, v1;
	v3 =	vadd.s32 $0x7FFF, v3  }
0x74: {  	[tilespmem:s0+$0x160] =	vst v2;
	v0 =	vadd.s32 v62, v0;
	v1 =	vadd.s32 $0x7FFF, v1;
	v63 =	vand.u32 $0xFFFF0000, v3  }
0x75: {  	v0 =	vadd.s32 $0x7FFF, v0;
	v1 =	vand.u32 $0xFFFF0000, v1;
	[tilespmem:s0+$0x170] =	vst v63  }
0x76: {  	v0 =	vand.u32 $0xFFFF0000, v0;
	[tilespmem:s0+$0x150] =	vst v1  }
.Ltmp5:
0x77: {  	[tilespmem:s0+$0x140] =	vst v0;
	(pc) =	sbr.rel @p1 .LBB2_8-.Ltmp5, $4  }
0x78: {  	[spmem:s2] =	stream.indirect.scatter.add.f32 [tilespmem:s19], [sflag:$0x6], $0x40, s16, s17, $0xb8;
	[tilespmem:$0xED80] =	vst v63  }
0x79: {  	_ =	swait.ge [sflag:s22], $0x1400  }
0x7a: {  	[sflag:s22] =	ssyncset.done $0x0  }
0x7b: {  	[sflag:s22] =	ssyncadd.s32 $0xFFFFEC00  }
0x7c: {  	s0 =	smul.u32 $0xA0, s29;
	_ =	sdelay $0x1  }
0x7d: {  	s0 =	sadd.s32 s0, s11  }
0x7e: {  	s0 =	sshrl.u32 s0, $0x3  }
0x7f: {  	s9 =	simm.s32 $0x0;
	s8 =	sadd.s32 s5, s0  }
0x80: {  	[tilespmem:s9], [sflag:$0x6] =	stream.linear.gather [hbm4b:s8+s9], $0x50, $0x38;
	[tilespmem:$0xED80] =	vst v63  }
0x81: {  	_ =	swait.ge [sflag:s22], $0x50  }
0x82: {  	[sflag:s22] =	ssyncset.done $0x0  }
0x83: {  	s0 =	sadd.s32 s7, s0;
	[sflag:s22] =	ssyncadd.s32 $0xFFFFFFB0  }
0x84: {  	[tilespmem:s16], [sflag:$0x6] =	stream.linear.gather [hbm4b:s0+s9], $0x50, $0x38;
	[tilespmem:$0xED80] =	vst v63  }
0x85: {  	_ =	swait.ge [sflag:s22], $0x50  }
0x86: {  	[sflag:s22] =	ssyncset.done $0x0  }
0x87: {  	[sflag:s22] =	ssyncadd.s32 $0xFFFFFFB0  }
0x88: {  	[tilespmem:s18], [sflag:$0x3] =	stream.indirect.gather [hbm4b:s4+s17], $0x40, s9, s17, $0xb8;
	[tilespmem:$0xED80] =	vst v63  }
0x89: {  	_ = 	snop  }
0x8a: {  	[tilespmem:s19], [sflag:$0x1] =	stream.indirect.gather [hbm4b:s1+s17], $0x40, s16, s17, $0xb8;
	[tilespmem:$0xED80] =	vst v63  }
0x8b: {  	_ =	swait.ge [sflag:s23], $0x1400  }
0x8c: {  	[sflag:s23] =	ssyncset.done $0x0  }
0x8d: {  	[sflag:s23] =	ssyncadd.s32 $0xFFFFEC00  }
0x8e: {  	_ =	swait.ge [sflag:s24], $0x1400  }
0x8f: {  	[sflag:s24] =	ssyncset.done $0x0  }
0x90: {  	s30 =	simm.s32 $0x0;
	[sflag:s24] =	ssyncadd.s32 $0xFFFFEC00  }
0x91: {  	v0 =	vld [tilespmem:s30+$0x3D60]  }
0x92: {  	v1 =	vld [tilespmem:s30+$0x1560];
	_ =	sdelay $0x4  }
0x93: {  	v2 =	vld [tilespmem:s30+$0x3D50];
	v0 =	vadd.f32 v0, v1  }
0x94: {  	v3 =	vld [tilespmem:s30+$0x3D70]  }
0x95: {  	v4 =	vld [tilespmem:s30+$0x1570];
	v1 =	vmax.f32 v0, $0.0e+00  }
0x96: {  	v5 =	vld [tilespmem:s30+$0x1550];
	v0 =	vshrl.u32 v1, $0x10  }
0x97: {  	v6 =	vand.u32 $0x1, v0;
	v0 =	vld [tilespmem:s30+$0x3D40]  }
0x98: {  	v6 =	vadd.s32 v6, v1;
	v1 =	vld [tilespmem:s30+$0x1540];
	_ =	sdelay $0x2  }
0x99: {  	s31 =	simm.s32 $0x200;
	s0 =	simm.s32 $0x100;
	v3 =	vadd.f32 v3, v4;
	v2 =	vadd.f32 v2, v5;
	v4 =	vadd.s32 $0x7FFF, v6  }
.LBB2_6:
0x9a: {  	p1 =	sne.s32 s31, $0x4F00  }
0x9b: {  	s8 =	sshra.s32 s0, $0x2;
	v0 =	vadd.f32 v0, v1;
	v1 =	vand.u32 $0xFFFF0000, v4;
	v3 =	vmax.f32 v3, $0.0e+00;
	s0 =	smov.u32 s31;
	s31 =	sadd.s32 $0x100, s31  }
0x9c: {  	v4 =	vld [tilespmem:s8+$0x3D60];
	v2 =	vmax.f32 v2, $0.0e+00;
	[tilespmem:s30+$0x1560] =	vst v1;
	v1 =	vshrl.u32 v3, $0x10  }
0x9d: {  	v5 =	vld [tilespmem:s8+$0x1560];
	v6 =	vmax.f32 v0, $0.0e+00;
	v0 =	vshrl.u32 v2, $0x10;
	v1 =	vand.u32 $0x1, v1  }
0x9e: {  	v7 =	vshrl.u32 v6, $0x10;
	v0 =	vand.u32 $0x1, v0;
	v1 =	vadd.s32 v1, v3  }
0x9f: {  	v8 =	vld [tilespmem:s8+$0x3D50];
	v3 =	vand.u32 $0x1, v7;
	v2 =	vadd.s32 v0, v2;
	v1 =	vadd.s32 $0x7FFF, v1  }
0xa0: {  	v0 =	vld [tilespmem:s8+$0x3D40];
	v3 =	vadd.s32 v3, v6;
	v2 =	vadd.s32 $0x7FFF, v2;
	v1 =	vand.u32 $0xFFFF0000, v1  }
0xa1: {  	v6 =	vld [tilespmem:s8+$0x3D70];
	v3 =	vadd.s32 $0x7FFF, v3;
	v2 =	vand.u32 $0xFFFF0000, v2;
	[tilespmem:s30+$0x1570] =	vst v1  }
0xa2: {  	v4 =	vadd.f32 v4, v5;
	v5 =	vld [tilespmem:s8+$0x1570];
	v1 =	vand.u32 $0xFFFF0000, v3;
	[tilespmem:s30+$0x1550] =	vst v2  }
0xa3: {  	v2 =	vld [tilespmem:s8+$0x1550];
	[tilespmem:s30+$0x1540] =	vst v1;
	s30 =	smov.u32 s8  }
.Ltmp6:
0xa4: {  	v1 =	vld [tilespmem:s30+$0x1540];
	v3 =	vmax.f32 v4, $0.0e+00;
	(pc) =	sbr.rel @p1 .LBB2_6-.Ltmp6, $4  }
0xa5: {  	v4 =	vshrl.u32 v3, $0x10  }
0xa6: {  	v4 =	vand.u32 $0x1, v4  }
0xa7: {  	v4 =	vadd.s32 v4, v3;
	v3 =	vadd.f32 v6, v5  }
0xa8: {  	v2 =	vadd.f32 v8, v2;
	v4 =	vadd.s32 $0x7FFF, v4  }
0xa9: {  	v3 =	vmax.f32 v3, $0.0e+00;
	v0 =	vadd.f32 v0, v1  }
0xaa: {  	s0 =	sshra.s32 s0, $0x2;
	v4 =	vand.u32 $0xFFFF0000, v4;
	v51 =	vshrl.u32 v3, $0x10;
	v52 =	vmax.f32 v2, $0.0e+00  }
0xab: {  	v5 =	vld [tilespmem:s0+$0x3D60];
	[tilespmem:s30+$0x1560] =	vst v4;
	v4 =	vand.u32 $0x1, v51;
	v6 =	vshrl.u32 v52, $0x10;
	v0 =	vmax.f32 v0, $0.0e+00  }
0xac: {  	v53 =	vld [tilespmem:s0+$0x1560];
	v3 =	vadd.s32 v4, v3;
	v6 =	vand.u32 $0x1, v6;
	v8 =	vshrl.u32 v0, $0x10  }
0xad: {  	v54 =	vld [tilespmem:s0+$0x3D50];
	v3 =	vadd.s32 $0x7FFF, v3;
	v1 =	vadd.s32 v6, v52;
	v56 =	vand.u32 $0x1, v8  }
0xae: {  	v7 =	vld [tilespmem:s0+$0x3D40];
	v3 =	vand.u32 $0xFFFF0000, v3;
	v1 =	vadd.s32 $0x7FFF, v1;
	v0 =	vadd.s32 v56, v0  }
0xaf: {  	v55 =	vld [tilespmem:s0+$0x3D70];
	[tilespmem:s30+$0x1570] =	vst v3;
	v1 =	vand.u32 $0xFFFF0000, v1;
	v0 =	vadd.s32 $0x7FFF, v0  }
0xb0: {  	v57 =	vld [tilespmem:s0+$0x1570];
	[tilespmem:s30+$0x1550] =	vst v1;
	v0 =	vand.u32 $0xFFFF0000, v0  }
0xb1: {  	v2 =	vadd.f32 v5, v53;
	v1 =	vld [tilespmem:s0+$0x1550];
	[tilespmem:s30+$0x1540] =	vst v0  }
0xb2: {  	v0 =	vld [tilespmem:s0+$0x1540]  }
0xb3: {  	v2 =	vmax.f32 v2, $0.0e+00  }
0xb4: {  	v58 =	vshrl.u32 v2, $0x10  }
0xb5: {  	v5 =	vand.u32 $0x1, v58;
	v3 =	vadd.f32 v55, v57  }
0xb6: {  	v2 =	vadd.s32 v5, v2;
	v1 =	vadd.f32 v54, v1  }
0xb7: {  	v2 =	vadd.s32 $0x7FFF, v2;
	v0 =	vadd.f32 v7, v0;
	v3 =	vmax.f32 v3, $0.0e+00  }
0xb8: {  	v2 =	vand.u32 $0xFFFF0000, v2;
	v1 =	vmax.f32 v1, $0.0e+00;
	v59 =	vshrl.u32 v3, $0x10  }
0xb9: {  	v0 =	vmax.f32 v0, $0.0e+00;
	v60 =	vshrl.u32 v1, $0x10;
	v4 =	vand.u32 $0x1, v59  }
0xba: {  	v61 =	vshrl.u32 v0, $0x10;
	v5 =	vand.u32 $0x1, v60;
	v3 =	vadd.s32 v4, v3  }
0xbb: {  	v62 =	vand.u32 $0x1, v61;
	v1 =	vadd.s32 v5, v1;
	v3 =	vadd.s32 $0x7FFF, v3  }
0xbc: {  	[tilespmem:s0+$0x1560] =	vst v2;
	v0 =	vadd.s32 v62, v0;
	v1 =	vadd.s32 $0x7FFF, v1;
	v63 =	vand.u32 $0xFFFF0000, v3  }
0xbd: {  	v0 =	vadd.s32 $0x7FFF, v0;
	v1 =	vand.u32 $0xFFFF0000, v1;
	[tilespmem:s0+$0x1570] =	vst v63  }
0xbe: {  	v0 =	vand.u32 $0xFFFF0000, v0;
	[tilespmem:s0+$0x1550] =	vst v1  }
.Ltmp7:
0xbf: {  	[tilespmem:s0+$0x1540] =	vst v0;
	(pc) =	sbr.rel .LBB2_8-.Ltmp7, $4  }
0xc0: {  	[spmem:s2] =	stream.indirect.scatter.add.f32 [tilespmem:s26], [sflag:$0x5], $0x40, s25, s17, $0xb8;
	[tilespmem:$0xED80] =	vst v63  }
0xc1: {  	_ =	swait.ge [sflag:s15], $0x1400  }
0xc2: {  	[sflag:s15] =	ssyncset.done $0x0  }
0xc3: {  	[sflag:s15] =	ssyncadd.s32 $0xFFFFEC00  }
.LBB2_10:
0xc4: {  	_ =	sfence.sel $0x180000  }
0xc5: {  	[bflag:$0x0] =	sbarrier.arrive $0xFFFF  }
0xc6: {  	_ =	strace $0x90000056  }
0xc7: {  	[bflag:$0x2] =	sbarrier.arrive $0xFFFF  }
0xc8: {  	s0 =	rddreg [dreg:$0x3]  }
0xc9: {  	s0 =	sadd.s32 @!p0 $0x100000, s0  }
0xca: {  	[sflag:s0] =	ssyncadd.tile.s32 @!p0 $0x1;
	_ =	shalt  }
.Lfunc_end2:
_tile_overlayer_lowered:
.L_overlay_start_2:
0xcb: {  	(tag) =	ssettag $0x2  }
0xcc: {  	s0 =	rddreg [dreg:$0x0];
	s2 =	stileid.u32  }
0xcd: {  	s1 =	rddreg [dreg:$0x1];
	p0 =	sne.s32 s2, $0x0  }
0xce: {  	s3 =	rddreg [dreg:$0x2];
	[bflag:$0x3] =	sbarrier.arrive $0xFFFF;
	s2 =	simm.s32 @!p0 $0x1C05  }
0xcf: {  	[timem:s3], [sflag:s2] =	dma.local @!p0 [hbm:s0], s1  }
0xd0: {  	s0 =	simm.s32 @!p0 $0x5  }
0xd1: {  	_ =	swait.ge @!p0 [sflag:s0], s1  }
0xd2: {  	s1 =	ssub.s32 @!p0 $0x0, s1;
	[sflag:s0] =	ssyncset.done @!p0 $0x0  }
0xd3: {  	[sflag:s0] =	ssyncadd.s32 @!p0 s1  }
0xd4: {  	[bflag:$0x3] =	sbarrier.arrive $0xFFFF  }
0xd5: {  	_ =	shalt  }

</sc_bundles>
